<compile_context>
chip_gen: v7x
topology: tpu7x:2x2x1
jax: 0.10.2.dev20260603
libtpu: 0.0.44.dev20260713+nightly
codegen_flags: <defaults>
</compile_context>

<pallas_src>
import functools

import numpy as np

import jax
import jax.numpy as jnp
from jax import lax
from jax.experimental import pallas as pl
from jax.experimental.pallas import tpu as pltpu
from jax.experimental.pallas import tpu_sc as plsc

N = 10000
E = 160000
S = 128
V = 16
RBF_DIM = 16
RBF_DMAX = 15.0
MSG_NORM = 10.0

NC, NS, LANES = 2, 16, 16
CH = 128
CHS = 128
EP = 163840
CPW = EP // (NC * NS)
NCHUNK = CPW // CH
DG = 256
C_VH = 128
C_B = 179
C_VU = 196
C_XY = 244
DC = 16
DM = 176
NPAD = 10240
NPT = NPAD // NS

TILE_E = 2048
TILE_N = 1000

_f32 = jnp.float32


def _precompute_body(sf_ref, v3_ref, ct_ref, wm0_ref, whn_ref, wu_ref, g_ref):
    p = jnp.dot(sf_ref[...], wm0_ref[...], preferred_element_type=_f32)
    whn = whn_ref[...]
    wu = wu_ref[...]
    vh = [jnp.dot(v3_ref[c], whn, preferred_element_type=_f32) for c in range(3)]
    b = vh[0] * vh[0] + vh[1] * vh[1] + vh[2] * vh[2]
    vu = [jnp.dot(vh[c], wu, preferred_element_type=_f32) for c in range(3)]
    coord = ct_ref[...][:, :3]
    pad = jnp.zeros((sf_ref.shape[0], DG - C_XY - 3), _f32)
    g_ref[...] = jnp.concatenate([p] + vh + [b] + vu + [coord, pad], axis=1)


def _precompute(sf, v3, ct, wm0, whn, wu):
    grid = N // TILE_N
    return pl.pallas_call(
        _precompute_body,
        grid=(grid,),
        in_specs=[
            pl.BlockSpec((TILE_N, S), lambda i: (i, 0)),
            pl.BlockSpec((3, TILE_N, V), lambda i: (0, i, 0)),
            pl.BlockSpec((TILE_N, DC), lambda i: (i, 0)),
            pl.BlockSpec((S, S), lambda i: (0, 0)),
            pl.BlockSpec((V, V + 1), lambda i: (0, 0)),
            pl.BlockSpec((V + 1, V), lambda i: (0, 0)),
        ],
        out_specs=pl.BlockSpec((TILE_N, DG), lambda i: (i, 0)),
        out_shape=jax.ShapeDtypeStruct((N, DG), _f32),
    )(sf, v3, ct, wm0, whn, wu)


EPH = EP // 2
CPWH = EPH // (NC * NS)
NQ = 4
EPQ = EP // NQ
CPWQ = EPQ // (NC * NS)
NCHUNKQ = CPWQ // CH


def _gather_pipeline(tab_hbm, idx_hbm, out_hbm, idxv, rowsv, s0, s1,
                     base0, obase, nchunk):
    sems = (s0, s1)

    def start(j, slot):
        pltpu.sync_copy(idx_hbm.at[pl.ds(base0 + j * CH, CH)], idxv.at[slot])
        pltpu.async_copy(tab_hbm.at[idxv.at[slot]], rowsv.at[slot], sems[slot])

    def drain(j, slot):
        pltpu.make_async_copy(tab_hbm.at[idxv.at[slot]], rowsv.at[slot],
                              sems[slot]).wait()
        pltpu.sync_copy(rowsv.at[slot], out_hbm.at[pl.ds(obase + j * CH, CH)])

    start(0, 0)

    def pair(i, carry):
        j0 = 2 * i
        start(j0 + 1, 1)
        drain(j0, 0)
        pl.when(j0 + 2 < nchunk)(lambda: start(j0 + 2, 0))
        drain(j0 + 1, 1)
        return carry

    lax.fori_loop(0, nchunk // 2, pair, 0)


def _sc_gather_g_body(hbase, g_hbm, src_hbm, outg, sidx, rowsg, sg0, sg1):
    wid = lax.axis_index("s") * NC + lax.axis_index("c")
    base0 = hbase + wid * CPWQ
    _gather_pipeline(g_hbm, src_hbm, outg, sidx, rowsg, sg0, sg1,
                     base0, base0 - hbase, NCHUNKQ)


def _sc_gather_g(g_tab, src, hbase):
    mesh = plsc.VectorSubcoreMesh(core_axis_name="c", subcore_axis_name="s",
                                  num_cores=NC, num_subcores=NS)
    f = functools.partial(
        pl.kernel,
        out_type=jax.ShapeDtypeStruct((EPQ, DG), _f32),
        mesh=mesh,
        scratch_types=[
            pltpu.VMEM((2, CH), jnp.int32),
            pltpu.VMEM((2, CH, DG), _f32),
            pltpu.SemaphoreType.DMA,
            pltpu.SemaphoreType.DMA,
        ],
        compiler_params=pltpu.CompilerParams(use_tc_tiling_on_sc=True),
    )(functools.partial(_sc_gather_g_body, hbase))
    return f(g_tab, src)


def _sc_gather_c_body(c_hbm, dst_hbm, outc, didx, rowsc, sc0, sc1):
    wid = lax.axis_index("s") * NC + lax.axis_index("c")
    base0 = wid * CPW
    _gather_pipeline(c_hbm, dst_hbm, outc, didx, rowsc, sc0, sc1,
                     base0, base0, NCHUNK)


def _sc_gather_c(c_tab, dst):
    mesh = plsc.VectorSubcoreMesh(core_axis_name="c", subcore_axis_name="s",
                                  num_cores=NC, num_subcores=NS)
    f = functools.partial(
        pl.kernel,
        out_type=jax.ShapeDtypeStruct((EP, DC), _f32),
        mesh=mesh,
        scratch_types=[
            pltpu.VMEM((2, CH), jnp.int32),
            pltpu.VMEM((2, CH, DC), _f32),
            pltpu.SemaphoreType.DMA,
            pltpu.SemaphoreType.DMA,
        ],
        compiler_params=pltpu.CompilerParams(use_tc_tiling_on_sc=False),
    )(_sc_gather_c_body)
    return f(c_tab, dst)


def _edge_msg_body(base_eid, *refs):
    if len(refs) == 14:
        _, _, g_ref, c_ref, w5_ref, wh0_ref, wh0sq_ref, w0u_ref, wmrs_ref, \
            bm_ref, wg_ref, bg_ref, o_ref, ov_ref = refs
    else:
        g_ref, c_ref, w5_ref, wh0_ref, wh0sq_ref, w0u_ref, wmrs_ref, \
            bm_ref, wg_ref, bg_ref, o_ref, ov_ref = refs
    g = g_ref[...]
    xd = g[:, C_XY:C_XY + 3] - c_ref[...][:, :3]
    d2 = jnp.sum(xd * xd, axis=-1, keepdims=True)
    dij = jnp.sqrt(jnp.maximum(d2, 1e-8)) + 1e-8
    xu = xd / dij
    u = d2 / (dij * dij)
    bc = jnp.dot(jnp.concatenate([xu, u, dij], axis=1), w5_ref[...],
                 preferred_element_type=_f32)
    mus = (lax.broadcasted_iota(jnp.int32, (1, RBF_DIM), 1).astype(_f32)
           * (RBF_DMAX / (RBF_DIM - 1)))
    sig = RBF_DMAX / RBF_DIM
    t = (bc[:, 116:132] - mus) / sig
    rbf = jnp.exp(-(t * t))
    af = bc[:, 0:51] * g[:, C_VH:C_VH + 51]
    a = af[:, 0:17] + af[:, 17:34] + af[:, 34:51]
    sh2 = (bc[:, 99:116] * wh0sq_ref[...] + 2.0 * wh0_ref[...] * a
           + g[:, C_B:C_B + 17])
    sh = jnp.sqrt(jnp.maximum(sh2, 1e-8))
    x = jnp.concatenate([rbf, sh, jnp.zeros((g.shape[0], 7), _f32)], axis=1)
    s_lin = g[:, :S] + jnp.dot(x, wmrs_ref[...], preferred_element_type=_f32) \
        + bm_ref[...]
    feats = s_lin * jax.nn.sigmoid(s_lin)
    gate = jnp.dot(feats, wg_ref[...], preferred_element_type=_f32) + bg_ref[...]
    gsig = jax.nn.sigmoid(gate)
    w0u = w0u_ref[...]
    vm = [gsig * (bc[:, 51 + V * c:51 + V * (c + 1)] * w0u
                  + g[:, C_VU + V * c:C_VU + V * (c + 1)])
          for c in range(3)]
    eid = (base_eid + pl.program_id(0) * TILE_E
           + lax.broadcasted_iota(jnp.int32, (g.shape[0], 1), 0))
    valid = (eid < E).astype(_f32)
    o_ref[...] = feats * valid
    ov_ref[...] = jnp.concatenate(
        vm + [jnp.zeros((g.shape[0], S - 3 * V), _f32)], axis=1) * valid


def _edge_msg(eg, ec, w5, wh0, wh0sq, w0u, wmrs, bm, wg, bg, base_eid, prev):
    grid = EPQ // TILE_E
    qoff = base_eid // TILE_E
    weight_specs = [
        pl.BlockSpec((5, 132), lambda i: (0, 0)),
        pl.BlockSpec((1, V + 1), lambda i: (0, 0)),
        pl.BlockSpec((1, V + 1), lambda i: (0, 0)),
        pl.BlockSpec((1, V), lambda i: (0, 0)),
        pl.BlockSpec((40, S), lambda i: (0, 0)),
        pl.BlockSpec((1, S), lambda i: (0, 0)),
        pl.BlockSpec((S, V), lambda i: (0, 0)),
        pl.BlockSpec((1, V), lambda i: (0, 0)),
    ]
    main_specs = [
        pl.BlockSpec((TILE_E, DG), lambda i: (i, 0)),
        pl.BlockSpec((TILE_E, DC), lambda i: (i + qoff, 0)),
    ]
    out_specs = [
        pl.BlockSpec((TILE_E, S), lambda i: (i + qoff, 0)),
        pl.BlockSpec((TILE_E, S), lambda i: (i + qoff, 0)),
    ]
    out_shape = [
        jax.ShapeDtypeStruct((EP, S), _f32),
        jax.ShapeDtypeStruct((EP, S), _f32),
    ]
    if prev is None:
        return pl.pallas_call(
            functools.partial(_edge_msg_body, base_eid),
            grid=(grid,),
            in_specs=main_specs + weight_specs,
            out_specs=out_specs,
            out_shape=out_shape,
        )(eg, ec, w5, wh0, wh0sq, w0u, wmrs, bm, wg, bg)
    prev_specs = [
        pl.BlockSpec((8, S), lambda i: (0, 0)),
        pl.BlockSpec((8, S), lambda i: (0, 0)),
    ]
    return pl.pallas_call(
        functools.partial(_edge_msg_body, base_eid),
        grid=(grid,),
        in_specs=prev_specs + main_specs + weight_specs,
        out_specs=out_specs,
        out_shape=out_shape,
        input_output_aliases={0: 0, 1: 1},
    )(prev[0], prev[1], eg, ec, w5, wh0, wh0sq, w0u, wmrs, bm, wg, bg)


def _sc_scatter_body(msg_hbm, dst_hbm, out_hbm, idxv, rowsv, acc, sem):
    cid = lax.axis_index("c")
    sid = lax.axis_index("s")

    def zrow(r, carry):
        for k in range(S // LANES):
            rowsv[r, pl.ds(k * LANES, LANES)] = jnp.zeros((LANES,), _f32)
        return carry

    lax.fori_loop(0, CHS, zrow, 0)
    nbase = sid * NPT
    for k in range(NPT // CHS):
        pltpu.sync_copy(rowsv, acc.at[pl.ds(nbase + k * CHS, CHS)])
    plsc.subcore_barrier()

    def step(j, carry):
        base = cid * EPH + sid * CPW + j * CHS
        pltpu.sync_copy(dst_hbm.at[pl.ds(base, CHS)], idxv)
        pltpu.sync_copy(msg_hbm.at[pl.ds(base, CHS)], rowsv)
        pltpu.sync_copy(rowsv, acc.at[idxv], add=True)
        return carry

    lax.fori_loop(0, CPW // CHS, step, 0)
    plsc.subcore_barrier()
    pltpu.sync_copy(acc.at[pl.ds(nbase, NPT)],
                    out_hbm.at[cid, pl.ds(nbase, NPT)])


def _sc_scatter(msg, dst):
    mesh = plsc.VectorSubcoreMesh(core_axis_name="c", subcore_axis_name="s",
                                  num_cores=NC, num_subcores=NS)
    f = functools.partial(
        pl.kernel,
        out_type=jax.ShapeDtypeStruct((NC, NPAD, S), _f32),
        mesh=mesh,
        scratch_types=[
            pltpu.VMEM((CHS,), jnp.int32),
            pltpu.VMEM((CHS, S), _f32),
            pltpu.VMEM_SHARED((NPAD, S), _f32),
            pltpu.SemaphoreType.DMA,
        ],
        compiler_params=pltpu.CompilerParams(use_tc_tiling_on_sc=True),
    )(_sc_scatter_body)
    return f(msg, dst)


def _ln(s, gamma, beta):
    mu = jnp.mean(s, axis=-1, keepdims=True)
    xc = s - mu
    var = jnp.mean(xc * xc, axis=-1, keepdims=True)
    return xc * lax.rsqrt(var + 1e-5) * gamma + beta


def _node_update_body(sf_ref, v3_ref, aggs_ref, aggv_ref, g1_ref, b1_ref,
                      g2_ref, b2_ref, whu_ref, wuu_ref, wmu_ref, bmu_ref,
                      wgu_ref, bgu_ref, so_ref, vo_ref):
    aggs = aggs_ref[...]
    aggv = aggv_ref[...]
    inv = 1.0 / MSG_NORM
    s1 = sf_ref[...] + (aggs[0] + aggs[1]) * inv
    v1 = [v3_ref[c] + (aggv[0, :, V * c:V * (c + 1)]
                       + aggv[1, :, V * c:V * (c + 1)]) * inv
          for c in range(3)]
    s1n = _ln(s1, g1_ref[...], b1_ref[...])
    vsq = jnp.maximum(v1[0] * v1[0] + v1[1] * v1[1] + v1[2] * v1[2], 1e-8)
    vn = jnp.sqrt(jnp.mean(vsq, axis=-1, keepdims=True))
    v1n = [v1[c] / vn for c in range(3)]
    whu = whu_ref[...]
    vh = [jnp.dot(v1n[c], whu, preferred_element_type=_f32) for c in range(3)]
    shu = jnp.sqrt(jnp.maximum(
        vh[0] * vh[0] + vh[1] * vh[1] + vh[2] * vh[2], 1e-8))
    x2 = jnp.concatenate([s1n, shu], axis=1)
    s_lin = jnp.dot(x2, wmu_ref[...], preferred_element_type=_f32) + bmu_ref[...]
    feats = s_lin * jax.nn.sigmoid(s_lin)
    gate = jnp.dot(feats, wgu_ref[...], preferred_element_type=_f32) + bgu_ref[...]
    gsig = jax.nn.sigmoid(gate)
    wuu = wuu_ref[...]
    vout = [gsig * jnp.dot(vh[c], wuu, preferred_element_type=_f32)
            for c in range(3)]
    s2 = s1n + feats
    v2 = [v1n[c] + vout[c] for c in range(3)]
    so_ref[...] = _ln(s2, g2_ref[...], b2_ref[...])
    vsq2 = jnp.maximum(v2[0] * v2[0] + v2[1] * v2[1] + v2[2] * v2[2], 1e-8)
    vn2 = jnp.sqrt(jnp.mean(vsq2, axis=-1, keepdims=True))
    vo_ref[...] = jnp.stack([v2[c] / vn2 for c in range(3)], axis=0)


def _node_update(sf, v3, aggs, aggv, g1, b1, g2, b2, whu, wuu, wmu, bmu, wgu,
                 bgu):
    grid = N // TILE_N
    return pl.pallas_call(
        _node_update_body,
        grid=(grid,),
        in_specs=[
            pl.BlockSpec((TILE_N, S), lambda i: (i, 0)),
            pl.BlockSpec((3, TILE_N, V), lambda i: (0, i, 0)),
            pl.BlockSpec((NC, TILE_N, S), lambda i: (0, i, 0)),
            pl.BlockSpec((NC, TILE_N, S), lambda i: (0, i, 0)),
            pl.BlockSpec((1, S), lambda i: (0, 0)),
            pl.BlockSpec((1, S), lambda i: (0, 0)),
            pl.BlockSpec((1, S), lambda i: (0, 0)),
            pl.BlockSpec((1, S), lambda i: (0, 0)),
            pl.BlockSpec((V, V), lambda i: (0, 0)),
            pl.BlockSpec((V, V), lambda i: (0, 0)),
            pl.BlockSpec((S + V, S), lambda i: (0, 0)),
            pl.BlockSpec((1, S), lambda i: (0, 0)),
            pl.BlockSpec((S, V), lambda i: (0, 0)),
            pl.BlockSpec((1, V), lambda i: (0, 0)),
        ],
        out_specs=[
            pl.BlockSpec((TILE_N, S), lambda i: (i, 0)),
            pl.BlockSpec((3, TILE_N, V), lambda i: (0, i, 0)),
        ],
        out_shape=[
            jax.ShapeDtypeStruct((N, S), _f32),
            jax.ShapeDtypeStruct((3, N, V), _f32),
        ],
    )(sf, v3, aggs, aggv, g1, b1, g2, b2, whu, wuu, wmu, bmu, wgu, bgu)


def kernel(scalar_feat, coord_feat, vec_feat, edge_index, msg_params,
           upd_params, ln1_g, ln1_b, ln2_g, ln2_b):
    wh, wu, wm, bm, wg, bg = msg_params
    whu, wuu, wmu, bmu, wgu, bgu = upd_params

    wm0 = wm[:S]
    wmrs = jnp.concatenate([wm[S:], jnp.zeros((7, S), _f32)], axis=0)
    wh0 = wh[0:1]
    wh0sq = wh0 * wh0
    w0u = jnp.dot(wh0, wu)
    whn = wh[1:]
    v3 = jnp.transpose(vec_feat, (2, 0, 1))
    ct = jnp.pad(coord_feat, ((0, 0), (0, DC - 3)))
    src = jnp.pad(edge_index[0], (0, EP - E))
    dst = jnp.pad(edge_index[1], (0, EP - E))
    bm2 = bm.reshape(1, S)
    bg2 = bg.reshape(1, V)
    w5n = np.zeros((5, 132), dtype=np.float32)
    for c in range(3):
        w5n[c, 17 * c:17 * (c + 1)] = 1.0
        w5n[c, 51 + V * c:51 + V * (c + 1)] = 1.0
    w5n[3, 99:116] = 1.0
    w5n[4, 116:132] = 1.0
    w5 = jnp.asarray(w5n)

    g_tab = _precompute(scalar_feat, v3, ct, wm0, whn, wu)
    ec = _sc_gather_c(ct, dst)
    prev = None
    for q in range(NQ):
        egq = _sc_gather_g(g_tab, src, q * EPQ)
        prev = _edge_msg(egq, ec, w5, wh0, wh0sq, w0u, wmrs, bm2, wg, bg2,
                         q * EPQ, prev)
    msgs, msgv = prev
    aggs = _sc_scatter(msgs, dst)
    aggv = _sc_scatter(msgv, dst)
    s_out, v3_out = _node_update(
        scalar_feat, v3, aggs, aggv, ln1_g.reshape(1, S), ln1_b.reshape(1, S),
        ln2_g.reshape(1, S), ln2_b.reshape(1, S), whu, wuu, wmu,
        bmu.reshape(1, S), wgu, bgu.reshape(1, V))
    return (s_out, jnp.transpose(v3_out, (1, 2, 0)))

# --- scband reference (transcript-rebuilt; emitter-appended) ---
"""Pipeline reference for scband-gvpedge-conv-2585570312763 (READ-ONLY COPY).

The authoritative reference and input builder live on the scoring server;
editing this copy changes nothing except your own understanding.
"""

import jax, jax.numpy as jnp
import numpy as np

N = 10000
E = 160000
S = 128
V = 16
RBF_DIM = 16
RBF_DMAX = 15.0
MSG_NORM = 10.0


def _norm_no_nan(x, axis=-1, keepdims=False, eps=1e-8, sqrt=True):
    out = jnp.maximum(jnp.sum(jnp.square(x), axis=axis, keepdims=keepdims), eps)
    return jnp.sqrt(out) if sqrt else out


def _rbf(D, D_min=0.0, D_max=RBF_DMAX, D_count=RBF_DIM):
    D_mu = jnp.linspace(D_min, D_max, D_count).reshape(1, -1)
    D_sigma = (D_max - D_min) / D_count
    return jnp.exp(-((D[..., None] - D_mu) / D_sigma) ** 2)


def _gvp_params(key, v_in, v_out, f_in, f_out):
    ks = jax.random.split(key, 6)
    h = max(v_in, v_out)
    wh_k = 1.0 / np.sqrt(v_in)
    wu_k = 1.0 / np.sqrt(h)
    Wh = jax.random.uniform(ks[0], (v_in, h), minval=-wh_k, maxval=wh_k, dtype=jnp.float32)
    Wu = jax.random.uniform(ks[1], (h, v_out), minval=-wu_k, maxval=wu_k, dtype=jnp.float32)
    lk = 1.0 / np.sqrt(h + f_in)
    Wm = jax.random.uniform(ks[2], (h + f_in, f_out), minval=-lk, maxval=lk, dtype=jnp.float32)
    bm = jax.random.uniform(ks[3], (f_out,), minval=-lk, maxval=lk, dtype=jnp.float32)
    gk = 1.0 / np.sqrt(f_out)
    Wg = jax.random.uniform(ks[4], (f_out, v_out), minval=-gk, maxval=gk, dtype=jnp.float32)
    bg = jax.random.uniform(ks[5], (v_out,), minval=-gk, maxval=gk, dtype=jnp.float32)
    return (Wh, Wu, Wm, bm, Wg, bg)


def _gvp_apply(params, feats, vectors):
    Wh, Wu, Wm, bm, Wg, bg = params
    Vh = jnp.einsum('bvc,vh->bhc', vectors, Wh)
    Vu = jnp.einsum('bhc,hu->buc', Vh, Wu)
    sh = _norm_no_nan(Vh, axis=-1)
    s = jnp.concatenate([feats, sh], axis=1)
    feats_out = jax.nn.silu(s @ Wm + bm)
    gating = (feats_out @ Wg + bg)[..., None]
    vectors_out = jax.nn.sigmoid(gating) * Vu
    return feats_out, vectors_out


def _gvp_layernorm(gamma, beta, feats, vectors):
    mu = jnp.mean(feats, axis=-1, keepdims=True)
    var = jnp.var(feats, axis=-1, keepdims=True)
    normed_feats = (feats - mu) / jnp.sqrt(var + 1e-5) * gamma + beta
    vn = _norm_no_nan(vectors, axis=-1, keepdims=True, sqrt=False)
    vn = jnp.sqrt(jnp.mean(vn, axis=-2, keepdims=True))
    return normed_feats, vectors / vn


def setup_inputs(seed: int = 0) -> dict:
    key = jax.random.key(seed)
    k = jax.random.split(key, 6)
    scalar_feat = jax.random.normal(k[0], (N, S), dtype=jnp.float32)
    coord_feat = jax.random.normal(k[1], (N, 3), dtype=jnp.float32) * 10.0
    vec_feat = jax.random.normal(k[2], (N, V, 3), dtype=jnp.float32)
    edge_index = jax.random.randint(k[3], (2, E), 0, N)
    msg_params = _gvp_params(k[4], V + 1, V, S + RBF_DIM, S)
    upd_params = _gvp_params(k[5], V, V, S, S)
    ln1_g = jnp.ones((S,), dtype=jnp.float32)
    ln1_b = jnp.zeros((S,), dtype=jnp.float32)
    ln2_g = jnp.ones((S,), dtype=jnp.float32)
    ln2_b = jnp.zeros((S,), dtype=jnp.float32)
    return {"scalar_feat": scalar_feat, "coord_feat": coord_feat, "vec_feat": vec_feat,
            "edge_index": edge_index, "msg_params": msg_params, "upd_params": upd_params,
            "ln1_g": ln1_g, "ln1_b": ln1_b, "ln2_g": ln2_g, "ln2_b": ln2_b}


def reference(scalar_feat, coord_feat, vec_feat, edge_index, msg_params, upd_params, ln1_g, ln1_b, ln2_g, ln2_b):
    src, dst = edge_index[0], edge_index[1]
    # edge geometry: u_sub_v, normalize, RBF embed distance
    x_diff = coord_feat[src] - coord_feat[dst]
    dij = _norm_no_nan(x_diff, axis=-1, keepdims=True) + 1e-8
    x_diff = x_diff / dij
    d = _rbf(dij[:, 0])
    # message GVP on each edge
    vec_in = jnp.concatenate([x_diff[:, None, :], vec_feat[src]], axis=1)
    sca_in = jnp.concatenate([scalar_feat[src], d], axis=1)
    s_msg, v_msg = _gvp_apply(msg_params, sca_in, vec_in)
    # sum aggregation to dst nodes, normalized by message_norm
    s_agg = jax.ops.segment_sum(s_msg, dst, num_segments=N) / MSG_NORM
    v_agg = jax.ops.segment_sum(v_msg, dst, num_segments=N) / MSG_NORM
    # residual + layer norm (dropout rate is 0 -> identity)
    s_feat = scalar_feat + s_agg
    v_feat = vec_feat + v_agg
    s_feat, v_feat = _gvp_layernorm(ln1_g, ln1_b, s_feat, v_feat)
    # node update GVP + residual + layer norm
    s_out, v_out = _gvp_apply(upd_params, s_feat, v_feat)
    s_feat = s_feat + s_out
    v_feat = v_feat + v_out
    s_feat, v_feat = _gvp_layernorm(ln2_g, ln2_b, s_feat, v_feat)
    return (s_feat, v_feat)

if __name__ == "__main__":
    import jax
    _d = setup_inputs()
    print(jax.jit(kernel)(*tuple(_d.values())))

</pallas_src>

<mosaic_0001>
#map = affine_map<(d0, d1) -> (0, 0)>
#map1 = affine_map<(d0, d1) -> (0)>
module attributes {stable_mosaic.version = 14 : i64} {
  func.func @_sc_gather_g_body(%arg0: i32, %arg1: i32, %arg2: memref<10000x256xf32, #tpu.memory_space<hbm>>, %arg3: memref<163840xi32, #tpu.memory_space<hbm>>, %arg4: memref<40960x256xf32, #tpu.memory_space<hbm>>, %arg5: memref<2x128xi32, #tpu.memory_space<vmem>>, %arg6: memref<2x128x256xf32, #tpu.memory_space<vmem>>, %arg7: memref<!tpu.dma_semaphore, #tpu.memory_space<semaphore_mem>>, %arg8: memref<!tpu.dma_semaphore, #tpu.memory_space<semaphore_mem>>) attributes {dimension_semantics = [#tpu.dimension_semantics<core_parallel>, #tpu.dimension_semantics<subcore_parallel>], iteration_bounds = array<i64: 2, 16>, scalar_prefetch = 0 : i64, scratch_operands = 4 : i64, tpu.core_type = #tpu.core_type<sc_vector_subcore>, window_params = [{transform_indices = #map}, {transform_indices = #map1}, {transform_indices = #map}]} {
    %mul3A = arith.constant 2 : i32
    %mul3A_0 = arith.muli %arg1, %mul3A : i32
    %add3A = arith.addi %mul3A_0, %arg0 : i32
    %mul3A_1 = arith.constant 1280 : i32
    %mul3A_2 = arith.muli %add3A, %mul3A_1 : i32
    %add3A_3 = arith.constant 40960 : i32
    %add3A_4 = arith.addi %add3A_3, %mul3A_2 : i32
    %sub3A = arith.constant 40960 : i32
    %sub3A_5 = arith.subi %add3A_4, %sub3A : i32
    %add3A_6 = arith.constant 0 : i32
    %add3A_7 = arith.addi %add3A_4, %add3A_6 : i32
    %run_scoped3A = arith.constant 0 : i32
    "tpu.region"() ({
      %run_scoped3A_24 = tpu.sem_alloc : memref<!tpu.dma_semaphore, #tpu.memory_space<semaphore_mem>>
      %dma_start3A_25 = arith.constant 0 : i32
      %dma_start3A_26 = tpu.memref_slice %arg5[%run_scoped3A, %dma_start3A_25] : memref<2x128xi32, #tpu.memory_space<vmem>> -> memref<1x128xi32, #tpu.memory_space<vmem>>
      %dma_start3A_27 = tpu.memref_squeeze %dma_start3A_26 : memref<1x128xi32, #tpu.memory_space<vmem>> -> memref<128xi32, #tpu.memory_space<vmem>>
      %dma_start3A_28 = tpu.memref_slice %arg3[%add3A_7] : memref<163840xi32, #tpu.memory_space<hbm>> -> memref<128xi32, #tpu.memory_space<hbm>>
      %dma_start3A_29 = arith.constant 0 : i32
      %dma_start3A_30 = tpu.memref_slice %arg5[%run_scoped3A, %dma_start3A_29] : memref<2x128xi32, #tpu.memory_space<vmem>> -> memref<1x128xi32, #tpu.memory_space<vmem>>
      %dma_start3A_31 = tpu.memref_squeeze %dma_start3A_30 : memref<1x128xi32, #tpu.memory_space<vmem>> -> memref<128xi32, #tpu.memory_space<vmem>>
      %dma_start3A_32 = tpu.memref_slice %arg3[%add3A_7] : memref<163840xi32, #tpu.memory_space<hbm>> -> memref<128xi32, #tpu.memory_space<hbm>>
      tpu.enqueue_dma source(%dma_start3A_32 : memref<128xi32, #tpu.memory_space<hbm>>) target(%dma_start3A_31 : memref<128xi32, #tpu.memory_space<vmem>>) target_semaphore(%run_scoped3A_24 : memref<!tpu.dma_semaphore, #tpu.memory_space<semaphore_mem>>)
      %dma_wait3A = arith.constant 0 : i32
      %dma_wait3A_33 = tpu.memref_slice %arg5[%run_scoped3A, %dma_wait3A] : memref<2x128xi32, #tpu.memory_space<vmem>> -> memref<1x128xi32, #tpu.memory_space<vmem>>
      %dma_wait3A_34 = tpu.memref_squeeze %dma_wait3A_33 : memref<1x128xi32, #tpu.memory_space<vmem>> -> memref<128xi32, #tpu.memory_space<vmem>>
      %dma_wait3A_35 = tpu.memref_slice %arg3[%add3A_7] : memref<163840xi32, #tpu.memory_space<hbm>> -> memref<128xi32, #tpu.memory_space<hbm>>
      %dma_wait3A_36 = arith.constant 0 : i32
      %dma_wait3A_37 = tpu.memref_slice %arg5[%run_scoped3A, %dma_wait3A_36] : memref<2x128xi32, #tpu.memory_space<vmem>> -> memref<1x128xi32, #tpu.memory_space<vmem>>
      %dma_wait3A_38 = tpu.memref_squeeze %dma_wait3A_37 : memref<1x128xi32, #tpu.memory_space<vmem>> -> memref<128xi32, #tpu.memory_space<vmem>>
      %dma_wait3A_39 = tpu.memref_slice %arg3[%add3A_7] : memref<163840xi32, #tpu.memory_space<hbm>> -> memref<128xi32, #tpu.memory_space<hbm>>
      tpu.wait_dma2 semaphore(%run_scoped3A_24 : memref<!tpu.dma_semaphore, #tpu.memory_space<semaphore_mem>>) src(%dma_wait3A_39 : memref<128xi32, #tpu.memory_space<hbm>>) dst(%dma_wait3A_38 : memref<128xi32, #tpu.memory_space<vmem>>)
      tpu.yield
    }) : () -> ()
    %dma_start3A = arith.constant 0 : i32
    %dma_start3A_8 = arith.constant 0 : i32
    %dma_start3A_9 = arith.constant 0 : i32
    %dma_start3A_10 = arith.constant 0 : i32
    %dma_start3A_11 = tpu.memref_slice %arg6[%dma_start3A_8, %dma_start3A_9, %dma_start3A_10] : memref<2x128x256xf32, #tpu.memory_space<vmem>> -> memref<1x128x256xf32, #tpu.memory_space<vmem>>
    %dma_start3A_12 = tpu.memref_squeeze %dma_start3A_11 : memref<1x128x256xf32, #tpu.memory_space<vmem>> -> memref<128x256xf32, #tpu.memory_space<vmem>>
    %dma_start3A_13 = arith.constant 0 : i32
    %dma_start3A_14 = tpu.memref_slice %arg5[%dma_start3A, %dma_start3A_13] : memref<2x128xi32, #tpu.memory_space<vmem>> -> memref<1x128xi32, #tpu.memory_space<vmem>>
    %dma_start3A_15 = tpu.memref_squeeze %dma_start3A_14 : memref<1x128xi32, #tpu.memory_space<vmem>> -> memref<128xi32, #tpu.memory_space<vmem>>
    %dma_start3A_16 = arith.constant 0 : i32
    %dma_start3A_17 = arith.constant 0 : i32
    %dma_start3A_18 = tpu.memref_slice %arg2[%dma_start3A_16, %dma_start3A_17] : memref<10000x256xf32, #tpu.memory_space<hbm>> -> memref<10000x256xf32, #tpu.memory_space<hbm>>
    tpu.enqueue_indirect_dma source(%dma_start3A_18 : memref<10000x256xf32, #tpu.memory_space<hbm>>) target(%dma_start3A_12 : memref<128x256xf32, #tpu.memory_space<vmem>>) offsets(%dma_start3A_15 : memref<128xi32, #tpu.memory_space<vmem>>) semaphore(%arg7 : memref<!tpu.dma_semaphore, #tpu.memory_space<semaphore_mem>>)
    %scan3A = arith.constant 0 : i32
    %scan3A_19 = arith.constant 0 : i32
    %scan3A_20 = arith.constant 5 : i32
    %scan3A_21 = arith.addi %scan3A_19, %scan3A_20 : i32
    %scan3A_22 = arith.constant 1 : i32
    scf.for %scan3A_24 = %scan3A_19 to %scan3A_21 step %scan3A_22  : i32 {
      %mul3A_25 = arith.constant 2 : i32
      %mul3A_26 = arith.muli %mul3A_25, %scan3A_24 : i32
      %add3A_27 = arith.constant 1 : i32
      %add3A_28 = arith.addi %mul3A_26, %add3A_27 : i32
      %mul3A_29 = arith.constant 128 : i32
      %mul3A_30 = arith.muli %add3A_28, %mul3A_29 : i32
      %add3A_31 = arith.addi %add3A_4, %mul3A_30 : i32
      %run_scoped3A_32 = arith.constant 1 : i32
      "tpu.region"() ({
        %run_scoped3A_82 = tpu.sem_alloc : memref<!tpu.dma_semaphore, #tpu.memory_space<semaphore_mem>>
        %dma_start3A_83 = arith.constant 0 : i32
        %dma_start3A_84 = tpu.memref_slice %arg5[%run_scoped3A_32, %dma_start3A_83] : memref<2x128xi32, #tpu.memory_space<vmem>> -> memref<1x128xi32, #tpu.memory_space<vmem>>
        %dma_start3A_85 = tpu.memref_squeeze %dma_start3A_84 : memref<1x128xi32, #tpu.memory_space<vmem>> -> memref<128xi32, #tpu.memory_space<vmem>>
        %dma_start3A_86 = tpu.memref_slice %arg3[%add3A_31] : memref<163840xi32, #tpu.memory_space<hbm>> -> memref<128xi32, #tpu.memory_space<hbm>>
        %dma_start3A_87 = arith.constant 0 : i32
        %dma_start3A_88 = tpu.memref_slice %arg5[%run_scoped3A_32, %dma_start3A_87] : memref<2x128xi32, #tpu.memory_space<vmem>> -> memref<1x128xi32, #tpu.memory_space<vmem>>
        %dma_start3A_89 = tpu.memref_squeeze %dma_start3A_88 : memref<1x128xi32, #tpu.memory_space<vmem>> -> memref<128xi32, #tpu.memory_space<vmem>>
        %dma_start3A_90 = tpu.memref_slice %arg3[%add3A_31] : memref<163840xi32, #tpu.memory_space<hbm>> -> memref<128xi32, #tpu.memory_space<hbm>>
        tpu.enqueue_dma source(%dma_start3A_90 : memref<128xi32, #tpu.memory_space<hbm>>) target(%dma_start3A_89 : memref<128xi32, #tpu.memory_space<vmem>>) target_semaphore(%run_scoped3A_82 : memref<!tpu.dma_semaphore, #tpu.memory_space<semaphore_mem>>)
        %dma_wait3A_91 = arith.constant 0 : i32
        %dma_wait3A_92 = tpu.memref_slice %arg5[%run_scoped3A_32, %dma_wait3A_91] : memref<2x128xi32, #tpu.memory_space<vmem>> -> memref<1x128xi32, #tpu.memory_space<vmem>>
        %dma_wait3A_93 = tpu.memref_squeeze %dma_wait3A_92 : memref<1x128xi32, #tpu.memory_space<vmem>> -> memref<128xi32, #tpu.memory_space<vmem>>
        %dma_wait3A_94 = tpu.memref_slice %arg3[%add3A_31] : memref<163840xi32, #tpu.memory_space<hbm>> -> memref<128xi32, #tpu.memory_space<hbm>>
        %dma_wait3A_95 = arith.constant 0 : i32
        %dma_wait3A_96 = tpu.memref_slice %arg5[%run_scoped3A_32, %dma_wait3A_95] : memref<2x128xi32, #tpu.memory_space<vmem>> -> memref<1x128xi32, #tpu.memory_space<vmem>>
        %dma_wait3A_97 = tpu.memref_squeeze %dma_wait3A_96 : memref<1x128xi32, #tpu.memory_space<vmem>> -> memref<128xi32, #tpu.memory_space<vmem>>
        %dma_wait3A_98 = tpu.memref_slice %arg3[%add3A_31] : memref<163840xi32, #tpu.memory_space<hbm>> -> memref<128xi32, #tpu.memory_space<hbm>>
        tpu.wait_dma2 semaphore(%run_scoped3A_82 : memref<!tpu.dma_semaphore, #tpu.memory_space<semaphore_mem>>) src(%dma_wait3A_98 : memref<128xi32, #tpu.memory_space<hbm>>) dst(%dma_wait3A_97 : memref<128xi32, #tpu.memory_space<vmem>>)
        tpu.yield
      }) : () -> ()
      %dma_start3A_33 = arith.constant 1 : i32
      %dma_start3A_34 = arith.constant 1 : i32
      %dma_start3A_35 = arith.constant 0 : i32
      %dma_start3A_36 = arith.constant 0 : i32
      %dma_start3A_37 = tpu.memref_slice %arg6[%dma_start3A_34, %dma_start3A_35, %dma_start3A_36] : memref<2x128x256xf32, #tpu.memory_space<vmem>> -> memref<1x128x256xf32, #tpu.memory_space<vmem>>
      %dma_start3A_38 = tpu.memref_squeeze %dma_start3A_37 : memref<1x128x256xf32, #tpu.memory_space<vmem>> -> memref<128x256xf32, #tpu.memory_space<vmem>>
      %dma_start3A_39 = arith.constant 0 : i32
      %dma_start3A_40 = tpu.memref_slice %arg5[%dma_start3A_33, %dma_start3A_39] : memref<2x128xi32, #tpu.memory_space<vmem>> -> memref<1x128xi32, #tpu.memory_space<vmem>>
      %dma_start3A_41 = tpu.memref_squeeze %dma_start3A_40 : memref<1x128xi32, #tpu.memory_space<vmem>> -> memref<128xi32, #tpu.memory_space<vmem>>
      %dma_start3A_42 = arith.constant 0 : i32
      %dma_start3A_43 = arith.constant 0 : i32
      %dma_start3A_44 = tpu.memref_slice %arg2[%dma_start3A_42, %dma_start3A_43] : memref<10000x256xf32, #tpu.memory_space<hbm>> -> memref<10000x256xf32, #tpu.memory_space<hbm>>
      tpu.enqueue_indirect_dma source(%dma_start3A_44 : memref<10000x256xf32, #tpu.memory_space<hbm>>) target(%dma_start3A_38 : memref<128x256xf32, #tpu.memory_space<vmem>>) offsets(%dma_start3A_41 : memref<128xi32, #tpu.memory_space<vmem>>) semaphore(%arg8 : memref<!tpu.dma_semaphore, #tpu.memory_space<semaphore_mem>>)
      %dma_wait3A = arith.constant 0 : i32
      %dma_wait3A_45 = arith.constant 0 : i32
      %dma_wait3A_46 = arith.constant 0 : i32
      %dma_wait3A_47 = arith.constant 0 : i32
      %dma_wait3A_48 = tpu.memref_slice %arg6[%dma_wait3A_45, %dma_wait3A_46, %dma_wait3A_47] : memref<2x128x256xf32, #tpu.memory_space<vmem>> -> memref<1x128x256xf32, #tpu.memory_space<vmem>>
      %dma_wait3A_49 = tpu.memref_squeeze %dma_wait3A_48 : memref<1x128x256xf32, #tpu.memory_space<vmem>> -> memref<128x256xf32, #tpu.memory_space<vmem>>
      %dma_wait3A_50 = arith.constant 0 : i32
      %dma_wait3A_51 = tpu.memref_slice %arg5[%dma_wait3A, %dma_wait3A_50] : memref<2x128xi32, #tpu.memory_space<vmem>> -> memref<1x128xi32, #tpu.memory_space<vmem>>
      %dma_wait3A_52 = tpu.memref_squeeze %dma_wait3A_51 : memref<1x128xi32, #tpu.memory_space<vmem>> -> memref<128xi32, #tpu.memory_space<vmem>>
      %dma_wait3A_53 = arith.constant 0 : i32
      %dma_wait3A_54 = arith.constant 0 : i32
      %dma_wait3A_55 = tpu.memref_slice %arg2[%dma_wait3A_53, %dma_wait3A_54] : memref<10000x256xf32, #tpu.memory_space<hbm>> -> memref<10000x256xf32, #tpu.memory_space<hbm>>
      tpu.wait_indirect_dma semaphore(%arg7 : memref<!tpu.dma_semaphore, #tpu.memory_space<semaphore_mem>>) src(%dma_wait3A_55 : memref<10000x256xf32, #tpu.memory_space<hbm>>) dst(%dma_wait3A_49 : memref<128x256xf32, #tpu.memory_space<vmem>>)
      %mul3A_56 = arith.constant 128 : i32
      %mul3A_57 = arith.muli %mul3A_26, %mul3A_56 : i32
      %add3A_58 = arith.addi %sub3A_5, %mul3A_57 : i32
      %run_scoped3A_59 = arith.constant 0 : i32
      "tpu.region"() ({
        %run_scoped3A_82 = tpu.sem_alloc : memref<!tpu.dma_semaphore, #tpu.memory_space<semaphore_mem>>
        %dma_start3A_83 = arith.constant 0 : i32
        %dma_start3A_84 = arith.constant 0 : i32
        %dma_start3A_85 = tpu.memref_slice %arg6[%run_scoped3A_59, %dma_start3A_83, %dma_start3A_84] : memref<2x128x256xf32, #tpu.memory_space<vmem>> -> memref<1x128x256xf32, #tpu.memory_space<vmem>>
        %dma_start3A_86 = tpu.memref_squeeze %dma_start3A_85 : memref<1x128x256xf32, #tpu.memory_space<vmem>> -> memref<128x256xf32, #tpu.memory_space<vmem>>
        %dma_start3A_87 = arith.constant 0 : i32
        %dma_start3A_88 = tpu.memref_slice %arg4[%add3A_58, %dma_start3A_87] : memref<40960x256xf32, #tpu.memory_space<hbm>> -> memref<128x256xf32, #tpu.memory_space<hbm>>
        %dma_start3A_89 = arith.constant 0 : i32
        %dma_start3A_90 = tpu.memref_slice %arg4[%add3A_58, %dma_start3A_89] : memref<40960x256xf32, #tpu.memory_space<hbm>> -> memref<128x256xf32, #tpu.memory_space<hbm>>
        %dma_start3A_91 = arith.constant 0 : i32
        %dma_start3A_92 = arith.constant 0 : i32
        %dma_start3A_93 = tpu.memref_slice %arg6[%run_scoped3A_59, %dma_start3A_91, %dma_start3A_92] : memref<2x128x256xf32, #tpu.memory_space<vmem>> -> memref<1x128x256xf32, #tpu.memory_space<vmem>>
        %dma_start3A_94 = tpu.memref_squeeze %dma_start3A_93 : memref<1x128x256xf32, #tpu.memory_space<vmem>> -> memref<128x256xf32, #tpu.memory_space<vmem>>
        tpu.enqueue_dma source(%dma_start3A_94 : memref<128x256xf32, #tpu.memory_space<vmem>>) target(%dma_start3A_90 : memref<128x256xf32, #tpu.memory_space<hbm>>) target_semaphore(%run_scoped3A_82 : memref<!tpu.dma_semaphore, #tpu.memory_space<semaphore_mem>>)
        %dma_wait3A_95 = arith.constant 0 : i32
        %dma_wait3A_96 = arith.constant 0 : i32
        %dma_wait3A_97 = tpu.memref_slice %arg6[%run_scoped3A_59, %dma_wait3A_95, %dma_wait3A_96] : memref<2x128x256xf32, #tpu.memory_space<vmem>> -> memref<1x128x256xf32, #tpu.memory_space<vmem>>
        %dma_wait3A_98 = tpu.memref_squeeze %dma_wait3A_97 : memref<1x128x256xf32, #tpu.memory_space<vmem>> -> memref<128x256xf32, #tpu.memory_space<vmem>>
        %dma_wait3A_99 = arith.constant 0 : i32
        %dma_wait3A_100 = tpu.memref_slice %arg4[%add3A_58, %dma_wait3A_99] : memref<40960x256xf32, #tpu.memory_space<hbm>> -> memref<128x256xf32, #tpu.memory_space<hbm>>
        %dma_wait3A_101 = arith.constant 0 : i32
        %dma_wait3A_102 = tpu.memref_slice %arg4[%add3A_58, %dma_wait3A_101] : memref<40960x256xf32, #tpu.memory_space<hbm>> -> memref<128x256xf32, #tpu.memory_space<hbm>>
        %dma_wait3A_103 = arith.constant 0 : i32
        %dma_wait3A_104 = arith.constant 0 : i32
        %dma_wait3A_105 = tpu.memref_slice %arg6[%run_scoped3A_59, %dma_wait3A_103, %dma_wait3A_104] : memref<2x128x256xf32, #tpu.memory_space<vmem>> -> memref<1x128x256xf32, #tpu.memory_space<vmem>>
        %dma_wait3A_106 = tpu.memref_squeeze %dma_wait3A_105 : memref<1x128x256xf32, #tpu.memory_space<vmem>> -> memref<128x256xf32, #tpu.memory_space<vmem>>
        tpu.wait_dma2 semaphore(%run_scoped3A_82 : memref<!tpu.dma_semaphore, #tpu.memory_space<semaphore_mem>>) src(%dma_wait3A_106 : memref<128x256xf32, #tpu.memory_space<vmem>>) dst(%dma_wait3A_102 : memref<128x256xf32, #tpu.memory_space<hbm>>)
        tpu.yield
      }) : () -> ()
      %add3A_60 = arith.constant 2 : i32
      %add3A_61 = arith.addi %mul3A_26, %add3A_60 : i32
      %lt3A = arith.constant 10 : i32
      %lt3A_62 = arith.cmpi slt, %add3A_61, %lt3A : i32
      %convert_element_type3A = arith.extui %lt3A_62 : i1 to i32
      %cond3A = arith.constant 0 : i32
      %cond3A_63 = arith.cmpi ne, %convert_element_type3A, %cond3A : i32
      scf.if %cond3A_63 {
        %add3A_82 = arith.constant 2 : i32
        %add3A_83 = arith.addi %mul3A_26, %add3A_82 : i32
        %mul3A_84 = arith.constant 128 : i32
        %mul3A_85 = arith.muli %add3A_83, %mul3A_84 : i32
        %add3A_86 = arith.addi %add3A_4, %mul3A_85 : i32
        %run_scoped3A_87 = arith.constant 0 : i32
        "tpu.region"() ({
          %run_scoped3A_100 = tpu.sem_alloc : memref<!tpu.dma_semaphore, #tpu.memory_space<semaphore_mem>>
          %dma_start3A_101 = arith.constant 0 : i32
          %dma_start3A_102 = tpu.memref_slice %arg5[%run_scoped3A_87, %dma_start3A_101] : memref<2x128xi32, #tpu.memory_space<vmem>> -> memref<1x128xi32, #tpu.memory_space<vmem>>
          %dma_start3A_103 = tpu.memref_squeeze %dma_start3A_102 : memref<1x128xi32, #tpu.memory_space<vmem>> -> memref<128xi32, #tpu.memory_space<vmem>>
          %dma_start3A_104 = tpu.memref_slice %arg3[%add3A_86] : memref<163840xi32, #tpu.memory_space<hbm>> -> memref<128xi32, #tpu.memory_space<hbm>>
          %dma_start3A_105 = arith.constant 0 : i32
          %dma_start3A_106 = tpu.memref_slice %arg5[%run_scoped3A_87, %dma_start3A_105] : memref<2x128xi32, #tpu.memory_space<vmem>> -> memref<1x128xi32, #tpu.memory_space<vmem>>
          %dma_start3A_107 = tpu.memref_squeeze %dma_start3A_106 : memref<1x128xi32, #tpu.memory_space<vmem>> -> memref<128xi32, #tpu.memory_space<vmem>>
          %dma_start3A_108 = tpu.memref_slice %arg3[%add3A_86] : memref<163840xi32, #tpu.memory_space<hbm>> -> memref<128xi32, #tpu.memory_space<hbm>>
          tpu.enqueue_dma source(%dma_start3A_108 : memref<128xi32, #tpu.memory_space<hbm>>) target(%dma_start3A_107 : memref<128xi32, #tpu.memory_space<vmem>>) target_semaphore(%run_scoped3A_100 : memref<!tpu.dma_semaphore, #tpu.memory_space<semaphore_mem>>)
          %dma_wait3A_109 = arith.constant 0 : i32
          %dma_wait3A_110 = tpu.memref_slice %arg5[%run_scoped3A_87, %dma_wait3A_109] : memref<2x128xi32, #tpu.memory_space<vmem>> -> memref<1x128xi32, #tpu.memory_space<vmem>>
          %dma_wait3A_111 = tpu.memref_squeeze %dma_wait3A_110 : memref<1x128xi32, #tpu.memory_space<vmem>> -> memref<128xi32, #tpu.memory_space<vmem>>
          %dma_wait3A_112 = tpu.memref_slice %arg3[%add3A_86] : memref<163840xi32, #tpu.memory_space<hbm>> -> memref<128xi32, #tpu.memory_space<hbm>>
          %dma_wait3A_113 = arith.constant 0 : i32
          %dma_wait3A_114 = tpu.memref_slice %arg5[%run_scoped3A_87, %dma_wait3A_113] : memref<2x128xi32, #tpu.memory_space<vmem>> -> memref<1x128xi32, #tpu.memory_space<vmem>>
          %dma_wait3A_115 = tpu.memref_squeeze %dma_wait3A_114 : memref<1x128xi32, #tpu.memory_space<vmem>> -> memref<128xi32, #tpu.memory_space<vmem>>
          %dma_wait3A_116 = tpu.memref_slice %arg3[%add3A_86] : memref<163840xi32, #tpu.memory_space<hbm>> -> memref<128xi32, #tpu.memory_space<hbm>>
          tpu.wait_dma2 semaphore(%run_scoped3A_100 : memref<!tpu.dma_semaphore, #tpu.memory_space<semaphore_mem>>) src(%dma_wait3A_116 : memref<128xi32, #tpu.memory_space<hbm>>) dst(%dma_wait3A_115 : memref<128xi32, #tpu.memory_space<vmem>>)
          tpu.yield
        }) : () -> ()
        %dma_start3A_88 = arith.constant 0 : i32
        %dma_start3A_89 = arith.constant 0 : i32
        %dma_start3A_90 = arith.constant 0 : i32
        %dma_start3A_91 = arith.constant 0 : i32
        %dma_start3A_92 = tpu.memref_slice %arg6[%dma_start3A_89, %dma_start3A_90, %dma_start3A_91] : memref<2x128x256xf32, #tpu.memory_space<vmem>> -> memref<1x128x256xf32, #tpu.memory_space<vmem>>
        %dma_start3A_93 = tpu.memref_squeeze %dma_start3A_92 : memref<1x128x256xf32, #tpu.memory_space<vmem>> -> memref<128x256xf32, #tpu.memory_space<vmem>>
        %dma_start3A_94 = arith.constant 0 : i32
        %dma_start3A_95 = tpu.memref_slice %arg5[%dma_start3A_88, %dma_start3A_94] : memref<2x128xi32, #tpu.memory_space<vmem>> -> memref<1x128xi32, #tpu.memory_space<vmem>>
        %dma_start3A_96 = tpu.memref_squeeze %dma_start3A_95 : memref<1x128xi32, #tpu.memory_space<vmem>> -> memref<128xi32, #tpu.memory_space<vmem>>
        %dma_start3A_97 = arith.constant 0 : i32
        %dma_start3A_98 = arith.constant 0 : i32
        %dma_start3A_99 = tpu.memref_slice %arg2[%dma_start3A_97, %dma_start3A_98] : memref<10000x256xf32, #tpu.memory_space<hbm>> -> memref<10000x256xf32, #tpu.memory_space<hbm>>
        tpu.enqueue_indirect_dma source(%dma_start3A_99 : memref<10000x256xf32, #tpu.memory_space<hbm>>) target(%dma_start3A_93 : memref<128x256xf32, #tpu.memory_space<vmem>>) offsets(%dma_start3A_96 : memref<128xi32, #tpu.memory_space<vmem>>) semaphore(%arg7 : memref<!tpu.dma_semaphore, #tpu.memory_space<semaphore_mem>>)
      } else {
      }
      %add3A_64 = arith.constant 1 : i32
      %add3A_65 = arith.addi %mul3A_26, %add3A_64 : i32
      %dma_wait3A_66 = arith.constant 1 : i32
      %dma_wait3A_67 = arith.constant 1 : i32
      %dma_wait3A_68 = arith.constant 0 : i32
      %dma_wait3A_69 = arith.constant 0 : i32
      %dma_wait3A_70 = tpu.memref_slice %arg6[%dma_wait3A_67, %dma_wait3A_68, %dma_wait3A_69] : memref<2x128x256xf32, #tpu.memory_space<vmem>> -> memref<1x128x256xf32, #tpu.memory_space<vmem>>
      %dma_wait3A_71 = tpu.memref_squeeze %dma_wait3A_70 : memref<1x128x256xf32, #tpu.memory_space<vmem>> -> memref<128x256xf32, #tpu.memory_space<vmem>>
      %dma_wait3A_72 = arith.constant 0 : i32
      %dma_wait3A_73 = tpu.memref_slice %arg5[%dma_wait3A_66, %dma_wait3A_72] : memref<2x128xi32, #tpu.memory_space<vmem>> -> memref<1x128xi32, #tpu.memory_space<vmem>>
      %dma_wait3A_74 = tpu.memref_squeeze %dma_wait3A_73 : memref<1x128xi32, #tpu.memory_space<vmem>> -> memref<128xi32, #tpu.memory_space<vmem>>
      %dma_wait3A_75 = arith.constant 0 : i32
      %dma_wait3A_76 = arith.constant 0 : i32
      %dma_wait3A_77 = tpu.memref_slice %arg2[%dma_wait3A_75, %dma_wait3A_76] : memref<10000x256xf32, #tpu.memory_space<hbm>> -> memref<10000x256xf32, #tpu.memory_space<hbm>>
      tpu.wait_indirect_dma semaphore(%arg8 : memref<!tpu.dma_semaphore, #tpu.memory_space<semaphore_mem>>) src(%dma_wait3A_77 : memref<10000x256xf32, #tpu.memory_space<hbm>>) dst(%dma_wait3A_71 : memref<128x256xf32, #tpu.memory_space<vmem>>)
      %mul3A_78 = arith.constant 128 : i32
      %mul3A_79 = arith.muli %add3A_65, %mul3A_78 : i32
      %add3A_80 = arith.addi %sub3A_5, %mul3A_79 : i32
      %run_scoped3A_81 = arith.constant 1 : i32
      "tpu.region"() ({
        %run_scoped3A_82 = tpu.sem_alloc : memref<!tpu.dma_semaphore, #tpu.memory_space<semaphore_mem>>
        %dma_start3A_83 = arith.constant 0 : i32
        %dma_start3A_84 = arith.constant 0 : i32
        %dma_start3A_85 = tpu.memref_slice %arg6[%run_scoped3A_81, %dma_start3A_83, %dma_start3A_84] : memref<2x128x256xf32, #tpu.memory_space<vmem>> -> memref<1x128x256xf32, #tpu.memory_space<vmem>>
        %dma_start3A_86 = tpu.memref_squeeze %dma_start3A_85 : memref<1x128x256xf32, #tpu.memory_space<vmem>> -> memref<128x256xf32, #tpu.memory_space<vmem>>
        %dma_start3A_87 = arith.constant 0 : i32
        %dma_start3A_88 = tpu.memref_slice %arg4[%add3A_80, %dma_start3A_87] : memref<40960x256xf32, #tpu.memory_space<hbm>> -> memref<128x256xf32, #tpu.memory_space<hbm>>
        %dma_start3A_89 = arith.constant 0 : i32
        %dma_start3A_90 = tpu.memref_slice %arg4[%add3A_80, %dma_start3A_89] : memref<40960x256xf32, #tpu.memory_space<hbm>> -> memref<128x256xf32, #tpu.memory_space<hbm>>
        %dma_start3A_91 = arith.constant 0 : i32
        %dma_start3A_92 = arith.constant 0 : i32
        %dma_start3A_93 = tpu.memref_slice %arg6[%run_scoped3A_81, %dma_start3A_91, %dma_start3A_92] : memref<2x128x256xf32, #tpu.memory_space<vmem>> -> memref<1x128x256xf32, #tpu.memory_space<vmem>>
        %dma_start3A_94 = tpu.memref_squeeze %dma_start3A_93 : memref<1x128x256xf32, #tpu.memory_space<vmem>> -> memref<128x256xf32, #tpu.memory_space<vmem>>
        tpu.enqueue_dma source(%dma_start3A_94 : memref<128x256xf32, #tpu.memory_space<vmem>>) target(%dma_start3A_90 : memref<128x256xf32, #tpu.memory_space<hbm>>) target_semaphore(%run_scoped3A_82 : memref<!tpu.dma_semaphore, #tpu.memory_space<semaphore_mem>>)
        %dma_wait3A_95 = arith.constant 0 : i32
        %dma_wait3A_96 = arith.constant 0 : i32
        %dma_wait3A_97 = tpu.memref_slice %arg6[%run_scoped3A_81, %dma_wait3A_95, %dma_wait3A_96] : memref<2x128x256xf32, #tpu.memory_space<vmem>> -> memref<1x128x256xf32, #tpu.memory_space<vmem>>
        %dma_wait3A_98 = tpu.memref_squeeze %dma_wait3A_97 : memref<1x128x256xf32, #tpu.memory_space<vmem>> -> memref<128x256xf32, #tpu.memory_space<vmem>>
        %dma_wait3A_99 = arith.constant 0 : i32
        %dma_wait3A_100 = tpu.memref_slice %arg4[%add3A_80, %dma_wait3A_99] : memref<40960x256xf32, #tpu.memory_space<hbm>> -> memref<128x256xf32, #tpu.memory_space<hbm>>
        %dma_wait3A_101 = arith.constant 0 : i32
        %dma_wait3A_102 = tpu.memref_slice %arg4[%add3A_80, %dma_wait3A_101] : memref<40960x256xf32, #tpu.memory_space<hbm>> -> memref<128x256xf32, #tpu.memory_space<hbm>>
        %dma_wait3A_103 = arith.constant 0 : i32
        %dma_wait3A_104 = arith.constant 0 : i32
        %dma_wait3A_105 = tpu.memref_slice %arg6[%run_scoped3A_81, %dma_wait3A_103, %dma_wait3A_104] : memref<2x128x256xf32, #tpu.memory_space<vmem>> -> memref<1x128x256xf32, #tpu.memory_space<vmem>>
        %dma_wait3A_106 = tpu.memref_squeeze %dma_wait3A_105 : memref<1x128x256xf32, #tpu.memory_space<vmem>> -> memref<128x256xf32, #tpu.memory_space<vmem>>
        tpu.wait_dma2 semaphore(%run_scoped3A_82 : memref<!tpu.dma_semaphore, #tpu.memory_space<semaphore_mem>>) src(%dma_wait3A_106 : memref<128x256xf32, #tpu.memory_space<vmem>>) dst(%dma_wait3A_102 : memref<128x256xf32, #tpu.memory_space<hbm>>)
        tpu.yield
      }) : () -> ()
    }
    %scan3A_23 = arith.constant 5 : i32
    return
  }
}

#map = affine_map<(d0, d1) -> (0, 0)>
#map1 = affine_map<(d0, d1) -> (0)>
module attributes {stable_mosaic.version = 14 : i64} {
  func.func @_sc_gather_g_body(%arg0: i32, %arg1: i32, %arg2: memref<10000x256xf32, #tpu.memory_space<hbm>>, %arg3: memref<163840xi32, #tpu.memory_space<hbm>>, %arg4: memref<40960x256xf32, #tpu.memory_space<hbm>>, %arg5: memref<2x128xi32, #tpu.memory_space<vmem>>, %arg6: memref<2x128x256xf32, #tpu.memory_space<vmem>>, %arg7: memref<!tpu.dma_semaphore, #tpu.memory_space<semaphore_mem>>, %arg8: memref<!tpu.dma_semaphore, #tpu.memory_space<semaphore_mem>>) attributes {dimension_semantics = [#tpu.dimension_semantics<core_parallel>, #tpu.dimension_semantics<subcore_parallel>], iteration_bounds = array<i64: 2, 16>, scalar_prefetch = 0 : i64, scratch_operands = 4 : i64, tpu.core_type = #tpu.core_type<sc_vector_subcore>, window_params = [{transform_indices = #map}, {transform_indices = #map1}, {transform_indices = #map}]} {
    %mul3A = arith.constant 2 : i32
    %mul3A_0 = arith.muli %arg1, %mul3A : i32
    %add3A = arith.addi %mul3A_0, %arg0 : i32
    %mul3A_1 = arith.constant 1280 : i32
    %mul3A_2 = arith.muli %add3A, %mul3A_1 : i32
    %add3A_3 = arith.constant 81920 : i32
    %add3A_4 = arith.addi %add3A_3, %mul3A_2 : i32
    %sub3A = arith.constant 81920 : i32
    %sub3A_5 = arith.subi %add3A_4, %sub3A : i32
    %add3A_6 = arith.constant 0 : i32
    %add3A_7 = arith.addi %add3A_4, %add3A_6 : i32
    %run_scoped3A = arith.constant 0 : i32
    "tpu.region"() ({
      %run_scoped3A_24 = tpu.sem_alloc : memref<!tpu.dma_semaphore, #tpu.memory_space<semaphore_mem>>
      %dma_start3A_25 = arith.constant 0 : i32
      %dma_start3A_26 = tpu.memref_slice %arg5[%run_scoped3A, %dma_start3A_25] : memref<2x128xi32, #tpu.memory_space<vmem>> -> memref<1x128xi32, #tpu.memory_space<vmem>>
      %dma_start3A_27 = tpu.memref_squeeze %dma_start3A_26 : memref<1x128xi32, #tpu.memory_space<vmem>> -> memref<128xi32, #tpu.memory_space<vmem>>
      %dma_start3A_28 = tpu.memref_slice %arg3[%add3A_7] : memref<163840xi32, #tpu.memory_space<hbm>> -> memref<128xi32, #tpu.memory_space<hbm>>
      %dma_start3A_29 = arith.constant 0 : i32
      %dma_start3A_30 = tpu.memref_slice %arg5[%run_scoped3A, %dma_start3A_29] : memref<2x128xi32, #tpu.memory_space<vmem>> -> memref<1x128xi32, #tpu.memory_space<vmem>>
      %dma_start3A_31 = tpu.memref_squeeze %dma_start3A_30 : memref<1x128xi32, #tpu.memory_space<vmem>> -> memref<128xi32, #tpu.memory_space<vmem>>
      %dma_start3A_32 = tpu.memref_slice %arg3[%add3A_7] : memref<163840xi32, #tpu.memory_space<hbm>> -> memref<128xi32, #tpu.memory_space<hbm>>
      tpu.enqueue_dma source(%dma_start3A_32 : memref<128xi32, #tpu.memory_space<hbm>>) target(%dma_start3A_31 : memref<128xi32, #tpu.memory_space<vmem>>) target_semaphore(%run_scoped3A_24 : memref<!tpu.dma_semaphore, #tpu.memory_space<semaphore_mem>>)
      %dma_wait3A = arith.constant 0 : i32
      %dma_wait3A_33 = tpu.memref_slice %arg5[%run_scoped3A, %dma_wait3A] : memref<2x128xi32, #tpu.memory_space<vmem>> -> memref<1x128xi32, #tpu.memory_space<vmem>>
      %dma_wait3A_34 = tpu.memref_squeeze %dma_wait3A_33 : memref<1x128xi32, #tpu.memory_space<vmem>> -> memref<128xi32, #tpu.memory_space<vmem>>
      %dma_wait3A_35 = tpu.memref_slice %arg3[%add3A_7] : memref<163840xi32, #tpu.memory_space<hbm>> -> memref<128xi32, #tpu.memory_space<hbm>>
      %dma_wait3A_36 = arith.constant 0 : i32
      %dma_wait3A_37 = tpu.memref_slice %arg5[%run_scoped3A, %dma_wait3A_36] : memref<2x128xi32, #tpu.memory_space<vmem>> -> memref<1x128xi32, #tpu.memory_space<vmem>>
      %dma_wait3A_38 = tpu.memref_squeeze %dma_wait3A_37 : memref<1x128xi32, #tpu.memory_space<vmem>> -> memref<128xi32, #tpu.memory_space<vmem>>
      %dma_wait3A_39 = tpu.memref_slice %arg3[%add3A_7] : memref<163840xi32, #tpu.memory_space<hbm>> -> memref<128xi32, #tpu.memory_space<hbm>>
      tpu.wait_dma2 semaphore(%run_scoped3A_24 : memref<!tpu.dma_semaphore, #tpu.memory_space<semaphore_mem>>) src(%dma_wait3A_39 : memref<128xi32, #tpu.memory_space<hbm>>) dst(%dma_wait3A_38 : memref<128xi32, #tpu.memory_space<vmem>>)
      tpu.yield
    }) : () -> ()
    %dma_start3A = arith.constant 0 : i32
    %dma_start3A_8 = arith.constant 0 : i32
    %dma_start3A_9 = arith.constant 0 : i32
    %dma_start3A_10 = arith.constant 0 : i32
    %dma_start3A_11 = tpu.memref_slice %arg6[%dma_start3A_8, %dma_start3A_9, %dma_start3A_10] : memref<2x128x256xf32, #tpu.memory_space<vmem>> -> memref<1x128x256xf32, #tpu.memory_space<vmem>>
    %dma_start3A_12 = tpu.memref_squeeze %dma_start3A_11 : memref<1x128x256xf32, #tpu.memory_space<vmem>> -> memref<128x256xf32, #tpu.memory_space<vmem>>
    %dma_start3A_13 = arith.constant 0 : i32
    %dma_start3A_14 = tpu.memref_slice %arg5[%dma_start3A, %dma_start3A_13] : memref<2x128xi32, #tpu.memory_space<vmem>> -> memref<1x128xi32, #tpu.memory_space<vmem>>
    %dma_start3A_15 = tpu.memref_squeeze %dma_start3A_14 : memref<1x128xi32, #tpu.memory_space<vmem>> -> memref<128xi32, #tpu.memory_space<vmem>>
    %dma_start3A_16 = arith.constant 0 : i32
    %dma_start3A_17 = arith.constant 0 : i32
    %dma_start3A_18 = tpu.memref_slice %arg2[%dma_start3A_16, %dma_start3A_17] : memref<10000x256xf32, #tpu.memory_space<hbm>> -> memref<10000x256xf32, #tpu.memory_space<hbm>>
    tpu.enqueue_indirect_dma source(%dma_start3A_18 : memref<10000x256xf32, #tpu.memory_space<hbm>>) target(%dma_start3A_12 : memref<128x256xf32, #tpu.memory_space<vmem>>) offsets(%dma_start3A_15 : memref<128xi32, #tpu.memory_space<vmem>>) semaphore(%arg7 : memref<!tpu.dma_semaphore, #tpu.memory_space<semaphore_mem>>)
    %scan3A = arith.constant 0 : i32
    %scan3A_19 = arith.constant 0 : i32
    %scan3A_20 = arith.constant 5 : i32
    %scan3A_21 = arith.addi %scan3A_19, %scan3A_20 : i32
    %scan3A_22 = arith.constant 1 : i32
    scf.for %scan3A_24 = %scan3A_19 to %scan3A_21 step %scan3A_22  : i32 {
      %mul3A_25 = arith.constant 2 : i32
      %mul3A_26 = arith.muli %mul3A_25, %scan3A_24 : i32
      %add3A_27 = arith.constant 1 : i32
      %add3A_28 = arith.addi %mul3A_26, %add3A_27 : i32
      %mul3A_29 = arith.constant 128 : i32
      %mul3A_30 = arith.muli %add3A_28, %mul3A_29 : i32
      %add3A_31 = arith.addi %add3A_4, %mul3A_30 : i32
      %run_scoped3A_32 = arith.constant 1 : i32
      "tpu.region"() ({
        %run_scoped3A_82 = tpu.sem_alloc : memref<!tpu.dma_semaphore, #tpu.memory_space<semaphore_mem>>
        %dma_start3A_83 = arith.constant 0 : i32
        %dma_start3A_84 = tpu.memref_slice %arg5[%run_scoped3A_32, %dma_start3A_83] : memref<2x128xi32, #tpu.memory_space<vmem>> -> memref<1x128xi32, #tpu.memory_space<vmem>>
        %dma_start3A_85 = tpu.memref_squeeze %dma_start3A_84 : memref<1x128xi32, #tpu.memory_space<vmem>> -> memref<128xi32, #tpu.memory_space<vmem>>
        %dma_start3A_86 = tpu.memref_slice %arg3[%add3A_31] : memref<163840xi32, #tpu.memory_space<hbm>> -> memref<128xi32, #tpu.memory_space<hbm>>
        %dma_start3A_87 = arith.constant 0 : i32
        %dma_start3A_88 = tpu.memref_slice %arg5[%run_scoped3A_32, %dma_start3A_87] : memref<2x128xi32, #tpu.memory_space<vmem>> -> memref<1x128xi32, #tpu.memory_space<vmem>>
        %dma_start3A_89 = tpu.memref_squeeze %dma_start3A_88 : memref<1x128xi32, #tpu.memory_space<vmem>> -> memref<128xi32, #tpu.memory_space<vmem>>
        %dma_start3A_90 = tpu.memref_slice %arg3[%add3A_31] : memref<163840xi32, #tpu.memory_space<hbm>> -> memref<128xi32, #tpu.memory_space<hbm>>
        tpu.enqueue_dma source(%dma_start3A_90 : memref<128xi32, #tpu.memory_space<hbm>>) target(%dma_start3A_89 : memref<128xi32, #tpu.memory_space<vmem>>) target_semaphore(%run_scoped3A_82 : memref<!tpu.dma_semaphore, #tpu.memory_space<semaphore_mem>>)
        %dma_wait3A_91 = arith.constant 0 : i32
        %dma_wait3A_92 = tpu.memref_slice %arg5[%run_scoped3A_32, %dma_wait3A_91] : memref<2x128xi32, #tpu.memory_space<vmem>> -> memref<1x128xi32, #tpu.memory_space<vmem>>
        %dma_wait3A_93 = tpu.memref_squeeze %dma_wait3A_92 : memref<1x128xi32, #tpu.memory_space<vmem>> -> memref<128xi32, #tpu.memory_space<vmem>>
        %dma_wait3A_94 = tpu.memref_slice %arg3[%add3A_31] : memref<163840xi32, #tpu.memory_space<hbm>> -> memref<128xi32, #tpu.memory_space<hbm>>
        %dma_wait3A_95 = arith.constant 0 : i32
        %dma_wait3A_96 = tpu.memref_slice %arg5[%run_scoped3A_32, %dma_wait3A_95] : memref<2x128xi32, #tpu.memory_space<vmem>> -> memref<1x128xi32, #tpu.memory_space<vmem>>
        %dma_wait3A_97 = tpu.memref_squeeze %dma_wait3A_96 : memref<1x128xi32, #tpu.memory_space<vmem>> -> memref<128xi32, #tpu.memory_space<vmem>>
        %dma_wait3A_98 = tpu.memref_slice %arg3[%add3A_31] : memref<163840xi32, #tpu.memory_space<hbm>> -> memref<128xi32, #tpu.memory_space<hbm>>
        tpu.wait_dma2 semaphore(%run_scoped3A_82 : memref<!tpu.dma_semaphore, #tpu.memory_space<semaphore_mem>>) src(%dma_wait3A_98 : memref<128xi32, #tpu.memory_space<hbm>>) dst(%dma_wait3A_97 : memref<128xi32, #tpu.memory_space<vmem>>)
        tpu.yield
      }) : () -> ()
      %dma_start3A_33 = arith.constant 1 : i32
      %dma_start3A_34 = arith.constant 1 : i32
      %dma_start3A_35 = arith.constant 0 : i32
      %dma_start3A_36 = arith.constant 0 : i32
      %dma_start3A_37 = tpu.memref_slice %arg6[%dma_start3A_34, %dma_start3A_35, %dma_start3A_36] : memref<2x128x256xf32, #tpu.memory_space<vmem>> -> memref<1x128x256xf32, #tpu.memory_space<vmem>>
      %dma_start3A_38 = tpu.memref_squeeze %dma_start3A_37 : memref<1x128x256xf32, #tpu.memory_space<vmem>> -> memref<128x256xf32, #tpu.memory_space<vmem>>
      %dma_start3A_39 = arith.constant 0 : i32
      %dma_start3A_40 = tpu.memref_slice %arg5[%dma_start3A_33, %dma_start3A_39] : memref<2x128xi32, #tpu.memory_space<vmem>> -> memref<1x128xi32, #tpu.memory_space<vmem>>
      %dma_start3A_41 = tpu.memref_squeeze %dma_start3A_40 : memref<1x128xi32, #tpu.memory_space<vmem>> -> memref<128xi32, #tpu.memory_space<vmem>>
      %dma_start3A_42 = arith.constant 0 : i32
      %dma_start3A_43 = arith.constant 0 : i32
      %dma_start3A_44 = tpu.memref_slice %arg2[%dma_start3A_42, %dma_start3A_43] : memref<10000x256xf32, #tpu.memory_space<hbm>> -> memref<10000x256xf32, #tpu.memory_space<hbm>>
      tpu.enqueue_indirect_dma source(%dma_start3A_44 : memref<10000x256xf32, #tpu.memory_space<hbm>>) target(%dma_start3A_38 : memref<128x256xf32, #tpu.memory_space<vmem>>) offsets(%dma_start3A_41 : memref<128xi32, #tpu.memory_space<vmem>>) semaphore(%arg8 : memref<!tpu.dma_semaphore, #tpu.memory_space<semaphore_mem>>)
      %dma_wait3A = arith.constant 0 : i32
      %dma_wait3A_45 = arith.constant 0 : i32
      %dma_wait3A_46 = arith.constant 0 : i32
      %dma_wait3A_47 = arith.constant 0 : i32
      %dma_wait3A_48 = tpu.memref_slice %arg6[%dma_wait3A_45, %dma_wait3A_46, %dma_wait3A_47] : memref<2x128x256xf32, #tpu.memory_space<vmem>> -> memref<1x128x256xf32, #tpu.memory_space<vmem>>
      %dma_wait3A_49 = tpu.memref_squeeze %dma_wait3A_48 : memref<1x128x256xf32, #tpu.memory_space<vmem>> -> memref<128x256xf32, #tpu.memory_space<vmem>>
      %dma_wait3A_50 = arith.constant 0 : i32
      %dma_wait3A_51 = tpu.memref_slice %arg5[%dma_wait3A, %dma_wait3A_50] : memref<2x128xi32, #tpu.memory_space<vmem>> -> memref<1x128xi32, #tpu.memory_space<vmem>>
      %dma_wait3A_52 = tpu.memref_squeeze %dma_wait3A_51 : memref<1x128xi32, #tpu.memory_space<vmem>> -> memref<128xi32, #tpu.memory_space<vmem>>
      %dma_wait3A_53 = arith.constant 0 : i32
      %dma_wait3A_54 = arith.constant 0 : i32
      %dma_wait3A_55 = tpu.memref_slice %arg2[%dma_wait3A_53, %dma_wait3A_54] : memref<10000x256xf32, #tpu.memory_space<hbm>> -> memref<10000x256xf32, #tpu.memory_space<hbm>>
      tpu.wait_indirect_dma semaphore(%arg7 : memref<!tpu.dma_semaphore, #tpu.memory_space<semaphore_mem>>) src(%dma_wait3A_55 : memref<10000x256xf32, #tpu.memory_space<hbm>>) dst(%dma_wait3A_49 : memref<128x256xf32, #tpu.memory_space<vmem>>)
      %mul3A_56 = arith.constant 128 : i32
      %mul3A_57 = arith.muli %mul3A_26, %mul3A_56 : i32
      %add3A_58 = arith.addi %sub3A_5, %mul3A_57 : i32
      %run_scoped3A_59 = arith.constant 0 : i32
      "tpu.region"() ({
        %run_scoped3A_82 = tpu.sem_alloc : memref<!tpu.dma_semaphore, #tpu.memory_space<semaphore_mem>>
        %dma_start3A_83 = arith.constant 0 : i32
        %dma_start3A_84 = arith.constant 0 : i32
        %dma_start3A_85 = tpu.memref_slice %arg6[%run_scoped3A_59, %dma_start3A_83, %dma_start3A_84] : memref<2x128x256xf32, #tpu.memory_space<vmem>> -> memref<1x128x256xf32, #tpu.memory_space<vmem>>
        %dma_start3A_86 = tpu.memref_squeeze %dma_start3A_85 : memref<1x128x256xf32, #tpu.memory_space<vmem>> -> memref<128x256xf32, #tpu.memory_space<vmem>>
        %dma_start3A_87 = arith.constant 0 : i32
        %dma_start3A_88 = tpu.memref_slice %arg4[%add3A_58, %dma_start3A_87] : memref<40960x256xf32, #tpu.memory_space<hbm>> -> memref<128x256xf32, #tpu.memory_space<hbm>>
        %dma_start3A_89 = arith.constant 0 : i32
        %dma_start3A_90 = tpu.memref_slice %arg4[%add3A_58, %dma_start3A_89] : memref<40960x256xf32, #tpu.memory_space<hbm>> -> memref<128x256xf32, #tpu.memory_space<hbm>>
        %dma_start3A_91 = arith.constant 0 : i32
        %dma_start3A_92 = arith.constant 0 : i32
        %dma_start3A_93 = tpu.memref_slice %arg6[%run_scoped3A_59, %dma_start3A_91, %dma_start3A_92] : memref<2x128x256xf32, #tpu.memory_space<vmem>> -> memref<1x128x256xf32, #tpu.memory_space<vmem>>
        %dma_start3A_94 = tpu.memref_squeeze %dma_start3A_93 : memref<1x128x256xf32, #tpu.memory_space<vmem>> -> memref<128x256xf32, #tpu.memory_space<vmem>>
        tpu.enqueue_dma source(%dma_start3A_94 : memref<128x256xf32, #tpu.memory_space<vmem>>) target(%dma_start3A_90 : memref<128x256xf32, #tpu.memory_space<hbm>>) target_semaphore(%run_scoped3A_82 : memref<!tpu.dma_semaphore, #tpu.memory_space<semaphore_mem>>)
        %dma_wait3A_95 = arith.constant 0 : i32
        %dma_wait3A_96 = arith.constant 0 : i32
        %dma_wait3A_97 = tpu.memref_slice %arg6[%run_scoped3A_59, %dma_wait3A_95, %dma_wait3A_96] : memref<2x128x256xf32, #tpu.memory_space<vmem>> -> memref<1x128x256xf32, #tpu.memory_space<vmem>>
        %dma_wait3A_98 = tpu.memref_squeeze %dma_wait3A_97 : memref<1x128x256xf32, #tpu.memory_space<vmem>> -> memref<128x256xf32, #tpu.memory_space<vmem>>
        %dma_wait3A_99 = arith.constant 0 : i32
        %dma_wait3A_100 = tpu.memref_slice %arg4[%add3A_58, %dma_wait3A_99] : memref<40960x256xf32, #tpu.memory_space<hbm>> -> memref<128x256xf32, #tpu.memory_space<hbm>>
        %dma_wait3A_101 = arith.constant 0 : i32
        %dma_wait3A_102 = tpu.memref_slice %arg4[%add3A_58, %dma_wait3A_101] : memref<40960x256xf32, #tpu.memory_space<hbm>> -> memref<128x256xf32, #tpu.memory_space<hbm>>
        %dma_wait3A_103 = arith.constant 0 : i32
        %dma_wait3A_104 = arith.constant 0 : i32
        %dma_wait3A_105 = tpu.memref_slice %arg6[%run_scoped3A_59, %dma_wait3A_103, %dma_wait3A_104] : memref<2x128x256xf32, #tpu.memory_space<vmem>> -> memref<1x128x256xf32, #tpu.memory_space<vmem>>
        %dma_wait3A_106 = tpu.memref_squeeze %dma_wait3A_105 : memref<1x128x256xf32, #tpu.memory_space<vmem>> -> memref<128x256xf32, #tpu.memory_space<vmem>>
        tpu.wait_dma2 semaphore(%run_scoped3A_82 : memref<!tpu.dma_semaphore, #tpu.memory_space<semaphore_mem>>) src(%dma_wait3A_106 : memref<128x256xf32, #tpu.memory_space<vmem>>) dst(%dma_wait3A_102 : memref<128x256xf32, #tpu.memory_space<hbm>>)
        tpu.yield
      }) : () -> ()
      %add3A_60 = arith.constant 2 : i32
      %add3A_61 = arith.addi %mul3A_26, %add3A_60 : i32
      %lt3A = arith.constant 10 : i32
      %lt3A_62 = arith.cmpi slt, %add3A_61, %lt3A : i32
      %convert_element_type3A = arith.extui %lt3A_62 : i1 to i32
      %cond3A = arith.constant 0 : i32
      %cond3A_63 = arith.cmpi ne, %convert_element_type3A, %cond3A : i32
      scf.if %cond3A_63 {
        %add3A_82 = arith.constant 2 : i32
        %add3A_83 = arith.addi %mul3A_26, %add3A_82 : i32
        %mul3A_84 = arith.constant 128 : i32
        %mul3A_85 = arith.muli %add3A_83, %mul3A_84 : i32
        %add3A_86 = arith.addi %add3A_4, %mul3A_85 : i32
        %run_scoped3A_87 = arith.constant 0 : i32
        "tpu.region"() ({
          %run_scoped3A_100 = tpu.sem_alloc : memref<!tpu.dma_semaphore, #tpu.memory_space<semaphore_mem>>
          %dma_start3A_101 = arith.constant 0 : i32
          %dma_start3A_102 = tpu.memref_slice %arg5[%run_scoped3A_87, %dma_start3A_101] : memref<2x128xi32, #tpu.memory_space<vmem>> -> memref<1x128xi32, #tpu.memory_space<vmem>>
          %dma_start3A_103 = tpu.memref_squeeze %dma_start3A_102 : memref<1x128xi32, #tpu.memory_space<vmem>> -> memref<128xi32, #tpu.memory_space<vmem>>
          %dma_start3A_104 = tpu.memref_slice %arg3[%add3A_86] : memref<163840xi32, #tpu.memory_space<hbm>> -> memref<128xi32, #tpu.memory_space<hbm>>
          %dma_start3A_105 = arith.constant 0 : i32
          %dma_start3A_106 = tpu.memref_slice %arg5[%run_scoped3A_87, %dma_start3A_105] : memref<2x128xi32, #tpu.memory_space<vmem>> -> memref<1x128xi32, #tpu.memory_space<vmem>>
          %dma_start3A_107 = tpu.memref_squeeze %dma_start3A_106 : memref<1x128xi32, #tpu.memory_space<vmem>> -> memref<128xi32, #tpu.memory_space<vmem>>
          %dma_start3A_108 = tpu.memref_slice %arg3[%add3A_86] : memref<163840xi32, #tpu.memory_space<hbm>> -> memref<128xi32, #tpu.memory_space<hbm>>
          tpu.enqueue_dma source(%dma_start3A_108 : memref<128xi32, #tpu.memory_space<hbm>>) target(%dma_start3A_107 : memref<128xi32, #tpu.memory_space<vmem>>) target_semaphore(%run_scoped3A_100 : memref<!tpu.dma_semaphore, #tpu.memory_space<semaphore_mem>>)
          %dma_wait3A_109 = arith.constant 0 : i32
          %dma_wait3A_110 = tpu.memref_slice %arg5[%run_scoped3A_87, %dma_wait3A_109] : memref<2x128xi32, #tpu.memory_space<vmem>> -> memref<1x128xi32, #tpu.memory_space<vmem>>
          %dma_wait3A_111 = tpu.memref_squeeze %dma_wait3A_110 : memref<1x128xi32, #tpu.memory_space<vmem>> -> memref<128xi32, #tpu.memory_space<vmem>>
          %dma_wait3A_112 = tpu.memref_slice %arg3[%add3A_86] : memref<163840xi32, #tpu.memory_space<hbm>> -> memref<128xi32, #tpu.memory_space<hbm>>
          %dma_wait3A_113 = arith.constant 0 : i32
          %dma_wait3A_114 = tpu.memref_slice %arg5[%run_scoped3A_87, %dma_wait3A_113] : memref<2x128xi32, #tpu.memory_space<vmem>> -> memref<1x128xi32, #tpu.memory_space<vmem>>
          %dma_wait3A_115 = tpu.memref_squeeze %dma_wait3A_114 : memref<1x128xi32, #tpu.memory_space<vmem>> -> memref<128xi32, #tpu.memory_space<vmem>>
          %dma_wait3A_116 = tpu.memref_slice %arg3[%add3A_86] : memref<163840xi32, #tpu.memory_space<hbm>> -> memref<128xi32, #tpu.memory_space<hbm>>
          tpu.wait_dma2 semaphore(%run_scoped3A_100 : memref<!tpu.dma_semaphore, #tpu.memory_space<semaphore_mem>>) src(%dma_wait3A_116 : memref<128xi32, #tpu.memory_space<hbm>>) dst(%dma_wait3A_115 : memref<128xi32, #tpu.memory_space<vmem>>)
          tpu.yield
        }) : () -> ()
        %dma_start3A_88 = arith.constant 0 : i32
        %dma_start3A_89 = arith.constant 0 : i32
        %dma_start3A_90 = arith.constant 0 : i32
        %dma_start3A_91 = arith.constant 0 : i32
        %dma_start3A_92 = tpu.memref_slice %arg6[%dma_start3A_89, %dma_start3A_90, %dma_start3A_91] : memref<2x128x256xf32, #tpu.memory_space<vmem>> -> memref<1x128x256xf32, #tpu.memory_space<vmem>>
        %dma_start3A_93 = tpu.memref_squeeze %dma_start3A_92 : memref<1x128x256xf32, #tpu.memory_space<vmem>> -> memref<128x256xf32, #tpu.memory_space<vmem>>
        %dma_start3A_94 = arith.constant 0 : i32
        %dma_start3A_95 = tpu.memref_slice %arg5[%dma_start3A_88, %dma_start3A_94] : memref<2x128xi32, #tpu.memory_space<vmem>> -> memref<1x128xi32, #tpu.memory_space<vmem>>
        %dma_start3A_96 = tpu.memref_squeeze %dma_start3A_95 : memref<1x128xi32, #tpu.memory_space<vmem>> -> memref<128xi32, #tpu.memory_space<vmem>>
        %dma_start3A_97 = arith.constant 0 : i32
        %dma_start3A_98 = arith.constant 0 : i32
        %dma_start3A_99 = tpu.memref_slice %arg2[%dma_start3A_97, %dma_start3A_98] : memref<10000x256xf32, #tpu.memory_space<hbm>> -> memref<10000x256xf32, #tpu.memory_space<hbm>>
        tpu.enqueue_indirect_dma source(%dma_start3A_99 : memref<10000x256xf32, #tpu.memory_space<hbm>>) target(%dma_start3A_93 : memref<128x256xf32, #tpu.memory_space<vmem>>) offsets(%dma_start3A_96 : memref<128xi32, #tpu.memory_space<vmem>>) semaphore(%arg7 : memref<!tpu.dma_semaphore, #tpu.memory_space<semaphore_mem>>)
      } else {
      }
      %add3A_64 = arith.constant 1 : i32
      %add3A_65 = arith.addi %mul3A_26, %add3A_64 : i32
      %dma_wait3A_66 = arith.constant 1 : i32
      %dma_wait3A_67 = arith.constant 1 : i32
      %dma_wait3A_68 = arith.constant 0 : i32
      %dma_wait3A_69 = arith.constant 0 : i32
      %dma_wait3A_70 = tpu.memref_slice %arg6[%dma_wait3A_67, %dma_wait3A_68, %dma_wait3A_69] : memref<2x128x256xf32, #tpu.memory_space<vmem>> -> memref<1x128x256xf32, #tpu.memory_space<vmem>>
      %dma_wait3A_71 = tpu.memref_squeeze %dma_wait3A_70 : memref<1x128x256xf32, #tpu.memory_space<vmem>> -> memref<128x256xf32, #tpu.memory_space<vmem>>
      %dma_wait3A_72 = arith.constant 0 : i32
      %dma_wait3A_73 = tpu.memref_slice %arg5[%dma_wait3A_66, %dma_wait3A_72] : memref<2x128xi32, #tpu.memory_space<vmem>> -> memref<1x128xi32, #tpu.memory_space<vmem>>
      %dma_wait3A_74 = tpu.memref_squeeze %dma_wait3A_73 : memref<1x128xi32, #tpu.memory_space<vmem>> -> memref<128xi32, #tpu.memory_space<vmem>>
      %dma_wait3A_75 = arith.constant 0 : i32
      %dma_wait3A_76 = arith.constant 0 : i32
      %dma_wait3A_77 = tpu.memref_slice %arg2[%dma_wait3A_75, %dma_wait3A_76] : memref<10000x256xf32, #tpu.memory_space<hbm>> -> memref<10000x256xf32, #tpu.memory_space<hbm>>
      tpu.wait_indirect_dma semaphore(%arg8 : memref<!tpu.dma_semaphore, #tpu.memory_space<semaphore_mem>>) src(%dma_wait3A_77 : memref<10000x256xf32, #tpu.memory_space<hbm>>) dst(%dma_wait3A_71 : memref<128x256xf32, #tpu.memory_space<vmem>>)
      %mul3A_78 = arith.constant 128 : i32
      %mul3A_79 = arith.muli %add3A_65, %mul3A_78 : i32
      %add3A_80 = arith.addi %sub3A_5, %mul3A_79 : i32
      %run_scoped3A_81 = arith.constant 1 : i32
      "tpu.region"() ({
        %run_scoped3A_82 = tpu.sem_alloc : memref<!tpu.dma_semaphore, #tpu.memory_space<semaphore_mem>>
        %dma_start3A_83 = arith.constant 0 : i32
        %dma_start3A_84 = arith.constant 0 : i32
        %dma_start3A_85 = tpu.memref_slice %arg6[%run_scoped3A_81, %dma_start3A_83, %dma_start3A_84] : memref<2x128x256xf32, #tpu.memory_space<vmem>> -> memref<1x128x256xf32, #tpu.memory_space<vmem>>
        %dma_start3A_86 = tpu.memref_squeeze %dma_start3A_85 : memref<1x128x256xf32, #tpu.memory_space<vmem>> -> memref<128x256xf32, #tpu.memory_space<vmem>>
        %dma_start3A_87 = arith.constant 0 : i32
        %dma_start3A_88 = tpu.memref_slice %arg4[%add3A_80, %dma_start3A_87] : memref<40960x256xf32, #tpu.memory_space<hbm>> -> memref<128x256xf32, #tpu.memory_space<hbm>>
        %dma_start3A_89 = arith.constant 0 : i32
        %dma_start3A_90 = tpu.memref_slice %arg4[%add3A_80, %dma_start3A_89] : memref<40960x256xf32, #tpu.memory_space<hbm>> -> memref<128x256xf32, #tpu.memory_space<hbm>>
        %dma_start3A_91 = arith.constant 0 : i32
        %dma_start3A_92 = arith.constant 0 : i32
        %dma_start3A_93 = tpu.memref_slice %arg6[%run_scoped3A_81, %dma_start3A_91, %dma_start3A_92] : memref<2x128x256xf32, #tpu.memory_space<vmem>> -> memref<1x128x256xf32, #tpu.memory_space<vmem>>
        %dma_start3A_94 = tpu.memref_squeeze %dma_start3A_93 : memref<1x128x256xf32, #tpu.memory_space<vmem>> -> memref<128x256xf32, #tpu.memory_space<vmem>>
        tpu.enqueue_dma source(%dma_start3A_94 : memref<128x256xf32, #tpu.memory_space<vmem>>) target(%dma_start3A_90 : memref<128x256xf32, #tpu.memory_space<hbm>>) target_semaphore(%run_scoped3A_82 : memref<!tpu.dma_semaphore, #tpu.memory_space<semaphore_mem>>)
        %dma_wait3A_95 = arith.constant 0 : i32
        %dma_wait3A_96 = arith.constant 0 : i32
        %dma_wait3A_97 = tpu.memref_slice %arg6[%run_scoped3A_81, %dma_wait3A_95, %dma_wait3A_96] : memref<2x128x256xf32, #tpu.memory_space<vmem>> -> memref<1x128x256xf32, #tpu.memory_space<vmem>>
        %dma_wait3A_98 = tpu.memref_squeeze %dma_wait3A_97 : memref<1x128x256xf32, #tpu.memory_space<vmem>> -> memref<128x256xf32, #tpu.memory_space<vmem>>
        %dma_wait3A_99 = arith.constant 0 : i32
        %dma_wait3A_100 = tpu.memref_slice %arg4[%add3A_80, %dma_wait3A_99] : memref<40960x256xf32, #tpu.memory_space<hbm>> -> memref<128x256xf32, #tpu.memory_space<hbm>>
        %dma_wait3A_101 = arith.constant 0 : i32
        %dma_wait3A_102 = tpu.memref_slice %arg4[%add3A_80, %dma_wait3A_101] : memref<40960x256xf32, #tpu.memory_space<hbm>> -> memref<128x256xf32, #tpu.memory_space<hbm>>
        %dma_wait3A_103 = arith.constant 0 : i32
        %dma_wait3A_104 = arith.constant 0 : i32
        %dma_wait3A_105 = tpu.memref_slice %arg6[%run_scoped3A_81, %dma_wait3A_103, %dma_wait3A_104] : memref<2x128x256xf32, #tpu.memory_space<vmem>> -> memref<1x128x256xf32, #tpu.memory_space<vmem>>
        %dma_wait3A_106 = tpu.memref_squeeze %dma_wait3A_105 : memref<1x128x256xf32, #tpu.memory_space<vmem>> -> memref<128x256xf32, #tpu.memory_space<vmem>>
        tpu.wait_dma2 semaphore(%run_scoped3A_82 : memref<!tpu.dma_semaphore, #tpu.memory_space<semaphore_mem>>) src(%dma_wait3A_106 : memref<128x256xf32, #tpu.memory_space<vmem>>) dst(%dma_wait3A_102 : memref<128x256xf32, #tpu.memory_space<hbm>>)
        tpu.yield
      }) : () -> ()
    }
    %scan3A_23 = arith.constant 5 : i32
    return
  }
}

#map = affine_map<(d0, d1) -> (0, 0)>
#map1 = affine_map<(d0, d1) -> (0)>
module attributes {stable_mosaic.version = 14 : i64} {
  func.func @_sc_gather_c_body(%arg0: i32, %arg1: i32, %arg2: memref<10000x16xf32, #tpu.memory_space<hbm>>, %arg3: memref<163840xi32, #tpu.memory_space<hbm>>, %arg4: memref<163840x16xf32, #tpu.memory_space<hbm>>, %arg5: memref<2x128xi32, #tpu.memory_space<vmem>>, %arg6: memref<2x128x16xf32, #tpu.memory_space<vmem>>, %arg7: memref<!tpu.dma_semaphore, #tpu.memory_space<semaphore_mem>>, %arg8: memref<!tpu.dma_semaphore, #tpu.memory_space<semaphore_mem>>) attributes {dimension_semantics = [#tpu.dimension_semantics<core_parallel>, #tpu.dimension_semantics<subcore_parallel>], iteration_bounds = array<i64: 2, 16>, scalar_prefetch = 0 : i64, scratch_operands = 4 : i64, tpu.core_type = #tpu.core_type<sc_vector_subcore>, window_params = [{transform_indices = #map}, {transform_indices = #map1}, {transform_indices = #map}]} {
    %mul3A = arith.constant 2 : i32
    %mul3A_0 = arith.muli %arg1, %mul3A : i32
    %add3A = arith.addi %mul3A_0, %arg0 : i32
    %mul3A_1 = arith.constant 5120 : i32
    %mul3A_2 = arith.muli %add3A, %mul3A_1 : i32
    %add3A_3 = arith.constant 0 : i32
    %add3A_4 = arith.addi %mul3A_2, %add3A_3 : i32
    %run_scoped3A = arith.constant 0 : i32
    "tpu.region"() ({
      %run_scoped3A_21 = tpu.sem_alloc : memref<!tpu.dma_semaphore, #tpu.memory_space<semaphore_mem>>
      %dma_start3A_22 = arith.constant 0 : i32
      %dma_start3A_23 = tpu.memref_slice %arg5[%run_scoped3A, %dma_start3A_22] : memref<2x128xi32, #tpu.memory_space<vmem>> -> memref<1x128xi32, #tpu.memory_space<vmem>>
      %dma_start3A_24 = tpu.memref_squeeze %dma_start3A_23 : memref<1x128xi32, #tpu.memory_space<vmem>> -> memref<128xi32, #tpu.memory_space<vmem>>
      %dma_start3A_25 = tpu.memref_slice %arg3[%add3A_4] : memref<163840xi32, #tpu.memory_space<hbm>> -> memref<128xi32, #tpu.memory_space<hbm>>
      %dma_start3A_26 = arith.constant 0 : i32
      %dma_start3A_27 = tpu.memref_slice %arg5[%run_scoped3A, %dma_start3A_26] : memref<2x128xi32, #tpu.memory_space<vmem>> -> memref<1x128xi32, #tpu.memory_space<vmem>>
      %dma_start3A_28 = tpu.memref_squeeze %dma_start3A_27 : memref<1x128xi32, #tpu.memory_space<vmem>> -> memref<128xi32, #tpu.memory_space<vmem>>
      %dma_start3A_29 = tpu.memref_slice %arg3[%add3A_4] : memref<163840xi32, #tpu.memory_space<hbm>> -> memref<128xi32, #tpu.memory_space<hbm>>
      tpu.enqueue_dma source(%dma_start3A_29 : memref<128xi32, #tpu.memory_space<hbm>>) target(%dma_start3A_28 : memref<128xi32, #tpu.memory_space<vmem>>) target_semaphore(%run_scoped3A_21 : memref<!tpu.dma_semaphore, #tpu.memory_space<semaphore_mem>>)
      %dma_wait3A = arith.constant 0 : i32
      %dma_wait3A_30 = tpu.memref_slice %arg5[%run_scoped3A, %dma_wait3A] : memref<2x128xi32, #tpu.memory_space<vmem>> -> memref<1x128xi32, #tpu.memory_space<vmem>>
      %dma_wait3A_31 = tpu.memref_squeeze %dma_wait3A_30 : memref<1x128xi32, #tpu.memory_space<vmem>> -> memref<128xi32, #tpu.memory_space<vmem>>
      %dma_wait3A_32 = tpu.memref_slice %arg3[%add3A_4] : memref<163840xi32, #tpu.memory_space<hbm>> -> memref<128xi32, #tpu.memory_space<hbm>>
      %dma_wait3A_33 = arith.constant 0 : i32
      %dma_wait3A_34 = tpu.memref_slice %arg5[%run_scoped3A, %dma_wait3A_33] : memref<2x128xi32, #tpu.memory_space<vmem>> -> memref<1x128xi32, #tpu.memory_space<vmem>>
      %dma_wait3A_35 = tpu.memref_squeeze %dma_wait3A_34 : memref<1x128xi32, #tpu.memory_space<vmem>> -> memref<128xi32, #tpu.memory_space<vmem>>
      %dma_wait3A_36 = tpu.memref_slice %arg3[%add3A_4] : memref<163840xi32, #tpu.memory_space<hbm>> -> memref<128xi32, #tpu.memory_space<hbm>>
      tpu.wait_dma2 semaphore(%run_scoped3A_21 : memref<!tpu.dma_semaphore, #tpu.memory_space<semaphore_mem>>) src(%dma_wait3A_36 : memref<128xi32, #tpu.memory_space<hbm>>) dst(%dma_wait3A_35 : memref<128xi32, #tpu.memory_space<vmem>>)
      tpu.yield
    }) : () -> ()
    %dma_start3A = arith.constant 0 : i32
    %dma_start3A_5 = arith.constant 0 : i32
    %dma_start3A_6 = arith.constant 0 : i32
    %dma_start3A_7 = arith.constant 0 : i32
    %dma_start3A_8 = tpu.memref_slice %arg6[%dma_start3A_5, %dma_start3A_6, %dma_start3A_7] : memref<2x128x16xf32, #tpu.memory_space<vmem>> -> memref<1x128x16xf32, #tpu.memory_space<vmem>>
    %dma_start3A_9 = tpu.memref_squeeze %dma_start3A_8 : memref<1x128x16xf32, #tpu.memory_space<vmem>> -> memref<128x16xf32, #tpu.memory_space<vmem>>
    %dma_start3A_10 = arith.constant 0 : i32
    %dma_start3A_11 = tpu.memref_slice %arg5[%dma_start3A, %dma_start3A_10] : memref<2x128xi32, #tpu.memory_space<vmem>> -> memref<1x128xi32, #tpu.memory_space<vmem>>
    %dma_start3A_12 = tpu.memref_squeeze %dma_start3A_11 : memref<1x128xi32, #tpu.memory_space<vmem>> -> memref<128xi32, #tpu.memory_space<vmem>>
    %dma_start3A_13 = arith.constant 0 : i32
    %dma_start3A_14 = arith.constant 0 : i32
    %dma_start3A_15 = tpu.memref_slice %arg2[%dma_start3A_13, %dma_start3A_14] : memref<10000x16xf32, #tpu.memory_space<hbm>> -> memref<10000x16xf32, #tpu.memory_space<hbm>>
    tpu.enqueue_indirect_dma source(%dma_start3A_15 : memref<10000x16xf32, #tpu.memory_space<hbm>>) target(%dma_start3A_9 : memref<128x16xf32, #tpu.memory_space<vmem>>) offsets(%dma_start3A_12 : memref<128xi32, #tpu.memory_space<vmem>>) semaphore(%arg7 : memref<!tpu.dma_semaphore, #tpu.memory_space<semaphore_mem>>)
    %scan3A = arith.constant 0 : i32
    %scan3A_16 = arith.constant 0 : i32
    %scan3A_17 = arith.constant 20 : i32
    %scan3A_18 = arith.addi %scan3A_16, %scan3A_17 : i32
    %scan3A_19 = arith.constant 1 : i32
    scf.for %scan3A_21 = %scan3A_16 to %scan3A_18 step %scan3A_19  : i32 {
      %mul3A_22 = arith.constant 2 : i32
      %mul3A_23 = arith.muli %mul3A_22, %scan3A_21 : i32
      %add3A_24 = arith.constant 1 : i32
      %add3A_25 = arith.addi %mul3A_23, %add3A_24 : i32
      %mul3A_26 = arith.constant 128 : i32
      %mul3A_27 = arith.muli %add3A_25, %mul3A_26 : i32
      %add3A_28 = arith.addi %mul3A_2, %mul3A_27 : i32
      %run_scoped3A_29 = arith.constant 1 : i32
      "tpu.region"() ({
        %run_scoped3A_79 = tpu.sem_alloc : memref<!tpu.dma_semaphore, #tpu.memory_space<semaphore_mem>>
        %dma_start3A_80 = arith.constant 0 : i32
        %dma_start3A_81 = tpu.memref_slice %arg5[%run_scoped3A_29, %dma_start3A_80] : memref<2x128xi32, #tpu.memory_space<vmem>> -> memref<1x128xi32, #tpu.memory_space<vmem>>
        %dma_start3A_82 = tpu.memref_squeeze %dma_start3A_81 : memref<1x128xi32, #tpu.memory_space<vmem>> -> memref<128xi32, #tpu.memory_space<vmem>>
        %dma_start3A_83 = tpu.memref_slice %arg3[%add3A_28] : memref<163840xi32, #tpu.memory_space<hbm>> -> memref<128xi32, #tpu.memory_space<hbm>>
        %dma_start3A_84 = arith.constant 0 : i32
        %dma_start3A_85 = tpu.memref_slice %arg5[%run_scoped3A_29, %dma_start3A_84] : memref<2x128xi32, #tpu.memory_space<vmem>> -> memref<1x128xi32, #tpu.memory_space<vmem>>
        %dma_start3A_86 = tpu.memref_squeeze %dma_start3A_85 : memref<1x128xi32, #tpu.memory_space<vmem>> -> memref<128xi32, #tpu.memory_space<vmem>>
        %dma_start3A_87 = tpu.memref_slice %arg3[%add3A_28] : memref<163840xi32, #tpu.memory_space<hbm>> -> memref<128xi32, #tpu.memory_space<hbm>>
        tpu.enqueue_dma source(%dma_start3A_87 : memref<128xi32, #tpu.memory_space<hbm>>) target(%dma_start3A_86 : memref<128xi32, #tpu.memory_space<vmem>>) target_semaphore(%run_scoped3A_79 : memref<!tpu.dma_semaphore, #tpu.memory_space<semaphore_mem>>)
        %dma_wait3A_88 = arith.constant 0 : i32
        %dma_wait3A_89 = tpu.memref_slice %arg5[%run_scoped3A_29, %dma_wait3A_88] : memref<2x128xi32, #tpu.memory_space<vmem>> -> memref<1x128xi32, #tpu.memory_space<vmem>>
        %dma_wait3A_90 = tpu.memref_squeeze %dma_wait3A_89 : memref<1x128xi32, #tpu.memory_space<vmem>> -> memref<128xi32, #tpu.memory_space<vmem>>
        %dma_wait3A_91 = tpu.memref_slice %arg3[%add3A_28] : memref<163840xi32, #tpu.memory_space<hbm>> -> memref<128xi32, #tpu.memory_space<hbm>>
        %dma_wait3A_92 = arith.constant 0 : i32
        %dma_wait3A_93 = tpu.memref_slice %arg5[%run_scoped3A_29, %dma_wait3A_92] : memref<2x128xi32, #tpu.memory_space<vmem>> -> memref<1x128xi32, #tpu.memory_space<vmem>>
        %dma_wait3A_94 = tpu.memref_squeeze %dma_wait3A_93 : memref<1x128xi32, #tpu.memory_space<vmem>> -> memref<128xi32, #tpu.memory_space<vmem>>
        %dma_wait3A_95 = tpu.memref_slice %arg3[%add3A_28] : memref<163840xi32, #tpu.memory_space<hbm>> -> memref<128xi32, #tpu.memory_space<hbm>>
        tpu.wait_dma2 semaphore(%run_scoped3A_79 : memref<!tpu.dma_semaphore, #tpu.memory_space<semaphore_mem>>) src(%dma_wait3A_95 : memref<128xi32, #tpu.memory_space<hbm>>) dst(%dma_wait3A_94 : memref<128xi32, #tpu.memory_space<vmem>>)
        tpu.yield
      }) : () -> ()
      %dma_start3A_30 = arith.constant 1 : i32
      %dma_start3A_31 = arith.constant 1 : i32
      %dma_start3A_32 = arith.constant 0 : i32
      %dma_start3A_33 = arith.constant 0 : i32
      %dma_start3A_34 = tpu.memref_slice %arg6[%dma_start3A_31, %dma_start3A_32, %dma_start3A_33] : memref<2x128x16xf32, #tpu.memory_space<vmem>> -> memref<1x128x16xf32, #tpu.memory_space<vmem>>
      %dma_start3A_35 = tpu.memref_squeeze %dma_start3A_34 : memref<1x128x16xf32, #tpu.memory_space<vmem>> -> memref<128x16xf32, #tpu.memory_space<vmem>>
      %dma_start3A_36 = arith.constant 0 : i32
      %dma_start3A_37 = tpu.memref_slice %arg5[%dma_start3A_30, %dma_start3A_36] : memref<2x128xi32, #tpu.memory_space<vmem>> -> memref<1x128xi32, #tpu.memory_space<vmem>>
      %dma_start3A_38 = tpu.memref_squeeze %dma_start3A_37 : memref<1x128xi32, #tpu.memory_space<vmem>> -> memref<128xi32, #tpu.memory_space<vmem>>
      %dma_start3A_39 = arith.constant 0 : i32
      %dma_start3A_40 = arith.constant 0 : i32
      %dma_start3A_41 = tpu.memref_slice %arg2[%dma_start3A_39, %dma_start3A_40] : memref<10000x16xf32, #tpu.memory_space<hbm>> -> memref<10000x16xf32, #tpu.memory_space<hbm>>
      tpu.enqueue_indirect_dma source(%dma_start3A_41 : memref<10000x16xf32, #tpu.memory_space<hbm>>) target(%dma_start3A_35 : memref<128x16xf32, #tpu.memory_space<vmem>>) offsets(%dma_start3A_38 : memref<128xi32, #tpu.memory_space<vmem>>) semaphore(%arg8 : memref<!tpu.dma_semaphore, #tpu.memory_space<semaphore_mem>>)
      %dma_wait3A = arith.constant 0 : i32
      %dma_wait3A_42 = arith.constant 0 : i32
      %dma_wait3A_43 = arith.constant 0 : i32
      %dma_wait3A_44 = arith.constant 0 : i32
      %dma_wait3A_45 = tpu.memref_slice %arg6[%dma_wait3A_42, %dma_wait3A_43, %dma_wait3A_44] : memref<2x128x16xf32, #tpu.memory_space<vmem>> -> memref<1x128x16xf32, #tpu.memory_space<vmem>>
      %dma_wait3A_46 = tpu.memref_squeeze %dma_wait3A_45 : memref<1x128x16xf32, #tpu.memory_space<vmem>> -> memref<128x16xf32, #tpu.memory_space<vmem>>
      %dma_wait3A_47 = arith.constant 0 : i32
      %dma_wait3A_48 = tpu.memref_slice %arg5[%dma_wait3A, %dma_wait3A_47] : memref<2x128xi32, #tpu.memory_space<vmem>> -> memref<1x128xi32, #tpu.memory_space<vmem>>
      %dma_wait3A_49 = tpu.memref_squeeze %dma_wait3A_48 : memref<1x128xi32, #tpu.memory_space<vmem>> -> memref<128xi32, #tpu.memory_space<vmem>>
      %dma_wait3A_50 = arith.constant 0 : i32
      %dma_wait3A_51 = arith.constant 0 : i32
      %dma_wait3A_52 = tpu.memref_slice %arg2[%dma_wait3A_50, %dma_wait3A_51] : memref<10000x16xf32, #tpu.memory_space<hbm>> -> memref<10000x16xf32, #tpu.memory_space<hbm>>
      tpu.wait_indirect_dma semaphore(%arg7 : memref<!tpu.dma_semaphore, #tpu.memory_space<semaphore_mem>>) src(%dma_wait3A_52 : memref<10000x16xf32, #tpu.memory_space<hbm>>) dst(%dma_wait3A_46 : memref<128x16xf32, #tpu.memory_space<vmem>>)
      %mul3A_53 = arith.constant 128 : i32
      %mul3A_54 = arith.muli %mul3A_23, %mul3A_53 : i32
      %add3A_55 = arith.addi %mul3A_2, %mul3A_54 : i32
      %run_scoped3A_56 = arith.constant 0 : i32
      "tpu.region"() ({
        %run_scoped3A_79 = tpu.sem_alloc : memref<!tpu.dma_semaphore, #tpu.memory_space<semaphore_mem>>
        %dma_start3A_80 = arith.constant 0 : i32
        %dma_start3A_81 = arith.constant 0 : i32
        %dma_start3A_82 = tpu.memref_slice %arg6[%run_scoped3A_56, %dma_start3A_80, %dma_start3A_81] : memref<2x128x16xf32, #tpu.memory_space<vmem>> -> memref<1x128x16xf32, #tpu.memory_space<vmem>>
        %dma_start3A_83 = tpu.memref_squeeze %dma_start3A_82 : memref<1x128x16xf32, #tpu.memory_space<vmem>> -> memref<128x16xf32, #tpu.memory_space<vmem>>
        %dma_start3A_84 = arith.constant 0 : i32
        %dma_start3A_85 = tpu.memref_slice %arg4[%add3A_55, %dma_start3A_84] : memref<163840x16xf32, #tpu.memory_space<hbm>> -> memref<128x16xf32, #tpu.memory_space<hbm>>
        %dma_start3A_86 = arith.constant 0 : i32
        %dma_start3A_87 = tpu.memref_slice %arg4[%add3A_55, %dma_start3A_86] : memref<163840x16xf32, #tpu.memory_space<hbm>> -> memref<128x16xf32, #tpu.memory_space<hbm>>
        %dma_start3A_88 = arith.constant 0 : i32
        %dma_start3A_89 = arith.constant 0 : i32
        %dma_start3A_90 = tpu.memref_slice %arg6[%run_scoped3A_56, %dma_start3A_88, %dma_start3A_89] : memref<2x128x16xf32, #tpu.memory_space<vmem>> -> memref<1x128x16xf32, #tpu.memory_space<vmem>>
        %dma_start3A_91 = tpu.memref_squeeze %dma_start3A_90 : memref<1x128x16xf32, #tpu.memory_space<vmem>> -> memref<128x16xf32, #tpu.memory_space<vmem>>
        tpu.enqueue_dma source(%dma_start3A_91 : memref<128x16xf32, #tpu.memory_space<vmem>>) target(%dma_start3A_87 : memref<128x16xf32, #tpu.memory_space<hbm>>) target_semaphore(%run_scoped3A_79 : memref<!tpu.dma_semaphore, #tpu.memory_space<semaphore_mem>>)
        %dma_wait3A_92 = arith.constant 0 : i32
        %dma_wait3A_93 = arith.constant 0 : i32
        %dma_wait3A_94 = tpu.memref_slice %arg6[%run_scoped3A_56, %dma_wait3A_92, %dma_wait3A_93] : memref<2x128x16xf32, #tpu.memory_space<vmem>> -> memref<1x128x16xf32, #tpu.memory_space<vmem>>
        %dma_wait3A_95 = tpu.memref_squeeze %dma_wait3A_94 : memref<1x128x16xf32, #tpu.memory_space<vmem>> -> memref<128x16xf32, #tpu.memory_space<vmem>>
        %dma_wait3A_96 = arith.constant 0 : i32
        %dma_wait3A_97 = tpu.memref_slice %arg4[%add3A_55, %dma_wait3A_96] : memref<163840x16xf32, #tpu.memory_space<hbm>> -> memref<128x16xf32, #tpu.memory_space<hbm>>
        %dma_wait3A_98 = arith.constant 0 : i32
        %dma_wait3A_99 = tpu.memref_slice %arg4[%add3A_55, %dma_wait3A_98] : memref<163840x16xf32, #tpu.memory_space<hbm>> -> memref<128x16xf32, #tpu.memory_space<hbm>>
        %dma_wait3A_100 = arith.constant 0 : i32
        %dma_wait3A_101 = arith.constant 0 : i32
        %dma_wait3A_102 = tpu.memref_slice %arg6[%run_scoped3A_56, %dma_wait3A_100, %dma_wait3A_101] : memref<2x128x16xf32, #tpu.memory_space<vmem>> -> memref<1x128x16xf32, #tpu.memory_space<vmem>>
        %dma_wait3A_103 = tpu.memref_squeeze %dma_wait3A_102 : memref<1x128x16xf32, #tpu.memory_space<vmem>> -> memref<128x16xf32, #tpu.memory_space<vmem>>
        tpu.wait_dma2 semaphore(%run_scoped3A_79 : memref<!tpu.dma_semaphore, #tpu.memory_space<semaphore_mem>>) src(%dma_wait3A_103 : memref<128x16xf32, #tpu.memory_space<vmem>>) dst(%dma_wait3A_99 : memref<128x16xf32, #tpu.memory_space<hbm>>)
        tpu.yield
      }) : () -> ()
      %add3A_57 = arith.constant 2 : i32
      %add3A_58 = arith.addi %mul3A_23, %add3A_57 : i32
      %lt3A = arith.constant 40 : i32
      %lt3A_59 = arith.cmpi slt, %add3A_58, %lt3A : i32
      %convert_element_type3A = arith.extui %lt3A_59 : i1 to i32
      %cond3A = arith.constant 0 : i32
      %cond3A_60 = arith.cmpi ne, %convert_element_type3A, %cond3A : i32
      scf.if %cond3A_60 {
        %add3A_79 = arith.constant 2 : i32
        %add3A_80 = arith.addi %mul3A_23, %add3A_79 : i32
        %mul3A_81 = arith.constant 128 : i32
        %mul3A_82 = arith.muli %add3A_80, %mul3A_81 : i32
        %add3A_83 = arith.addi %mul3A_2, %mul3A_82 : i32
        %run_scoped3A_84 = arith.constant 0 : i32
        "tpu.region"() ({
          %run_scoped3A_97 = tpu.sem_alloc : memref<!tpu.dma_semaphore, #tpu.memory_space<semaphore_mem>>
          %dma_start3A_98 = arith.constant 0 : i32
          %dma_start3A_99 = tpu.memref_slice %arg5[%run_scoped3A_84, %dma_start3A_98] : memref<2x128xi32, #tpu.memory_space<vmem>> -> memref<1x128xi32, #tpu.memory_space<vmem>>
          %dma_start3A_100 = tpu.memref_squeeze %dma_start3A_99 : memref<1x128xi32, #tpu.memory_space<vmem>> -> memref<128xi32, #tpu.memory_space<vmem>>
          %dma_start3A_101 = tpu.memref_slice %arg3[%add3A_83] : memref<163840xi32, #tpu.memory_space<hbm>> -> memref<128xi32, #tpu.memory_space<hbm>>
          %dma_start3A_102 = arith.constant 0 : i32
          %dma_start3A_103 = tpu.memref_slice %arg5[%run_scoped3A_84, %dma_start3A_102] : memref<2x128xi32, #tpu.memory_space<vmem>> -> memref<1x128xi32, #tpu.memory_space<vmem>>
          %dma_start3A_104 = tpu.memref_squeeze %dma_start3A_103 : memref<1x128xi32, #tpu.memory_space<vmem>> -> memref<128xi32, #tpu.memory_space<vmem>>
          %dma_start3A_105 = tpu.memref_slice %arg3[%add3A_83] : memref<163840xi32, #tpu.memory_space<hbm>> -> memref<128xi32, #tpu.memory_space<hbm>>
          tpu.enqueue_dma source(%dma_start3A_105 : memref<128xi32, #tpu.memory_space<hbm>>) target(%dma_start3A_104 : memref<128xi32, #tpu.memory_space<vmem>>) target_semaphore(%run_scoped3A_97 : memref<!tpu.dma_semaphore, #tpu.memory_space<semaphore_mem>>)
          %dma_wait3A_106 = arith.constant 0 : i32
          %dma_wait3A_107 = tpu.memref_slice %arg5[%run_scoped3A_84, %dma_wait3A_106] : memref<2x128xi32, #tpu.memory_space<vmem>> -> memref<1x128xi32, #tpu.memory_space<vmem>>
          %dma_wait3A_108 = tpu.memref_squeeze %dma_wait3A_107 : memref<1x128xi32, #tpu.memory_space<vmem>> -> memref<128xi32, #tpu.memory_space<vmem>>
          %dma_wait3A_109 = tpu.memref_slice %arg3[%add3A_83] : memref<163840xi32, #tpu.memory_space<hbm>> -> memref<128xi32, #tpu.memory_space<hbm>>
          %dma_wait3A_110 = arith.constant 0 : i32
          %dma_wait3A_111 = tpu.memref_slice %arg5[%run_scoped3A_84, %dma_wait3A_110] : memref<2x128xi32, #tpu.memory_space<vmem>> -> memref<1x128xi32, #tpu.memory_space<vmem>>
          %dma_wait3A_112 = tpu.memref_squeeze %dma_wait3A_111 : memref<1x128xi32, #tpu.memory_space<vmem>> -> memref<128xi32, #tpu.memory_space<vmem>>
          %dma_wait3A_113 = tpu.memref_slice %arg3[%add3A_83] : memref<163840xi32, #tpu.memory_space<hbm>> -> memref<128xi32, #tpu.memory_space<hbm>>
          tpu.wait_dma2 semaphore(%run_scoped3A_97 : memref<!tpu.dma_semaphore, #tpu.memory_space<semaphore_mem>>) src(%dma_wait3A_113 : memref<128xi32, #tpu.memory_space<hbm>>) dst(%dma_wait3A_112 : memref<128xi32, #tpu.memory_space<vmem>>)
          tpu.yield
        }) : () -> ()
        %dma_start3A_85 = arith.constant 0 : i32
        %dma_start3A_86 = arith.constant 0 : i32
        %dma_start3A_87 = arith.constant 0 : i32
        %dma_start3A_88 = arith.constant 0 : i32
        %dma_start3A_89 = tpu.memref_slice %arg6[%dma_start3A_86, %dma_start3A_87, %dma_start3A_88] : memref<2x128x16xf32, #tpu.memory_space<vmem>> -> memref<1x128x16xf32, #tpu.memory_space<vmem>>
        %dma_start3A_90 = tpu.memref_squeeze %dma_start3A_89 : memref<1x128x16xf32, #tpu.memory_space<vmem>> -> memref<128x16xf32, #tpu.memory_space<vmem>>
        %dma_start3A_91 = arith.constant 0 : i32
        %dma_start3A_92 = tpu.memref_slice %arg5[%dma_start3A_85, %dma_start3A_91] : memref<2x128xi32, #tpu.memory_space<vmem>> -> memref<1x128xi32, #tpu.memory_space<vmem>>
        %dma_start3A_93 = tpu.memref_squeeze %dma_start3A_92 : memref<1x128xi32, #tpu.memory_space<vmem>> -> memref<128xi32, #tpu.memory_space<vmem>>
        %dma_start3A_94 = arith.constant 0 : i32
        %dma_start3A_95 = arith.constant 0 : i32
        %dma_start3A_96 = tpu.memref_slice %arg2[%dma_start3A_94, %dma_start3A_95] : memref<10000x16xf32, #tpu.memory_space<hbm>> -> memref<10000x16xf32, #tpu.memory_space<hbm>>
        tpu.enqueue_indirect_dma source(%dma_start3A_96 : memref<10000x16xf32, #tpu.memory_space<hbm>>) target(%dma_start3A_90 : memref<128x16xf32, #tpu.memory_space<vmem>>) offsets(%dma_start3A_93 : memref<128xi32, #tpu.memory_space<vmem>>) semaphore(%arg7 : memref<!tpu.dma_semaphore, #tpu.memory_space<semaphore_mem>>)
      } else {
      }
      %add3A_61 = arith.constant 1 : i32
      %add3A_62 = arith.addi %mul3A_23, %add3A_61 : i32
      %dma_wait3A_63 = arith.constant 1 : i32
      %dma_wait3A_64 = arith.constant 1 : i32
      %dma_wait3A_65 = arith.constant 0 : i32
      %dma_wait3A_66 = arith.constant 0 : i32
      %dma_wait3A_67 = tpu.memref_slice %arg6[%dma_wait3A_64, %dma_wait3A_65, %dma_wait3A_66] : memref<2x128x16xf32, #tpu.memory_space<vmem>> -> memref<1x128x16xf32, #tpu.memory_space<vmem>>
      %dma_wait3A_68 = tpu.memref_squeeze %dma_wait3A_67 : memref<1x128x16xf32, #tpu.memory_space<vmem>> -> memref<128x16xf32, #tpu.memory_space<vmem>>
      %dma_wait3A_69 = arith.constant 0 : i32
      %dma_wait3A_70 = tpu.memref_slice %arg5[%dma_wait3A_63, %dma_wait3A_69] : memref<2x128xi32, #tpu.memory_space<vmem>> -> memref<1x128xi32, #tpu.memory_space<vmem>>
      %dma_wait3A_71 = tpu.memref_squeeze %dma_wait3A_70 : memref<1x128xi32, #tpu.memory_space<vmem>> -> memref<128xi32, #tpu.memory_space<vmem>>
      %dma_wait3A_72 = arith.constant 0 : i32
      %dma_wait3A_73 = arith.constant 0 : i32
      %dma_wait3A_74 = tpu.memref_slice %arg2[%dma_wait3A_72, %dma_wait3A_73] : memref<10000x16xf32, #tpu.memory_space<hbm>> -> memref<10000x16xf32, #tpu.memory_space<hbm>>
      tpu.wait_indirect_dma semaphore(%arg8 : memref<!tpu.dma_semaphore, #tpu.memory_space<semaphore_mem>>) src(%dma_wait3A_74 : memref<10000x16xf32, #tpu.memory_space<hbm>>) dst(%dma_wait3A_68 : memref<128x16xf32, #tpu.memory_space<vmem>>)
      %mul3A_75 = arith.constant 128 : i32
      %mul3A_76 = arith.muli %add3A_62, %mul3A_75 : i32
      %add3A_77 = arith.addi %mul3A_2, %mul3A_76 : i32
      %run_scoped3A_78 = arith.constant 1 : i32
      "tpu.region"() ({
        %run_scoped3A_79 = tpu.sem_alloc : memref<!tpu.dma_semaphore, #tpu.memory_space<semaphore_mem>>
        %dma_start3A_80 = arith.constant 0 : i32
        %dma_start3A_81 = arith.constant 0 : i32
        %dma_start3A_82 = tpu.memref_slice %arg6[%run_scoped3A_78, %dma_start3A_80, %dma_start3A_81] : memref<2x128x16xf32, #tpu.memory_space<vmem>> -> memref<1x128x16xf32, #tpu.memory_space<vmem>>
        %dma_start3A_83 = tpu.memref_squeeze %dma_start3A_82 : memref<1x128x16xf32, #tpu.memory_space<vmem>> -> memref<128x16xf32, #tpu.memory_space<vmem>>
        %dma_start3A_84 = arith.constant 0 : i32
        %dma_start3A_85 = tpu.memref_slice %arg4[%add3A_77, %dma_start3A_84] : memref<163840x16xf32, #tpu.memory_space<hbm>> -> memref<128x16xf32, #tpu.memory_space<hbm>>
        %dma_start3A_86 = arith.constant 0 : i32
        %dma_start3A_87 = tpu.memref_slice %arg4[%add3A_77, %dma_start3A_86] : memref<163840x16xf32, #tpu.memory_space<hbm>> -> memref<128x16xf32, #tpu.memory_space<hbm>>
        %dma_start3A_88 = arith.constant 0 : i32
        %dma_start3A_89 = arith.constant 0 : i32
        %dma_start3A_90 = tpu.memref_slice %arg6[%run_scoped3A_78, %dma_start3A_88, %dma_start3A_89] : memref<2x128x16xf32, #tpu.memory_space<vmem>> -> memref<1x128x16xf32, #tpu.memory_space<vmem>>
        %dma_start3A_91 = tpu.memref_squeeze %dma_start3A_90 : memref<1x128x16xf32, #tpu.memory_space<vmem>> -> memref<128x16xf32, #tpu.memory_space<vmem>>
        tpu.enqueue_dma source(%dma_start3A_91 : memref<128x16xf32, #tpu.memory_space<vmem>>) target(%dma_start3A_87 : memref<128x16xf32, #tpu.memory_space<hbm>>) target_semaphore(%run_scoped3A_79 : memref<!tpu.dma_semaphore, #tpu.memory_space<semaphore_mem>>)
        %dma_wait3A_92 = arith.constant 0 : i32
        %dma_wait3A_93 = arith.constant 0 : i32
        %dma_wait3A_94 = tpu.memref_slice %arg6[%run_scoped3A_78, %dma_wait3A_92, %dma_wait3A_93] : memref<2x128x16xf32, #tpu.memory_space<vmem>> -> memref<1x128x16xf32, #tpu.memory_space<vmem>>
        %dma_wait3A_95 = tpu.memref_squeeze %dma_wait3A_94 : memref<1x128x16xf32, #tpu.memory_space<vmem>> -> memref<128x16xf32, #tpu.memory_space<vmem>>
        %dma_wait3A_96 = arith.constant 0 : i32
        %dma_wait3A_97 = tpu.memref_slice %arg4[%add3A_77, %dma_wait3A_96] : memref<163840x16xf32, #tpu.memory_space<hbm>> -> memref<128x16xf32, #tpu.memory_space<hbm>>
        %dma_wait3A_98 = arith.constant 0 : i32
        %dma_wait3A_99 = tpu.memref_slice %arg4[%add3A_77, %dma_wait3A_98] : memref<163840x16xf32, #tpu.memory_space<hbm>> -> memref<128x16xf32, #tpu.memory_space<hbm>>
        %dma_wait3A_100 = arith.constant 0 : i32
        %dma_wait3A_101 = arith.constant 0 : i32
        %dma_wait3A_102 = tpu.memref_slice %arg6[%run_scoped3A_78, %dma_wait3A_100, %dma_wait3A_101] : memref<2x128x16xf32, #tpu.memory_space<vmem>> -> memref<1x128x16xf32, #tpu.memory_space<vmem>>
        %dma_wait3A_103 = tpu.memref_squeeze %dma_wait3A_102 : memref<1x128x16xf32, #tpu.memory_space<vmem>> -> memref<128x16xf32, #tpu.memory_space<vmem>>
        tpu.wait_dma2 semaphore(%run_scoped3A_79 : memref<!tpu.dma_semaphore, #tpu.memory_space<semaphore_mem>>) src(%dma_wait3A_103 : memref<128x16xf32, #tpu.memory_space<vmem>>) dst(%dma_wait3A_99 : memref<128x16xf32, #tpu.memory_space<hbm>>)
        tpu.yield
      }) : () -> ()
    }
    %scan3A_20 = arith.constant 20 : i32
    return
  }
}

#map = affine_map<(d0, d1) -> (0, 0)>
#map1 = affine_map<(d0, d1) -> (0)>
module attributes {stable_mosaic.version = 14 : i64} {
  func.func @_sc_gather_g_body(%arg0: i32, %arg1: i32, %arg2: memref<10000x256xf32, #tpu.memory_space<hbm>>, %arg3: memref<163840xi32, #tpu.memory_space<hbm>>, %arg4: memref<40960x256xf32, #tpu.memory_space<hbm>>, %arg5: memref<2x128xi32, #tpu.memory_space<vmem>>, %arg6: memref<2x128x256xf32, #tpu.memory_space<vmem>>, %arg7: memref<!tpu.dma_semaphore, #tpu.memory_space<semaphore_mem>>, %arg8: memref<!tpu.dma_semaphore, #tpu.memory_space<semaphore_mem>>) attributes {dimension_semantics = [#tpu.dimension_semantics<core_parallel>, #tpu.dimension_semantics<subcore_parallel>], iteration_bounds = array<i64: 2, 16>, scalar_prefetch = 0 : i64, scratch_operands = 4 : i64, tpu.core_type = #tpu.core_type<sc_vector_subcore>, window_params = [{transform_indices = #map}, {transform_indices = #map1}, {transform_indices = #map}]} {
    %mul3A = arith.constant 2 : i32
    %mul3A_0 = arith.muli %arg1, %mul3A : i32
    %add3A = arith.addi %mul3A_0, %arg0 : i32
    %mul3A_1 = arith.constant 1280 : i32
    %mul3A_2 = arith.muli %add3A, %mul3A_1 : i32
    %add3A_3 = arith.constant 0 : i32
    %add3A_4 = arith.addi %add3A_3, %mul3A_2 : i32
    %sub3A = arith.constant 0 : i32
    %sub3A_5 = arith.subi %add3A_4, %sub3A : i32
    %add3A_6 = arith.constant 0 : i32
    %add3A_7 = arith.addi %add3A_4, %add3A_6 : i32
    %run_scoped3A = arith.constant 0 : i32
    "tpu.region"() ({
      %run_scoped3A_24 = tpu.sem_alloc : memref<!tpu.dma_semaphore, #tpu.memory_space<semaphore_mem>>
      %dma_start3A_25 = arith.constant 0 : i32
      %dma_start3A_26 = tpu.memref_slice %arg5[%run_scoped3A, %dma_start3A_25] : memref<2x128xi32, #tpu.memory_space<vmem>> -> memref<1x128xi32, #tpu.memory_space<vmem>>
      %dma_start3A_27 = tpu.memref_squeeze %dma_start3A_26 : memref<1x128xi32, #tpu.memory_space<vmem>> -> memref<128xi32, #tpu.memory_space<vmem>>
      %dma_start3A_28 = tpu.memref_slice %arg3[%add3A_7] : memref<163840xi32, #tpu.memory_space<hbm>> -> memref<128xi32, #tpu.memory_space<hbm>>
      %dma_start3A_29 = arith.constant 0 : i32
      %dma_start3A_30 = tpu.memref_slice %arg5[%run_scoped3A, %dma_start3A_29] : memref<2x128xi32, #tpu.memory_space<vmem>> -> memref<1x128xi32, #tpu.memory_space<vmem>>
      %dma_start3A_31 = tpu.memref_squeeze %dma_start3A_30 : memref<1x128xi32, #tpu.memory_space<vmem>> -> memref<128xi32, #tpu.memory_space<vmem>>
      %dma_start3A_32 = tpu.memref_slice %arg3[%add3A_7] : memref<163840xi32, #tpu.memory_space<hbm>> -> memref<128xi32, #tpu.memory_space<hbm>>
      tpu.enqueue_dma source(%dma_start3A_32 : memref<128xi32, #tpu.memory_space<hbm>>) target(%dma_start3A_31 : memref<128xi32, #tpu.memory_space<vmem>>) target_semaphore(%run_scoped3A_24 : memref<!tpu.dma_semaphore, #tpu.memory_space<semaphore_mem>>)
      %dma_wait3A = arith.constant 0 : i32
      %dma_wait3A_33 = tpu.memref_slice %arg5[%run_scoped3A, %dma_wait3A] : memref<2x128xi32, #tpu.memory_space<vmem>> -> memref<1x128xi32, #tpu.memory_space<vmem>>
      %dma_wait3A_34 = tpu.memref_squeeze %dma_wait3A_33 : memref<1x128xi32, #tpu.memory_space<vmem>> -> memref<128xi32, #tpu.memory_space<vmem>>
      %dma_wait3A_35 = tpu.memref_slice %arg3[%add3A_7] : memref<163840xi32, #tpu.memory_space<hbm>> -> memref<128xi32, #tpu.memory_space<hbm>>
      %dma_wait3A_36 = arith.constant 0 : i32
      %dma_wait3A_37 = tpu.memref_slice %arg5[%run_scoped3A, %dma_wait3A_36] : memref<2x128xi32, #tpu.memory_space<vmem>> -> memref<1x128xi32, #tpu.memory_space<vmem>>
      %dma_wait3A_38 = tpu.memref_squeeze %dma_wait3A_37 : memref<1x128xi32, #tpu.memory_space<vmem>> -> memref<128xi32, #tpu.memory_space<vmem>>
      %dma_wait3A_39 = tpu.memref_slice %arg3[%add3A_7] : memref<163840xi32, #tpu.memory_space<hbm>> -> memref<128xi32, #tpu.memory_space<hbm>>
      tpu.wait_dma2 semaphore(%run_scoped3A_24 : memref<!tpu.dma_semaphore, #tpu.memory_space<semaphore_mem>>) src(%dma_wait3A_39 : memref<128xi32, #tpu.memory_space<hbm>>) dst(%dma_wait3A_38 : memref<128xi32, #tpu.memory_space<vmem>>)
      tpu.yield
    }) : () -> ()
    %dma_start3A = arith.constant 0 : i32
    %dma_start3A_8 = arith.constant 0 : i32
    %dma_start3A_9 = arith.constant 0 : i32
    %dma_start3A_10 = arith.constant 0 : i32
    %dma_start3A_11 = tpu.memref_slice %arg6[%dma_start3A_8, %dma_start3A_9, %dma_start3A_10] : memref<2x128x256xf32, #tpu.memory_space<vmem>> -> memref<1x128x256xf32, #tpu.memory_space<vmem>>
    %dma_start3A_12 = tpu.memref_squeeze %dma_start3A_11 : memref<1x128x256xf32, #tpu.memory_space<vmem>> -> memref<128x256xf32, #tpu.memory_space<vmem>>
    %dma_start3A_13 = arith.constant 0 : i32
    %dma_start3A_14 = tpu.memref_slice %arg5[%dma_start3A, %dma_start3A_13] : memref<2x128xi32, #tpu.memory_space<vmem>> -> memref<1x128xi32, #tpu.memory_space<vmem>>
    %dma_start3A_15 = tpu.memref_squeeze %dma_start3A_14 : memref<1x128xi32, #tpu.memory_space<vmem>> -> memref<128xi32, #tpu.memory_space<vmem>>
    %dma_start3A_16 = arith.constant 0 : i32
    %dma_start3A_17 = arith.constant 0 : i32
    %dma_start3A_18 = tpu.memref_slice %arg2[%dma_start3A_16, %dma_start3A_17] : memref<10000x256xf32, #tpu.memory_space<hbm>> -> memref<10000x256xf32, #tpu.memory_space<hbm>>
    tpu.enqueue_indirect_dma source(%dma_start3A_18 : memref<10000x256xf32, #tpu.memory_space<hbm>>) target(%dma_start3A_12 : memref<128x256xf32, #tpu.memory_space<vmem>>) offsets(%dma_start3A_15 : memref<128xi32, #tpu.memory_space<vmem>>) semaphore(%arg7 : memref<!tpu.dma_semaphore, #tpu.memory_space<semaphore_mem>>)
    %scan3A = arith.constant 0 : i32
    %scan3A_19 = arith.constant 0 : i32
    %scan3A_20 = arith.constant 5 : i32
    %scan3A_21 = arith.addi %scan3A_19, %scan3A_20 : i32
    %scan3A_22 = arith.constant 1 : i32
    scf.for %scan3A_24 = %scan3A_19 to %scan3A_21 step %scan3A_22  : i32 {
      %mul3A_25 = arith.constant 2 : i32
      %mul3A_26 = arith.muli %mul3A_25, %scan3A_24 : i32
      %add3A_27 = arith.constant 1 : i32
      %add3A_28 = arith.addi %mul3A_26, %add3A_27 : i32
      %mul3A_29 = arith.constant 128 : i32
      %mul3A_30 = arith.muli %add3A_28, %mul3A_29 : i32
      %add3A_31 = arith.addi %add3A_4, %mul3A_30 : i32
      %run_scoped3A_32 = arith.constant 1 : i32
      "tpu.region"() ({
        %run_scoped3A_82 = tpu.sem_alloc : memref<!tpu.dma_semaphore, #tpu.memory_space<semaphore_mem>>
        %dma_start3A_83 = arith.constant 0 : i32
        %dma_start3A_84 = tpu.memref_slice %arg5[%run_scoped3A_32, %dma_start3A_83] : memref<2x128xi32, #tpu.memory_space<vmem>> -> memref<1x128xi32, #tpu.memory_space<vmem>>
        %dma_start3A_85 = tpu.memref_squeeze %dma_start3A_84 : memref<1x128xi32, #tpu.memory_space<vmem>> -> memref<128xi32, #tpu.memory_space<vmem>>
        %dma_start3A_86 = tpu.memref_slice %arg3[%add3A_31] : memref<163840xi32, #tpu.memory_space<hbm>> -> memref<128xi32, #tpu.memory_space<hbm>>
        %dma_start3A_87 = arith.constant 0 : i32
        %dma_start3A_88 = tpu.memref_slice %arg5[%run_scoped3A_32, %dma_start3A_87] : memref<2x128xi32, #tpu.memory_space<vmem>> -> memref<1x128xi32, #tpu.memory_space<vmem>>
        %dma_start3A_89 = tpu.memref_squeeze %dma_start3A_88 : memref<1x128xi32, #tpu.memory_space<vmem>> -> memref<128xi32, #tpu.memory_space<vmem>>
        %dma_start3A_90 = tpu.memref_slice %arg3[%add3A_31] : memref<163840xi32, #tpu.memory_space<hbm>> -> memref<128xi32, #tpu.memory_space<hbm>>
        tpu.enqueue_dma source(%dma_start3A_90 : memref<128xi32, #tpu.memory_space<hbm>>) target(%dma_start3A_89 : memref<128xi32, #tpu.memory_space<vmem>>) target_semaphore(%run_scoped3A_82 : memref<!tpu.dma_semaphore, #tpu.memory_space<semaphore_mem>>)
        %dma_wait3A_91 = arith.constant 0 : i32
        %dma_wait3A_92 = tpu.memref_slice %arg5[%run_scoped3A_32, %dma_wait3A_91] : memref<2x128xi32, #tpu.memory_space<vmem>> -> memref<1x128xi32, #tpu.memory_space<vmem>>
        %dma_wait3A_93 = tpu.memref_squeeze %dma_wait3A_92 : memref<1x128xi32, #tpu.memory_space<vmem>> -> memref<128xi32, #tpu.memory_space<vmem>>
        %dma_wait3A_94 = tpu.memref_slice %arg3[%add3A_31] : memref<163840xi32, #tpu.memory_space<hbm>> -> memref<128xi32, #tpu.memory_space<hbm>>
        %dma_wait3A_95 = arith.constant 0 : i32
        %dma_wait3A_96 = tpu.memref_slice %arg5[%run_scoped3A_32, %dma_wait3A_95] : memref<2x128xi32, #tpu.memory_space<vmem>> -> memref<1x128xi32, #tpu.memory_space<vmem>>
        %dma_wait3A_97 = tpu.memref_squeeze %dma_wait3A_96 : memref<1x128xi32, #tpu.memory_space<vmem>> -> memref<128xi32, #tpu.memory_space<vmem>>
        %dma_wait3A_98 = tpu.memref_slice %arg3[%add3A_31] : memref<163840xi32, #tpu.memory_space<hbm>> -> memref<128xi32, #tpu.memory_space<hbm>>
        tpu.wait_dma2 semaphore(%run_scoped3A_82 : memref<!tpu.dma_semaphore, #tpu.memory_space<semaphore_mem>>) src(%dma_wait3A_98 : memref<128xi32, #tpu.memory_space<hbm>>) dst(%dma_wait3A_97 : memref<128xi32, #tpu.memory_space<vmem>>)
        tpu.yield
      }) : () -> ()
      %dma_start3A_33 = arith.constant 1 : i32
      %dma_start3A_34 = arith.constant 1 : i32
      %dma_start3A_35 = arith.constant 0 : i32
      %dma_start3A_36 = arith.constant 0 : i32
      %dma_start3A_37 = tpu.memref_slice %arg6[%dma_start3A_34, %dma_start3A_35, %dma_start3A_36] : memref<2x128x256xf32, #tpu.memory_space<vmem>> -> memref<1x128x256xf32, #tpu.memory_space<vmem>>
      %dma_start3A_38 = tpu.memref_squeeze %dma_start3A_37 : memref<1x128x256xf32, #tpu.memory_space<vmem>> -> memref<128x256xf32, #tpu.memory_space<vmem>>
      %dma_start3A_39 = arith.constant 0 : i32
      %dma_start3A_40 = tpu.memref_slice %arg5[%dma_start3A_33, %dma_start3A_39] : memref<2x128xi32, #tpu.memory_space<vmem>> -> memref<1x128xi32, #tpu.memory_space<vmem>>
      %dma_start3A_41 = tpu.memref_squeeze %dma_start3A_40 : memref<1x128xi32, #tpu.memory_space<vmem>> -> memref<128xi32, #tpu.memory_space<vmem>>
      %dma_start3A_42 = arith.constant 0 : i32
      %dma_start3A_43 = arith.constant 0 : i32
      %dma_start3A_44 = tpu.memref_slice %arg2[%dma_start3A_42, %dma_start3A_43] : memref<10000x256xf32, #tpu.memory_space<hbm>> -> memref<10000x256xf32, #tpu.memory_space<hbm>>
      tpu.enqueue_indirect_dma source(%dma_start3A_44 : memref<10000x256xf32, #tpu.memory_space<hbm>>) target(%dma_start3A_38 : memref<128x256xf32, #tpu.memory_space<vmem>>) offsets(%dma_start3A_41 : memref<128xi32, #tpu.memory_space<vmem>>) semaphore(%arg8 : memref<!tpu.dma_semaphore, #tpu.memory_space<semaphore_mem>>)
      %dma_wait3A = arith.constant 0 : i32
      %dma_wait3A_45 = arith.constant 0 : i32
      %dma_wait3A_46 = arith.constant 0 : i32
      %dma_wait3A_47 = arith.constant 0 : i32
      %dma_wait3A_48 = tpu.memref_slice %arg6[%dma_wait3A_45, %dma_wait3A_46, %dma_wait3A_47] : memref<2x128x256xf32, #tpu.memory_space<vmem>> -> memref<1x128x256xf32, #tpu.memory_space<vmem>>
      %dma_wait3A_49 = tpu.memref_squeeze %dma_wait3A_48 : memref<1x128x256xf32, #tpu.memory_space<vmem>> -> memref<128x256xf32, #tpu.memory_space<vmem>>
      %dma_wait3A_50 = arith.constant 0 : i32
      %dma_wait3A_51 = tpu.memref_slice %arg5[%dma_wait3A, %dma_wait3A_50] : memref<2x128xi32, #tpu.memory_space<vmem>> -> memref<1x128xi32, #tpu.memory_space<vmem>>
      %dma_wait3A_52 = tpu.memref_squeeze %dma_wait3A_51 : memref<1x128xi32, #tpu.memory_space<vmem>> -> memref<128xi32, #tpu.memory_space<vmem>>
      %dma_wait3A_53 = arith.constant 0 : i32
      %dma_wait3A_54 = arith.constant 0 : i32
      %dma_wait3A_55 = tpu.memref_slice %arg2[%dma_wait3A_53, %dma_wait3A_54] : memref<10000x256xf32, #tpu.memory_space<hbm>> -> memref<10000x256xf32, #tpu.memory_space<hbm>>
      tpu.wait_indirect_dma semaphore(%arg7 : memref<!tpu.dma_semaphore, #tpu.memory_space<semaphore_mem>>) src(%dma_wait3A_55 : memref<10000x256xf32, #tpu.memory_space<hbm>>) dst(%dma_wait3A_49 : memref<128x256xf32, #tpu.memory_space<vmem>>)
      %mul3A_56 = arith.constant 128 : i32
      %mul3A_57 = arith.muli %mul3A_26, %mul3A_56 : i32
      %add3A_58 = arith.addi %sub3A_5, %mul3A_57 : i32
      %run_scoped3A_59 = arith.constant 0 : i32
      "tpu.region"() ({
        %run_scoped3A_82 = tpu.sem_alloc : memref<!tpu.dma_semaphore, #tpu.memory_space<semaphore_mem>>
        %dma_start3A_83 = arith.constant 0 : i32
        %dma_start3A_84 = arith.constant 0 : i32
        %dma_start3A_85 = tpu.memref_slice %arg6[%run_scoped3A_59, %dma_start3A_83, %dma_start3A_84] : memref<2x128x256xf32, #tpu.memory_space<vmem>> -> memref<1x128x256xf32, #tpu.memory_space<vmem>>
        %dma_start3A_86 = tpu.memref_squeeze %dma_start3A_85 : memref<1x128x256xf32, #tpu.memory_space<vmem>> -> memref<128x256xf32, #tpu.memory_space<vmem>>
        %dma_start3A_87 = arith.constant 0 : i32
        %dma_start3A_88 = tpu.memref_slice %arg4[%add3A_58, %dma_start3A_87] : memref<40960x256xf32, #tpu.memory_space<hbm>> -> memref<128x256xf32, #tpu.memory_space<hbm>>
        %dma_start3A_89 = arith.constant 0 : i32
        %dma_start3A_90 = tpu.memref_slice %arg4[%add3A_58, %dma_start3A_89] : memref<40960x256xf32, #tpu.memory_space<hbm>> -> memref<128x256xf32, #tpu.memory_space<hbm>>
        %dma_start3A_91 = arith.constant 0 : i32
        %dma_start3A_92 = arith.constant 0 : i32
        %dma_start3A_93 = tpu.memref_slice %arg6[%run_scoped3A_59, %dma_start3A_91, %dma_start3A_92] : memref<2x128x256xf32, #tpu.memory_space<vmem>> -> memref<1x128x256xf32, #tpu.memory_space<vmem>>
        %dma_start3A_94 = tpu.memref_squeeze %dma_start3A_93 : memref<1x128x256xf32, #tpu.memory_space<vmem>> -> memref<128x256xf32, #tpu.memory_space<vmem>>
        tpu.enqueue_dma source(%dma_start3A_94 : memref<128x256xf32, #tpu.memory_space<vmem>>) target(%dma_start3A_90 : memref<128x256xf32, #tpu.memory_space<hbm>>) target_semaphore(%run_scoped3A_82 : memref<!tpu.dma_semaphore, #tpu.memory_space<semaphore_mem>>)
        %dma_wait3A_95 = arith.constant 0 : i32
        %dma_wait3A_96 = arith.constant 0 : i32
        %dma_wait3A_97 = tpu.memref_slice %arg6[%run_scoped3A_59, %dma_wait3A_95, %dma_wait3A_96] : memref<2x128x256xf32, #tpu.memory_space<vmem>> -> memref<1x128x256xf32, #tpu.memory_space<vmem>>
        %dma_wait3A_98 = tpu.memref_squeeze %dma_wait3A_97 : memref<1x128x256xf32, #tpu.memory_space<vmem>> -> memref<128x256xf32, #tpu.memory_space<vmem>>
        %dma_wait3A_99 = arith.constant 0 : i32
        %dma_wait3A_100 = tpu.memref_slice %arg4[%add3A_58, %dma_wait3A_99] : memref<40960x256xf32, #tpu.memory_space<hbm>> -> memref<128x256xf32, #tpu.memory_space<hbm>>
        %dma_wait3A_101 = arith.constant 0 : i32
        %dma_wait3A_102 = tpu.memref_slice %arg4[%add3A_58, %dma_wait3A_101] : memref<40960x256xf32, #tpu.memory_space<hbm>> -> memref<128x256xf32, #tpu.memory_space<hbm>>
        %dma_wait3A_103 = arith.constant 0 : i32
        %dma_wait3A_104 = arith.constant 0 : i32
        %dma_wait3A_105 = tpu.memref_slice %arg6[%run_scoped3A_59, %dma_wait3A_103, %dma_wait3A_104] : memref<2x128x256xf32, #tpu.memory_space<vmem>> -> memref<1x128x256xf32, #tpu.memory_space<vmem>>
        %dma_wait3A_106 = tpu.memref_squeeze %dma_wait3A_105 : memref<1x128x256xf32, #tpu.memory_space<vmem>> -> memref<128x256xf32, #tpu.memory_space<vmem>>
        tpu.wait_dma2 semaphore(%run_scoped3A_82 : memref<!tpu.dma_semaphore, #tpu.memory_space<semaphore_mem>>) src(%dma_wait3A_106 : memref<128x256xf32, #tpu.memory_space<vmem>>) dst(%dma_wait3A_102 : memref<128x256xf32, #tpu.memory_space<hbm>>)
        tpu.yield
      }) : () -> ()
      %add3A_60 = arith.constant 2 : i32
      %add3A_61 = arith.addi %mul3A_26, %add3A_60 : i32
      %lt3A = arith.constant 10 : i32
      %lt3A_62 = arith.cmpi slt, %add3A_61, %lt3A : i32
      %convert_element_type3A = arith.extui %lt3A_62 : i1 to i32
      %cond3A = arith.constant 0 : i32
      %cond3A_63 = arith.cmpi ne, %convert_element_type3A, %cond3A : i32
      scf.if %cond3A_63 {
        %add3A_82 = arith.constant 2 : i32
        %add3A_83 = arith.addi %mul3A_26, %add3A_82 : i32
        %mul3A_84 = arith.constant 128 : i32
        %mul3A_85 = arith.muli %add3A_83, %mul3A_84 : i32
        %add3A_86 = arith.addi %add3A_4, %mul3A_85 : i32
        %run_scoped3A_87 = arith.constant 0 : i32
        "tpu.region"() ({
          %run_scoped3A_100 = tpu.sem_alloc : memref<!tpu.dma_semaphore, #tpu.memory_space<semaphore_mem>>
          %dma_start3A_101 = arith.constant 0 : i32
          %dma_start3A_102 = tpu.memref_slice %arg5[%run_scoped3A_87, %dma_start3A_101] : memref<2x128xi32, #tpu.memory_space<vmem>> -> memref<1x128xi32, #tpu.memory_space<vmem>>
          %dma_start3A_103 = tpu.memref_squeeze %dma_start3A_102 : memref<1x128xi32, #tpu.memory_space<vmem>> -> memref<128xi32, #tpu.memory_space<vmem>>
          %dma_start3A_104 = tpu.memref_slice %arg3[%add3A_86] : memref<163840xi32, #tpu.memory_space<hbm>> -> memref<128xi32, #tpu.memory_space<hbm>>
          %dma_start3A_105 = arith.constant 0 : i32
          %dma_start3A_106 = tpu.memref_slice %arg5[%run_scoped3A_87, %dma_start3A_105] : memref<2x128xi32, #tpu.memory_space<vmem>> -> memref<1x128xi32, #tpu.memory_space<vmem>>
          %dma_start3A_107 = tpu.memref_squeeze %dma_start3A_106 : memref<1x128xi32, #tpu.memory_space<vmem>> -> memref<128xi32, #tpu.memory_space<vmem>>
          %dma_start3A_108 = tpu.memref_slice %arg3[%add3A_86] : memref<163840xi32, #tpu.memory_space<hbm>> -> memref<128xi32, #tpu.memory_space<hbm>>
          tpu.enqueue_dma source(%dma_start3A_108 : memref<128xi32, #tpu.memory_space<hbm>>) target(%dma_start3A_107 : memref<128xi32, #tpu.memory_space<vmem>>) target_semaphore(%run_scoped3A_100 : memref<!tpu.dma_semaphore, #tpu.memory_space<semaphore_mem>>)
          %dma_wait3A_109 = arith.constant 0 : i32
          %dma_wait3A_110 = tpu.memref_slice %arg5[%run_scoped3A_87, %dma_wait3A_109] : memref<2x128xi32, #tpu.memory_space<vmem>> -> memref<1x128xi32, #tpu.memory_space<vmem>>
          %dma_wait3A_111 = tpu.memref_squeeze %dma_wait3A_110 : memref<1x128xi32, #tpu.memory_space<vmem>> -> memref<128xi32, #tpu.memory_space<vmem>>
          %dma_wait3A_112 = tpu.memref_slice %arg3[%add3A_86] : memref<163840xi32, #tpu.memory_space<hbm>> -> memref<128xi32, #tpu.memory_space<hbm>>
          %dma_wait3A_113 = arith.constant 0 : i32
          %dma_wait3A_114 = tpu.memref_slice %arg5[%run_scoped3A_87, %dma_wait3A_113] : memref<2x128xi32, #tpu.memory_space<vmem>> -> memref<1x128xi32, #tpu.memory_space<vmem>>
          %dma_wait3A_115 = tpu.memref_squeeze %dma_wait3A_114 : memref<1x128xi32, #tpu.memory_space<vmem>> -> memref<128xi32, #tpu.memory_space<vmem>>
          %dma_wait3A_116 = tpu.memref_slice %arg3[%add3A_86] : memref<163840xi32, #tpu.memory_space<hbm>> -> memref<128xi32, #tpu.memory_space<hbm>>
          tpu.wait_dma2 semaphore(%run_scoped3A_100 : memref<!tpu.dma_semaphore, #tpu.memory_space<semaphore_mem>>) src(%dma_wait3A_116 : memref<128xi32, #tpu.memory_space<hbm>>) dst(%dma_wait3A_115 : memref<128xi32, #tpu.memory_space<vmem>>)
          tpu.yield
        }) : () -> ()
        %dma_start3A_88 = arith.constant 0 : i32
        %dma_start3A_89 = arith.constant 0 : i32
        %dma_start3A_90 = arith.constant 0 : i32
        %dma_start3A_91 = arith.constant 0 : i32
        %dma_start3A_92 = tpu.memref_slice %arg6[%dma_start3A_89, %dma_start3A_90, %dma_start3A_91] : memref<2x128x256xf32, #tpu.memory_space<vmem>> -> memref<1x128x256xf32, #tpu.memory_space<vmem>>
        %dma_start3A_93 = tpu.memref_squeeze %dma_start3A_92 : memref<1x128x256xf32, #tpu.memory_space<vmem>> -> memref<128x256xf32, #tpu.memory_space<vmem>>
        %dma_start3A_94 = arith.constant 0 : i32
        %dma_start3A_95 = tpu.memref_slice %arg5[%dma_start3A_88, %dma_start3A_94] : memref<2x128xi32, #tpu.memory_space<vmem>> -> memref<1x128xi32, #tpu.memory_space<vmem>>
        %dma_start3A_96 = tpu.memref_squeeze %dma_start3A_95 : memref<1x128xi32, #tpu.memory_space<vmem>> -> memref<128xi32, #tpu.memory_space<vmem>>
        %dma_start3A_97 = arith.constant 0 : i32
        %dma_start3A_98 = arith.constant 0 : i32
        %dma_start3A_99 = tpu.memref_slice %arg2[%dma_start3A_97, %dma_start3A_98] : memref<10000x256xf32, #tpu.memory_space<hbm>> -> memref<10000x256xf32, #tpu.memory_space<hbm>>
        tpu.enqueue_indirect_dma source(%dma_start3A_99 : memref<10000x256xf32, #tpu.memory_space<hbm>>) target(%dma_start3A_93 : memref<128x256xf32, #tpu.memory_space<vmem>>) offsets(%dma_start3A_96 : memref<128xi32, #tpu.memory_space<vmem>>) semaphore(%arg7 : memref<!tpu.dma_semaphore, #tpu.memory_space<semaphore_mem>>)
      } else {
      }
      %add3A_64 = arith.constant 1 : i32
      %add3A_65 = arith.addi %mul3A_26, %add3A_64 : i32
      %dma_wait3A_66 = arith.constant 1 : i32
      %dma_wait3A_67 = arith.constant 1 : i32
      %dma_wait3A_68 = arith.constant 0 : i32
      %dma_wait3A_69 = arith.constant 0 : i32
      %dma_wait3A_70 = tpu.memref_slice %arg6[%dma_wait3A_67, %dma_wait3A_68, %dma_wait3A_69] : memref<2x128x256xf32, #tpu.memory_space<vmem>> -> memref<1x128x256xf32, #tpu.memory_space<vmem>>
      %dma_wait3A_71 = tpu.memref_squeeze %dma_wait3A_70 : memref<1x128x256xf32, #tpu.memory_space<vmem>> -> memref<128x256xf32, #tpu.memory_space<vmem>>
      %dma_wait3A_72 = arith.constant 0 : i32
      %dma_wait3A_73 = tpu.memref_slice %arg5[%dma_wait3A_66, %dma_wait3A_72] : memref<2x128xi32, #tpu.memory_space<vmem>> -> memref<1x128xi32, #tpu.memory_space<vmem>>
      %dma_wait3A_74 = tpu.memref_squeeze %dma_wait3A_73 : memref<1x128xi32, #tpu.memory_space<vmem>> -> memref<128xi32, #tpu.memory_space<vmem>>
      %dma_wait3A_75 = arith.constant 0 : i32
      %dma_wait3A_76 = arith.constant 0 : i32
      %dma_wait3A_77 = tpu.memref_slice %arg2[%dma_wait3A_75, %dma_wait3A_76] : memref<10000x256xf32, #tpu.memory_space<hbm>> -> memref<10000x256xf32, #tpu.memory_space<hbm>>
      tpu.wait_indirect_dma semaphore(%arg8 : memref<!tpu.dma_semaphore, #tpu.memory_space<semaphore_mem>>) src(%dma_wait3A_77 : memref<10000x256xf32, #tpu.memory_space<hbm>>) dst(%dma_wait3A_71 : memref<128x256xf32, #tpu.memory_space<vmem>>)
      %mul3A_78 = arith.constant 128 : i32
      %mul3A_79 = arith.muli %add3A_65, %mul3A_78 : i32
      %add3A_80 = arith.addi %sub3A_5, %mul3A_79 : i32
      %run_scoped3A_81 = arith.constant 1 : i32
      "tpu.region"() ({
        %run_scoped3A_82 = tpu.sem_alloc : memref<!tpu.dma_semaphore, #tpu.memory_space<semaphore_mem>>
        %dma_start3A_83 = arith.constant 0 : i32
        %dma_start3A_84 = arith.constant 0 : i32
        %dma_start3A_85 = tpu.memref_slice %arg6[%run_scoped3A_81, %dma_start3A_83, %dma_start3A_84] : memref<2x128x256xf32, #tpu.memory_space<vmem>> -> memref<1x128x256xf32, #tpu.memory_space<vmem>>
        %dma_start3A_86 = tpu.memref_squeeze %dma_start3A_85 : memref<1x128x256xf32, #tpu.memory_space<vmem>> -> memref<128x256xf32, #tpu.memory_space<vmem>>
        %dma_start3A_87 = arith.constant 0 : i32
        %dma_start3A_88 = tpu.memref_slice %arg4[%add3A_80, %dma_start3A_87] : memref<40960x256xf32, #tpu.memory_space<hbm>> -> memref<128x256xf32, #tpu.memory_space<hbm>>
        %dma_start3A_89 = arith.constant 0 : i32
        %dma_start3A_90 = tpu.memref_slice %arg4[%add3A_80, %dma_start3A_89] : memref<40960x256xf32, #tpu.memory_space<hbm>> -> memref<128x256xf32, #tpu.memory_space<hbm>>
        %dma_start3A_91 = arith.constant 0 : i32
        %dma_start3A_92 = arith.constant 0 : i32
        %dma_start3A_93 = tpu.memref_slice %arg6[%run_scoped3A_81, %dma_start3A_91, %dma_start3A_92] : memref<2x128x256xf32, #tpu.memory_space<vmem>> -> memref<1x128x256xf32, #tpu.memory_space<vmem>>
        %dma_start3A_94 = tpu.memref_squeeze %dma_start3A_93 : memref<1x128x256xf32, #tpu.memory_space<vmem>> -> memref<128x256xf32, #tpu.memory_space<vmem>>
        tpu.enqueue_dma source(%dma_start3A_94 : memref<128x256xf32, #tpu.memory_space<vmem>>) target(%dma_start3A_90 : memref<128x256xf32, #tpu.memory_space<hbm>>) target_semaphore(%run_scoped3A_82 : memref<!tpu.dma_semaphore, #tpu.memory_space<semaphore_mem>>)
        %dma_wait3A_95 = arith.constant 0 : i32
        %dma_wait3A_96 = arith.constant 0 : i32
        %dma_wait3A_97 = tpu.memref_slice %arg6[%run_scoped3A_81, %dma_wait3A_95, %dma_wait3A_96] : memref<2x128x256xf32, #tpu.memory_space<vmem>> -> memref<1x128x256xf32, #tpu.memory_space<vmem>>
        %dma_wait3A_98 = tpu.memref_squeeze %dma_wait3A_97 : memref<1x128x256xf32, #tpu.memory_space<vmem>> -> memref<128x256xf32, #tpu.memory_space<vmem>>
        %dma_wait3A_99 = arith.constant 0 : i32
        %dma_wait3A_100 = tpu.memref_slice %arg4[%add3A_80, %dma_wait3A_99] : memref<40960x256xf32, #tpu.memory_space<hbm>> -> memref<128x256xf32, #tpu.memory_space<hbm>>
        %dma_wait3A_101 = arith.constant 0 : i32
        %dma_wait3A_102 = tpu.memref_slice %arg4[%add3A_80, %dma_wait3A_101] : memref<40960x256xf32, #tpu.memory_space<hbm>> -> memref<128x256xf32, #tpu.memory_space<hbm>>
        %dma_wait3A_103 = arith.constant 0 : i32
        %dma_wait3A_104 = arith.constant 0 : i32
        %dma_wait3A_105 = tpu.memref_slice %arg6[%run_scoped3A_81, %dma_wait3A_103, %dma_wait3A_104] : memref<2x128x256xf32, #tpu.memory_space<vmem>> -> memref<1x128x256xf32, #tpu.memory_space<vmem>>
        %dma_wait3A_106 = tpu.memref_squeeze %dma_wait3A_105 : memref<1x128x256xf32, #tpu.memory_space<vmem>> -> memref<128x256xf32, #tpu.memory_space<vmem>>
        tpu.wait_dma2 semaphore(%run_scoped3A_82 : memref<!tpu.dma_semaphore, #tpu.memory_space<semaphore_mem>>) src(%dma_wait3A_106 : memref<128x256xf32, #tpu.memory_space<vmem>>) dst(%dma_wait3A_102 : memref<128x256xf32, #tpu.memory_space<hbm>>)
        tpu.yield
      }) : () -> ()
    }
    %scan3A_23 = arith.constant 5 : i32
    return
  }
}

#map = affine_map<(d0, d1) -> (0, 0)>
#map1 = affine_map<(d0, d1) -> (0)>
module attributes {stable_mosaic.version = 14 : i64} {
  func.func @_sc_gather_g_body(%arg0: i32, %arg1: i32, %arg2: memref<10000x256xf32, #tpu.memory_space<hbm>>, %arg3: memref<163840xi32, #tpu.memory_space<hbm>>, %arg4: memref<40960x256xf32, #tpu.memory_space<hbm>>, %arg5: memref<2x128xi32, #tpu.memory_space<vmem>>, %arg6: memref<2x128x256xf32, #tpu.memory_space<vmem>>, %arg7: memref<!tpu.dma_semaphore, #tpu.memory_space<semaphore_mem>>, %arg8: memref<!tpu.dma_semaphore, #tpu.memory_space<semaphore_mem>>) attributes {dimension_semantics = [#tpu.dimension_semantics<core_parallel>, #tpu.dimension_semantics<subcore_parallel>], iteration_bounds = array<i64: 2, 16>, scalar_prefetch = 0 : i64, scratch_operands = 4 : i64, tpu.core_type = #tpu.core_type<sc_vector_subcore>, window_params = [{transform_indices = #map}, {transform_indices = #map1}, {transform_indices = #map}]} {
    %mul3A = arith.constant 2 : i32
    %mul3A_0 = arith.muli %arg1, %mul3A : i32
    %add3A = arith.addi %mul3A_0, %arg0 : i32
    %mul3A_1 = arith.constant 1280 : i32
    %mul3A_2 = arith.muli %add3A, %mul3A_1 : i32
    %add3A_3 = arith.constant 122880 : i32
    %add3A_4 = arith.addi %add3A_3, %mul3A_2 : i32
    %sub3A = arith.constant 122880 : i32
    %sub3A_5 = arith.subi %add3A_4, %sub3A : i32
    %add3A_6 = arith.constant 0 : i32
    %add3A_7 = arith.addi %add3A_4, %add3A_6 : i32
    %run_scoped3A = arith.constant 0 : i32
    "tpu.region"() ({
      %run_scoped3A_24 = tpu.sem_alloc : memref<!tpu.dma_semaphore, #tpu.memory_space<semaphore_mem>>
      %dma_start3A_25 = arith.constant 0 : i32
      %dma_start3A_26 = tpu.memref_slice %arg5[%run_scoped3A, %dma_start3A_25] : memref<2x128xi32, #tpu.memory_space<vmem>> -> memref<1x128xi32, #tpu.memory_space<vmem>>
      %dma_start3A_27 = tpu.memref_squeeze %dma_start3A_26 : memref<1x128xi32, #tpu.memory_space<vmem>> -> memref<128xi32, #tpu.memory_space<vmem>>
      %dma_start3A_28 = tpu.memref_slice %arg3[%add3A_7] : memref<163840xi32, #tpu.memory_space<hbm>> -> memref<128xi32, #tpu.memory_space<hbm>>
      %dma_start3A_29 = arith.constant 0 : i32
      %dma_start3A_30 = tpu.memref_slice %arg5[%run_scoped3A, %dma_start3A_29] : memref<2x128xi32, #tpu.memory_space<vmem>> -> memref<1x128xi32, #tpu.memory_space<vmem>>
      %dma_start3A_31 = tpu.memref_squeeze %dma_start3A_30 : memref<1x128xi32, #tpu.memory_space<vmem>> -> memref<128xi32, #tpu.memory_space<vmem>>
      %dma_start3A_32 = tpu.memref_slice %arg3[%add3A_7] : memref<163840xi32, #tpu.memory_space<hbm>> -> memref<128xi32, #tpu.memory_space<hbm>>
      tpu.enqueue_dma source(%dma_start3A_32 : memref<128xi32, #tpu.memory_space<hbm>>) target(%dma_start3A_31 : memref<128xi32, #tpu.memory_space<vmem>>) target_semaphore(%run_scoped3A_24 : memref<!tpu.dma_semaphore, #tpu.memory_space<semaphore_mem>>)
      %dma_wait3A = arith.constant 0 : i32
      %dma_wait3A_33 = tpu.memref_slice %arg5[%run_scoped3A, %dma_wait3A] : memref<2x128xi32, #tpu.memory_space<vmem>> -> memref<1x128xi32, #tpu.memory_space<vmem>>
      %dma_wait3A_34 = tpu.memref_squeeze %dma_wait3A_33 : memref<1x128xi32, #tpu.memory_space<vmem>> -> memref<128xi32, #tpu.memory_space<vmem>>
      %dma_wait3A_35 = tpu.memref_slice %arg3[%add3A_7] : memref<163840xi32, #tpu.memory_space<hbm>> -> memref<128xi32, #tpu.memory_space<hbm>>
      %dma_wait3A_36 = arith.constant 0 : i32
      %dma_wait3A_37 = tpu.memref_slice %arg5[%run_scoped3A, %dma_wait3A_36] : memref<2x128xi32, #tpu.memory_space<vmem>> -> memref<1x128xi32, #tpu.memory_space<vmem>>
      %dma_wait3A_38 = tpu.memref_squeeze %dma_wait3A_37 : memref<1x128xi32, #tpu.memory_space<vmem>> -> memref<128xi32, #tpu.memory_space<vmem>>
      %dma_wait3A_39 = tpu.memref_slice %arg3[%add3A_7] : memref<163840xi32, #tpu.memory_space<hbm>> -> memref<128xi32, #tpu.memory_space<hbm>>
      tpu.wait_dma2 semaphore(%run_scoped3A_24 : memref<!tpu.dma_semaphore, #tpu.memory_space<semaphore_mem>>) src(%dma_wait3A_39 : memref<128xi32, #tpu.memory_space<hbm>>) dst(%dma_wait3A_38 : memref<128xi32, #tpu.memory_space<vmem>>)
      tpu.yield
    }) : () -> ()
    %dma_start3A = arith.constant 0 : i32
    %dma_start3A_8 = arith.constant 0 : i32
    %dma_start3A_9 = arith.constant 0 : i32
    %dma_start3A_10 = arith.constant 0 : i32
    %dma_start3A_11 = tpu.memref_slice %arg6[%dma_start3A_8, %dma_start3A_9, %dma_start3A_10] : memref<2x128x256xf32, #tpu.memory_space<vmem>> -> memref<1x128x256xf32, #tpu.memory_space<vmem>>
    %dma_start3A_12 = tpu.memref_squeeze %dma_start3A_11 : memref<1x128x256xf32, #tpu.memory_space<vmem>> -> memref<128x256xf32, #tpu.memory_space<vmem>>
    %dma_start3A_13 = arith.constant 0 : i32
    %dma_start3A_14 = tpu.memref_slice %arg5[%dma_start3A, %dma_start3A_13] : memref<2x128xi32, #tpu.memory_space<vmem>> -> memref<1x128xi32, #tpu.memory_space<vmem>>
    %dma_start3A_15 = tpu.memref_squeeze %dma_start3A_14 : memref<1x128xi32, #tpu.memory_space<vmem>> -> memref<128xi32, #tpu.memory_space<vmem>>
    %dma_start3A_16 = arith.constant 0 : i32
    %dma_start3A_17 = arith.constant 0 : i32
    %dma_start3A_18 = tpu.memref_slice %arg2[%dma_start3A_16, %dma_start3A_17] : memref<10000x256xf32, #tpu.memory_space<hbm>> -> memref<10000x256xf32, #tpu.memory_space<hbm>>
    tpu.enqueue_indirect_dma source(%dma_start3A_18 : memref<10000x256xf32, #tpu.memory_space<hbm>>) target(%dma_start3A_12 : memref<128x256xf32, #tpu.memory_space<vmem>>) offsets(%dma_start3A_15 : memref<128xi32, #tpu.memory_space<vmem>>) semaphore(%arg7 : memref<!tpu.dma_semaphore, #tpu.memory_space<semaphore_mem>>)
    %scan3A = arith.constant 0 : i32
    %scan3A_19 = arith.constant 0 : i32
    %scan3A_20 = arith.constant 5 : i32
    %scan3A_21 = arith.addi %scan3A_19, %scan3A_20 : i32
    %scan3A_22 = arith.constant 1 : i32
    scf.for %scan3A_24 = %scan3A_19 to %scan3A_21 step %scan3A_22  : i32 {
      %mul3A_25 = arith.constant 2 : i32
      %mul3A_26 = arith.muli %mul3A_25, %scan3A_24 : i32
      %add3A_27 = arith.constant 1 : i32
      %add3A_28 = arith.addi %mul3A_26, %add3A_27 : i32
      %mul3A_29 = arith.constant 128 : i32
      %mul3A_30 = arith.muli %add3A_28, %mul3A_29 : i32
      %add3A_31 = arith.addi %add3A_4, %mul3A_30 : i32
      %run_scoped3A_32 = arith.constant 1 : i32
      "tpu.region"() ({
        %run_scoped3A_82 = tpu.sem_alloc : memref<!tpu.dma_semaphore, #tpu.memory_space<semaphore_mem>>
        %dma_start3A_83 = arith.constant 0 : i32
        %dma_start3A_84 = tpu.memref_slice %arg5[%run_scoped3A_32, %dma_start3A_83] : memref<2x128xi32, #tpu.memory_space<vmem>> -> memref<1x128xi32, #tpu.memory_space<vmem>>
        %dma_start3A_85 = tpu.memref_squeeze %dma_start3A_84 : memref<1x128xi32, #tpu.memory_space<vmem>> -> memref<128xi32, #tpu.memory_space<vmem>>
        %dma_start3A_86 = tpu.memref_slice %arg3[%add3A_31] : memref<163840xi32, #tpu.memory_space<hbm>> -> memref<128xi32, #tpu.memory_space<hbm>>
        %dma_start3A_87 = arith.constant 0 : i32
        %dma_start3A_88 = tpu.memref_slice %arg5[%run_scoped3A_32, %dma_start3A_87] : memref<2x128xi32, #tpu.memory_space<vmem>> -> memref<1x128xi32, #tpu.memory_space<vmem>>
        %dma_start3A_89 = tpu.memref_squeeze %dma_start3A_88 : memref<1x128xi32, #tpu.memory_space<vmem>> -> memref<128xi32, #tpu.memory_space<vmem>>
        %dma_start3A_90 = tpu.memref_slice %arg3[%add3A_31] : memref<163840xi32, #tpu.memory_space<hbm>> -> memref<128xi32, #tpu.memory_space<hbm>>
        tpu.enqueue_dma source(%dma_start3A_90 : memref<128xi32, #tpu.memory_space<hbm>>) target(%dma_start3A_89 : memref<128xi32, #tpu.memory_space<vmem>>) target_semaphore(%run_scoped3A_82 : memref<!tpu.dma_semaphore, #tpu.memory_space<semaphore_mem>>)
        %dma_wait3A_91 = arith.constant 0 : i32
        %dma_wait3A_92 = tpu.memref_slice %arg5[%run_scoped3A_32, %dma_wait3A_91] : memref<2x128xi32, #tpu.memory_space<vmem>> -> memref<1x128xi32, #tpu.memory_space<vmem>>
        %dma_wait3A_93 = tpu.memref_squeeze %dma_wait3A_92 : memref<1x128xi32, #tpu.memory_space<vmem>> -> memref<128xi32, #tpu.memory_space<vmem>>
        %dma_wait3A_94 = tpu.memref_slice %arg3[%add3A_31] : memref<163840xi32, #tpu.memory_space<hbm>> -> memref<128xi32, #tpu.memory_space<hbm>>
        %dma_wait3A_95 = arith.constant 0 : i32
        %dma_wait3A_96 = tpu.memref_slice %arg5[%run_scoped3A_32, %dma_wait3A_95] : memref<2x128xi32, #tpu.memory_space<vmem>> -> memref<1x128xi32, #tpu.memory_space<vmem>>
        %dma_wait3A_97 = tpu.memref_squeeze %dma_wait3A_96 : memref<1x128xi32, #tpu.memory_space<vmem>> -> memref<128xi32, #tpu.memory_space<vmem>>
        %dma_wait3A_98 = tpu.memref_slice %arg3[%add3A_31] : memref<163840xi32, #tpu.memory_space<hbm>> -> memref<128xi32, #tpu.memory_space<hbm>>
        tpu.wait_dma2 semaphore(%run_scoped3A_82 : memref<!tpu.dma_semaphore, #tpu.memory_space<semaphore_mem>>) src(%dma_wait3A_98 : memref<128xi32, #tpu.memory_space<hbm>>) dst(%dma_wait3A_97 : memref<128xi32, #tpu.memory_space<vmem>>)
        tpu.yield
      }) : () -> ()
      %dma_start3A_33 = arith.constant 1 : i32
      %dma_start3A_34 = arith.constant 1 : i32
      %dma_start3A_35 = arith.constant 0 : i32
      %dma_start3A_36 = arith.constant 0 : i32
      %dma_start3A_37 = tpu.memref_slice %arg6[%dma_start3A_34, %dma_start3A_35, %dma_start3A_36] : memref<2x128x256xf32, #tpu.memory_space<vmem>> -> memref<1x128x256xf32, #tpu.memory_space<vmem>>
      %dma_start3A_38 = tpu.memref_squeeze %dma_start3A_37 : memref<1x128x256xf32, #tpu.memory_space<vmem>> -> memref<128x256xf32, #tpu.memory_space<vmem>>
      %dma_start3A_39 = arith.constant 0 : i32
      %dma_start3A_40 = tpu.memref_slice %arg5[%dma_start3A_33, %dma_start3A_39] : memref<2x128xi32, #tpu.memory_space<vmem>> -> memref<1x128xi32, #tpu.memory_space<vmem>>
      %dma_start3A_41 = tpu.memref_squeeze %dma_start3A_40 : memref<1x128xi32, #tpu.memory_space<vmem>> -> memref<128xi32, #tpu.memory_space<vmem>>
      %dma_start3A_42 = arith.constant 0 : i32
      %dma_start3A_43 = arith.constant 0 : i32
      %dma_start3A_44 = tpu.memref_slice %arg2[%dma_start3A_42, %dma_start3A_43] : memref<10000x256xf32, #tpu.memory_space<hbm>> -> memref<10000x256xf32, #tpu.memory_space<hbm>>
      tpu.enqueue_indirect_dma source(%dma_start3A_44 : memref<10000x256xf32, #tpu.memory_space<hbm>>) target(%dma_start3A_38 : memref<128x256xf32, #tpu.memory_space<vmem>>) offsets(%dma_start3A_41 : memref<128xi32, #tpu.memory_space<vmem>>) semaphore(%arg8 : memref<!tpu.dma_semaphore, #tpu.memory_space<semaphore_mem>>)
      %dma_wait3A = arith.constant 0 : i32
      %dma_wait3A_45 = arith.constant 0 : i32
      %dma_wait3A_46 = arith.constant 0 : i32
      %dma_wait3A_47 = arith.constant 0 : i32
      %dma_wait3A_48 = tpu.memref_slice %arg6[%dma_wait3A_45, %dma_wait3A_46, %dma_wait3A_47] : memref<2x128x256xf32, #tpu.memory_space<vmem>> -> memref<1x128x256xf32, #tpu.memory_space<vmem>>
      %dma_wait3A_49 = tpu.memref_squeeze %dma_wait3A_48 : memref<1x128x256xf32, #tpu.memory_space<vmem>> -> memref<128x256xf32, #tpu.memory_space<vmem>>
      %dma_wait3A_50 = arith.constant 0 : i32
      %dma_wait3A_51 = tpu.memref_slice %arg5[%dma_wait3A, %dma_wait3A_50] : memref<2x128xi32, #tpu.memory_space<vmem>> -> memref<1x128xi32, #tpu.memory_space<vmem>>
      %dma_wait3A_52 = tpu.memref_squeeze %dma_wait3A_51 : memref<1x128xi32, #tpu.memory_space<vmem>> -> memref<128xi32, #tpu.memory_space<vmem>>
      %dma_wait3A_53 = arith.constant 0 : i32
      %dma_wait3A_54 = arith.constant 0 : i32
      %dma_wait3A_55 = tpu.memref_slice %arg2[%dma_wait3A_53, %dma_wait3A_54] : memref<10000x256xf32, #tpu.memory_space<hbm>> -> memref<10000x256xf32, #tpu.memory_space<hbm>>
      tpu.wait_indirect_dma semaphore(%arg7 : memref<!tpu.dma_semaphore, #tpu.memory_space<semaphore_mem>>) src(%dma_wait3A_55 : memref<10000x256xf32, #tpu.memory_space<hbm>>) dst(%dma_wait3A_49 : memref<128x256xf32, #tpu.memory_space<vmem>>)
      %mul3A_56 = arith.constant 128 : i32
      %mul3A_57 = arith.muli %mul3A_26, %mul3A_56 : i32
      %add3A_58 = arith.addi %sub3A_5, %mul3A_57 : i32
      %run_scoped3A_59 = arith.constant 0 : i32
      "tpu.region"() ({
        %run_scoped3A_82 = tpu.sem_alloc : memref<!tpu.dma_semaphore, #tpu.memory_space<semaphore_mem>>
        %dma_start3A_83 = arith.constant 0 : i32
        %dma_start3A_84 = arith.constant 0 : i32
        %dma_start3A_85 = tpu.memref_slice %arg6[%run_scoped3A_59, %dma_start3A_83, %dma_start3A_84] : memref<2x128x256xf32, #tpu.memory_space<vmem>> -> memref<1x128x256xf32, #tpu.memory_space<vmem>>
        %dma_start3A_86 = tpu.memref_squeeze %dma_start3A_85 : memref<1x128x256xf32, #tpu.memory_space<vmem>> -> memref<128x256xf32, #tpu.memory_space<vmem>>
        %dma_start3A_87 = arith.constant 0 : i32
        %dma_start3A_88 = tpu.memref_slice %arg4[%add3A_58, %dma_start3A_87] : memref<40960x256xf32, #tpu.memory_space<hbm>> -> memref<128x256xf32, #tpu.memory_space<hbm>>
        %dma_start3A_89 = arith.constant 0 : i32
        %dma_start3A_90 = tpu.memref_slice %arg4[%add3A_58, %dma_start3A_89] : memref<40960x256xf32, #tpu.memory_space<hbm>> -> memref<128x256xf32, #tpu.memory_space<hbm>>
        %dma_start3A_91 = arith.constant 0 : i32
        %dma_start3A_92 = arith.constant 0 : i32
        %dma_start3A_93 = tpu.memref_slice %arg6[%run_scoped3A_59, %dma_start3A_91, %dma_start3A_92] : memref<2x128x256xf32, #tpu.memory_space<vmem>> -> memref<1x128x256xf32, #tpu.memory_space<vmem>>
        %dma_start3A_94 = tpu.memref_squeeze %dma_start3A_93 : memref<1x128x256xf32, #tpu.memory_space<vmem>> -> memref<128x256xf32, #tpu.memory_space<vmem>>
        tpu.enqueue_dma source(%dma_start3A_94 : memref<128x256xf32, #tpu.memory_space<vmem>>) target(%dma_start3A_90 : memref<128x256xf32, #tpu.memory_space<hbm>>) target_semaphore(%run_scoped3A_82 : memref<!tpu.dma_semaphore, #tpu.memory_space<semaphore_mem>>)
        %dma_wait3A_95 = arith.constant 0 : i32
        %dma_wait3A_96 = arith.constant 0 : i32
        %dma_wait3A_97 = tpu.memref_slice %arg6[%run_scoped3A_59, %dma_wait3A_95, %dma_wait3A_96] : memref<2x128x256xf32, #tpu.memory_space<vmem>> -> memref<1x128x256xf32, #tpu.memory_space<vmem>>
        %dma_wait3A_98 = tpu.memref_squeeze %dma_wait3A_97 : memref<1x128x256xf32, #tpu.memory_space<vmem>> -> memref<128x256xf32, #tpu.memory_space<vmem>>
        %dma_wait3A_99 = arith.constant 0 : i32
        %dma_wait3A_100 = tpu.memref_slice %arg4[%add3A_58, %dma_wait3A_99] : memref<40960x256xf32, #tpu.memory_space<hbm>> -> memref<128x256xf32, #tpu.memory_space<hbm>>
        %dma_wait3A_101 = arith.constant 0 : i32
        %dma_wait3A_102 = tpu.memref_slice %arg4[%add3A_58, %dma_wait3A_101] : memref<40960x256xf32, #tpu.memory_space<hbm>> -> memref<128x256xf32, #tpu.memory_space<hbm>>
        %dma_wait3A_103 = arith.constant 0 : i32
        %dma_wait3A_104 = arith.constant 0 : i32
        %dma_wait3A_105 = tpu.memref_slice %arg6[%run_scoped3A_59, %dma_wait3A_103, %dma_wait3A_104] : memref<2x128x256xf32, #tpu.memory_space<vmem>> -> memref<1x128x256xf32, #tpu.memory_space<vmem>>
        %dma_wait3A_106 = tpu.memref_squeeze %dma_wait3A_105 : memref<1x128x256xf32, #tpu.memory_space<vmem>> -> memref<128x256xf32, #tpu.memory_space<vmem>>
        tpu.wait_dma2 semaphore(%run_scoped3A_82 : memref<!tpu.dma_semaphore, #tpu.memory_space<semaphore_mem>>) src(%dma_wait3A_106 : memref<128x256xf32, #tpu.memory_space<vmem>>) dst(%dma_wait3A_102 : memref<128x256xf32, #tpu.memory_space<hbm>>)
        tpu.yield
      }) : () -> ()
      %add3A_60 = arith.constant 2 : i32
      %add3A_61 = arith.addi %mul3A_26, %add3A_60 : i32
      %lt3A = arith.constant 10 : i32
      %lt3A_62 = arith.cmpi slt, %add3A_61, %lt3A : i32
      %convert_element_type3A = arith.extui %lt3A_62 : i1 to i32
      %cond3A = arith.constant 0 : i32
      %cond3A_63 = arith.cmpi ne, %convert_element_type3A, %cond3A : i32
      scf.if %cond3A_63 {
        %add3A_82 = arith.constant 2 : i32
        %add3A_83 = arith.addi %mul3A_26, %add3A_82 : i32
        %mul3A_84 = arith.constant 128 : i32
        %mul3A_85 = arith.muli %add3A_83, %mul3A_84 : i32
        %add3A_86 = arith.addi %add3A_4, %mul3A_85 : i32
        %run_scoped3A_87 = arith.constant 0 : i32
        "tpu.region"() ({
          %run_scoped3A_100 = tpu.sem_alloc : memref<!tpu.dma_semaphore, #tpu.memory_space<semaphore_mem>>
          %dma_start3A_101 = arith.constant 0 : i32
          %dma_start3A_102 = tpu.memref_slice %arg5[%run_scoped3A_87, %dma_start3A_101] : memref<2x128xi32, #tpu.memory_space<vmem>> -> memref<1x128xi32, #tpu.memory_space<vmem>>
          %dma_start3A_103 = tpu.memref_squeeze %dma_start3A_102 : memref<1x128xi32, #tpu.memory_space<vmem>> -> memref<128xi32, #tpu.memory_space<vmem>>
          %dma_start3A_104 = tpu.memref_slice %arg3[%add3A_86] : memref<163840xi32, #tpu.memory_space<hbm>> -> memref<128xi32, #tpu.memory_space<hbm>>
          %dma_start3A_105 = arith.constant 0 : i32
          %dma_start3A_106 = tpu.memref_slice %arg5[%run_scoped3A_87, %dma_start3A_105] : memref<2x128xi32, #tpu.memory_space<vmem>> -> memref<1x128xi32, #tpu.memory_space<vmem>>
          %dma_start3A_107 = tpu.memref_squeeze %dma_start3A_106 : memref<1x128xi32, #tpu.memory_space<vmem>> -> memref<128xi32, #tpu.memory_space<vmem>>
          %dma_start3A_108 = tpu.memref_slice %arg3[%add3A_86] : memref<163840xi32, #tpu.memory_space<hbm>> -> memref<128xi32, #tpu.memory_space<hbm>>
          tpu.enqueue_dma source(%dma_start3A_108 : memref<128xi32, #tpu.memory_space<hbm>>) target(%dma_start3A_107 : memref<128xi32, #tpu.memory_space<vmem>>) target_semaphore(%run_scoped3A_100 : memref<!tpu.dma_semaphore, #tpu.memory_space<semaphore_mem>>)
          %dma_wait3A_109 = arith.constant 0 : i32
          %dma_wait3A_110 = tpu.memref_slice %arg5[%run_scoped3A_87, %dma_wait3A_109] : memref<2x128xi32, #tpu.memory_space<vmem>> -> memref<1x128xi32, #tpu.memory_space<vmem>>
          %dma_wait3A_111 = tpu.memref_squeeze %dma_wait3A_110 : memref<1x128xi32, #tpu.memory_space<vmem>> -> memref<128xi32, #tpu.memory_space<vmem>>
          %dma_wait3A_112 = tpu.memref_slice %arg3[%add3A_86] : memref<163840xi32, #tpu.memory_space<hbm>> -> memref<128xi32, #tpu.memory_space<hbm>>
          %dma_wait3A_113 = arith.constant 0 : i32
          %dma_wait3A_114 = tpu.memref_slice %arg5[%run_scoped3A_87, %dma_wait3A_113] : memref<2x128xi32, #tpu.memory_space<vmem>> -> memref<1x128xi32, #tpu.memory_space<vmem>>
          %dma_wait3A_115 = tpu.memref_squeeze %dma_wait3A_114 : memref<1x128xi32, #tpu.memory_space<vmem>> -> memref<128xi32, #tpu.memory_space<vmem>>
          %dma_wait3A_116 = tpu.memref_slice %arg3[%add3A_86] : memref<163840xi32, #tpu.memory_space<hbm>> -> memref<128xi32, #tpu.memory_space<hbm>>
          tpu.wait_dma2 semaphore(%run_scoped3A_100 : memref<!tpu.dma_semaphore, #tpu.memory_space<semaphore_mem>>) src(%dma_wait3A_116 : memref<128xi32, #tpu.memory_space<hbm>>) dst(%dma_wait3A_115 : memref<128xi32, #tpu.memory_space<vmem>>)
          tpu.yield
        }) : () -> ()
        %dma_start3A_88 = arith.constant 0 : i32
        %dma_start3A_89 = arith.constant 0 : i32
        %dma_start3A_90 = arith.constant 0 : i32
        %dma_start3A_91 = arith.constant 0 : i32
        %dma_start3A_92 = tpu.memref_slice %arg6[%dma_start3A_89, %dma_start3A_90, %dma_start3A_91] : memref<2x128x256xf32, #tpu.memory_space<vmem>> -> memref<1x128x256xf32, #tpu.memory_space<vmem>>
        %dma_start3A_93 = tpu.memref_squeeze %dma_start3A_92 : memref<1x128x256xf32, #tpu.memory_space<vmem>> -> memref<128x256xf32, #tpu.memory_space<vmem>>
        %dma_start3A_94 = arith.constant 0 : i32
        %dma_start3A_95 = tpu.memref_slice %arg5[%dma_start3A_88, %dma_start3A_94] : memref<2x128xi32, #tpu.memory_space<vmem>> -> memref<1x128xi32, #tpu.memory_space<vmem>>
        %dma_start3A_96 = tpu.memref_squeeze %dma_start3A_95 : memref<1x128xi32, #tpu.memory_space<vmem>> -> memref<128xi32, #tpu.memory_space<vmem>>
        %dma_start3A_97 = arith.constant 0 : i32
        %dma_start3A_98 = arith.constant 0 : i32
        %dma_start3A_99 = tpu.memref_slice %arg2[%dma_start3A_97, %dma_start3A_98] : memref<10000x256xf32, #tpu.memory_space<hbm>> -> memref<10000x256xf32, #tpu.memory_space<hbm>>
        tpu.enqueue_indirect_dma source(%dma_start3A_99 : memref<10000x256xf32, #tpu.memory_space<hbm>>) target(%dma_start3A_93 : memref<128x256xf32, #tpu.memory_space<vmem>>) offsets(%dma_start3A_96 : memref<128xi32, #tpu.memory_space<vmem>>) semaphore(%arg7 : memref<!tpu.dma_semaphore, #tpu.memory_space<semaphore_mem>>)
      } else {
      }
      %add3A_64 = arith.constant 1 : i32
      %add3A_65 = arith.addi %mul3A_26, %add3A_64 : i32
      %dma_wait3A_66 = arith.constant 1 : i32
      %dma_wait3A_67 = arith.constant 1 : i32
      %dma_wait3A_68 = arith.constant 0 : i32
      %dma_wait3A_69 = arith.constant 0 : i32
      %dma_wait3A_70 = tpu.memref_slice %arg6[%dma_wait3A_67, %dma_wait3A_68, %dma_wait3A_69] : memref<2x128x256xf32, #tpu.memory_space<vmem>> -> memref<1x128x256xf32, #tpu.memory_space<vmem>>
      %dma_wait3A_71 = tpu.memref_squeeze %dma_wait3A_70 : memref<1x128x256xf32, #tpu.memory_space<vmem>> -> memref<128x256xf32, #tpu.memory_space<vmem>>
      %dma_wait3A_72 = arith.constant 0 : i32
      %dma_wait3A_73 = tpu.memref_slice %arg5[%dma_wait3A_66, %dma_wait3A_72] : memref<2x128xi32, #tpu.memory_space<vmem>> -> memref<1x128xi32, #tpu.memory_space<vmem>>
      %dma_wait3A_74 = tpu.memref_squeeze %dma_wait3A_73 : memref<1x128xi32, #tpu.memory_space<vmem>> -> memref<128xi32, #tpu.memory_space<vmem>>
      %dma_wait3A_75 = arith.constant 0 : i32
      %dma_wait3A_76 = arith.constant 0 : i32
      %dma_wait3A_77 = tpu.memref_slice %arg2[%dma_wait3A_75, %dma_wait3A_76] : memref<10000x256xf32, #tpu.memory_space<hbm>> -> memref<10000x256xf32, #tpu.memory_space<hbm>>
      tpu.wait_indirect_dma semaphore(%arg8 : memref<!tpu.dma_semaphore, #tpu.memory_space<semaphore_mem>>) src(%dma_wait3A_77 : memref<10000x256xf32, #tpu.memory_space<hbm>>) dst(%dma_wait3A_71 : memref<128x256xf32, #tpu.memory_space<vmem>>)
      %mul3A_78 = arith.constant 128 : i32
      %mul3A_79 = arith.muli %add3A_65, %mul3A_78 : i32
      %add3A_80 = arith.addi %sub3A_5, %mul3A_79 : i32
      %run_scoped3A_81 = arith.constant 1 : i32
      "tpu.region"() ({
        %run_scoped3A_82 = tpu.sem_alloc : memref<!tpu.dma_semaphore, #tpu.memory_space<semaphore_mem>>
        %dma_start3A_83 = arith.constant 0 : i32
        %dma_start3A_84 = arith.constant 0 : i32
        %dma_start3A_85 = tpu.memref_slice %arg6[%run_scoped3A_81, %dma_start3A_83, %dma_start3A_84] : memref<2x128x256xf32, #tpu.memory_space<vmem>> -> memref<1x128x256xf32, #tpu.memory_space<vmem>>
        %dma_start3A_86 = tpu.memref_squeeze %dma_start3A_85 : memref<1x128x256xf32, #tpu.memory_space<vmem>> -> memref<128x256xf32, #tpu.memory_space<vmem>>
        %dma_start3A_87 = arith.constant 0 : i32
        %dma_start3A_88 = tpu.memref_slice %arg4[%add3A_80, %dma_start3A_87] : memref<40960x256xf32, #tpu.memory_space<hbm>> -> memref<128x256xf32, #tpu.memory_space<hbm>>
        %dma_start3A_89 = arith.constant 0 : i32
        %dma_start3A_90 = tpu.memref_slice %arg4[%add3A_80, %dma_start3A_89] : memref<40960x256xf32, #tpu.memory_space<hbm>> -> memref<128x256xf32, #tpu.memory_space<hbm>>
        %dma_start3A_91 = arith.constant 0 : i32
        %dma_start3A_92 = arith.constant 0 : i32
        %dma_start3A_93 = tpu.memref_slice %arg6[%run_scoped3A_81, %dma_start3A_91, %dma_start3A_92] : memref<2x128x256xf32, #tpu.memory_space<vmem>> -> memref<1x128x256xf32, #tpu.memory_space<vmem>>
        %dma_start3A_94 = tpu.memref_squeeze %dma_start3A_93 : memref<1x128x256xf32, #tpu.memory_space<vmem>> -> memref<128x256xf32, #tpu.memory_space<vmem>>
        tpu.enqueue_dma source(%dma_start3A_94 : memref<128x256xf32, #tpu.memory_space<vmem>>) target(%dma_start3A_90 : memref<128x256xf32, #tpu.memory_space<hbm>>) target_semaphore(%run_scoped3A_82 : memref<!tpu.dma_semaphore, #tpu.memory_space<semaphore_mem>>)
        %dma_wait3A_95 = arith.constant 0 : i32
        %dma_wait3A_96 = arith.constant 0 : i32
        %dma_wait3A_97 = tpu.memref_slice %arg6[%run_scoped3A_81, %dma_wait3A_95, %dma_wait3A_96] : memref<2x128x256xf32, #tpu.memory_space<vmem>> -> memref<1x128x256xf32, #tpu.memory_space<vmem>>
        %dma_wait3A_98 = tpu.memref_squeeze %dma_wait3A_97 : memref<1x128x256xf32, #tpu.memory_space<vmem>> -> memref<128x256xf32, #tpu.memory_space<vmem>>
        %dma_wait3A_99 = arith.constant 0 : i32
        %dma_wait3A_100 = tpu.memref_slice %arg4[%add3A_80, %dma_wait3A_99] : memref<40960x256xf32, #tpu.memory_space<hbm>> -> memref<128x256xf32, #tpu.memory_space<hbm>>
        %dma_wait3A_101 = arith.constant 0 : i32
        %dma_wait3A_102 = tpu.memref_slice %arg4[%add3A_80, %dma_wait3A_101] : memref<40960x256xf32, #tpu.memory_space<hbm>> -> memref<128x256xf32, #tpu.memory_space<hbm>>
        %dma_wait3A_103 = arith.constant 0 : i32
        %dma_wait3A_104 = arith.constant 0 : i32
        %dma_wait3A_105 = tpu.memref_slice %arg6[%run_scoped3A_81, %dma_wait3A_103, %dma_wait3A_104] : memref<2x128x256xf32, #tpu.memory_space<vmem>> -> memref<1x128x256xf32, #tpu.memory_space<vmem>>
        %dma_wait3A_106 = tpu.memref_squeeze %dma_wait3A_105 : memref<1x128x256xf32, #tpu.memory_space<vmem>> -> memref<128x256xf32, #tpu.memory_space<vmem>>
        tpu.wait_dma2 semaphore(%run_scoped3A_82 : memref<!tpu.dma_semaphore, #tpu.memory_space<semaphore_mem>>) src(%dma_wait3A_106 : memref<128x256xf32, #tpu.memory_space<vmem>>) dst(%dma_wait3A_102 : memref<128x256xf32, #tpu.memory_space<hbm>>)
        tpu.yield
      }) : () -> ()
    }
    %scan3A_23 = arith.constant 5 : i32
    return
  }
}

#map = affine_map<(d0, d1) -> (0, 0)>
#map1 = affine_map<(d0, d1) -> (0)>
#map2 = affine_map<(d0, d1) -> (0, 0, 0)>
module attributes {stable_mosaic.version = 14 : i64} {
  func.func @_sc_scatter_body(%arg0: i32, %arg1: i32, %arg2: memref<163840x128xf32, #tpu.memory_space<hbm>>, %arg3: memref<163840xi32, #tpu.memory_space<hbm>>, %arg4: memref<2x10240x128xf32, #tpu.memory_space<hbm>>, %arg5: memref<128xi32, #tpu.memory_space<vmem>>, %arg6: memref<128x128xf32, #tpu.memory_space<vmem>>, %arg7: memref<10240x128xf32, #tpu.memory_space<vmem_shared>>, %arg8: memref<!tpu.dma_semaphore, #tpu.memory_space<semaphore_mem>>) attributes {dimension_semantics = [#tpu.dimension_semantics<core_parallel>, #tpu.dimension_semantics<subcore_parallel>], iteration_bounds = array<i64: 2, 16>, scalar_prefetch = 0 : i64, scratch_operands = 4 : i64, tpu.core_type = #tpu.core_type<sc_vector_subcore>, window_params = [{transform_indices = #map}, {transform_indices = #map1}, {transform_indices = #map2}]} {
    %scan3A = arith.constant 0 : i32
    %scan3A_0 = arith.constant 0 : i32
    %scan3A_1 = arith.constant 128 : i32
    %scan3A_2 = arith.addi %scan3A_0, %scan3A_1 : i32
    %scan3A_3 = arith.constant 1 : i32
    scf.for %scan3A_22 = %scan3A_0 to %scan3A_2 step %scan3A_3  : i32 {
      %broadcast_in_dim3A = arith.constant 0.000000e+00 : f32
      %broadcast_in_dim3A_23 = vector.broadcast %broadcast_in_dim3A : f32 to vector<16xf32>
      %swap3A = arith.index_cast %scan3A_22 : i32 to index
      %swap3A_24 = arith.constant 0 : index
      %swap3A_25 = tpu.vector_load %arg6[%swap3A, %swap3A_24] {strides = array<i32>} : memref<128x128xf32, #tpu.memory_space<vmem>>, vector<1x16xf32>,
      %swap3A_26 = vector.shape_cast %swap3A_25 : vector<1x16xf32> to vector<16xf32>
      %swap3A_27 = vector.shape_cast %broadcast_in_dim3A_23 : vector<16xf32> to vector<1x16xf32>
      tpu.vector_store %arg6[%swap3A, %swap3A_24], %swap3A_27 {strides = array<i32>} : memref<128x128xf32, #tpu.memory_space<vmem>>, vector<1x16xf32>,
      %broadcast_in_dim3A_28 = arith.constant 0.000000e+00 : f32
      %broadcast_in_dim3A_29 = vector.broadcast %broadcast_in_dim3A_28 : f32 to vector<16xf32>
      %swap3A_30 = arith.index_cast %scan3A_22 : i32 to index
      %swap3A_31 = arith.constant 16 : index
      %swap3A_32 = tpu.vector_load %arg6[%swap3A_30, %swap3A_31] {strides = array<i32>} : memref<128x128xf32, #tpu.memory_space<vmem>>, vector<1x16xf32>,
      %swap3A_33 = vector.shape_cast %swap3A_32 : vector<1x16xf32> to vector<16xf32>
      %swap3A_34 = vector.shape_cast %broadcast_in_dim3A_29 : vector<16xf32> to vector<1x16xf32>
      tpu.vector_store %arg6[%swap3A_30, %swap3A_31], %swap3A_34 {strides = array<i32>} : memref<128x128xf32, #tpu.memory_space<vmem>>, vector<1x16xf32>,
      %broadcast_in_dim3A_35 = arith.constant 0.000000e+00 : f32
      %broadcast_in_dim3A_36 = vector.broadcast %broadcast_in_dim3A_35 : f32 to vector<16xf32>
      %swap3A_37 = arith.index_cast %scan3A_22 : i32 to index
      %swap3A_38 = arith.constant 32 : index
      %swap3A_39 = tpu.vector_load %arg6[%swap3A_37, %swap3A_38] {strides = array<i32>} : memref<128x128xf32, #tpu.memory_space<vmem>>, vector<1x16xf32>,
      %swap3A_40 = vector.shape_cast %swap3A_39 : vector<1x16xf32> to vector<16xf32>
      %swap3A_41 = vector.shape_cast %broadcast_in_dim3A_36 : vector<16xf32> to vector<1x16xf32>
      tpu.vector_store %arg6[%swap3A_37, %swap3A_38], %swap3A_41 {strides = array<i32>} : memref<128x128xf32, #tpu.memory_space<vmem>>, vector<1x16xf32>,
      %broadcast_in_dim3A_42 = arith.constant 0.000000e+00 : f32
      %broadcast_in_dim3A_43 = vector.broadcast %broadcast_in_dim3A_42 : f32 to vector<16xf32>
      %swap3A_44 = arith.index_cast %scan3A_22 : i32 to index
      %swap3A_45 = arith.constant 48 : index
      %swap3A_46 = tpu.vector_load %arg6[%swap3A_44, %swap3A_45] {strides = array<i32>} : memref<128x128xf32, #tpu.memory_space<vmem>>, vector<1x16xf32>,
      %swap3A_47 = vector.shape_cast %swap3A_46 : vector<1x16xf32> to vector<16xf32>
      %swap3A_48 = vector.shape_cast %broadcast_in_dim3A_43 : vector<16xf32> to vector<1x16xf32>
      tpu.vector_store %arg6[%swap3A_44, %swap3A_45], %swap3A_48 {strides = array<i32>} : memref<128x128xf32, #tpu.memory_space<vmem>>, vector<1x16xf32>,
      %broadcast_in_dim3A_49 = arith.constant 0.000000e+00 : f32
      %broadcast_in_dim3A_50 = vector.broadcast %broadcast_in_dim3A_49 : f32 to vector<16xf32>
      %swap3A_51 = arith.index_cast %scan3A_22 : i32 to index
      %swap3A_52 = arith.constant 64 : index
      %swap3A_53 = tpu.vector_load %arg6[%swap3A_51, %swap3A_52] {strides = array<i32>} : memref<128x128xf32, #tpu.memory_space<vmem>>, vector<1x16xf32>,
      %swap3A_54 = vector.shape_cast %swap3A_53 : vector<1x16xf32> to vector<16xf32>
      %swap3A_55 = vector.shape_cast %broadcast_in_dim3A_50 : vector<16xf32> to vector<1x16xf32>
      tpu.vector_store %arg6[%swap3A_51, %swap3A_52], %swap3A_55 {strides = array<i32>} : memref<128x128xf32, #tpu.memory_space<vmem>>, vector<1x16xf32>,
      %broadcast_in_dim3A_56 = arith.constant 0.000000e+00 : f32
      %broadcast_in_dim3A_57 = vector.broadcast %broadcast_in_dim3A_56 : f32 to vector<16xf32>
      %swap3A_58 = arith.index_cast %scan3A_22 : i32 to index
      %swap3A_59 = arith.constant 80 : index
      %swap3A_60 = tpu.vector_load %arg6[%swap3A_58, %swap3A_59] {strides = array<i32>} : memref<128x128xf32, #tpu.memory_space<vmem>>, vector<1x16xf32>,
      %swap3A_61 = vector.shape_cast %swap3A_60 : vector<1x16xf32> to vector<16xf32>
      %swap3A_62 = vector.shape_cast %broadcast_in_dim3A_57 : vector<16xf32> to vector<1x16xf32>
      tpu.vector_store %arg6[%swap3A_58, %swap3A_59], %swap3A_62 {strides = array<i32>} : memref<128x128xf32, #tpu.memory_space<vmem>>, vector<1x16xf32>,
      %broadcast_in_dim3A_63 = arith.constant 0.000000e+00 : f32
      %broadcast_in_dim3A_64 = vector.broadcast %broadcast_in_dim3A_63 : f32 to vector<16xf32>
      %swap3A_65 = arith.index_cast %scan3A_22 : i32 to index
      %swap3A_66 = arith.constant 96 : index
      %swap3A_67 = tpu.vector_load %arg6[%swap3A_65, %swap3A_66] {strides = array<i32>} : memref<128x128xf32, #tpu.memory_space<vmem>>, vector<1x16xf32>,
      %swap3A_68 = vector.shape_cast %swap3A_67 : vector<1x16xf32> to vector<16xf32>
      %swap3A_69 = vector.shape_cast %broadcast_in_dim3A_64 : vector<16xf32> to vector<1x16xf32>
      tpu.vector_store %arg6[%swap3A_65, %swap3A_66], %swap3A_69 {strides = array<i32>} : memref<128x128xf32, #tpu.memory_space<vmem>>, vector<1x16xf32>,
      %broadcast_in_dim3A_70 = arith.constant 0.000000e+00 : f32
      %broadcast_in_dim3A_71 = vector.broadcast %broadcast_in_dim3A_70 : f32 to vector<16xf32>
      %swap3A_72 = arith.index_cast %scan3A_22 : i32 to index
      %swap3A_73 = arith.constant 112 : index
      %swap3A_74 = tpu.vector_load %arg6[%swap3A_72, %swap3A_73] {strides = array<i32>} : memref<128x128xf32, #tpu.memory_space<vmem>>, vector<1x16xf32>,
      %swap3A_75 = vector.shape_cast %swap3A_74 : vector<1x16xf32> to vector<16xf32>
      %swap3A_76 = vector.shape_cast %broadcast_in_dim3A_71 : vector<16xf32> to vector<1x16xf32>
      tpu.vector_store %arg6[%swap3A_72, %swap3A_73], %swap3A_76 {strides = array<i32>} : memref<128x128xf32, #tpu.memory_space<vmem>>, vector<1x16xf32>,
    }
    %scan3A_4 = arith.constant 128 : i32
    %mul3A = arith.constant 640 : i32
    %mul3A_5 = arith.muli %arg1, %mul3A : i32
    %add3A = arith.constant 0 : i32
    %add3A_6 = arith.addi %mul3A_5, %add3A : i32
    "tpu.region"() ({
      %run_scoped3A = tpu.sem_alloc : memref<!tpu.dma_semaphore, #tpu.memory_space<semaphore_mem>>
      %dma_start3A = arith.constant 0 : i32
      %dma_start3A_22 = tpu.memref_slice %arg7[%add3A_6, %dma_start3A] : memref<10240x128xf32, #tpu.memory_space<vmem_shared>> -> memref<128x128xf32, #tpu.memory_space<vmem_shared>>
      %dma_start3A_23 = arith.constant 0 : i32
      %dma_start3A_24 = tpu.memref_slice %arg7[%add3A_6, %dma_start3A_23] : memref<10240x128xf32, #tpu.memory_space<vmem_shared>> -> memref<128x128xf32, #tpu.memory_space<vmem_shared>>
      tpu.enqueue_dma source(%arg6 : memref<128x128xf32, #tpu.memory_space<vmem>>) target(%dma_start3A_24 : memref<128x128xf32, #tpu.memory_space<vmem_shared>>) target_semaphore(%run_scoped3A : memref<!tpu.dma_semaphore, #tpu.memory_space<semaphore_mem>>)
      %dma_wait3A = arith.constant 0 : i32
      %dma_wait3A_25 = tpu.memref_slice %arg7[%add3A_6, %dma_wait3A] : memref<10240x128xf32, #tpu.memory_space<vmem_shared>> -> memref<128x128xf32, #tpu.memory_space<vmem_shared>>
      %dma_wait3A_26 = arith.constant 0 : i32
      %dma_wait3A_27 = tpu.memref_slice %arg7[%add3A_6, %dma_wait3A_26] : memref<10240x128xf32, #tpu.memory_space<vmem_shared>> -> memref<128x128xf32, #tpu.memory_space<vmem_shared>>
      tpu.wait_dma2 semaphore(%run_scoped3A : memref<!tpu.dma_semaphore, #tpu.memory_space<semaphore_mem>>) src(%arg6 : memref<128x128xf32, #tpu.memory_space<vmem>>) dst(%dma_wait3A_27 : memref<128x128xf32, #tpu.memory_space<vmem_shared>>)
      tpu.yield
    }) : () -> ()
    %add3A_7 = arith.constant 128 : i32
    %add3A_8 = arith.addi %mul3A_5, %add3A_7 : i32
    "tpu.region"() ({
      %run_scoped3A = tpu.sem_alloc : memref<!tpu.dma_semaphore, #tpu.memory_space<semaphore_mem>>
      %dma_start3A = arith.constant 0 : i32
      %dma_start3A_22 = tpu.memref_slice %arg7[%add3A_8, %dma_start3A] : memref<10240x128xf32, #tpu.memory_space<vmem_shared>> -> memref<128x128xf32, #tpu.memory_space<vmem_shared>>
      %dma_start3A_23 = arith.constant 0 : i32
      %dma_start3A_24 = tpu.memref_slice %arg7[%add3A_8, %dma_start3A_23] : memref<10240x128xf32, #tpu.memory_space<vmem_shared>> -> memref<128x128xf32, #tpu.memory_space<vmem_shared>>
      tpu.enqueue_dma source(%arg6 : memref<128x128xf32, #tpu.memory_space<vmem>>) target(%dma_start3A_24 : memref<128x128xf32, #tpu.memory_space<vmem_shared>>) target_semaphore(%run_scoped3A : memref<!tpu.dma_semaphore, #tpu.memory_space<semaphore_mem>>)
      %dma_wait3A = arith.constant 0 : i32
      %dma_wait3A_25 = tpu.memref_slice %arg7[%add3A_8, %dma_wait3A] : memref<10240x128xf32, #tpu.memory_space<vmem_shared>> -> memref<128x128xf32, #tpu.memory_space<vmem_shared>>
      %dma_wait3A_26 = arith.constant 0 : i32
      %dma_wait3A_27 = tpu.memref_slice %arg7[%add3A_8, %dma_wait3A_26] : memref<10240x128xf32, #tpu.memory_space<vmem_shared>> -> memref<128x128xf32, #tpu.memory_space<vmem_shared>>
      tpu.wait_dma2 semaphore(%run_scoped3A : memref<!tpu.dma_semaphore, #tpu.memory_space<semaphore_mem>>) src(%arg6 : memref<128x128xf32, #tpu.memory_space<vmem>>) dst(%dma_wait3A_27 : memref<128x128xf32, #tpu.memory_space<vmem_shared>>)
      tpu.yield
    }) : () -> ()
    %add3A_9 = arith.constant 256 : i32
    %add3A_10 = arith.addi %mul3A_5, %add3A_9 : i32
    "tpu.region"() ({
      %run_scoped3A = tpu.sem_alloc : memref<!tpu.dma_semaphore, #tpu.memory_space<semaphore_mem>>
      %dma_start3A = arith.constant 0 : i32
      %dma_start3A_22 = tpu.memref_slice %arg7[%add3A_10, %dma_start3A] : memref<10240x128xf32, #tpu.memory_space<vmem_shared>> -> memref<128x128xf32, #tpu.memory_space<vmem_shared>>
      %dma_start3A_23 = arith.constant 0 : i32
      %dma_start3A_24 = tpu.memref_slice %arg7[%add3A_10, %dma_start3A_23] : memref<10240x128xf32, #tpu.memory_space<vmem_shared>> -> memref<128x128xf32, #tpu.memory_space<vmem_shared>>
      tpu.enqueue_dma source(%arg6 : memref<128x128xf32, #tpu.memory_space<vmem>>) target(%dma_start3A_24 : memref<128x128xf32, #tpu.memory_space<vmem_shared>>) target_semaphore(%run_scoped3A : memref<!tpu.dma_semaphore, #tpu.memory_space<semaphore_mem>>)
      %dma_wait3A = arith.constant 0 : i32
      %dma_wait3A_25 = tpu.memref_slice %arg7[%add3A_10, %dma_wait3A] : memref<10240x128xf32, #tpu.memory_space<vmem_shared>> -> memref<128x128xf32, #tpu.memory_space<vmem_shared>>
      %dma_wait3A_26 = arith.constant 0 : i32
      %dma_wait3A_27 = tpu.memref_slice %arg7[%add3A_10, %dma_wait3A_26] : memref<10240x128xf32, #tpu.memory_space<vmem_shared>> -> memref<128x128xf32, #tpu.memory_space<vmem_shared>>
      tpu.wait_dma2 semaphore(%run_scoped3A : memref<!tpu.dma_semaphore, #tpu.memory_space<semaphore_mem>>) src(%arg6 : memref<128x128xf32, #tpu.memory_space<vmem>>) dst(%dma_wait3A_27 : memref<128x128xf32, #tpu.memory_space<vmem_shared>>)
      tpu.yield
    }) : () -> ()
    %add3A_11 = arith.constant 384 : i32
    %add3A_12 = arith.addi %mul3A_5, %add3A_11 : i32
    "tpu.region"() ({
      %run_scoped3A = tpu.sem_alloc : memref<!tpu.dma_semaphore, #tpu.memory_space<semaphore_mem>>
      %dma_start3A = arith.constant 0 : i32
      %dma_start3A_22 = tpu.memref_slice %arg7[%add3A_12, %dma_start3A] : memref<10240x128xf32, #tpu.memory_space<vmem_shared>> -> memref<128x128xf32, #tpu.memory_space<vmem_shared>>
      %dma_start3A_23 = arith.constant 0 : i32
      %dma_start3A_24 = tpu.memref_slice %arg7[%add3A_12, %dma_start3A_23] : memref<10240x128xf32, #tpu.memory_space<vmem_shared>> -> memref<128x128xf32, #tpu.memory_space<vmem_shared>>
      tpu.enqueue_dma source(%arg6 : memref<128x128xf32, #tpu.memory_space<vmem>>) target(%dma_start3A_24 : memref<128x128xf32, #tpu.memory_space<vmem_shared>>) target_semaphore(%run_scoped3A : memref<!tpu.dma_semaphore, #tpu.memory_space<semaphore_mem>>)
      %dma_wait3A = arith.constant 0 : i32
      %dma_wait3A_25 = tpu.memref_slice %arg7[%add3A_12, %dma_wait3A] : memref<10240x128xf32, #tpu.memory_space<vmem_shared>> -> memref<128x128xf32, #tpu.memory_space<vmem_shared>>
      %dma_wait3A_26 = arith.constant 0 : i32
      %dma_wait3A_27 = tpu.memref_slice %arg7[%add3A_12, %dma_wait3A_26] : memref<10240x128xf32, #tpu.memory_space<vmem_shared>> -> memref<128x128xf32, #tpu.memory_space<vmem_shared>>
      tpu.wait_dma2 semaphore(%run_scoped3A : memref<!tpu.dma_semaphore, #tpu.memory_space<semaphore_mem>>) src(%arg6 : memref<128x128xf32, #tpu.memory_space<vmem>>) dst(%dma_wait3A_27 : memref<128x128xf32, #tpu.memory_space<vmem_shared>>)
      tpu.yield
    }) : () -> ()
    %add3A_13 = arith.constant 512 : i32
    %add3A_14 = arith.addi %mul3A_5, %add3A_13 : i32
    "tpu.region"() ({
      %run_scoped3A = tpu.sem_alloc : memref<!tpu.dma_semaphore, #tpu.memory_space<semaphore_mem>>
      %dma_start3A = arith.constant 0 : i32
      %dma_start3A_22 = tpu.memref_slice %arg7[%add3A_14, %dma_start3A] : memref<10240x128xf32, #tpu.memory_space<vmem_shared>> -> memref<128x128xf32, #tpu.memory_space<vmem_shared>>
      %dma_start3A_23 = arith.constant 0 : i32
      %dma_start3A_24 = tpu.memref_slice %arg7[%add3A_14, %dma_start3A_23] : memref<10240x128xf32, #tpu.memory_space<vmem_shared>> -> memref<128x128xf32, #tpu.memory_space<vmem_shared>>
      tpu.enqueue_dma source(%arg6 : memref<128x128xf32, #tpu.memory_space<vmem>>) target(%dma_start3A_24 : memref<128x128xf32, #tpu.memory_space<vmem_shared>>) target_semaphore(%run_scoped3A : memref<!tpu.dma_semaphore, #tpu.memory_space<semaphore_mem>>)
      %dma_wait3A = arith.constant 0 : i32
      %dma_wait3A_25 = tpu.memref_slice %arg7[%add3A_14, %dma_wait3A] : memref<10240x128xf32, #tpu.memory_space<vmem_shared>> -> memref<128x128xf32, #tpu.memory_space<vmem_shared>>
      %dma_wait3A_26 = arith.constant 0 : i32
      %dma_wait3A_27 = tpu.memref_slice %arg7[%add3A_14, %dma_wait3A_26] : memref<10240x128xf32, #tpu.memory_space<vmem_shared>> -> memref<128x128xf32, #tpu.memory_space<vmem_shared>>
      tpu.wait_dma2 semaphore(%run_scoped3A : memref<!tpu.dma_semaphore, #tpu.memory_space<semaphore_mem>>) src(%arg6 : memref<128x128xf32, #tpu.memory_space<vmem>>) dst(%dma_wait3A_27 : memref<128x128xf32, #tpu.memory_space<vmem_shared>>)
      tpu.yield
    }) : () -> ()
    %barrier3A = arith.constant 0 : index
    tpu.barrier barrier_id(%barrier3A)
    %scan3A_15 = arith.constant 0 : i32
    %scan3A_16 = arith.constant 0 : i32
    %scan3A_17 = arith.constant 40 : i32
    %scan3A_18 = arith.addi %scan3A_16, %scan3A_17 : i32
    %scan3A_19 = arith.constant 1 : i32
    scf.for %scan3A_22 = %scan3A_16 to %scan3A_18 step %scan3A_19  : i32 {
      %mul3A_23 = arith.constant 81920 : i32
      %mul3A_24 = arith.muli %arg0, %mul3A_23 : i32
      %mul3A_25 = arith.constant 5120 : i32
      %mul3A_26 = arith.muli %arg1, %mul3A_25 : i32
      %add3A_27 = arith.addi %mul3A_24, %mul3A_26 : i32
      %mul3A_28 = arith.constant 128 : i32
      %mul3A_29 = arith.muli %scan3A_22, %mul3A_28 : i32
      %add3A_30 = arith.addi %add3A_27, %mul3A_29 : i32
      "tpu.region"() ({
        %run_scoped3A = tpu.sem_alloc : memref<!tpu.dma_semaphore, #tpu.memory_space<semaphore_mem>>
        %dma_start3A = tpu.memref_slice %arg3[%add3A_30] : memref<163840xi32, #tpu.memory_space<hbm>> -> memref<128xi32, #tpu.memory_space<hbm>>
        %dma_start3A_31 = tpu.memref_slice %arg3[%add3A_30] : memref<163840xi32, #tpu.memory_space<hbm>> -> memref<128xi32, #tpu.memory_space<hbm>>
        tpu.enqueue_dma source(%dma_start3A_31 : memref<128xi32, #tpu.memory_space<hbm>>) target(%arg5 : memref<128xi32, #tpu.memory_space<vmem>>) target_semaphore(%run_scoped3A : memref<!tpu.dma_semaphore, #tpu.memory_space<semaphore_mem>>)
        %dma_wait3A = tpu.memref_slice %arg3[%add3A_30] : memref<163840xi32, #tpu.memory_space<hbm>> -> memref<128xi32, #tpu.memory_space<hbm>>
        %dma_wait3A_32 = tpu.memref_slice %arg3[%add3A_30] : memref<163840xi32, #tpu.memory_space<hbm>> -> memref<128xi32, #tpu.memory_space<hbm>>
        tpu.wait_dma2 semaphore(%run_scoped3A : memref<!tpu.dma_semaphore, #tpu.memory_space<semaphore_mem>>) src(%dma_wait3A_32 : memref<128xi32, #tpu.memory_space<hbm>>) dst(%arg5 : memref<128xi32, #tpu.memory_space<vmem>>)
        tpu.yield
      }) : () -> ()
      "tpu.region"() ({
        %run_scoped3A = tpu.sem_alloc : memref<!tpu.dma_semaphore, #tpu.memory_space<semaphore_mem>>
        %dma_start3A = arith.constant 0 : i32
        %dma_start3A_31 = tpu.memref_slice %arg2[%add3A_30, %dma_start3A] : memref<163840x128xf32, #tpu.memory_space<hbm>> -> memref<128x128xf32, #tpu.memory_space<hbm>>
        %dma_start3A_32 = arith.constant 0 : i32
        %dma_start3A_33 = tpu.memref_slice %arg2[%add3A_30, %dma_start3A_32] : memref<163840x128xf32, #tpu.memory_space<hbm>> -> memref<128x128xf32, #tpu.memory_space<hbm>>
        tpu.enqueue_dma source(%dma_start3A_33 : memref<128x128xf32, #tpu.memory_space<hbm>>) target(%arg6 : memref<128x128xf32, #tpu.memory_space<vmem>>) target_semaphore(%run_scoped3A : memref<!tpu.dma_semaphore, #tpu.memory_space<semaphore_mem>>)
        %dma_wait3A = arith.constant 0 : i32
        %dma_wait3A_34 = tpu.memref_slice %arg2[%add3A_30, %dma_wait3A] : memref<163840x128xf32, #tpu.memory_space<hbm>> -> memref<128x128xf32, #tpu.memory_space<hbm>>
        %dma_wait3A_35 = arith.constant 0 : i32
        %dma_wait3A_36 = tpu.memref_slice %arg2[%add3A_30, %dma_wait3A_35] : memref<163840x128xf32, #tpu.memory_space<hbm>> -> memref<128x128xf32, #tpu.memory_space<hbm>>
        tpu.wait_dma2 semaphore(%run_scoped3A : memref<!tpu.dma_semaphore, #tpu.memory_space<semaphore_mem>>) src(%dma_wait3A_36 : memref<128x128xf32, #tpu.memory_space<hbm>>) dst(%arg6 : memref<128x128xf32, #tpu.memory_space<vmem>>)
        tpu.yield
      }) : () -> ()
      "tpu.region"() ({
        %run_scoped3A = tpu.sem_alloc : memref<!tpu.dma_semaphore, #tpu.memory_space<semaphore_mem>>
        %dma_start3A = arith.constant 0 : i32
        %dma_start3A_31 = arith.constant 0 : i32
        %dma_start3A_32 = tpu.memref_slice %arg7[%dma_start3A, %dma_start3A_31] : memref<10240x128xf32, #tpu.memory_space<vmem_shared>> -> memref<10240x128xf32, #tpu.memory_space<vmem_shared>>
        tpu.enqueue_indirect_dma source(%arg6 : memref<128x128xf32, #tpu.memory_space<vmem>>) target(%dma_start3A_32 : memref<10240x128xf32, #tpu.memory_space<vmem_shared>>) offsets(%arg5 : memref<128xi32, #tpu.memory_space<vmem>>) semaphore(%run_scoped3A : memref<!tpu.dma_semaphore, #tpu.memory_space<semaphore_mem>>) {add = true}
        %dma_wait3A = arith.constant 0 : i32
        %dma_wait3A_33 = arith.constant 0 : i32
        %dma_wait3A_34 = tpu.memref_slice %arg7[%dma_wait3A, %dma_wait3A_33] : memref<10240x128xf32, #tpu.memory_space<vmem_shared>> -> memref<10240x128xf32, #tpu.memory_space<vmem_shared>>
        tpu.wait_indirect_dma semaphore(%run_scoped3A : memref<!tpu.dma_semaphore, #tpu.memory_space<semaphore_mem>>) src(%arg6 : memref<128x128xf32, #tpu.memory_space<vmem>>) dst(%dma_wait3A_34 : memref<10240x128xf32, #tpu.memory_space<vmem_shared>>)
        tpu.yield
      }) : () -> ()
    }
    %scan3A_20 = arith.constant 40 : i32
    %barrier3A_21 = arith.constant 0 : index
    tpu.barrier barrier_id(%barrier3A_21)
    "tpu.region"() ({
      %run_scoped3A = tpu.sem_alloc : memref<!tpu.dma_semaphore, #tpu.memory_space<semaphore_mem>>
      %dma_start3A = arith.constant 0 : i32
      %dma_start3A_22 = tpu.memref_slice %arg4[%arg0, %mul3A_5, %dma_start3A] : memref<2x10240x128xf32, #tpu.memory_space<hbm>> -> memref<1x640x128xf32, #tpu.memory_space<hbm>>
      %dma_start3A_23 = tpu.memref_squeeze %dma_start3A_22 : memref<1x640x128xf32, #tpu.memory_space<hbm>> -> memref<640x128xf32, #tpu.memory_space<hbm>>
      %dma_start3A_24 = arith.constant 0 : i32
      %dma_start3A_25 = tpu.memref_slice %arg7[%mul3A_5, %dma_start3A_24] : memref<10240x128xf32, #tpu.memory_space<vmem_shared>> -> memref<640x128xf32, #tpu.memory_space<vmem_shared>>
      tpu.enqueue_dma source(%dma_start3A_25 : memref<640x128xf32, #tpu.memory_space<vmem_shared>>) target(%dma_start3A_23 : memref<640x128xf32, #tpu.memory_space<hbm>>) target_semaphore(%run_scoped3A : memref<!tpu.dma_semaphore, #tpu.memory_space<semaphore_mem>>)
      %dma_wait3A = arith.constant 0 : i32
      %dma_wait3A_26 = tpu.memref_slice %arg4[%arg0, %mul3A_5, %dma_wait3A] : memref<2x10240x128xf32, #tpu.memory_space<hbm>> -> memref<1x640x128xf32, #tpu.memory_space<hbm>>
      %dma_wait3A_27 = tpu.memref_squeeze %dma_wait3A_26 : memref<1x640x128xf32, #tpu.memory_space<hbm>> -> memref<640x128xf32, #tpu.memory_space<hbm>>
      %dma_wait3A_28 = arith.constant 0 : i32
      %dma_wait3A_29 = tpu.memref_slice %arg7[%mul3A_5, %dma_wait3A_28] : memref<10240x128xf32, #tpu.memory_space<vmem_shared>> -> memref<640x128xf32, #tpu.memory_space<vmem_shared>>
      tpu.wait_dma2 semaphore(%run_scoped3A : memref<!tpu.dma_semaphore, #tpu.memory_space<semaphore_mem>>) src(%dma_wait3A_29 : memref<640x128xf32, #tpu.memory_space<vmem_shared>>) dst(%dma_wait3A_27 : memref<640x128xf32, #tpu.memory_space<hbm>>)
      tpu.yield
    }) : () -> ()
    return
  }
}

#map = affine_map<(d0, d1) -> (0, 0)>
#map1 = affine_map<(d0, d1) -> (0)>
#map2 = affine_map<(d0, d1) -> (0, 0, 0)>
module attributes {stable_mosaic.version = 14 : i64} {
  func.func @_sc_scatter_body(%arg0: i32, %arg1: i32, %arg2: memref<163840x128xf32, #tpu.memory_space<hbm>>, %arg3: memref<163840xi32, #tpu.memory_space<hbm>>, %arg4: memref<2x10240x128xf32, #tpu.memory_space<hbm>>, %arg5: memref<128xi32, #tpu.memory_space<vmem>>, %arg6: memref<128x128xf32, #tpu.memory_space<vmem>>, %arg7: memref<10240x128xf32, #tpu.memory_space<vmem_shared>>, %arg8: memref<!tpu.dma_semaphore, #tpu.memory_space<semaphore_mem>>) attributes {dimension_semantics = [#tpu.dimension_semantics<core_parallel>, #tpu.dimension_semantics<subcore_parallel>], iteration_bounds = array<i64: 2, 16>, scalar_prefetch = 0 : i64, scratch_operands = 4 : i64, tpu.core_type = #tpu.core_type<sc_vector_subcore>, window_params = [{transform_indices = #map}, {transform_indices = #map1}, {transform_indices = #map2}]} {
    %scan3A = arith.constant 0 : i32
    %scan3A_0 = arith.constant 0 : i32
    %scan3A_1 = arith.constant 128 : i32
    %scan3A_2 = arith.addi %scan3A_0, %scan3A_1 : i32
    %scan3A_3 = arith.constant 1 : i32
    scf.for %scan3A_22 = %scan3A_0 to %scan3A_2 step %scan3A_3  : i32 {
      %broadcast_in_dim3A = arith.constant 0.000000e+00 : f32
      %broadcast_in_dim3A_23 = vector.broadcast %broadcast_in_dim3A : f32 to vector<16xf32>
      %swap3A = arith.index_cast %scan3A_22 : i32 to index
      %swap3A_24 = arith.constant 0 : index
      %swap3A_25 = tpu.vector_load %arg6[%swap3A, %swap3A_24] {strides = array<i32>} : memref<128x128xf32, #tpu.memory_space<vmem>>, vector<1x16xf32>,
      %swap3A_26 = vector.shape_cast %swap3A_25 : vector<1x16xf32> to vector<16xf32>
      %swap3A_27 = vector.shape_cast %broadcast_in_dim3A_23 : vector<16xf32> to vector<1x16xf32>
      tpu.vector_store %arg6[%swap3A, %swap3A_24], %swap3A_27 {strides = array<i32>} : memref<128x128xf32, #tpu.memory_space<vmem>>, vector<1x16xf32>,
      %broadcast_in_dim3A_28 = arith.constant 0.000000e+00 : f32
      %broadcast_in_dim3A_29 = vector.broadcast %broadcast_in_dim3A_28 : f32 to vector<16xf32>
      %swap3A_30 = arith.index_cast %scan3A_22 : i32 to index
      %swap3A_31 = arith.constant 16 : index
      %swap3A_32 = tpu.vector_load %arg6[%swap3A_30, %swap3A_31] {strides = array<i32>} : memref<128x128xf32, #tpu.memory_space<vmem>>, vector<1x16xf32>,
      %swap3A_33 = vector.shape_cast %swap3A_32 : vector<1x16xf32> to vector<16xf32>
      %swap3A_34 = vector.shape_cast %broadcast_in_dim3A_29 : vector<16xf32> to vector<1x16xf32>
      tpu.vector_store %arg6[%swap3A_30, %swap3A_31], %swap3A_34 {strides = array<i32>} : memref<128x128xf32, #tpu.memory_space<vmem>>, vector<1x16xf32>,
      %broadcast_in_dim3A_35 = arith.constant 0.000000e+00 : f32
      %broadcast_in_dim3A_36 = vector.broadcast %broadcast_in_dim3A_35 : f32 to vector<16xf32>
      %swap3A_37 = arith.index_cast %scan3A_22 : i32 to index
      %swap3A_38 = arith.constant 32 : index
      %swap3A_39 = tpu.vector_load %arg6[%swap3A_37, %swap3A_38] {strides = array<i32>} : memref<128x128xf32, #tpu.memory_space<vmem>>, vector<1x16xf32>,
      %swap3A_40 = vector.shape_cast %swap3A_39 : vector<1x16xf32> to vector<16xf32>
      %swap3A_41 = vector.shape_cast %broadcast_in_dim3A_36 : vector<16xf32> to vector<1x16xf32>
      tpu.vector_store %arg6[%swap3A_37, %swap3A_38], %swap3A_41 {strides = array<i32>} : memref<128x128xf32, #tpu.memory_space<vmem>>, vector<1x16xf32>,
      %broadcast_in_dim3A_42 = arith.constant 0.000000e+00 : f32
      %broadcast_in_dim3A_43 = vector.broadcast %broadcast_in_dim3A_42 : f32 to vector<16xf32>
      %swap3A_44 = arith.index_cast %scan3A_22 : i32 to index
      %swap3A_45 = arith.constant 48 : index
      %swap3A_46 = tpu.vector_load %arg6[%swap3A_44, %swap3A_45] {strides = array<i32>} : memref<128x128xf32, #tpu.memory_space<vmem>>, vector<1x16xf32>,
      %swap3A_47 = vector.shape_cast %swap3A_46 : vector<1x16xf32> to vector<16xf32>
      %swap3A_48 = vector.shape_cast %broadcast_in_dim3A_43 : vector<16xf32> to vector<1x16xf32>
      tpu.vector_store %arg6[%swap3A_44, %swap3A_45], %swap3A_48 {strides = array<i32>} : memref<128x128xf32, #tpu.memory_space<vmem>>, vector<1x16xf32>,
      %broadcast_in_dim3A_49 = arith.constant 0.000000e+00 : f32
      %broadcast_in_dim3A_50 = vector.broadcast %broadcast_in_dim3A_49 : f32 to vector<16xf32>
      %swap3A_51 = arith.index_cast %scan3A_22 : i32 to index
      %swap3A_52 = arith.constant 64 : index
      %swap3A_53 = tpu.vector_load %arg6[%swap3A_51, %swap3A_52] {strides = array<i32>} : memref<128x128xf32, #tpu.memory_space<vmem>>, vector<1x16xf32>,
      %swap3A_54 = vector.shape_cast %swap3A_53 : vector<1x16xf32> to vector<16xf32>
      %swap3A_55 = vector.shape_cast %broadcast_in_dim3A_50 : vector<16xf32> to vector<1x16xf32>
      tpu.vector_store %arg6[%swap3A_51, %swap3A_52], %swap3A_55 {strides = array<i32>} : memref<128x128xf32, #tpu.memory_space<vmem>>, vector<1x16xf32>,
      %broadcast_in_dim3A_56 = arith.constant 0.000000e+00 : f32
      %broadcast_in_dim3A_57 = vector.broadcast %broadcast_in_dim3A_56 : f32 to vector<16xf32>
      %swap3A_58 = arith.index_cast %scan3A_22 : i32 to index
      %swap3A_59 = arith.constant 80 : index
      %swap3A_60 = tpu.vector_load %arg6[%swap3A_58, %swap3A_59] {strides = array<i32>} : memref<128x128xf32, #tpu.memory_space<vmem>>, vector<1x16xf32>,
      %swap3A_61 = vector.shape_cast %swap3A_60 : vector<1x16xf32> to vector<16xf32>
      %swap3A_62 = vector.shape_cast %broadcast_in_dim3A_57 : vector<16xf32> to vector<1x16xf32>
      tpu.vector_store %arg6[%swap3A_58, %swap3A_59], %swap3A_62 {strides = array<i32>} : memref<128x128xf32, #tpu.memory_space<vmem>>, vector<1x16xf32>,
      %broadcast_in_dim3A_63 = arith.constant 0.000000e+00 : f32
      %broadcast_in_dim3A_64 = vector.broadcast %broadcast_in_dim3A_63 : f32 to vector<16xf32>
      %swap3A_65 = arith.index_cast %scan3A_22 : i32 to index
      %swap3A_66 = arith.constant 96 : index
      %swap3A_67 = tpu.vector_load %arg6[%swap3A_65, %swap3A_66] {strides = array<i32>} : memref<128x128xf32, #tpu.memory_space<vmem>>, vector<1x16xf32>,
      %swap3A_68 = vector.shape_cast %swap3A_67 : vector<1x16xf32> to vector<16xf32>
      %swap3A_69 = vector.shape_cast %broadcast_in_dim3A_64 : vector<16xf32> to vector<1x16xf32>
      tpu.vector_store %arg6[%swap3A_65, %swap3A_66], %swap3A_69 {strides = array<i32>} : memref<128x128xf32, #tpu.memory_space<vmem>>, vector<1x16xf32>,
      %broadcast_in_dim3A_70 = arith.constant 0.000000e+00 : f32
      %broadcast_in_dim3A_71 = vector.broadcast %broadcast_in_dim3A_70 : f32 to vector<16xf32>
      %swap3A_72 = arith.index_cast %scan3A_22 : i32 to index
      %swap3A_73 = arith.constant 112 : index
      %swap3A_74 = tpu.vector_load %arg6[%swap3A_72, %swap3A_73] {strides = array<i32>} : memref<128x128xf32, #tpu.memory_space<vmem>>, vector<1x16xf32>,
      %swap3A_75 = vector.shape_cast %swap3A_74 : vector<1x16xf32> to vector<16xf32>
      %swap3A_76 = vector.shape_cast %broadcast_in_dim3A_71 : vector<16xf32> to vector<1x16xf32>
      tpu.vector_store %arg6[%swap3A_72, %swap3A_73], %swap3A_76 {strides = array<i32>} : memref<128x128xf32, #tpu.memory_space<vmem>>, vector<1x16xf32>,
    }
    %scan3A_4 = arith.constant 128 : i32
    %mul3A = arith.constant 640 : i32
    %mul3A_5 = arith.muli %arg1, %mul3A : i32
    %add3A = arith.constant 0 : i32
    %add3A_6 = arith.addi %mul3A_5, %add3A : i32
    "tpu.region"() ({
      %run_scoped3A = tpu.sem_alloc : memref<!tpu.dma_semaphore, #tpu.memory_space<semaphore_mem>>
      %dma_start3A = arith.constant 0 : i32
      %dma_start3A_22 = tpu.memref_slice %arg7[%add3A_6, %dma_start3A] : memref<10240x128xf32, #tpu.memory_space<vmem_shared>> -> memref<128x128xf32, #tpu.memory_space<vmem_shared>>
      %dma_start3A_23 = arith.constant 0 : i32
      %dma_start3A_24 = tpu.memref_slice %arg7[%add3A_6, %dma_start3A_23] : memref<10240x128xf32, #tpu.memory_space<vmem_shared>> -> memref<128x128xf32, #tpu.memory_space<vmem_shared>>
      tpu.enqueue_dma source(%arg6 : memref<128x128xf32, #tpu.memory_space<vmem>>) target(%dma_start3A_24 : memref<128x128xf32, #tpu.memory_space<vmem_shared>>) target_semaphore(%run_scoped3A : memref<!tpu.dma_semaphore, #tpu.memory_space<semaphore_mem>>)
      %dma_wait3A = arith.constant 0 : i32
      %dma_wait3A_25 = tpu.memref_slice %arg7[%add3A_6, %dma_wait3A] : memref<10240x128xf32, #tpu.memory_space<vmem_shared>> -> memref<128x128xf32, #tpu.memory_space<vmem_shared>>
      %dma_wait3A_26 = arith.constant 0 : i32
      %dma_wait3A_27 = tpu.memref_slice %arg7[%add3A_6, %dma_wait3A_26] : memref<10240x128xf32, #tpu.memory_space<vmem_shared>> -> memref<128x128xf32, #tpu.memory_space<vmem_shared>>
      tpu.wait_dma2 semaphore(%run_scoped3A : memref<!tpu.dma_semaphore, #tpu.memory_space<semaphore_mem>>) src(%arg6 : memref<128x128xf32, #tpu.memory_space<vmem>>) dst(%dma_wait3A_27 : memref<128x128xf32, #tpu.memory_space<vmem_shared>>)
      tpu.yield
    }) : () -> ()
    %add3A_7 = arith.constant 128 : i32
    %add3A_8 = arith.addi %mul3A_5, %add3A_7 : i32
    "tpu.region"() ({
      %run_scoped3A = tpu.sem_alloc : memref<!tpu.dma_semaphore, #tpu.memory_space<semaphore_mem>>
      %dma_start3A = arith.constant 0 : i32
      %dma_start3A_22 = tpu.memref_slice %arg7[%add3A_8, %dma_start3A] : memref<10240x128xf32, #tpu.memory_space<vmem_shared>> -> memref<128x128xf32, #tpu.memory_space<vmem_shared>>
      %dma_start3A_23 = arith.constant 0 : i32
      %dma_start3A_24 = tpu.memref_slice %arg7[%add3A_8, %dma_start3A_23] : memref<10240x128xf32, #tpu.memory_space<vmem_shared>> -> memref<128x128xf32, #tpu.memory_space<vmem_shared>>
      tpu.enqueue_dma source(%arg6 : memref<128x128xf32, #tpu.memory_space<vmem>>) target(%dma_start3A_24 : memref<128x128xf32, #tpu.memory_space<vmem_shared>>) target_semaphore(%run_scoped3A : memref<!tpu.dma_semaphore, #tpu.memory_space<semaphore_mem>>)
      %dma_wait3A = arith.constant 0 : i32
      %dma_wait3A_25 = tpu.memref_slice %arg7[%add3A_8, %dma_wait3A] : memref<10240x128xf32, #tpu.memory_space<vmem_shared>> -> memref<128x128xf32, #tpu.memory_space<vmem_shared>>
      %dma_wait3A_26 = arith.constant 0 : i32
      %dma_wait3A_27 = tpu.memref_slice %arg7[%add3A_8, %dma_wait3A_26] : memref<10240x128xf32, #tpu.memory_space<vmem_shared>> -> memref<128x128xf32, #tpu.memory_space<vmem_shared>>
      tpu.wait_dma2 semaphore(%run_scoped3A : memref<!tpu.dma_semaphore, #tpu.memory_space<semaphore_mem>>) src(%arg6 : memref<128x128xf32, #tpu.memory_space<vmem>>) dst(%dma_wait3A_27 : memref<128x128xf32, #tpu.memory_space<vmem_shared>>)
      tpu.yield
    }) : () -> ()
    %add3A_9 = arith.constant 256 : i32
    %add3A_10 = arith.addi %mul3A_5, %add3A_9 : i32
    "tpu.region"() ({
      %run_scoped3A = tpu.sem_alloc : memref<!tpu.dma_semaphore, #tpu.memory_space<semaphore_mem>>
      %dma_start3A = arith.constant 0 : i32
      %dma_start3A_22 = tpu.memref_slice %arg7[%add3A_10, %dma_start3A] : memref<10240x128xf32, #tpu.memory_space<vmem_shared>> -> memref<128x128xf32, #tpu.memory_space<vmem_shared>>
      %dma_start3A_23 = arith.constant 0 : i32
      %dma_start3A_24 = tpu.memref_slice %arg7[%add3A_10, %dma_start3A_23] : memref<10240x128xf32, #tpu.memory_space<vmem_shared>> -> memref<128x128xf32, #tpu.memory_space<vmem_shared>>
      tpu.enqueue_dma source(%arg6 : memref<128x128xf32, #tpu.memory_space<vmem>>) target(%dma_start3A_24 : memref<128x128xf32, #tpu.memory_space<vmem_shared>>) target_semaphore(%run_scoped3A : memref<!tpu.dma_semaphore, #tpu.memory_space<semaphore_mem>>)
      %dma_wait3A = arith.constant 0 : i32
      %dma_wait3A_25 = tpu.memref_slice %arg7[%add3A_10, %dma_wait3A] : memref<10240x128xf32, #tpu.memory_space<vmem_shared>> -> memref<128x128xf32, #tpu.memory_space<vmem_shared>>
      %dma_wait3A_26 = arith.constant 0 : i32
      %dma_wait3A_27 = tpu.memref_slice %arg7[%add3A_10, %dma_wait3A_26] : memref<10240x128xf32, #tpu.memory_space<vmem_shared>> -> memref<128x128xf32, #tpu.memory_space<vmem_shared>>
      tpu.wait_dma2 semaphore(%run_scoped3A : memref<!tpu.dma_semaphore, #tpu.memory_space<semaphore_mem>>) src(%arg6 : memref<128x128xf32, #tpu.memory_space<vmem>>) dst(%dma_wait3A_27 : memref<128x128xf32, #tpu.memory_space<vmem_shared>>)
      tpu.yield
    }) : () -> ()
    %add3A_11 = arith.constant 384 : i32
    %add3A_12 = arith.addi %mul3A_5, %add3A_11 : i32
    "tpu.region"() ({
      %run_scoped3A = tpu.sem_alloc : memref<!tpu.dma_semaphore, #tpu.memory_space<semaphore_mem>>
      %dma_start3A = arith.constant 0 : i32
      %dma_start3A_22 = tpu.memref_slice %arg7[%add3A_12, %dma_start3A] : memref<10240x128xf32, #tpu.memory_space<vmem_shared>> -> memref<128x128xf32, #tpu.memory_space<vmem_shared>>
      %dma_start3A_23 = arith.constant 0 : i32
      %dma_start3A_24 = tpu.memref_slice %arg7[%add3A_12, %dma_start3A_23] : memref<10240x128xf32, #tpu.memory_space<vmem_shared>> -> memref<128x128xf32, #tpu.memory_space<vmem_shared>>
      tpu.enqueue_dma source(%arg6 : memref<128x128xf32, #tpu.memory_space<vmem>>) target(%dma_start3A_24 : memref<128x128xf32, #tpu.memory_space<vmem_shared>>) target_semaphore(%run_scoped3A : memref<!tpu.dma_semaphore, #tpu.memory_space<semaphore_mem>>)
      %dma_wait3A = arith.constant 0 : i32
      %dma_wait3A_25 = tpu.memref_slice %arg7[%add3A_12, %dma_wait3A] : memref<10240x128xf32, #tpu.memory_space<vmem_shared>> -> memref<128x128xf32, #tpu.memory_space<vmem_shared>>
      %dma_wait3A_26 = arith.constant 0 : i32
      %dma_wait3A_27 = tpu.memref_slice %arg7[%add3A_12, %dma_wait3A_26] : memref<10240x128xf32, #tpu.memory_space<vmem_shared>> -> memref<128x128xf32, #tpu.memory_space<vmem_shared>>
      tpu.wait_dma2 semaphore(%run_scoped3A : memref<!tpu.dma_semaphore, #tpu.memory_space<semaphore_mem>>) src(%arg6 : memref<128x128xf32, #tpu.memory_space<vmem>>) dst(%dma_wait3A_27 : memref<128x128xf32, #tpu.memory_space<vmem_shared>>)
      tpu.yield
    }) : () -> ()
    %add3A_13 = arith.constant 512 : i32
    %add3A_14 = arith.addi %mul3A_5, %add3A_13 : i32
    "tpu.region"() ({
      %run_scoped3A = tpu.sem_alloc : memref<!tpu.dma_semaphore, #tpu.memory_space<semaphore_mem>>
      %dma_start3A = arith.constant 0 : i32
      %dma_start3A_22 = tpu.memref_slice %arg7[%add3A_14, %dma_start3A] : memref<10240x128xf32, #tpu.memory_space<vmem_shared>> -> memref<128x128xf32, #tpu.memory_space<vmem_shared>>
      %dma_start3A_23 = arith.constant 0 : i32
      %dma_start3A_24 = tpu.memref_slice %arg7[%add3A_14, %dma_start3A_23] : memref<10240x128xf32, #tpu.memory_space<vmem_shared>> -> memref<128x128xf32, #tpu.memory_space<vmem_shared>>
      tpu.enqueue_dma source(%arg6 : memref<128x128xf32, #tpu.memory_space<vmem>>) target(%dma_start3A_24 : memref<128x128xf32, #tpu.memory_space<vmem_shared>>) target_semaphore(%run_scoped3A : memref<!tpu.dma_semaphore, #tpu.memory_space<semaphore_mem>>)
      %dma_wait3A = arith.constant 0 : i32
      %dma_wait3A_25 = tpu.memref_slice %arg7[%add3A_14, %dma_wait3A] : memref<10240x128xf32, #tpu.memory_space<vmem_shared>> -> memref<128x128xf32, #tpu.memory_space<vmem_shared>>
      %dma_wait3A_26 = arith.constant 0 : i32
      %dma_wait3A_27 = tpu.memref_slice %arg7[%add3A_14, %dma_wait3A_26] : memref<10240x128xf32, #tpu.memory_space<vmem_shared>> -> memref<128x128xf32, #tpu.memory_space<vmem_shared>>
      tpu.wait_dma2 semaphore(%run_scoped3A : memref<!tpu.dma_semaphore, #tpu.memory_space<semaphore_mem>>) src(%arg6 : memref<128x128xf32, #tpu.memory_space<vmem>>) dst(%dma_wait3A_27 : memref<128x128xf32, #tpu.memory_space<vmem_shared>>)
      tpu.yield
    }) : () -> ()
    %barrier3A = arith.constant 0 : index
    tpu.barrier barrier_id(%barrier3A)
    %scan3A_15 = arith.constant 0 : i32
    %scan3A_16 = arith.constant 0 : i32
    %scan3A_17 = arith.constant 40 : i32
    %scan3A_18 = arith.addi %scan3A_16, %scan3A_17 : i32
    %scan3A_19 = arith.constant 1 : i32
    scf.for %scan3A_22 = %scan3A_16 to %scan3A_18 step %scan3A_19  : i32 {
      %mul3A_23 = arith.constant 81920 : i32
      %mul3A_24 = arith.muli %arg0, %mul3A_23 : i32
      %mul3A_25 = arith.constant 5120 : i32
      %mul3A_26 = arith.muli %arg1, %mul3A_25 : i32
      %add3A_27 = arith.addi %mul3A_24, %mul3A_26 : i32
      %mul3A_28 = arith.constant 128 : i32
      %mul3A_29 = arith.muli %scan3A_22, %mul3A_28 : i32
      %add3A_30 = arith.addi %add3A_27, %mul3A_29 : i32
      "tpu.region"() ({
        %run_scoped3A = tpu.sem_alloc : memref<!tpu.dma_semaphore, #tpu.memory_space<semaphore_mem>>
        %dma_start3A = tpu.memref_slice %arg3[%add3A_30] : memref<163840xi32, #tpu.memory_space<hbm>> -> memref<128xi32, #tpu.memory_space<hbm>>
        %dma_start3A_31 = tpu.memref_slice %arg3[%add3A_30] : memref<163840xi32, #tpu.memory_space<hbm>> -> memref<128xi32, #tpu.memory_space<hbm>>
        tpu.enqueue_dma source(%dma_start3A_31 : memref<128xi32, #tpu.memory_space<hbm>>) target(%arg5 : memref<128xi32, #tpu.memory_space<vmem>>) target_semaphore(%run_scoped3A : memref<!tpu.dma_semaphore, #tpu.memory_space<semaphore_mem>>)
        %dma_wait3A = tpu.memref_slice %arg3[%add3A_30] : memref<163840xi32, #tpu.memory_space<hbm>> -> memref<128xi32, #tpu.memory_space<hbm>>
        %dma_wait3A_32 = tpu.memref_slice %arg3[%add3A_30] : memref<163840xi32, #tpu.memory_space<hbm>> -> memref<128xi32, #tpu.memory_space<hbm>>
        tpu.wait_dma2 semaphore(%run_scoped3A : memref<!tpu.dma_semaphore, #tpu.memory_space<semaphore_mem>>) src(%dma_wait3A_32 : memref<128xi32, #tpu.memory_space<hbm>>) dst(%arg5 : memref<128xi32, #tpu.memory_space<vmem>>)
        tpu.yield
      }) : () -> ()
      "tpu.region"() ({
        %run_scoped3A = tpu.sem_alloc : memref<!tpu.dma_semaphore, #tpu.memory_space<semaphore_mem>>
        %dma_start3A = arith.constant 0 : i32
        %dma_start3A_31 = tpu.memref_slice %arg2[%add3A_30, %dma_start3A] : memref<163840x128xf32, #tpu.memory_space<hbm>> -> memref<128x128xf32, #tpu.memory_space<hbm>>
        %dma_start3A_32 = arith.constant 0 : i32
        %dma_start3A_33 = tpu.memref_slice %arg2[%add3A_30, %dma_start3A_32] : memref<163840x128xf32, #tpu.memory_space<hbm>> -> memref<128x128xf32, #tpu.memory_space<hbm>>
        tpu.enqueue_dma source(%dma_start3A_33 : memref<128x128xf32, #tpu.memory_space<hbm>>) target(%arg6 : memref<128x128xf32, #tpu.memory_space<vmem>>) target_semaphore(%run_scoped3A : memref<!tpu.dma_semaphore, #tpu.memory_space<semaphore_mem>>)
        %dma_wait3A = arith.constant 0 : i32
        %dma_wait3A_34 = tpu.memref_slice %arg2[%add3A_30, %dma_wait3A] : memref<163840x128xf32, #tpu.memory_space<hbm>> -> memref<128x128xf32, #tpu.memory_space<hbm>>
        %dma_wait3A_35 = arith.constant 0 : i32
        %dma_wait3A_36 = tpu.memref_slice %arg2[%add3A_30, %dma_wait3A_35] : memref<163840x128xf32, #tpu.memory_space<hbm>> -> memref<128x128xf32, #tpu.memory_space<hbm>>
        tpu.wait_dma2 semaphore(%run_scoped3A : memref<!tpu.dma_semaphore, #tpu.memory_space<semaphore_mem>>) src(%dma_wait3A_36 : memref<128x128xf32, #tpu.memory_space<hbm>>) dst(%arg6 : memref<128x128xf32, #tpu.memory_space<vmem>>)
        tpu.yield
      }) : () -> ()
      "tpu.region"() ({
        %run_scoped3A = tpu.sem_alloc : memref<!tpu.dma_semaphore, #tpu.memory_space<semaphore_mem>>
        %dma_start3A = arith.constant 0 : i32
        %dma_start3A_31 = arith.constant 0 : i32
        %dma_start3A_32 = tpu.memref_slice %arg7[%dma_start3A, %dma_start3A_31] : memref<10240x128xf32, #tpu.memory_space<vmem_shared>> -> memref<10240x128xf32, #tpu.memory_space<vmem_shared>>
        tpu.enqueue_indirect_dma source(%arg6 : memref<128x128xf32, #tpu.memory_space<vmem>>) target(%dma_start3A_32 : memref<10240x128xf32, #tpu.memory_space<vmem_shared>>) offsets(%arg5 : memref<128xi32, #tpu.memory_space<vmem>>) semaphore(%run_scoped3A : memref<!tpu.dma_semaphore, #tpu.memory_space<semaphore_mem>>) {add = true}
        %dma_wait3A = arith.constant 0 : i32
        %dma_wait3A_33 = arith.constant 0 : i32
        %dma_wait3A_34 = tpu.memref_slice %arg7[%dma_wait3A, %dma_wait3A_33] : memref<10240x128xf32, #tpu.memory_space<vmem_shared>> -> memref<10240x128xf32, #tpu.memory_space<vmem_shared>>
        tpu.wait_indirect_dma semaphore(%run_scoped3A : memref<!tpu.dma_semaphore, #tpu.memory_space<semaphore_mem>>) src(%arg6 : memref<128x128xf32, #tpu.memory_space<vmem>>) dst(%dma_wait3A_34 : memref<10240x128xf32, #tpu.memory_space<vmem_shared>>)
        tpu.yield
      }) : () -> ()
    }
    %scan3A_20 = arith.constant 40 : i32
    %barrier3A_21 = arith.constant 0 : index
    tpu.barrier barrier_id(%barrier3A_21)
    "tpu.region"() ({
      %run_scoped3A = tpu.sem_alloc : memref<!tpu.dma_semaphore, #tpu.memory_space<semaphore_mem>>
      %dma_start3A = arith.constant 0 : i32
      %dma_start3A_22 = tpu.memref_slice %arg4[%arg0, %mul3A_5, %dma_start3A] : memref<2x10240x128xf32, #tpu.memory_space<hbm>> -> memref<1x640x128xf32, #tpu.memory_space<hbm>>
      %dma_start3A_23 = tpu.memref_squeeze %dma_start3A_22 : memref<1x640x128xf32, #tpu.memory_space<hbm>> -> memref<640x128xf32, #tpu.memory_space<hbm>>
      %dma_start3A_24 = arith.constant 0 : i32
      %dma_start3A_25 = tpu.memref_slice %arg7[%mul3A_5, %dma_start3A_24] : memref<10240x128xf32, #tpu.memory_space<vmem_shared>> -> memref<640x128xf32, #tpu.memory_space<vmem_shared>>
      tpu.enqueue_dma source(%dma_start3A_25 : memref<640x128xf32, #tpu.memory_space<vmem_shared>>) target(%dma_start3A_23 : memref<640x128xf32, #tpu.memory_space<hbm>>) target_semaphore(%run_scoped3A : memref<!tpu.dma_semaphore, #tpu.memory_space<semaphore_mem>>)
      %dma_wait3A = arith.constant 0 : i32
      %dma_wait3A_26 = tpu.memref_slice %arg4[%arg0, %mul3A_5, %dma_wait3A] : memref<2x10240x128xf32, #tpu.memory_space<hbm>> -> memref<1x640x128xf32, #tpu.memory_space<hbm>>
      %dma_wait3A_27 = tpu.memref_squeeze %dma_wait3A_26 : memref<1x640x128xf32, #tpu.memory_space<hbm>> -> memref<640x128xf32, #tpu.memory_space<hbm>>
      %dma_wait3A_28 = arith.constant 0 : i32
      %dma_wait3A_29 = tpu.memref_slice %arg7[%mul3A_5, %dma_wait3A_28] : memref<10240x128xf32, #tpu.memory_space<vmem_shared>> -> memref<640x128xf32, #tpu.memory_space<vmem_shared>>
      tpu.wait_dma2 semaphore(%run_scoped3A : memref<!tpu.dma_semaphore, #tpu.memory_space<semaphore_mem>>) src(%dma_wait3A_29 : memref<640x128xf32, #tpu.memory_space<vmem_shared>>) dst(%dma_wait3A_27 : memref<640x128xf32, #tpu.memory_space<hbm>>)
      tpu.yield
    }) : () -> ()
    return
  }
}

module attributes {stable_mosaic.version = 14 : i64} {
  func.func @_precompute_body(%arg0: i32, %arg1: memref<1000x128xf32, #tpu.memory_space<vmem>>, %arg2: memref<3x1000x16xf32, #tpu.memory_space<vmem>>, %arg3: memref<1000x16xf32, #tpu.memory_space<vmem>>, %arg4: memref<128x128xf32, #tpu.memory_space<vmem>>, %arg5: memref<16x17xf32, #tpu.memory_space<vmem>>, %arg6: memref<17x16xf32, #tpu.memory_space<vmem>>, %arg7: memref<1000x256xf32, #tpu.memory_space<vmem>>) attributes {dimension_semantics = [#tpu.dimension_semantics<arbitrary>], iteration_bounds = array<i64: 10>, scalar_prefetch = 0 : i64, scratch_operands = 0 : i64, tpu.core_type = #tpu.core_type<tc>, window_params = [{transform_indices = @transform_0, window_bounds = array<i64: 1000, 128>}, {transform_indices = @transform_1, window_bounds = array<i64: 3, 1000, 16>}, {transform_indices = @transform_2, window_bounds = array<i64: 1000, 16>}, {pipeline_mode = #tpu.pipeline_mode<synchronous>, transform_indices = @transform_3, window_bounds = array<i64: 128, 128>}, {pipeline_mode = #tpu.pipeline_mode<synchronous>, transform_indices = @transform_4, window_bounds = array<i64: 16, 17>}, {pipeline_mode = #tpu.pipeline_mode<synchronous>, transform_indices = @transform_5, window_bounds = array<i64: 17, 16>}, {transform_indices = @transform_6, window_bounds = array<i64: 1000, 256>}]} {
    %get3A = arith.constant 0 : index
    %get3A_0 = arith.constant 0 : index
    %get3A_1 = vector.load %arg1[%get3A, %get3A_0] : memref<1000x128xf32, #tpu.memory_space<vmem>>, vector<1000x128xf32>
    %get3A_2 = arith.constant 0 : index
    %get3A_3 = arith.constant 0 : index
    %get3A_4 = vector.load %arg4[%get3A_2, %get3A_3] : memref<128x128xf32, #tpu.memory_space<vmem>>, vector<128x128xf32>
    %dot_general3A = arith.constant dense<0.000000e+00> : vector<1000x128xf32>
    %dot_general3A_5 = tpu.matmul %get3A_1, %get3A_4, %dot_general3A {dimension_numbers = #tpu.dot_dimension_numbers<[1], [0], [0], [1], [0, 0, 1, 1], [], []>, transpose_lhs_hint = false} : vector<1000x128xf32>, vector<128x128xf32>, vector<1000x128xf32> -> vector<1000x128xf32>
    %get3A_6 = arith.constant 0 : index
    %get3A_7 = arith.constant 0 : index
    %get3A_8 = vector.load %arg5[%get3A_6, %get3A_7] : memref<16x17xf32, #tpu.memory_space<vmem>>, vector<16x17xf32>
    %get3A_9 = arith.constant 0 : index
    %get3A_10 = arith.constant 0 : index
    %get3A_11 = vector.load %arg6[%get3A_9, %get3A_10] : memref<17x16xf32, #tpu.memory_space<vmem>>, vector<17x16xf32>
    %get3A_12 = arith.constant 0 : index
    %get3A_13 = arith.constant 0 : index
    %get3A_14 = arith.constant 0 : index
    %get3A_15 = vector.load %arg2[%get3A_12, %get3A_13, %get3A_14] : memref<3x1000x16xf32, #tpu.memory_space<vmem>>, vector<1x1000x16xf32>
    %get3A_16 = vector.shape_cast %get3A_15 : vector<1x1000x16xf32> to vector<1000x16xf32>
    %dot_general3A_17 = arith.constant dense<0.000000e+00> : vector<1000x17xf32>
    %dot_general3A_18 = tpu.matmul %get3A_16, %get3A_8, %dot_general3A_17 {dimension_numbers = #tpu.dot_dimension_numbers<[1], [0], [0], [1], [0, 0, 1, 1], [], []>, transpose_lhs_hint = false} : vector<1000x16xf32>, vector<16x17xf32>, vector<1000x17xf32> -> vector<1000x17xf32>
    %get3A_19 = arith.constant 1 : index
    %get3A_20 = arith.constant 0 : index
    %get3A_21 = arith.constant 0 : index
    %get3A_22 = vector.load %arg2[%get3A_19, %get3A_20, %get3A_21] : memref<3x1000x16xf32, #tpu.memory_space<vmem>>, vector<1x1000x16xf32>
    %get3A_23 = vector.shape_cast %get3A_22 : vector<1x1000x16xf32> to vector<1000x16xf32>
    %dot_general3A_24 = arith.constant dense<0.000000e+00> : vector<1000x17xf32>
    %dot_general3A_25 = tpu.matmul %get3A_23, %get3A_8, %dot_general3A_24 {dimension_numbers = #tpu.dot_dimension_numbers<[1], [0], [0], [1], [0, 0, 1, 1], [], []>, transpose_lhs_hint = false} : vector<1000x16xf32>, vector<16x17xf32>, vector<1000x17xf32> -> vector<1000x17xf32>
    %get3A_26 = arith.constant 2 : index
    %get3A_27 = arith.constant 0 : index
    %get3A_28 = arith.constant 0 : index
    %get3A_29 = vector.load %arg2[%get3A_26, %get3A_27, %get3A_28] : memref<3x1000x16xf32, #tpu.memory_space<vmem>>, vector<1x1000x16xf32>
    %get3A_30 = vector.shape_cast %get3A_29 : vector<1x1000x16xf32> to vector<1000x16xf32>
    %dot_general3A_31 = arith.constant dense<0.000000e+00> : vector<1000x17xf32>
    %dot_general3A_32 = tpu.matmul %get3A_30, %get3A_8, %dot_general3A_31 {dimension_numbers = #tpu.dot_dimension_numbers<[1], [0], [0], [1], [0, 0, 1, 1], [], []>, transpose_lhs_hint = false} : vector<1000x16xf32>, vector<16x17xf32>, vector<1000x17xf32> -> vector<1000x17xf32>
    %mul3A = arith.mulf %dot_general3A_18, %dot_general3A_18 : vector<1000x17xf32>
    %mul3A_33 = arith.mulf %dot_general3A_25, %dot_general3A_25 : vector<1000x17xf32>
    %add3A = arith.addf %mul3A, %mul3A_33 : vector<1000x17xf32>
    %mul3A_34 = arith.mulf %dot_general3A_32, %dot_general3A_32 : vector<1000x17xf32>
    %add3A_35 = arith.addf %add3A, %mul3A_34 : vector<1000x17xf32>
    %dot_general3A_36 = arith.constant dense<0.000000e+00> : vector<1000x16xf32>
    %dot_general3A_37 = tpu.matmul %dot_general3A_18, %get3A_11, %dot_general3A_36 {dimension_numbers = #tpu.dot_dimension_numbers<[1], [0], [0], [1], [0, 0, 1, 1], [], []>, transpose_lhs_hint = false} : vector<1000x17xf32>, vector<17x16xf32>, vector<1000x16xf32> -> vector<1000x16xf32>
    %dot_general3A_38 = arith.constant dense<0.000000e+00> : vector<1000x16xf32>
    %dot_general3A_39 = tpu.matmul %dot_general3A_25, %get3A_11, %dot_general3A_38 {dimension_numbers = #tpu.dot_dimension_numbers<[1], [0], [0], [1], [0, 0, 1, 1], [], []>, transpose_lhs_hint = false} : vector<1000x17xf32>, vector<17x16xf32>, vector<1000x16xf32> -> vector<1000x16xf32>
    %dot_general3A_40 = arith.constant dense<0.000000e+00> : vector<1000x16xf32>
    %dot_general3A_41 = tpu.matmul %dot_general3A_32, %get3A_11, %dot_general3A_40 {dimension_numbers = #tpu.dot_dimension_numbers<[1], [0], [0], [1], [0, 0, 1, 1], [], []>, transpose_lhs_hint = false} : vector<1000x17xf32>, vector<17x16xf32>, vector<1000x16xf32> -> vector<1000x16xf32>
    %get3A_42 = arith.constant 0 : index
    %get3A_43 = arith.constant 0 : index
    %get3A_44 = vector.load %arg3[%get3A_42, %get3A_43] : memref<1000x16xf32, #tpu.memory_space<vmem>>, vector<1000x16xf32>
    %slice3A = vector.extract_strided_slice %get3A_44 {offsets = [0, 0], sizes = [1000, 3], strides = [1, 1]} : vector<1000x16xf32> to vector<1000x3xf32>
    %broadcast_in_dim3A = arith.constant 0.000000e+00 : f32
    %broadcast_in_dim3A_45 = vector.broadcast %broadcast_in_dim3A : f32 to vector<1000x9xf32>
    %concatenate3A = tpu.concatenate %dot_general3A_5, %dot_general3A_18, %dot_general3A_25, %dot_general3A_32, %add3A_35, %dot_general3A_37, %dot_general3A_39, %dot_general3A_41, %slice3A, %broadcast_in_dim3A_45 in 1 : vector<1000x128xf32>, vector<1000x17xf32>, vector<1000x17xf32>, vector<1000x17xf32>, vector<1000x17xf32>, vector<1000x16xf32>, vector<1000x16xf32>, vector<1000x16xf32>, vector<1000x3xf32>, vector<1000x9xf32> -> vector<1000x256xf32>
    %swap3A = arith.constant 0 : index
    %swap3A_46 = arith.constant 0 : index
    %swap3A_47 = vector.load %arg7[%swap3A, %swap3A_46] : memref<1000x256xf32, #tpu.memory_space<vmem>>, vector<1000x256xf32>
    tpu.vector_store %arg7[%swap3A, %swap3A_46], %concatenate3A {strides = array<i32>} : memref<1000x256xf32, #tpu.memory_space<vmem>>, vector<1000x256xf32>,
    return
  }
  func.func @transform_0(%arg0: i32) -> (i32, i32) {
    %c0_i32 = arith.constant 0 : i32
    %c0_i32_0 = arith.constant 0 : i32
    return %arg0, %c0_i32 : i32, i32
  }
  func.func @transform_1(%arg0: i32) -> (i32, i32, i32) {
    %c0_i32 = arith.constant 0 : i32
    %c0_i32_0 = arith.constant 0 : i32
    %c0_i32_1 = arith.constant 0 : i32
    return %c0_i32, %arg0, %c0_i32_0 : i32, i32, i32
  }
  func.func @transform_2(%arg0: i32) -> (i32, i32) {
    %c0_i32 = arith.constant 0 : i32
    %c0_i32_0 = arith.constant 0 : i32
    return %arg0, %c0_i32 : i32, i32
  }
  func.func @transform_3(%arg0: i32) -> (i32, i32) {
    %c0_i32 = arith.constant 0 : i32
    %c0_i32_0 = arith.constant 0 : i32
    %c0_i32_1 = arith.constant 0 : i32
    return %c0_i32, %c0_i32_0 : i32, i32
  }
  func.func @transform_4(%arg0: i32) -> (i32, i32) {
    %c0_i32 = arith.constant 0 : i32
    %c0_i32_0 = arith.constant 0 : i32
    %c0_i32_1 = arith.constant 0 : i32
    return %c0_i32, %c0_i32_0 : i32, i32
  }
  func.func @transform_5(%arg0: i32) -> (i32, i32) {
    %c0_i32 = arith.constant 0 : i32
    %c0_i32_0 = arith.constant 0 : i32
    %c0_i32_1 = arith.constant 0 : i32
    return %c0_i32, %c0_i32_0 : i32, i32
  }
  func.func @transform_6(%arg0: i32) -> (i32, i32) {
    %c0_i32 = arith.constant 0 : i32
    %c0_i32_0 = arith.constant 0 : i32
    return %arg0, %c0_i32 : i32, i32
  }
}

module attributes {stable_mosaic.version = 14 : i64} {
  func.func @_edge_msg_body(%arg0: i32, %arg1: memref<2048x256xf32, #tpu.memory_space<vmem>>, %arg2: memref<2048x16xf32, #tpu.memory_space<vmem>>, %arg3: memref<5x132xf32, #tpu.memory_space<vmem>>, %arg4: memref<1x17xf32, #tpu.memory_space<vmem>>, %arg5: memref<1x17xf32, #tpu.memory_space<vmem>>, %arg6: memref<1x16xf32, #tpu.memory_space<vmem>>, %arg7: memref<40x128xf32, #tpu.memory_space<vmem>>, %arg8: memref<1x128xf32, #tpu.memory_space<vmem>>, %arg9: memref<128x16xf32, #tpu.memory_space<vmem>>, %arg10: memref<1x16xf32, #tpu.memory_space<vmem>>, %arg11: memref<2048x128xf32, #tpu.memory_space<vmem>>, %arg12: memref<2048x128xf32, #tpu.memory_space<vmem>>) attributes {dimension_semantics = [#tpu.dimension_semantics<arbitrary>], iteration_bounds = array<i64: 20>, scalar_prefetch = 0 : i64, scratch_operands = 0 : i64, tpu.core_type = #tpu.core_type<tc>, window_params = [{transform_indices = @transform_0, window_bounds = array<i64: 2048, 256>}, {transform_indices = @transform_1, window_bounds = array<i64: 2048, 16>}, {pipeline_mode = #tpu.pipeline_mode<synchronous>, transform_indices = @transform_2, window_bounds = array<i64: 5, 132>}, {pipeline_mode = #tpu.pipeline_mode<synchronous>, transform_indices = @transform_3, window_bounds = array<i64: 1, 17>}, {pipeline_mode = #tpu.pipeline_mode<synchronous>, transform_indices = @transform_4, window_bounds = array<i64: 1, 17>}, {pipeline_mode = #tpu.pipeline_mode<synchronous>, transform_indices = @transform_5, window_bounds = array<i64: 1, 16>}, {pipeline_mode = #tpu.pipeline_mode<synchronous>, transform_indices = @transform_6, window_bounds = array<i64: 40, 128>}, {pipeline_mode = #tpu.pipeline_mode<synchronous>, transform_indices = @transform_7, window_bounds = array<i64: 1, 128>}, {pipeline_mode = #tpu.pipeline_mode<synchronous>, transform_indices = @transform_8, window_bounds = array<i64: 128, 16>}, {pipeline_mode = #tpu.pipeline_mode<synchronous>, transform_indices = @transform_9, window_bounds = array<i64: 1, 16>}, {transform_indices = @transform_10, window_bounds = array<i64: 2048, 128>}, {transform_indices = @transform_11, window_bounds = array<i64: 2048, 128>}]} {
    %get3A = arith.constant 0 : index
    %get3A_0 = arith.constant 0 : index
    %get3A_1 = vector.load %arg1[%get3A, %get3A_0] : memref<2048x256xf32, #tpu.memory_space<vmem>>, vector<2048x256xf32>
    %slice3A = vector.extract_strided_slice %get3A_1 {offsets = [0, 244], sizes = [2048, 3], strides = [1, 1]} : vector<2048x256xf32> to vector<2048x3xf32>
    %get3A_2 = arith.constant 0 : index
    %get3A_3 = arith.constant 0 : index
    %get3A_4 = vector.load %arg2[%get3A_2, %get3A_3] : memref<2048x16xf32, #tpu.memory_space<vmem>>, vector<2048x16xf32>
    %slice3A_5 = vector.extract_strided_slice %get3A_4 {offsets = [0, 0], sizes = [2048, 3], strides = [1, 1]} : vector<2048x16xf32> to vector<2048x3xf32>
    %sub3A = arith.subf %slice3A, %slice3A_5 : vector<2048x3xf32>
    %mul3A = arith.mulf %sub3A, %sub3A : vector<2048x3xf32>
    %reduce_sum3A = arith.constant dense<0.000000e+00> : vector<2048xf32>
    %reduce_sum3A_6 = vector.multi_reduction <add>, %mul3A, %reduce_sum3A [1] : vector<2048x3xf32> to vector<2048xf32>
    %broadcast_in_dim3A = vector.shape_cast %reduce_sum3A_6 : vector<2048xf32> to vector<2048x1xf32>
    %max3A = arith.constant 9.99999993E-9 : f32
    %max3A_7 = vector.broadcast %max3A : f32 to vector<2048x1xf32>
    %max3A_8 = arith.maximumf %broadcast_in_dim3A, %max3A_7 : vector<2048x1xf32>
    %sqrt3A = math.sqrt %max3A_8 : vector<2048x1xf32>
    %add3A = arith.constant 9.99999993E-9 : f32
    %add3A_9 = vector.broadcast %add3A : f32 to vector<2048x1xf32>
    %add3A_10 = arith.addf %sqrt3A, %add3A_9 : vector<2048x1xf32>
    %div3A = vector.broadcast %add3A_10 : vector<2048x1xf32> to vector<2048x3xf32>
    %div3A_11 = arith.divf %sub3A, %div3A : vector<2048x3xf32>
    %mul3A_12 = arith.mulf %add3A_10, %add3A_10 : vector<2048x1xf32>
    %div3A_13 = arith.divf %broadcast_in_dim3A, %mul3A_12 : vector<2048x1xf32>
    %concatenate3A = tpu.concatenate %div3A_11, %div3A_13, %add3A_10 in 1 : vector<2048x3xf32>, vector<2048x1xf32>, vector<2048x1xf32> -> vector<2048x5xf32>
    %get3A_14 = arith.constant 0 : index
    %get3A_15 = arith.constant 0 : index
    %get3A_16 = vector.load %arg3[%get3A_14, %get3A_15] : memref<5x132xf32, #tpu.memory_space<vmem>>, vector<5x132xf32>
    %dot_general3A = arith.constant dense<0.000000e+00> : vector<2048x132xf32>
    %dot_general3A_17 = tpu.matmul %concatenate3A, %get3A_16, %dot_general3A {dimension_numbers = #tpu.dot_dimension_numbers<[1], [0], [0], [1], [0, 0, 1, 1], [], []>, transpose_lhs_hint = false} : vector<2048x5xf32>, vector<5x132xf32>, vector<2048x132xf32> -> vector<2048x132xf32>
    %iota3A = tpu.iota {dimensions = array<i32: 1>} : vector<1x16xi32>
    %convert_element_type3A = arith.sitofp %iota3A : vector<1x16xi32> to vector<1x16xf32>
    %mul3A_18 = arith.constant 1.000000e+00 : f32
    %mul3A_19 = vector.broadcast %mul3A_18 : f32 to vector<1x16xf32>
    %mul3A_20 = arith.mulf %convert_element_type3A, %mul3A_19 : vector<1x16xf32>
    %slice3A_21 = vector.extract_strided_slice %dot_general3A_17 {offsets = [0, 116], sizes = [2048, 16], strides = [1, 1]} : vector<2048x132xf32> to vector<2048x16xf32>
    %sub3A_22 = vector.broadcast %mul3A_20 : vector<1x16xf32> to vector<2048x16xf32>
    %sub3A_23 = arith.subf %slice3A_21, %sub3A_22 : vector<2048x16xf32>
    %div3A_24 = arith.constant 9.375000e-01 : f32
    %div3A_25 = vector.broadcast %div3A_24 : f32 to vector<2048x16xf32>
    %div3A_26 = arith.divf %sub3A_23, %div3A_25 : vector<2048x16xf32>
    %mul3A_27 = arith.mulf %div3A_26, %div3A_26 : vector<2048x16xf32>
    %neg3A = arith.constant 0.000000e+00 : f32
    %neg3A_28 = vector.broadcast %neg3A : f32 to vector<2048x16xf32>
    %neg3A_29 = arith.subf %neg3A_28, %mul3A_27 : vector<2048x16xf32>
    %exp3A = math.exp %neg3A_29 : vector<2048x16xf32>
    %slice3A_30 = vector.extract_strided_slice %dot_general3A_17 {offsets = [0, 0], sizes = [2048, 51], strides = [1, 1]} : vector<2048x132xf32> to vector<2048x51xf32>
    %slice3A_31 = vector.extract_strided_slice %get3A_1 {offsets = [0, 128], sizes = [2048, 51], strides = [1, 1]} : vector<2048x256xf32> to vector<2048x51xf32>
    %mul3A_32 = arith.mulf %slice3A_30, %slice3A_31 : vector<2048x51xf32>
    %slice3A_33 = vector.extract_strided_slice %mul3A_32 {offsets = [0, 0], sizes = [2048, 17], strides = [1, 1]} : vector<2048x51xf32> to vector<2048x17xf32>
    %slice3A_34 = vector.extract_strided_slice %mul3A_32 {offsets = [0, 17], sizes = [2048, 17], strides = [1, 1]} : vector<2048x51xf32> to vector<2048x17xf32>
    %add3A_35 = arith.addf %slice3A_33, %slice3A_34 : vector<2048x17xf32>
    %slice3A_36 = vector.extract_strided_slice %mul3A_32 {offsets = [0, 34], sizes = [2048, 17], strides = [1, 1]} : vector<2048x51xf32> to vector<2048x17xf32>
    %add3A_37 = arith.addf %add3A_35, %slice3A_36 : vector<2048x17xf32>
    %slice3A_38 = vector.extract_strided_slice %dot_general3A_17 {offsets = [0, 99], sizes = [2048, 17], strides = [1, 1]} : vector<2048x132xf32> to vector<2048x17xf32>
    %get3A_39 = arith.constant 0 : index
    %get3A_40 = arith.constant 0 : index
    %get3A_41 = vector.load %arg5[%get3A_39, %get3A_40] : memref<1x17xf32, #tpu.memory_space<vmem>>, vector<1x17xf32>
    %mul3A_42 = vector.broadcast %get3A_41 : vector<1x17xf32> to vector<2048x17xf32>
    %mul3A_43 = arith.mulf %slice3A_38, %mul3A_42 : vector<2048x17xf32>
    %get3A_44 = arith.constant 0 : index
    %get3A_45 = arith.constant 0 : index
    %get3A_46 = vector.load %arg4[%get3A_44, %get3A_45] : memref<1x17xf32, #tpu.memory_space<vmem>>, vector<1x17xf32>
    %mul3A_47 = arith.constant 2.000000e+00 : f32
    %mul3A_48 = vector.broadcast %mul3A_47 : f32 to vector<1x17xf32>
    %mul3A_49 = arith.mulf %mul3A_48, %get3A_46 : vector<1x17xf32>
    %mul3A_50 = vector.broadcast %mul3A_49 : vector<1x17xf32> to vector<2048x17xf32>
    %mul3A_51 = arith.mulf %mul3A_50, %add3A_37 : vector<2048x17xf32>
    %add3A_52 = arith.addf %mul3A_43, %mul3A_51 : vector<2048x17xf32>
    %slice3A_53 = vector.extract_strided_slice %get3A_1 {offsets = [0, 179], sizes = [2048, 17], strides = [1, 1]} : vector<2048x256xf32> to vector<2048x17xf32>
    %add3A_54 = arith.addf %add3A_52, %slice3A_53 : vector<2048x17xf32>
    %max3A_55 = arith.constant 9.99999993E-9 : f32
    %max3A_56 = vector.broadcast %max3A_55 : f32 to vector<2048x17xf32>
    %max3A_57 = arith.maximumf %add3A_54, %max3A_56 : vector<2048x17xf32>
    %sqrt3A_58 = math.sqrt %max3A_57 : vector<2048x17xf32>
    %broadcast_in_dim3A_59 = arith.constant 0.000000e+00 : f32
    %broadcast_in_dim3A_60 = vector.broadcast %broadcast_in_dim3A_59 : f32 to vector<2048x7xf32>
    %concatenate3A_61 = tpu.concatenate %exp3A, %sqrt3A_58, %broadcast_in_dim3A_60 in 1 : vector<2048x16xf32>, vector<2048x17xf32>, vector<2048x7xf32> -> vector<2048x40xf32>
    %slice3A_62 = vector.extract_strided_slice %get3A_1 {offsets = [0, 0], sizes = [2048, 128], strides = [1, 1]} : vector<2048x256xf32> to vector<2048x128xf32>
    %get3A_63 = arith.constant 0 : index
    %get3A_64 = arith.constant 0 : index
    %get3A_65 = vector.load %arg7[%get3A_63, %get3A_64] : memref<40x128xf32, #tpu.memory_space<vmem>>, vector<40x128xf32>
    %dot_general3A_66 = arith.constant dense<0.000000e+00> : vector<2048x128xf32>
    %dot_general3A_67 = tpu.matmul %concatenate3A_61, %get3A_65, %dot_general3A_66 {dimension_numbers = #tpu.dot_dimension_numbers<[1], [0], [0], [1], [0, 0, 1, 1], [], []>, transpose_lhs_hint = false} : vector<2048x40xf32>, vector<40x128xf32>, vector<2048x128xf32> -> vector<2048x128xf32>
    %add3A_68 = arith.addf %slice3A_62, %dot_general3A_67 : vector<2048x128xf32>
    %get3A_69 = arith.constant 0 : index
    %get3A_70 = arith.constant 0 : index
    %get3A_71 = vector.load %arg8[%get3A_69, %get3A_70] : memref<1x128xf32, #tpu.memory_space<vmem>>, vector<1x128xf32>
    %add3A_72 = vector.broadcast %get3A_71 : vector<1x128xf32> to vector<2048x128xf32>
    %add3A_73 = arith.addf %add3A_68, %add3A_72 : vector<2048x128xf32>
    %logistic3A = arith.negf %add3A_73 : vector<2048x128xf32>
    %logistic3A_74 = math.exp %logistic3A : vector<2048x128xf32>
    %logistic3A_75 = arith.constant 1.000000e+00 : f32
    %logistic3A_76 = vector.broadcast %logistic3A_75 : f32 to vector<2048x128xf32>
    %logistic3A_77 = arith.addf %logistic3A_76, %logistic3A_74 : vector<2048x128xf32>
    %logistic3A_78 = arith.divf %logistic3A_76, %logistic3A_77 : vector<2048x128xf32>
    %mul3A_79 = arith.mulf %add3A_73, %logistic3A_78 : vector<2048x128xf32>
    %get3A_80 = arith.constant 0 : index
    %get3A_81 = arith.constant 0 : index
    %get3A_82 = vector.load %arg9[%get3A_80, %get3A_81] : memref<128x16xf32, #tpu.memory_space<vmem>>, vector<128x16xf32>
    %dot_general3A_83 = arith.constant dense<0.000000e+00> : vector<2048x16xf32>
    %dot_general3A_84 = tpu.matmul %mul3A_79, %get3A_82, %dot_general3A_83 {dimension_numbers = #tpu.dot_dimension_numbers<[1], [0], [0], [1], [0, 0, 1, 1], [], []>, transpose_lhs_hint = false} : vector<2048x128xf32>, vector<128x16xf32>, vector<2048x16xf32> -> vector<2048x16xf32>
    %get3A_85 = arith.constant 0 : index
    %get3A_86 = arith.constant 0 : index
    %get3A_87 = vector.load %arg10[%get3A_85, %get3A_86] : memref<1x16xf32, #tpu.memory_space<vmem>>, vector<1x16xf32>
    %add3A_88 = vector.broadcast %get3A_87 : vector<1x16xf32> to vector<2048x16xf32>
    %add3A_89 = arith.addf %dot_general3A_84, %add3A_88 : vector<2048x16xf32>
    %logistic3A_90 = arith.negf %add3A_89 : vector<2048x16xf32>
    %logistic3A_91 = math.exp %logistic3A_90 : vector<2048x16xf32>
    %logistic3A_92 = arith.constant 1.000000e+00 : f32
    %logistic3A_93 = vector.broadcast %logistic3A_92 : f32 to vector<2048x16xf32>
    %logistic3A_94 = arith.addf %logistic3A_93, %logistic3A_91 : vector<2048x16xf32>
    %logistic3A_95 = arith.divf %logistic3A_93, %logistic3A_94 : vector<2048x16xf32>
    %get3A_96 = arith.constant 0 : index
    %get3A_97 = arith.constant 0 : index
    %get3A_98 = vector.load %arg6[%get3A_96, %get3A_97] : memref<1x16xf32, #tpu.memory_space<vmem>>, vector<1x16xf32>
    %slice3A_99 = vector.extract_strided_slice %dot_general3A_17 {offsets = [0, 51], sizes = [2048, 16], strides = [1, 1]} : vector<2048x132xf32> to vector<2048x16xf32>
    %mul3A_100 = vector.broadcast %get3A_98 : vector<1x16xf32> to vector<2048x16xf32>
    %mul3A_101 = arith.mulf %slice3A_99, %mul3A_100 : vector<2048x16xf32>
    %slice3A_102 = vector.extract_strided_slice %get3A_1 {offsets = [0, 196], sizes = [2048, 16], strides = [1, 1]} : vector<2048x256xf32> to vector<2048x16xf32>
    %add3A_103 = arith.addf %mul3A_101, %slice3A_102 : vector<2048x16xf32>
    %mul3A_104 = arith.mulf %logistic3A_95, %add3A_103 : vector<2048x16xf32>
    %slice3A_105 = vector.extract_strided_slice %dot_general3A_17 {offsets = [0, 67], sizes = [2048, 16], strides = [1, 1]} : vector<2048x132xf32> to vector<2048x16xf32>
    %mul3A_106 = vector.broadcast %get3A_98 : vector<1x16xf32> to vector<2048x16xf32>
    %mul3A_107 = arith.mulf %slice3A_105, %mul3A_106 : vector<2048x16xf32>
    %slice3A_108 = vector.extract_strided_slice %get3A_1 {offsets = [0, 212], sizes = [2048, 16], strides = [1, 1]} : vector<2048x256xf32> to vector<2048x16xf32>
    %add3A_109 = arith.addf %mul3A_107, %slice3A_108 : vector<2048x16xf32>
    %mul3A_110 = arith.mulf %logistic3A_95, %add3A_109 : vector<2048x16xf32>
    %slice3A_111 = vector.extract_strided_slice %dot_general3A_17 {offsets = [0, 83], sizes = [2048, 16], strides = [1, 1]} : vector<2048x132xf32> to vector<2048x16xf32>
    %mul3A_112 = vector.broadcast %get3A_98 : vector<1x16xf32> to vector<2048x16xf32>
    %mul3A_113 = arith.mulf %slice3A_111, %mul3A_112 : vector<2048x16xf32>
    %slice3A_114 = vector.extract_strided_slice %get3A_1 {offsets = [0, 228], sizes = [2048, 16], strides = [1, 1]} : vector<2048x256xf32> to vector<2048x16xf32>
    %add3A_115 = arith.addf %mul3A_113, %slice3A_114 : vector<2048x16xf32>
    %mul3A_116 = arith.mulf %logistic3A_95, %add3A_115 : vector<2048x16xf32>
    %mul3A_117 = arith.constant 2048 : i32
    %mul3A_118 = arith.muli %arg0, %mul3A_117 : i32
    %add3A_119 = arith.constant 0 : i32
    %add3A_120 = arith.addi %add3A_119, %mul3A_118 : i32
    %iota3A_121 = tpu.iota {dimensions = array<i32: 0>} : vector<2048x1xi32>
    %add3A_122 = vector.broadcast %add3A_120 : i32 to vector<2048x1xi32>
    %add3A_123 = arith.addi %add3A_122, %iota3A_121 : vector<2048x1xi32>
    %lt3A = arith.constant 160000 : i32
    %lt3A_124 = vector.broadcast %lt3A : i32 to vector<2048x1xi32>
    %lt3A_125 = arith.cmpi slt, %add3A_123, %lt3A_124 : vector<2048x1xi32>
    %convert_element_type3A_126 = arith.extui %lt3A_125 : vector<2048x1xi1> to vector<2048x1xi32>
    %convert_element_type3A_127 = arith.sitofp %convert_element_type3A_126 : vector<2048x1xi32> to vector<2048x1xf32>
    %mul3A_128 = vector.broadcast %convert_element_type3A_127 : vector<2048x1xf32> to vector<2048x128xf32>
    %mul3A_129 = arith.mulf %mul3A_79, %mul3A_128 : vector<2048x128xf32>
    %swap3A = arith.constant 0 : index
    %swap3A_130 = arith.constant 0 : index
    %swap3A_131 = vector.load %arg11[%swap3A, %swap3A_130] : memref<2048x128xf32, #tpu.memory_space<vmem>>, vector<2048x128xf32>
    tpu.vector_store %arg11[%swap3A, %swap3A_130], %mul3A_129 {strides = array<i32>} : memref<2048x128xf32, #tpu.memory_space<vmem>>, vector<2048x128xf32>,
    %broadcast_in_dim3A_132 = arith.constant 0.000000e+00 : f32
    %broadcast_in_dim3A_133 = vector.broadcast %broadcast_in_dim3A_132 : f32 to vector<2048x80xf32>
    %concatenate3A_134 = tpu.concatenate %mul3A_104, %mul3A_110, %mul3A_116, %broadcast_in_dim3A_133 in 1 : vector<2048x16xf32>, vector<2048x16xf32>, vector<2048x16xf32>, vector<2048x80xf32> -> vector<2048x128xf32>
    %mul3A_135 = vector.broadcast %convert_element_type3A_127 : vector<2048x1xf32> to vector<2048x128xf32>
    %mul3A_136 = arith.mulf %concatenate3A_134, %mul3A_135 : vector<2048x128xf32>
    %swap3A_137 = arith.constant 0 : index
    %swap3A_138 = arith.constant 0 : index
    %swap3A_139 = vector.load %arg12[%swap3A_137, %swap3A_138] : memref<2048x128xf32, #tpu.memory_space<vmem>>, vector<2048x128xf32>
    tpu.vector_store %arg12[%swap3A_137, %swap3A_138], %mul3A_136 {strides = array<i32>} : memref<2048x128xf32, #tpu.memory_space<vmem>>, vector<2048x128xf32>,
    return
  }
  func.func @transform_0(%arg0: i32) -> (i32, i32) {
    %c0_i32 = arith.constant 0 : i32
    %c0_i32_0 = arith.constant 0 : i32
    return %arg0, %c0_i32 : i32, i32
  }
  func.func @transform_1(%arg0: i32) -> (i32, i32) {
    %add3A = arith.constant 0 : i32
    %add3A_0 = arith.addi %arg0, %add3A : i32
    %c0_i32 = arith.constant 0 : i32
    %c0_i32_1 = arith.constant 0 : i32
    return %add3A_0, %c0_i32 : i32, i32
  }
  func.func @transform_2(%arg0: i32) -> (i32, i32) {
    %c0_i32 = arith.constant 0 : i32
    %c0_i32_0 = arith.constant 0 : i32
    %c0_i32_1 = arith.constant 0 : i32
    return %c0_i32, %c0_i32_0 : i32, i32
  }
  func.func @transform_3(%arg0: i32) -> (i32, i32) {
    %c0_i32 = arith.constant 0 : i32
    %c0_i32_0 = arith.constant 0 : i32
    %c0_i32_1 = arith.constant 0 : i32
    return %c0_i32, %c0_i32_0 : i32, i32
  }
  func.func @transform_4(%arg0: i32) -> (i32, i32) {
    %c0_i32 = arith.constant 0 : i32
    %c0_i32_0 = arith.constant 0 : i32
    %c0_i32_1 = arith.constant 0 : i32
    return %c0_i32, %c0_i32_0 : i32, i32
  }
  func.func @transform_5(%arg0: i32) -> (i32, i32) {
    %c0_i32 = arith.constant 0 : i32
    %c0_i32_0 = arith.constant 0 : i32
    %c0_i32_1 = arith.constant 0 : i32
    return %c0_i32, %c0_i32_0 : i32, i32
  }
  func.func @transform_6(%arg0: i32) -> (i32, i32) {
    %c0_i32 = arith.constant 0 : i32
    %c0_i32_0 = arith.constant 0 : i32
    %c0_i32_1 = arith.constant 0 : i32
    return %c0_i32, %c0_i32_0 : i32, i32
  }
  func.func @transform_7(%arg0: i32) -> (i32, i32) {
    %c0_i32 = arith.constant 0 : i32
    %c0_i32_0 = arith.constant 0 : i32
    %c0_i32_1 = arith.constant 0 : i32
    return %c0_i32, %c0_i32_0 : i32, i32
  }
  func.func @transform_8(%arg0: i32) -> (i32, i32) {
    %c0_i32 = arith.constant 0 : i32
    %c0_i32_0 = arith.constant 0 : i32
    %c0_i32_1 = arith.constant 0 : i32
    return %c0_i32, %c0_i32_0 : i32, i32
  }
  func.func @transform_9(%arg0: i32) -> (i32, i32) {
    %c0_i32 = arith.constant 0 : i32
    %c0_i32_0 = arith.constant 0 : i32
    %c0_i32_1 = arith.constant 0 : i32
    return %c0_i32, %c0_i32_0 : i32, i32
  }
  func.func @transform_10(%arg0: i32) -> (i32, i32) {
    %add3A = arith.constant 0 : i32
    %add3A_0 = arith.addi %arg0, %add3A : i32
    %c0_i32 = arith.constant 0 : i32
    %c0_i32_1 = arith.constant 0 : i32
    return %add3A_0, %c0_i32 : i32, i32
  }
  func.func @transform_11(%arg0: i32) -> (i32, i32) {
    %add3A = arith.constant 0 : i32
    %add3A_0 = arith.addi %arg0, %add3A : i32
    %c0_i32 = arith.constant 0 : i32
    %c0_i32_1 = arith.constant 0 : i32
    return %add3A_0, %c0_i32 : i32, i32
  }
}

module attributes {stable_mosaic.version = 14 : i64} {
  func.func @_edge_msg_body(%arg0: i32, %arg1: memref<8x128xf32, #tpu.memory_space<vmem>>, %arg2: memref<8x128xf32, #tpu.memory_space<vmem>>, %arg3: memref<2048x256xf32, #tpu.memory_space<vmem>>, %arg4: memref<2048x16xf32, #tpu.memory_space<vmem>>, %arg5: memref<5x132xf32, #tpu.memory_space<vmem>>, %arg6: memref<1x17xf32, #tpu.memory_space<vmem>>, %arg7: memref<1x17xf32, #tpu.memory_space<vmem>>, %arg8: memref<1x16xf32, #tpu.memory_space<vmem>>, %arg9: memref<40x128xf32, #tpu.memory_space<vmem>>, %arg10: memref<1x128xf32, #tpu.memory_space<vmem>>, %arg11: memref<128x16xf32, #tpu.memory_space<vmem>>, %arg12: memref<1x16xf32, #tpu.memory_space<vmem>>, %arg13: memref<2048x128xf32, #tpu.memory_space<vmem>>, %arg14: memref<2048x128xf32, #tpu.memory_space<vmem>>) attributes {dimension_semantics = [#tpu.dimension_semantics<arbitrary>], iteration_bounds = array<i64: 20>, scalar_prefetch = 0 : i64, scratch_operands = 0 : i64, tpu.core_type = #tpu.core_type<tc>, window_params = [{transform_indices = @transform_0, window_bounds = array<i64: 8, 128>}, {transform_indices = @transform_1, window_bounds = array<i64: 8, 128>}, {transform_indices = @transform_2, window_bounds = array<i64: 2048, 256>}, {transform_indices = @transform_3, window_bounds = array<i64: 2048, 16>}, {pipeline_mode = #tpu.pipeline_mode<synchronous>, transform_indices = @transform_4, window_bounds = array<i64: 5, 132>}, {pipeline_mode = #tpu.pipeline_mode<synchronous>, transform_indices = @transform_5, window_bounds = array<i64: 1, 17>}, {pipeline_mode = #tpu.pipeline_mode<synchronous>, transform_indices = @transform_6, window_bounds = array<i64: 1, 17>}, {pipeline_mode = #tpu.pipeline_mode<synchronous>, transform_indices = @transform_7, window_bounds = array<i64: 1, 16>}, {pipeline_mode = #tpu.pipeline_mode<synchronous>, transform_indices = @transform_8, window_bounds = array<i64: 40, 128>}, {pipeline_mode = #tpu.pipeline_mode<synchronous>, transform_indices = @transform_9, window_bounds = array<i64: 1, 128>}, {pipeline_mode = #tpu.pipeline_mode<synchronous>, transform_indices = @transform_10, window_bounds = array<i64: 128, 16>}, {pipeline_mode = #tpu.pipeline_mode<synchronous>, transform_indices = @transform_11, window_bounds = array<i64: 1, 16>}, {transform_indices = @transform_12, window_bounds = array<i64: 2048, 128>}, {transform_indices = @transform_13, window_bounds = array<i64: 2048, 128>}]} {
    %get3A = arith.constant 0 : index
    %get3A_0 = arith.constant 0 : index
    %get3A_1 = vector.load %arg3[%get3A, %get3A_0] : memref<2048x256xf32, #tpu.memory_space<vmem>>, vector<2048x256xf32>
    %slice3A = vector.extract_strided_slice %get3A_1 {offsets = [0, 244], sizes = [2048, 3], strides = [1, 1]} : vector<2048x256xf32> to vector<2048x3xf32>
    %get3A_2 = arith.constant 0 : index
    %get3A_3 = arith.constant 0 : index
    %get3A_4 = vector.load %arg4[%get3A_2, %get3A_3] : memref<2048x16xf32, #tpu.memory_space<vmem>>, vector<2048x16xf32>
    %slice3A_5 = vector.extract_strided_slice %get3A_4 {offsets = [0, 0], sizes = [2048, 3], strides = [1, 1]} : vector<2048x16xf32> to vector<2048x3xf32>
    %sub3A = arith.subf %slice3A, %slice3A_5 : vector<2048x3xf32>
    %mul3A = arith.mulf %sub3A, %sub3A : vector<2048x3xf32>
    %reduce_sum3A = arith.constant dense<0.000000e+00> : vector<2048xf32>
    %reduce_sum3A_6 = vector.multi_reduction <add>, %mul3A, %reduce_sum3A [1] : vector<2048x3xf32> to vector<2048xf32>
    %broadcast_in_dim3A = vector.shape_cast %reduce_sum3A_6 : vector<2048xf32> to vector<2048x1xf32>
    %max3A = arith.constant 9.99999993E-9 : f32
    %max3A_7 = vector.broadcast %max3A : f32 to vector<2048x1xf32>
    %max3A_8 = arith.maximumf %broadcast_in_dim3A, %max3A_7 : vector<2048x1xf32>
    %sqrt3A = math.sqrt %max3A_8 : vector<2048x1xf32>
    %add3A = arith.constant 9.99999993E-9 : f32
    %add3A_9 = vector.broadcast %add3A : f32 to vector<2048x1xf32>
    %add3A_10 = arith.addf %sqrt3A, %add3A_9 : vector<2048x1xf32>
    %div3A = vector.broadcast %add3A_10 : vector<2048x1xf32> to vector<2048x3xf32>
    %div3A_11 = arith.divf %sub3A, %div3A : vector<2048x3xf32>
    %mul3A_12 = arith.mulf %add3A_10, %add3A_10 : vector<2048x1xf32>
    %div3A_13 = arith.divf %broadcast_in_dim3A, %mul3A_12 : vector<2048x1xf32>
    %concatenate3A = tpu.concatenate %div3A_11, %div3A_13, %add3A_10 in 1 : vector<2048x3xf32>, vector<2048x1xf32>, vector<2048x1xf32> -> vector<2048x5xf32>
    %get3A_14 = arith.constant 0 : index
    %get3A_15 = arith.constant 0 : index
    %get3A_16 = vector.load %arg5[%get3A_14, %get3A_15] : memref<5x132xf32, #tpu.memory_space<vmem>>, vector<5x132xf32>
    %dot_general3A = arith.constant dense<0.000000e+00> : vector<2048x132xf32>
    %dot_general3A_17 = tpu.matmul %concatenate3A, %get3A_16, %dot_general3A {dimension_numbers = #tpu.dot_dimension_numbers<[1], [0], [0], [1], [0, 0, 1, 1], [], []>, transpose_lhs_hint = false} : vector<2048x5xf32>, vector<5x132xf32>, vector<2048x132xf32> -> vector<2048x132xf32>
    %iota3A = tpu.iota {dimensions = array<i32: 1>} : vector<1x16xi32>
    %convert_element_type3A = arith.sitofp %iota3A : vector<1x16xi32> to vector<1x16xf32>
    %mul3A_18 = arith.constant 1.000000e+00 : f32
    %mul3A_19 = vector.broadcast %mul3A_18 : f32 to vector<1x16xf32>
    %mul3A_20 = arith.mulf %convert_element_type3A, %mul3A_19 : vector<1x16xf32>
    %slice3A_21 = vector.extract_strided_slice %dot_general3A_17 {offsets = [0, 116], sizes = [2048, 16], strides = [1, 1]} : vector<2048x132xf32> to vector<2048x16xf32>
    %sub3A_22 = vector.broadcast %mul3A_20 : vector<1x16xf32> to vector<2048x16xf32>
    %sub3A_23 = arith.subf %slice3A_21, %sub3A_22 : vector<2048x16xf32>
    %div3A_24 = arith.constant 9.375000e-01 : f32
    %div3A_25 = vector.broadcast %div3A_24 : f32 to vector<2048x16xf32>
    %div3A_26 = arith.divf %sub3A_23, %div3A_25 : vector<2048x16xf32>
    %mul3A_27 = arith.mulf %div3A_26, %div3A_26 : vector<2048x16xf32>
    %neg3A = arith.constant 0.000000e+00 : f32
    %neg3A_28 = vector.broadcast %neg3A : f32 to vector<2048x16xf32>
    %neg3A_29 = arith.subf %neg3A_28, %mul3A_27 : vector<2048x16xf32>
    %exp3A = math.exp %neg3A_29 : vector<2048x16xf32>
    %slice3A_30 = vector.extract_strided_slice %dot_general3A_17 {offsets = [0, 0], sizes = [2048, 51], strides = [1, 1]} : vector<2048x132xf32> to vector<2048x51xf32>
    %slice3A_31 = vector.extract_strided_slice %get3A_1 {offsets = [0, 128], sizes = [2048, 51], strides = [1, 1]} : vector<2048x256xf32> to vector<2048x51xf32>
    %mul3A_32 = arith.mulf %slice3A_30, %slice3A_31 : vector<2048x51xf32>
    %slice3A_33 = vector.extract_strided_slice %mul3A_32 {offsets = [0, 0], sizes = [2048, 17], strides = [1, 1]} : vector<2048x51xf32> to vector<2048x17xf32>
    %slice3A_34 = vector.extract_strided_slice %mul3A_32 {offsets = [0, 17], sizes = [2048, 17], strides = [1, 1]} : vector<2048x51xf32> to vector<2048x17xf32>
    %add3A_35 = arith.addf %slice3A_33, %slice3A_34 : vector<2048x17xf32>
    %slice3A_36 = vector.extract_strided_slice %mul3A_32 {offsets = [0, 34], sizes = [2048, 17], strides = [1, 1]} : vector<2048x51xf32> to vector<2048x17xf32>
    %add3A_37 = arith.addf %add3A_35, %slice3A_36 : vector<2048x17xf32>
    %slice3A_38 = vector.extract_strided_slice %dot_general3A_17 {offsets = [0, 99], sizes = [2048, 17], strides = [1, 1]} : vector<2048x132xf32> to vector<2048x17xf32>
    %get3A_39 = arith.constant 0 : index
    %get3A_40 = arith.constant 0 : index
    %get3A_41 = vector.load %arg7[%get3A_39, %get3A_40] : memref<1x17xf32, #tpu.memory_space<vmem>>, vector<1x17xf32>
    %mul3A_42 = vector.broadcast %get3A_41 : vector<1x17xf32> to vector<2048x17xf32>
    %mul3A_43 = arith.mulf %slice3A_38, %mul3A_42 : vector<2048x17xf32>
    %get3A_44 = arith.constant 0 : index
    %get3A_45 = arith.constant 0 : index
    %get3A_46 = vector.load %arg6[%get3A_44, %get3A_45] : memref<1x17xf32, #tpu.memory_space<vmem>>, vector<1x17xf32>
    %mul3A_47 = arith.constant 2.000000e+00 : f32
    %mul3A_48 = vector.broadcast %mul3A_47 : f32 to vector<1x17xf32>
    %mul3A_49 = arith.mulf %mul3A_48, %get3A_46 : vector<1x17xf32>
    %mul3A_50 = vector.broadcast %mul3A_49 : vector<1x17xf32> to vector<2048x17xf32>
    %mul3A_51 = arith.mulf %mul3A_50, %add3A_37 : vector<2048x17xf32>
    %add3A_52 = arith.addf %mul3A_43, %mul3A_51 : vector<2048x17xf32>
    %slice3A_53 = vector.extract_strided_slice %get3A_1 {offsets = [0, 179], sizes = [2048, 17], strides = [1, 1]} : vector<2048x256xf32> to vector<2048x17xf32>
    %add3A_54 = arith.addf %add3A_52, %slice3A_53 : vector<2048x17xf32>
    %max3A_55 = arith.constant 9.99999993E-9 : f32
    %max3A_56 = vector.broadcast %max3A_55 : f32 to vector<2048x17xf32>
    %max3A_57 = arith.maximumf %add3A_54, %max3A_56 : vector<2048x17xf32>
    %sqrt3A_58 = math.sqrt %max3A_57 : vector<2048x17xf32>
    %broadcast_in_dim3A_59 = arith.constant 0.000000e+00 : f32
    %broadcast_in_dim3A_60 = vector.broadcast %broadcast_in_dim3A_59 : f32 to vector<2048x7xf32>
    %concatenate3A_61 = tpu.concatenate %exp3A, %sqrt3A_58, %broadcast_in_dim3A_60 in 1 : vector<2048x16xf32>, vector<2048x17xf32>, vector<2048x7xf32> -> vector<2048x40xf32>
    %slice3A_62 = vector.extract_strided_slice %get3A_1 {offsets = [0, 0], sizes = [2048, 128], strides = [1, 1]} : vector<2048x256xf32> to vector<2048x128xf32>
    %get3A_63 = arith.constant 0 : index
    %get3A_64 = arith.constant 0 : index
    %get3A_65 = vector.load %arg9[%get3A_63, %get3A_64] : memref<40x128xf32, #tpu.memory_space<vmem>>, vector<40x128xf32>
    %dot_general3A_66 = arith.constant dense<0.000000e+00> : vector<2048x128xf32>
    %dot_general3A_67 = tpu.matmul %concatenate3A_61, %get3A_65, %dot_general3A_66 {dimension_numbers = #tpu.dot_dimension_numbers<[1], [0], [0], [1], [0, 0, 1, 1], [], []>, transpose_lhs_hint = false} : vector<2048x40xf32>, vector<40x128xf32>, vector<2048x128xf32> -> vector<2048x128xf32>
    %add3A_68 = arith.addf %slice3A_62, %dot_general3A_67 : vector<2048x128xf32>
    %get3A_69 = arith.constant 0 : index
    %get3A_70 = arith.constant 0 : index
    %get3A_71 = vector.load %arg10[%get3A_69, %get3A_70] : memref<1x128xf32, #tpu.memory_space<vmem>>, vector<1x128xf32>
    %add3A_72 = vector.broadcast %get3A_71 : vector<1x128xf32> to vector<2048x128xf32>
    %add3A_73 = arith.addf %add3A_68, %add3A_72 : vector<2048x128xf32>
    %logistic3A = arith.negf %add3A_73 : vector<2048x128xf32>
    %logistic3A_74 = math.exp %logistic3A : vector<2048x128xf32>
    %logistic3A_75 = arith.constant 1.000000e+00 : f32
    %logistic3A_76 = vector.broadcast %logistic3A_75 : f32 to vector<2048x128xf32>
    %logistic3A_77 = arith.addf %logistic3A_76, %logistic3A_74 : vector<2048x128xf32>
    %logistic3A_78 = arith.divf %logistic3A_76, %logistic3A_77 : vector<2048x128xf32>
    %mul3A_79 = arith.mulf %add3A_73, %logistic3A_78 : vector<2048x128xf32>
    %get3A_80 = arith.constant 0 : index
    %get3A_81 = arith.constant 0 : index
    %get3A_82 = vector.load %arg11[%get3A_80, %get3A_81] : memref<128x16xf32, #tpu.memory_space<vmem>>, vector<128x16xf32>
    %dot_general3A_83 = arith.constant dense<0.000000e+00> : vector<2048x16xf32>
    %dot_general3A_84 = tpu.matmul %mul3A_79, %get3A_82, %dot_general3A_83 {dimension_numbers = #tpu.dot_dimension_numbers<[1], [0], [0], [1], [0, 0, 1, 1], [], []>, transpose_lhs_hint = false} : vector<2048x128xf32>, vector<128x16xf32>, vector<2048x16xf32> -> vector<2048x16xf32>
    %get3A_85 = arith.constant 0 : index
    %get3A_86 = arith.constant 0 : index
    %get3A_87 = vector.load %arg12[%get3A_85, %get3A_86] : memref<1x16xf32, #tpu.memory_space<vmem>>, vector<1x16xf32>
    %add3A_88 = vector.broadcast %get3A_87 : vector<1x16xf32> to vector<2048x16xf32>
    %add3A_89 = arith.addf %dot_general3A_84, %add3A_88 : vector<2048x16xf32>
    %logistic3A_90 = arith.negf %add3A_89 : vector<2048x16xf32>
    %logistic3A_91 = math.exp %logistic3A_90 : vector<2048x16xf32>
    %logistic3A_92 = arith.constant 1.000000e+00 : f32
    %logistic3A_93 = vector.broadcast %logistic3A_92 : f32 to vector<2048x16xf32>
    %logistic3A_94 = arith.addf %logistic3A_93, %logistic3A_91 : vector<2048x16xf32>
    %logistic3A_95 = arith.divf %logistic3A_93, %logistic3A_94 : vector<2048x16xf32>
    %get3A_96 = arith.constant 0 : index
    %get3A_97 = arith.constant 0 : index
    %get3A_98 = vector.load %arg8[%get3A_96, %get3A_97] : memref<1x16xf32, #tpu.memory_space<vmem>>, vector<1x16xf32>
    %slice3A_99 = vector.extract_strided_slice %dot_general3A_17 {offsets = [0, 51], sizes = [2048, 16], strides = [1, 1]} : vector<2048x132xf32> to vector<2048x16xf32>
    %mul3A_100 = vector.broadcast %get3A_98 : vector<1x16xf32> to vector<2048x16xf32>
    %mul3A_101 = arith.mulf %slice3A_99, %mul3A_100 : vector<2048x16xf32>
    %slice3A_102 = vector.extract_strided_slice %get3A_1 {offsets = [0, 196], sizes = [2048, 16], strides = [1, 1]} : vector<2048x256xf32> to vector<2048x16xf32>
    %add3A_103 = arith.addf %mul3A_101, %slice3A_102 : vector<2048x16xf32>
    %mul3A_104 = arith.mulf %logistic3A_95, %add3A_103 : vector<2048x16xf32>
    %slice3A_105 = vector.extract_strided_slice %dot_general3A_17 {offsets = [0, 67], sizes = [2048, 16], strides = [1, 1]} : vector<2048x132xf32> to vector<2048x16xf32>
    %mul3A_106 = vector.broadcast %get3A_98 : vector<1x16xf32> to vector<2048x16xf32>
    %mul3A_107 = arith.mulf %slice3A_105, %mul3A_106 : vector<2048x16xf32>
    %slice3A_108 = vector.extract_strided_slice %get3A_1 {offsets = [0, 212], sizes = [2048, 16], strides = [1, 1]} : vector<2048x256xf32> to vector<2048x16xf32>
    %add3A_109 = arith.addf %mul3A_107, %slice3A_108 : vector<2048x16xf32>
    %mul3A_110 = arith.mulf %logistic3A_95, %add3A_109 : vector<2048x16xf32>
    %slice3A_111 = vector.extract_strided_slice %dot_general3A_17 {offsets = [0, 83], sizes = [2048, 16], strides = [1, 1]} : vector<2048x132xf32> to vector<2048x16xf32>
    %mul3A_112 = vector.broadcast %get3A_98 : vector<1x16xf32> to vector<2048x16xf32>
    %mul3A_113 = arith.mulf %slice3A_111, %mul3A_112 : vector<2048x16xf32>
    %slice3A_114 = vector.extract_strided_slice %get3A_1 {offsets = [0, 228], sizes = [2048, 16], strides = [1, 1]} : vector<2048x256xf32> to vector<2048x16xf32>
    %add3A_115 = arith.addf %mul3A_113, %slice3A_114 : vector<2048x16xf32>
    %mul3A_116 = arith.mulf %logistic3A_95, %add3A_115 : vector<2048x16xf32>
    %mul3A_117 = arith.constant 2048 : i32
    %mul3A_118 = arith.muli %arg0, %mul3A_117 : i32
    %add3A_119 = arith.constant 40960 : i32
    %add3A_120 = arith.addi %add3A_119, %mul3A_118 : i32
    %iota3A_121 = tpu.iota {dimensions = array<i32: 0>} : vector<2048x1xi32>
    %add3A_122 = vector.broadcast %add3A_120 : i32 to vector<2048x1xi32>
    %add3A_123 = arith.addi %add3A_122, %iota3A_121 : vector<2048x1xi32>
    %lt3A = arith.constant 160000 : i32
    %lt3A_124 = vector.broadcast %lt3A : i32 to vector<2048x1xi32>
    %lt3A_125 = arith.cmpi slt, %add3A_123, %lt3A_124 : vector<2048x1xi32>
    %convert_element_type3A_126 = arith.extui %lt3A_125 : vector<2048x1xi1> to vector<2048x1xi32>
    %convert_element_type3A_127 = arith.sitofp %convert_element_type3A_126 : vector<2048x1xi32> to vector<2048x1xf32>
    %mul3A_128 = vector.broadcast %convert_element_type3A_127 : vector<2048x1xf32> to vector<2048x128xf32>
    %mul3A_129 = arith.mulf %mul3A_79, %mul3A_128 : vector<2048x128xf32>
    %swap3A = arith.constant 0 : index
    %swap3A_130 = arith.constant 0 : index
    %swap3A_131 = vector.load %arg13[%swap3A, %swap3A_130] : memref<2048x128xf32, #tpu.memory_space<vmem>>, vector<2048x128xf32>
    tpu.vector_store %arg13[%swap3A, %swap3A_130], %mul3A_129 {strides = array<i32>} : memref<2048x128xf32, #tpu.memory_space<vmem>>, vector<2048x128xf32>,
    %broadcast_in_dim3A_132 = arith.constant 0.000000e+00 : f32
    %broadcast_in_dim3A_133 = vector.broadcast %broadcast_in_dim3A_132 : f32 to vector<2048x80xf32>
    %concatenate3A_134 = tpu.concatenate %mul3A_104, %mul3A_110, %mul3A_116, %broadcast_in_dim3A_133 in 1 : vector<2048x16xf32>, vector<2048x16xf32>, vector<2048x16xf32>, vector<2048x80xf32> -> vector<2048x128xf32>
    %mul3A_135 = vector.broadcast %convert_element_type3A_127 : vector<2048x1xf32> to vector<2048x128xf32>
    %mul3A_136 = arith.mulf %concatenate3A_134, %mul3A_135 : vector<2048x128xf32>
    %swap3A_137 = arith.constant 0 : index
    %swap3A_138 = arith.constant 0 : index
    %swap3A_139 = vector.load %arg14[%swap3A_137, %swap3A_138] : memref<2048x128xf32, #tpu.memory_space<vmem>>, vector<2048x128xf32>
    tpu.vector_store %arg14[%swap3A_137, %swap3A_138], %mul3A_136 {strides = array<i32>} : memref<2048x128xf32, #tpu.memory_space<vmem>>, vector<2048x128xf32>,
    return
  }
  func.func @transform_0(%arg0: i32) -> (i32, i32) {
    %c0_i32 = arith.constant 0 : i32
    %c0_i32_0 = arith.constant 0 : i32
    %c0_i32_1 = arith.constant 0 : i32
    return %c0_i32, %c0_i32_0 : i32, i32
  }
  func.func @transform_1(%arg0: i32) -> (i32, i32) {
    %c0_i32 = arith.constant 0 : i32
    %c0_i32_0 = arith.constant 0 : i32
    %c0_i32_1 = arith.constant 0 : i32
    return %c0_i32, %c0_i32_0 : i32, i32
  }
  func.func @transform_2(%arg0: i32) -> (i32, i32) {
    %c0_i32 = arith.constant 0 : i32
    %c0_i32_0 = arith.constant 0 : i32
    return %arg0, %c0_i32 : i32, i32
  }
  func.func @transform_3(%arg0: i32) -> (i32, i32) {
    %add3A = arith.constant 20 : i32
    %add3A_0 = arith.addi %arg0, %add3A : i32
    %c0_i32 = arith.constant 0 : i32
    %c0_i32_1 = arith.constant 0 : i32
    return %add3A_0, %c0_i32 : i32, i32
  }
  func.func @transform_4(%arg0: i32) -> (i32, i32) {
    %c0_i32 = arith.constant 0 : i32
    %c0_i32_0 = arith.constant 0 : i32
    %c0_i32_1 = arith.constant 0 : i32
    return %c0_i32, %c0_i32_0 : i32, i32
  }
  func.func @transform_5(%arg0: i32) -> (i32, i32) {
    %c0_i32 = arith.constant 0 : i32
    %c0_i32_0 = arith.constant 0 : i32
    %c0_i32_1 = arith.constant 0 : i32
    return %c0_i32, %c0_i32_0 : i32, i32
  }
  func.func @transform_6(%arg0: i32) -> (i32, i32) {
    %c0_i32 = arith.constant 0 : i32
    %c0_i32_0 = arith.constant 0 : i32
    %c0_i32_1 = arith.constant 0 : i32
    return %c0_i32, %c0_i32_0 : i32, i32
  }
  func.func @transform_7(%arg0: i32) -> (i32, i32) {
    %c0_i32 = arith.constant 0 : i32
    %c0_i32_0 = arith.constant 0 : i32
    %c0_i32_1 = arith.constant 0 : i32
    return %c0_i32, %c0_i32_0 : i32, i32
  }
  func.func @transform_8(%arg0: i32) -> (i32, i32) {
    %c0_i32 = arith.constant 0 : i32
    %c0_i32_0 = arith.constant 0 : i32
    %c0_i32_1 = arith.constant 0 : i32
    return %c0_i32, %c0_i32_0 : i32, i32
  }
  func.func @transform_9(%arg0: i32) -> (i32, i32) {
    %c0_i32 = arith.constant 0 : i32
    %c0_i32_0 = arith.constant 0 : i32
    %c0_i32_1 = arith.constant 0 : i32
    return %c0_i32, %c0_i32_0 : i32, i32
  }
  func.func @transform_10(%arg0: i32) -> (i32, i32) {
    %c0_i32 = arith.constant 0 : i32
    %c0_i32_0 = arith.constant 0 : i32
    %c0_i32_1 = arith.constant 0 : i32
    return %c0_i32, %c0_i32_0 : i32, i32
  }
  func.func @transform_11(%arg0: i32) -> (i32, i32) {
    %c0_i32 = arith.constant 0 : i32
    %c0_i32_0 = arith.constant 0 : i32
    %c0_i32_1 = arith.constant 0 : i32
    return %c0_i32, %c0_i32_0 : i32, i32
  }
  func.func @transform_12(%arg0: i32) -> (i32, i32) {
    %add3A = arith.constant 20 : i32
    %add3A_0 = arith.addi %arg0, %add3A : i32
    %c0_i32 = arith.constant 0 : i32
    %c0_i32_1 = arith.constant 0 : i32
    return %add3A_0, %c0_i32 : i32, i32
  }
  func.func @transform_13(%arg0: i32) -> (i32, i32) {
    %add3A = arith.constant 20 : i32
    %add3A_0 = arith.addi %arg0, %add3A : i32
    %c0_i32 = arith.constant 0 : i32
    %c0_i32_1 = arith.constant 0 : i32
    return %add3A_0, %c0_i32 : i32, i32
  }
}

module attributes {stable_mosaic.version = 14 : i64} {
  func.func @_edge_msg_body(%arg0: i32, %arg1: memref<8x128xf32, #tpu.memory_space<vmem>>, %arg2: memref<8x128xf32, #tpu.memory_space<vmem>>, %arg3: memref<2048x256xf32, #tpu.memory_space<vmem>>, %arg4: memref<2048x16xf32, #tpu.memory_space<vmem>>, %arg5: memref<5x132xf32, #tpu.memory_space<vmem>>, %arg6: memref<1x17xf32, #tpu.memory_space<vmem>>, %arg7: memref<1x17xf32, #tpu.memory_space<vmem>>, %arg8: memref<1x16xf32, #tpu.memory_space<vmem>>, %arg9: memref<40x128xf32, #tpu.memory_space<vmem>>, %arg10: memref<1x128xf32, #tpu.memory_space<vmem>>, %arg11: memref<128x16xf32, #tpu.memory_space<vmem>>, %arg12: memref<1x16xf32, #tpu.memory_space<vmem>>, %arg13: memref<2048x128xf32, #tpu.memory_space<vmem>>, %arg14: memref<2048x128xf32, #tpu.memory_space<vmem>>) attributes {dimension_semantics = [#tpu.dimension_semantics<arbitrary>], iteration_bounds = array<i64: 20>, scalar_prefetch = 0 : i64, scratch_operands = 0 : i64, tpu.core_type = #tpu.core_type<tc>, window_params = [{transform_indices = @transform_0, window_bounds = array<i64: 8, 128>}, {transform_indices = @transform_1, window_bounds = array<i64: 8, 128>}, {transform_indices = @transform_2, window_bounds = array<i64: 2048, 256>}, {transform_indices = @transform_3, window_bounds = array<i64: 2048, 16>}, {pipeline_mode = #tpu.pipeline_mode<synchronous>, transform_indices = @transform_4, window_bounds = array<i64: 5, 132>}, {pipeline_mode = #tpu.pipeline_mode<synchronous>, transform_indices = @transform_5, window_bounds = array<i64: 1, 17>}, {pipeline_mode = #tpu.pipeline_mode<synchronous>, transform_indices = @transform_6, window_bounds = array<i64: 1, 17>}, {pipeline_mode = #tpu.pipeline_mode<synchronous>, transform_indices = @transform_7, window_bounds = array<i64: 1, 16>}, {pipeline_mode = #tpu.pipeline_mode<synchronous>, transform_indices = @transform_8, window_bounds = array<i64: 40, 128>}, {pipeline_mode = #tpu.pipeline_mode<synchronous>, transform_indices = @transform_9, window_bounds = array<i64: 1, 128>}, {pipeline_mode = #tpu.pipeline_mode<synchronous>, transform_indices = @transform_10, window_bounds = array<i64: 128, 16>}, {pipeline_mode = #tpu.pipeline_mode<synchronous>, transform_indices = @transform_11, window_bounds = array<i64: 1, 16>}, {transform_indices = @transform_12, window_bounds = array<i64: 2048, 128>}, {transform_indices = @transform_13, window_bounds = array<i64: 2048, 128>}]} {
    %get3A = arith.constant 0 : index
    %get3A_0 = arith.constant 0 : index
    %get3A_1 = vector.load %arg3[%get3A, %get3A_0] : memref<2048x256xf32, #tpu.memory_space<vmem>>, vector<2048x256xf32>
    %slice3A = vector.extract_strided_slice %get3A_1 {offsets = [0, 244], sizes = [2048, 3], strides = [1, 1]} : vector<2048x256xf32> to vector<2048x3xf32>
    %get3A_2 = arith.constant 0 : index
    %get3A_3 = arith.constant 0 : index
    %get3A_4 = vector.load %arg4[%get3A_2, %get3A_3] : memref<2048x16xf32, #tpu.memory_space<vmem>>, vector<2048x16xf32>
    %slice3A_5 = vector.extract_strided_slice %get3A_4 {offsets = [0, 0], sizes = [2048, 3], strides = [1, 1]} : vector<2048x16xf32> to vector<2048x3xf32>
    %sub3A = arith.subf %slice3A, %slice3A_5 : vector<2048x3xf32>
    %mul3A = arith.mulf %sub3A, %sub3A : vector<2048x3xf32>
    %reduce_sum3A = arith.constant dense<0.000000e+00> : vector<2048xf32>
    %reduce_sum3A_6 = vector.multi_reduction <add>, %mul3A, %reduce_sum3A [1] : vector<2048x3xf32> to vector<2048xf32>
    %broadcast_in_dim3A = vector.shape_cast %reduce_sum3A_6 : vector<2048xf32> to vector<2048x1xf32>
    %max3A = arith.constant 9.99999993E-9 : f32
    %max3A_7 = vector.broadcast %max3A : f32 to vector<2048x1xf32>
    %max3A_8 = arith.maximumf %broadcast_in_dim3A, %max3A_7 : vector<2048x1xf32>
    %sqrt3A = math.sqrt %max3A_8 : vector<2048x1xf32>
    %add3A = arith.constant 9.99999993E-9 : f32
    %add3A_9 = vector.broadcast %add3A : f32 to vector<2048x1xf32>
    %add3A_10 = arith.addf %sqrt3A, %add3A_9 : vector<2048x1xf32>
    %div3A = vector.broadcast %add3A_10 : vector<2048x1xf32> to vector<2048x3xf32>
    %div3A_11 = arith.divf %sub3A, %div3A : vector<2048x3xf32>
    %mul3A_12 = arith.mulf %add3A_10, %add3A_10 : vector<2048x1xf32>
    %div3A_13 = arith.divf %broadcast_in_dim3A, %mul3A_12 : vector<2048x1xf32>
    %concatenate3A = tpu.concatenate %div3A_11, %div3A_13, %add3A_10 in 1 : vector<2048x3xf32>, vector<2048x1xf32>, vector<2048x1xf32> -> vector<2048x5xf32>
    %get3A_14 = arith.constant 0 : index
    %get3A_15 = arith.constant 0 : index
    %get3A_16 = vector.load %arg5[%get3A_14, %get3A_15] : memref<5x132xf32, #tpu.memory_space<vmem>>, vector<5x132xf32>
    %dot_general3A = arith.constant dense<0.000000e+00> : vector<2048x132xf32>
    %dot_general3A_17 = tpu.matmul %concatenate3A, %get3A_16, %dot_general3A {dimension_numbers = #tpu.dot_dimension_numbers<[1], [0], [0], [1], [0, 0, 1, 1], [], []>, transpose_lhs_hint = false} : vector<2048x5xf32>, vector<5x132xf32>, vector<2048x132xf32> -> vector<2048x132xf32>
    %iota3A = tpu.iota {dimensions = array<i32: 1>} : vector<1x16xi32>
    %convert_element_type3A = arith.sitofp %iota3A : vector<1x16xi32> to vector<1x16xf32>
    %mul3A_18 = arith.constant 1.000000e+00 : f32
    %mul3A_19 = vector.broadcast %mul3A_18 : f32 to vector<1x16xf32>
    %mul3A_20 = arith.mulf %convert_element_type3A, %mul3A_19 : vector<1x16xf32>
    %slice3A_21 = vector.extract_strided_slice %dot_general3A_17 {offsets = [0, 116], sizes = [2048, 16], strides = [1, 1]} : vector<2048x132xf32> to vector<2048x16xf32>
    %sub3A_22 = vector.broadcast %mul3A_20 : vector<1x16xf32> to vector<2048x16xf32>
    %sub3A_23 = arith.subf %slice3A_21, %sub3A_22 : vector<2048x16xf32>
    %div3A_24 = arith.constant 9.375000e-01 : f32
    %div3A_25 = vector.broadcast %div3A_24 : f32 to vector<2048x16xf32>
    %div3A_26 = arith.divf %sub3A_23, %div3A_25 : vector<2048x16xf32>
    %mul3A_27 = arith.mulf %div3A_26, %div3A_26 : vector<2048x16xf32>
    %neg3A = arith.constant 0.000000e+00 : f32
    %neg3A_28 = vector.broadcast %neg3A : f32 to vector<2048x16xf32>
    %neg3A_29 = arith.subf %neg3A_28, %mul3A_27 : vector<2048x16xf32>
    %exp3A = math.exp %neg3A_29 : vector<2048x16xf32>
    %slice3A_30 = vector.extract_strided_slice %dot_general3A_17 {offsets = [0, 0], sizes = [2048, 51], strides = [1, 1]} : vector<2048x132xf32> to vector<2048x51xf32>
    %slice3A_31 = vector.extract_strided_slice %get3A_1 {offsets = [0, 128], sizes = [2048, 51], strides = [1, 1]} : vector<2048x256xf32> to vector<2048x51xf32>
    %mul3A_32 = arith.mulf %slice3A_30, %slice3A_31 : vector<2048x51xf32>
    %slice3A_33 = vector.extract_strided_slice %mul3A_32 {offsets = [0, 0], sizes = [2048, 17], strides = [1, 1]} : vector<2048x51xf32> to vector<2048x17xf32>
    %slice3A_34 = vector.extract_strided_slice %mul3A_32 {offsets = [0, 17], sizes = [2048, 17], strides = [1, 1]} : vector<2048x51xf32> to vector<2048x17xf32>
    %add3A_35 = arith.addf %slice3A_33, %slice3A_34 : vector<2048x17xf32>
    %slice3A_36 = vector.extract_strided_slice %mul3A_32 {offsets = [0, 34], sizes = [2048, 17], strides = [1, 1]} : vector<2048x51xf32> to vector<2048x17xf32>
    %add3A_37 = arith.addf %add3A_35, %slice3A_36 : vector<2048x17xf32>
    %slice3A_38 = vector.extract_strided_slice %dot_general3A_17 {offsets = [0, 99], sizes = [2048, 17], strides = [1, 1]} : vector<2048x132xf32> to vector<2048x17xf32>
    %get3A_39 = arith.constant 0 : index
    %get3A_40 = arith.constant 0 : index
    %get3A_41 = vector.load %arg7[%get3A_39, %get3A_40] : memref<1x17xf32, #tpu.memory_space<vmem>>, vector<1x17xf32>
    %mul3A_42 = vector.broadcast %get3A_41 : vector<1x17xf32> to vector<2048x17xf32>
    %mul3A_43 = arith.mulf %slice3A_38, %mul3A_42 : vector<2048x17xf32>
    %get3A_44 = arith.constant 0 : index
    %get3A_45 = arith.constant 0 : index
    %get3A_46 = vector.load %arg6[%get3A_44, %get3A_45] : memref<1x17xf32, #tpu.memory_space<vmem>>, vector<1x17xf32>
    %mul3A_47 = arith.constant 2.000000e+00 : f32
    %mul3A_48 = vector.broadcast %mul3A_47 : f32 to vector<1x17xf32>
    %mul3A_49 = arith.mulf %mul3A_48, %get3A_46 : vector<1x17xf32>
    %mul3A_50 = vector.broadcast %mul3A_49 : vector<1x17xf32> to vector<2048x17xf32>
    %mul3A_51 = arith.mulf %mul3A_50, %add3A_37 : vector<2048x17xf32>
    %add3A_52 = arith.addf %mul3A_43, %mul3A_51 : vector<2048x17xf32>
    %slice3A_53 = vector.extract_strided_slice %get3A_1 {offsets = [0, 179], sizes = [2048, 17], strides = [1, 1]} : vector<2048x256xf32> to vector<2048x17xf32>
    %add3A_54 = arith.addf %add3A_52, %slice3A_53 : vector<2048x17xf32>
    %max3A_55 = arith.constant 9.99999993E-9 : f32
    %max3A_56 = vector.broadcast %max3A_55 : f32 to vector<2048x17xf32>
    %max3A_57 = arith.maximumf %add3A_54, %max3A_56 : vector<2048x17xf32>
    %sqrt3A_58 = math.sqrt %max3A_57 : vector<2048x17xf32>
    %broadcast_in_dim3A_59 = arith.constant 0.000000e+00 : f32
    %broadcast_in_dim3A_60 = vector.broadcast %broadcast_in_dim3A_59 : f32 to vector<2048x7xf32>
    %concatenate3A_61 = tpu.concatenate %exp3A, %sqrt3A_58, %broadcast_in_dim3A_60 in 1 : vector<2048x16xf32>, vector<2048x17xf32>, vector<2048x7xf32> -> vector<2048x40xf32>
    %slice3A_62 = vector.extract_strided_slice %get3A_1 {offsets = [0, 0], sizes = [2048, 128], strides = [1, 1]} : vector<2048x256xf32> to vector<2048x128xf32>
    %get3A_63 = arith.constant 0 : index
    %get3A_64 = arith.constant 0 : index
    %get3A_65 = vector.load %arg9[%get3A_63, %get3A_64] : memref<40x128xf32, #tpu.memory_space<vmem>>, vector<40x128xf32>
    %dot_general3A_66 = arith.constant dense<0.000000e+00> : vector<2048x128xf32>
    %dot_general3A_67 = tpu.matmul %concatenate3A_61, %get3A_65, %dot_general3A_66 {dimension_numbers = #tpu.dot_dimension_numbers<[1], [0], [0], [1], [0, 0, 1, 1], [], []>, transpose_lhs_hint = false} : vector<2048x40xf32>, vector<40x128xf32>, vector<2048x128xf32> -> vector<2048x128xf32>
    %add3A_68 = arith.addf %slice3A_62, %dot_general3A_67 : vector<2048x128xf32>
    %get3A_69 = arith.constant 0 : index
    %get3A_70 = arith.constant 0 : index
    %get3A_71 = vector.load %arg10[%get3A_69, %get3A_70] : memref<1x128xf32, #tpu.memory_space<vmem>>, vector<1x128xf32>
    %add3A_72 = vector.broadcast %get3A_71 : vector<1x128xf32> to vector<2048x128xf32>
    %add3A_73 = arith.addf %add3A_68, %add3A_72 : vector<2048x128xf32>
    %logistic3A = arith.negf %add3A_73 : vector<2048x128xf32>
    %logistic3A_74 = math.exp %logistic3A : vector<2048x128xf32>
    %logistic3A_75 = arith.constant 1.000000e+00 : f32
    %logistic3A_76 = vector.broadcast %logistic3A_75 : f32 to vector<2048x128xf32>
    %logistic3A_77 = arith.addf %logistic3A_76, %logistic3A_74 : vector<2048x128xf32>
    %logistic3A_78 = arith.divf %logistic3A_76, %logistic3A_77 : vector<2048x128xf32>
    %mul3A_79 = arith.mulf %add3A_73, %logistic3A_78 : vector<2048x128xf32>
    %get3A_80 = arith.constant 0 : index
    %get3A_81 = arith.constant 0 : index
    %get3A_82 = vector.load %arg11[%get3A_80, %get3A_81] : memref<128x16xf32, #tpu.memory_space<vmem>>, vector<128x16xf32>
    %dot_general3A_83 = arith.constant dense<0.000000e+00> : vector<2048x16xf32>
    %dot_general3A_84 = tpu.matmul %mul3A_79, %get3A_82, %dot_general3A_83 {dimension_numbers = #tpu.dot_dimension_numbers<[1], [0], [0], [1], [0, 0, 1, 1], [], []>, transpose_lhs_hint = false} : vector<2048x128xf32>, vector<128x16xf32>, vector<2048x16xf32> -> vector<2048x16xf32>
    %get3A_85 = arith.constant 0 : index
    %get3A_86 = arith.constant 0 : index
    %get3A_87 = vector.load %arg12[%get3A_85, %get3A_86] : memref<1x16xf32, #tpu.memory_space<vmem>>, vector<1x16xf32>
    %add3A_88 = vector.broadcast %get3A_87 : vector<1x16xf32> to vector<2048x16xf32>
    %add3A_89 = arith.addf %dot_general3A_84, %add3A_88 : vector<2048x16xf32>
    %logistic3A_90 = arith.negf %add3A_89 : vector<2048x16xf32>
    %logistic3A_91 = math.exp %logistic3A_90 : vector<2048x16xf32>
    %logistic3A_92 = arith.constant 1.000000e+00 : f32
    %logistic3A_93 = vector.broadcast %logistic3A_92 : f32 to vector<2048x16xf32>
    %logistic3A_94 = arith.addf %logistic3A_93, %logistic3A_91 : vector<2048x16xf32>
    %logistic3A_95 = arith.divf %logistic3A_93, %logistic3A_94 : vector<2048x16xf32>
    %get3A_96 = arith.constant 0 : index
    %get3A_97 = arith.constant 0 : index
    %get3A_98 = vector.load %arg8[%get3A_96, %get3A_97] : memref<1x16xf32, #tpu.memory_space<vmem>>, vector<1x16xf32>
    %slice3A_99 = vector.extract_strided_slice %dot_general3A_17 {offsets = [0, 51], sizes = [2048, 16], strides = [1, 1]} : vector<2048x132xf32> to vector<2048x16xf32>
    %mul3A_100 = vector.broadcast %get3A_98 : vector<1x16xf32> to vector<2048x16xf32>
    %mul3A_101 = arith.mulf %slice3A_99, %mul3A_100 : vector<2048x16xf32>
    %slice3A_102 = vector.extract_strided_slice %get3A_1 {offsets = [0, 196], sizes = [2048, 16], strides = [1, 1]} : vector<2048x256xf32> to vector<2048x16xf32>
    %add3A_103 = arith.addf %mul3A_101, %slice3A_102 : vector<2048x16xf32>
    %mul3A_104 = arith.mulf %logistic3A_95, %add3A_103 : vector<2048x16xf32>
    %slice3A_105 = vector.extract_strided_slice %dot_general3A_17 {offsets = [0, 67], sizes = [2048, 16], strides = [1, 1]} : vector<2048x132xf32> to vector<2048x16xf32>
    %mul3A_106 = vector.broadcast %get3A_98 : vector<1x16xf32> to vector<2048x16xf32>
    %mul3A_107 = arith.mulf %slice3A_105, %mul3A_106 : vector<2048x16xf32>
    %slice3A_108 = vector.extract_strided_slice %get3A_1 {offsets = [0, 212], sizes = [2048, 16], strides = [1, 1]} : vector<2048x256xf32> to vector<2048x16xf32>
    %add3A_109 = arith.addf %mul3A_107, %slice3A_108 : vector<2048x16xf32>
    %mul3A_110 = arith.mulf %logistic3A_95, %add3A_109 : vector<2048x16xf32>
    %slice3A_111 = vector.extract_strided_slice %dot_general3A_17 {offsets = [0, 83], sizes = [2048, 16], strides = [1, 1]} : vector<2048x132xf32> to vector<2048x16xf32>
    %mul3A_112 = vector.broadcast %get3A_98 : vector<1x16xf32> to vector<2048x16xf32>
    %mul3A_113 = arith.mulf %slice3A_111, %mul3A_112 : vector<2048x16xf32>
    %slice3A_114 = vector.extract_strided_slice %get3A_1 {offsets = [0, 228], sizes = [2048, 16], strides = [1, 1]} : vector<2048x256xf32> to vector<2048x16xf32>
    %add3A_115 = arith.addf %mul3A_113, %slice3A_114 : vector<2048x16xf32>
    %mul3A_116 = arith.mulf %logistic3A_95, %add3A_115 : vector<2048x16xf32>
    %mul3A_117 = arith.constant 2048 : i32
    %mul3A_118 = arith.muli %arg0, %mul3A_117 : i32
    %add3A_119 = arith.constant 81920 : i32
    %add3A_120 = arith.addi %add3A_119, %mul3A_118 : i32
    %iota3A_121 = tpu.iota {dimensions = array<i32: 0>} : vector<2048x1xi32>
    %add3A_122 = vector.broadcast %add3A_120 : i32 to vector<2048x1xi32>
    %add3A_123 = arith.addi %add3A_122, %iota3A_121 : vector<2048x1xi32>
    %lt3A = arith.constant 160000 : i32
    %lt3A_124 = vector.broadcast %lt3A : i32 to vector<2048x1xi32>
    %lt3A_125 = arith.cmpi slt, %add3A_123, %lt3A_124 : vector<2048x1xi32>
    %convert_element_type3A_126 = arith.extui %lt3A_125 : vector<2048x1xi1> to vector<2048x1xi32>
    %convert_element_type3A_127 = arith.sitofp %convert_element_type3A_126 : vector<2048x1xi32> to vector<2048x1xf32>
    %mul3A_128 = vector.broadcast %convert_element_type3A_127 : vector<2048x1xf32> to vector<2048x128xf32>
    %mul3A_129 = arith.mulf %mul3A_79, %mul3A_128 : vector<2048x128xf32>
    %swap3A = arith.constant 0 : index
    %swap3A_130 = arith.constant 0 : index
    %swap3A_131 = vector.load %arg13[%swap3A, %swap3A_130] : memref<2048x128xf32, #tpu.memory_space<vmem>>, vector<2048x128xf32>
    tpu.vector_store %arg13[%swap3A, %swap3A_130], %mul3A_129 {strides = array<i32>} : memref<2048x128xf32, #tpu.memory_space<vmem>>, vector<2048x128xf32>,
    %broadcast_in_dim3A_132 = arith.constant 0.000000e+00 : f32
    %broadcast_in_dim3A_133 = vector.broadcast %broadcast_in_dim3A_132 : f32 to vector<2048x80xf32>
    %concatenate3A_134 = tpu.concatenate %mul3A_104, %mul3A_110, %mul3A_116, %broadcast_in_dim3A_133 in 1 : vector<2048x16xf32>, vector<2048x16xf32>, vector<2048x16xf32>, vector<2048x80xf32> -> vector<2048x128xf32>
    %mul3A_135 = vector.broadcast %convert_element_type3A_127 : vector<2048x1xf32> to vector<2048x128xf32>
    %mul3A_136 = arith.mulf %concatenate3A_134, %mul3A_135 : vector<2048x128xf32>
    %swap3A_137 = arith.constant 0 : index
    %swap3A_138 = arith.constant 0 : index
    %swap3A_139 = vector.load %arg14[%swap3A_137, %swap3A_138] : memref<2048x128xf32, #tpu.memory_space<vmem>>, vector<2048x128xf32>
    tpu.vector_store %arg14[%swap3A_137, %swap3A_138], %mul3A_136 {strides = array<i32>} : memref<2048x128xf32, #tpu.memory_space<vmem>>, vector<2048x128xf32>,
    return
  }
  func.func @transform_0(%arg0: i32) -> (i32, i32) {
    %c0_i32 = arith.constant 0 : i32
    %c0_i32_0 = arith.constant 0 : i32
    %c0_i32_1 = arith.constant 0 : i32
    return %c0_i32, %c0_i32_0 : i32, i32
  }
  func.func @transform_1(%arg0: i32) -> (i32, i32) {
    %c0_i32 = arith.constant 0 : i32
    %c0_i32_0 = arith.constant 0 : i32
    %c0_i32_1 = arith.constant 0 : i32
    return %c0_i32, %c0_i32_0 : i32, i32
  }
  func.func @transform_2(%arg0: i32) -> (i32, i32) {
    %c0_i32 = arith.constant 0 : i32
    %c0_i32_0 = arith.constant 0 : i32
    return %arg0, %c0_i32 : i32, i32
  }
  func.func @transform_3(%arg0: i32) -> (i32, i32) {
    %add3A = arith.constant 40 : i32
    %add3A_0 = arith.addi %arg0, %add3A : i32
    %c0_i32 = arith.constant 0 : i32
    %c0_i32_1 = arith.constant 0 : i32
    return %add3A_0, %c0_i32 : i32, i32
  }
  func.func @transform_4(%arg0: i32) -> (i32, i32) {
    %c0_i32 = arith.constant 0 : i32
    %c0_i32_0 = arith.constant 0 : i32
    %c0_i32_1 = arith.constant 0 : i32
    return %c0_i32, %c0_i32_0 : i32, i32
  }
  func.func @transform_5(%arg0: i32) -> (i32, i32) {
    %c0_i32 = arith.constant 0 : i32
    %c0_i32_0 = arith.constant 0 : i32
    %c0_i32_1 = arith.constant 0 : i32
    return %c0_i32, %c0_i32_0 : i32, i32
  }
  func.func @transform_6(%arg0: i32) -> (i32, i32) {
    %c0_i32 = arith.constant 0 : i32
    %c0_i32_0 = arith.constant 0 : i32
    %c0_i32_1 = arith.constant 0 : i32
    return %c0_i32, %c0_i32_0 : i32, i32
  }
  func.func @transform_7(%arg0: i32) -> (i32, i32) {
    %c0_i32 = arith.constant 0 : i32
    %c0_i32_0 = arith.constant 0 : i32
    %c0_i32_1 = arith.constant 0 : i32
    return %c0_i32, %c0_i32_0 : i32, i32
  }
  func.func @transform_8(%arg0: i32) -> (i32, i32) {
    %c0_i32 = arith.constant 0 : i32
    %c0_i32_0 = arith.constant 0 : i32
    %c0_i32_1 = arith.constant 0 : i32
    return %c0_i32, %c0_i32_0 : i32, i32
  }
  func.func @transform_9(%arg0: i32) -> (i32, i32) {
    %c0_i32 = arith.constant 0 : i32
    %c0_i32_0 = arith.constant 0 : i32
    %c0_i32_1 = arith.constant 0 : i32
    return %c0_i32, %c0_i32_0 : i32, i32
  }
  func.func @transform_10(%arg0: i32) -> (i32, i32) {
    %c0_i32 = arith.constant 0 : i32
    %c0_i32_0 = arith.constant 0 : i32
    %c0_i32_1 = arith.constant 0 : i32
    return %c0_i32, %c0_i32_0 : i32, i32
  }
  func.func @transform_11(%arg0: i32) -> (i32, i32) {
    %c0_i32 = arith.constant 0 : i32
    %c0_i32_0 = arith.constant 0 : i32
    %c0_i32_1 = arith.constant 0 : i32
    return %c0_i32, %c0_i32_0 : i32, i32
  }
  func.func @transform_12(%arg0: i32) -> (i32, i32) {
    %add3A = arith.constant 40 : i32
    %add3A_0 = arith.addi %arg0, %add3A : i32
    %c0_i32 = arith.constant 0 : i32
    %c0_i32_1 = arith.constant 0 : i32
    return %add3A_0, %c0_i32 : i32, i32
  }
  func.func @transform_13(%arg0: i32) -> (i32, i32) {
    %add3A = arith.constant 40 : i32
    %add3A_0 = arith.addi %arg0, %add3A : i32
    %c0_i32 = arith.constant 0 : i32
    %c0_i32_1 = arith.constant 0 : i32
    return %add3A_0, %c0_i32 : i32, i32
  }
}

module attributes {stable_mosaic.version = 14 : i64} {
  func.func @_edge_msg_body(%arg0: i32, %arg1: memref<8x128xf32, #tpu.memory_space<vmem>>, %arg2: memref<8x128xf32, #tpu.memory_space<vmem>>, %arg3: memref<2048x256xf32, #tpu.memory_space<vmem>>, %arg4: memref<2048x16xf32, #tpu.memory_space<vmem>>, %arg5: memref<5x132xf32, #tpu.memory_space<vmem>>, %arg6: memref<1x17xf32, #tpu.memory_space<vmem>>, %arg7: memref<1x17xf32, #tpu.memory_space<vmem>>, %arg8: memref<1x16xf32, #tpu.memory_space<vmem>>, %arg9: memref<40x128xf32, #tpu.memory_space<vmem>>, %arg10: memref<1x128xf32, #tpu.memory_space<vmem>>, %arg11: memref<128x16xf32, #tpu.memory_space<vmem>>, %arg12: memref<1x16xf32, #tpu.memory_space<vmem>>, %arg13: memref<2048x128xf32, #tpu.memory_space<vmem>>, %arg14: memref<2048x128xf32, #tpu.memory_space<vmem>>) attributes {dimension_semantics = [#tpu.dimension_semantics<arbitrary>], iteration_bounds = array<i64: 20>, scalar_prefetch = 0 : i64, scratch_operands = 0 : i64, tpu.core_type = #tpu.core_type<tc>, window_params = [{transform_indices = @transform_0, window_bounds = array<i64: 8, 128>}, {transform_indices = @transform_1, window_bounds = array<i64: 8, 128>}, {transform_indices = @transform_2, window_bounds = array<i64: 2048, 256>}, {transform_indices = @transform_3, window_bounds = array<i64: 2048, 16>}, {pipeline_mode = #tpu.pipeline_mode<synchronous>, transform_indices = @transform_4, window_bounds = array<i64: 5, 132>}, {pipeline_mode = #tpu.pipeline_mode<synchronous>, transform_indices = @transform_5, window_bounds = array<i64: 1, 17>}, {pipeline_mode = #tpu.pipeline_mode<synchronous>, transform_indices = @transform_6, window_bounds = array<i64: 1, 17>}, {pipeline_mode = #tpu.pipeline_mode<synchronous>, transform_indices = @transform_7, window_bounds = array<i64: 1, 16>}, {pipeline_mode = #tpu.pipeline_mode<synchronous>, transform_indices = @transform_8, window_bounds = array<i64: 40, 128>}, {pipeline_mode = #tpu.pipeline_mode<synchronous>, transform_indices = @transform_9, window_bounds = array<i64: 1, 128>}, {pipeline_mode = #tpu.pipeline_mode<synchronous>, transform_indices = @transform_10, window_bounds = array<i64: 128, 16>}, {pipeline_mode = #tpu.pipeline_mode<synchronous>, transform_indices = @transform_11, window_bounds = array<i64: 1, 16>}, {transform_indices = @transform_12, window_bounds = array<i64: 2048, 128>}, {transform_indices = @transform_13, window_bounds = array<i64: 2048, 128>}]} {
    %get3A = arith.constant 0 : index
    %get3A_0 = arith.constant 0 : index
    %get3A_1 = vector.load %arg3[%get3A, %get3A_0] : memref<2048x256xf32, #tpu.memory_space<vmem>>, vector<2048x256xf32>
    %slice3A = vector.extract_strided_slice %get3A_1 {offsets = [0, 244], sizes = [2048, 3], strides = [1, 1]} : vector<2048x256xf32> to vector<2048x3xf32>
    %get3A_2 = arith.constant 0 : index
    %get3A_3 = arith.constant 0 : index
    %get3A_4 = vector.load %arg4[%get3A_2, %get3A_3] : memref<2048x16xf32, #tpu.memory_space<vmem>>, vector<2048x16xf32>
    %slice3A_5 = vector.extract_strided_slice %get3A_4 {offsets = [0, 0], sizes = [2048, 3], strides = [1, 1]} : vector<2048x16xf32> to vector<2048x3xf32>
    %sub3A = arith.subf %slice3A, %slice3A_5 : vector<2048x3xf32>
    %mul3A = arith.mulf %sub3A, %sub3A : vector<2048x3xf32>
    %reduce_sum3A = arith.constant dense<0.000000e+00> : vector<2048xf32>
    %reduce_sum3A_6 = vector.multi_reduction <add>, %mul3A, %reduce_sum3A [1] : vector<2048x3xf32> to vector<2048xf32>
    %broadcast_in_dim3A = vector.shape_cast %reduce_sum3A_6 : vector<2048xf32> to vector<2048x1xf32>
    %max3A = arith.constant 9.99999993E-9 : f32
    %max3A_7 = vector.broadcast %max3A : f32 to vector<2048x1xf32>
    %max3A_8 = arith.maximumf %broadcast_in_dim3A, %max3A_7 : vector<2048x1xf32>
    %sqrt3A = math.sqrt %max3A_8 : vector<2048x1xf32>
    %add3A = arith.constant 9.99999993E-9 : f32
    %add3A_9 = vector.broadcast %add3A : f32 to vector<2048x1xf32>
    %add3A_10 = arith.addf %sqrt3A, %add3A_9 : vector<2048x1xf32>
    %div3A = vector.broadcast %add3A_10 : vector<2048x1xf32> to vector<2048x3xf32>
    %div3A_11 = arith.divf %sub3A, %div3A : vector<2048x3xf32>
    %mul3A_12 = arith.mulf %add3A_10, %add3A_10 : vector<2048x1xf32>
    %div3A_13 = arith.divf %broadcast_in_dim3A, %mul3A_12 : vector<2048x1xf32>
    %concatenate3A = tpu.concatenate %div3A_11, %div3A_13, %add3A_10 in 1 : vector<2048x3xf32>, vector<2048x1xf32>, vector<2048x1xf32> -> vector<2048x5xf32>
    %get3A_14 = arith.constant 0 : index
    %get3A_15 = arith.constant 0 : index
    %get3A_16 = vector.load %arg5[%get3A_14, %get3A_15] : memref<5x132xf32, #tpu.memory_space<vmem>>, vector<5x132xf32>
    %dot_general3A = arith.constant dense<0.000000e+00> : vector<2048x132xf32>
    %dot_general3A_17 = tpu.matmul %concatenate3A, %get3A_16, %dot_general3A {dimension_numbers = #tpu.dot_dimension_numbers<[1], [0], [0], [1], [0, 0, 1, 1], [], []>, transpose_lhs_hint = false} : vector<2048x5xf32>, vector<5x132xf32>, vector<2048x132xf32> -> vector<2048x132xf32>
    %iota3A = tpu.iota {dimensions = array<i32: 1>} : vector<1x16xi32>
    %convert_element_type3A = arith.sitofp %iota3A : vector<1x16xi32> to vector<1x16xf32>
    %mul3A_18 = arith.constant 1.000000e+00 : f32
    %mul3A_19 = vector.broadcast %mul3A_18 : f32 to vector<1x16xf32>
    %mul3A_20 = arith.mulf %convert_element_type3A, %mul3A_19 : vector<1x16xf32>
    %slice3A_21 = vector.extract_strided_slice %dot_general3A_17 {offsets = [0, 116], sizes = [2048, 16], strides = [1, 1]} : vector<2048x132xf32> to vector<2048x16xf32>
    %sub3A_22 = vector.broadcast %mul3A_20 : vector<1x16xf32> to vector<2048x16xf32>
    %sub3A_23 = arith.subf %slice3A_21, %sub3A_22 : vector<2048x16xf32>
    %div3A_24 = arith.constant 9.375000e-01 : f32
    %div3A_25 = vector.broadcast %div3A_24 : f32 to vector<2048x16xf32>
    %div3A_26 = arith.divf %sub3A_23, %div3A_25 : vector<2048x16xf32>
    %mul3A_27 = arith.mulf %div3A_26, %div3A_26 : vector<2048x16xf32>
    %neg3A = arith.constant 0.000000e+00 : f32
    %neg3A_28 = vector.broadcast %neg3A : f32 to vector<2048x16xf32>
    %neg3A_29 = arith.subf %neg3A_28, %mul3A_27 : vector<2048x16xf32>
    %exp3A = math.exp %neg3A_29 : vector<2048x16xf32>
    %slice3A_30 = vector.extract_strided_slice %dot_general3A_17 {offsets = [0, 0], sizes = [2048, 51], strides = [1, 1]} : vector<2048x132xf32> to vector<2048x51xf32>
    %slice3A_31 = vector.extract_strided_slice %get3A_1 {offsets = [0, 128], sizes = [2048, 51], strides = [1, 1]} : vector<2048x256xf32> to vector<2048x51xf32>
    %mul3A_32 = arith.mulf %slice3A_30, %slice3A_31 : vector<2048x51xf32>
    %slice3A_33 = vector.extract_strided_slice %mul3A_32 {offsets = [0, 0], sizes = [2048, 17], strides = [1, 1]} : vector<2048x51xf32> to vector<2048x17xf32>
    %slice3A_34 = vector.extract_strided_slice %mul3A_32 {offsets = [0, 17], sizes = [2048, 17], strides = [1, 1]} : vector<2048x51xf32> to vector<2048x17xf32>
    %add3A_35 = arith.addf %slice3A_33, %slice3A_34 : vector<2048x17xf32>
    %slice3A_36 = vector.extract_strided_slice %mul3A_32 {offsets = [0, 34], sizes = [2048, 17], strides = [1, 1]} : vector<2048x51xf32> to vector<2048x17xf32>
    %add3A_37 = arith.addf %add3A_35, %slice3A_36 : vector<2048x17xf32>
    %slice3A_38 = vector.extract_strided_slice %dot_general3A_17 {offsets = [0, 99], sizes = [2048, 17], strides = [1, 1]} : vector<2048x132xf32> to vector<2048x17xf32>
    %get3A_39 = arith.constant 0 : index
    %get3A_40 = arith.constant 0 : index
    %get3A_41 = vector.load %arg7[%get3A_39, %get3A_40] : memref<1x17xf32, #tpu.memory_space<vmem>>, vector<1x17xf32>
    %mul3A_42 = vector.broadcast %get3A_41 : vector<1x17xf32> to vector<2048x17xf32>
    %mul3A_43 = arith.mulf %slice3A_38, %mul3A_42 : vector<2048x17xf32>
    %get3A_44 = arith.constant 0 : index
    %get3A_45 = arith.constant 0 : index
    %get3A_46 = vector.load %arg6[%get3A_44, %get3A_45] : memref<1x17xf32, #tpu.memory_space<vmem>>, vector<1x17xf32>
    %mul3A_47 = arith.constant 2.000000e+00 : f32
    %mul3A_48 = vector.broadcast %mul3A_47 : f32 to vector<1x17xf32>
    %mul3A_49 = arith.mulf %mul3A_48, %get3A_46 : vector<1x17xf32>
    %mul3A_50 = vector.broadcast %mul3A_49 : vector<1x17xf32> to vector<2048x17xf32>
    %mul3A_51 = arith.mulf %mul3A_50, %add3A_37 : vector<2048x17xf32>
    %add3A_52 = arith.addf %mul3A_43, %mul3A_51 : vector<2048x17xf32>
    %slice3A_53 = vector.extract_strided_slice %get3A_1 {offsets = [0, 179], sizes = [2048, 17], strides = [1, 1]} : vector<2048x256xf32> to vector<2048x17xf32>
    %add3A_54 = arith.addf %add3A_52, %slice3A_53 : vector<2048x17xf32>
    %max3A_55 = arith.constant 9.99999993E-9 : f32
    %max3A_56 = vector.broadcast %max3A_55 : f32 to vector<2048x17xf32>
    %max3A_57 = arith.maximumf %add3A_54, %max3A_56 : vector<2048x17xf32>
    %sqrt3A_58 = math.sqrt %max3A_57 : vector<2048x17xf32>
    %broadcast_in_dim3A_59 = arith.constant 0.000000e+00 : f32
    %broadcast_in_dim3A_60 = vector.broadcast %broadcast_in_dim3A_59 : f32 to vector<2048x7xf32>
    %concatenate3A_61 = tpu.concatenate %exp3A, %sqrt3A_58, %broadcast_in_dim3A_60 in 1 : vector<2048x16xf32>, vector<2048x17xf32>, vector<2048x7xf32> -> vector<2048x40xf32>
    %slice3A_62 = vector.extract_strided_slice %get3A_1 {offsets = [0, 0], sizes = [2048, 128], strides = [1, 1]} : vector<2048x256xf32> to vector<2048x128xf32>
    %get3A_63 = arith.constant 0 : index
    %get3A_64 = arith.constant 0 : index
    %get3A_65 = vector.load %arg9[%get3A_63, %get3A_64] : memref<40x128xf32, #tpu.memory_space<vmem>>, vector<40x128xf32>
    %dot_general3A_66 = arith.constant dense<0.000000e+00> : vector<2048x128xf32>
    %dot_general3A_67 = tpu.matmul %concatenate3A_61, %get3A_65, %dot_general3A_66 {dimension_numbers = #tpu.dot_dimension_numbers<[1], [0], [0], [1], [0, 0, 1, 1], [], []>, transpose_lhs_hint = false} : vector<2048x40xf32>, vector<40x128xf32>, vector<2048x128xf32> -> vector<2048x128xf32>
    %add3A_68 = arith.addf %slice3A_62, %dot_general3A_67 : vector<2048x128xf32>
    %get3A_69 = arith.constant 0 : index
    %get3A_70 = arith.constant 0 : index
    %get3A_71 = vector.load %arg10[%get3A_69, %get3A_70] : memref<1x128xf32, #tpu.memory_space<vmem>>, vector<1x128xf32>
    %add3A_72 = vector.broadcast %get3A_71 : vector<1x128xf32> to vector<2048x128xf32>
    %add3A_73 = arith.addf %add3A_68, %add3A_72 : vector<2048x128xf32>
    %logistic3A = arith.negf %add3A_73 : vector<2048x128xf32>
    %logistic3A_74 = math.exp %logistic3A : vector<2048x128xf32>
    %logistic3A_75 = arith.constant 1.000000e+00 : f32
    %logistic3A_76 = vector.broadcast %logistic3A_75 : f32 to vector<2048x128xf32>
    %logistic3A_77 = arith.addf %logistic3A_76, %logistic3A_74 : vector<2048x128xf32>
    %logistic3A_78 = arith.divf %logistic3A_76, %logistic3A_77 : vector<2048x128xf32>
    %mul3A_79 = arith.mulf %add3A_73, %logistic3A_78 : vector<2048x128xf32>
    %get3A_80 = arith.constant 0 : index
    %get3A_81 = arith.constant 0 : index
    %get3A_82 = vector.load %arg11[%get3A_80, %get3A_81] : memref<128x16xf32, #tpu.memory_space<vmem>>, vector<128x16xf32>
    %dot_general3A_83 = arith.constant dense<0.000000e+00> : vector<2048x16xf32>
    %dot_general3A_84 = tpu.matmul %mul3A_79, %get3A_82, %dot_general3A_83 {dimension_numbers = #tpu.dot_dimension_numbers<[1], [0], [0], [1], [0, 0, 1, 1], [], []>, transpose_lhs_hint = false} : vector<2048x128xf32>, vector<128x16xf32>, vector<2048x16xf32> -> vector<2048x16xf32>
    %get3A_85 = arith.constant 0 : index
    %get3A_86 = arith.constant 0 : index
    %get3A_87 = vector.load %arg12[%get3A_85, %get3A_86] : memref<1x16xf32, #tpu.memory_space<vmem>>, vector<1x16xf32>
    %add3A_88 = vector.broadcast %get3A_87 : vector<1x16xf32> to vector<2048x16xf32>
    %add3A_89 = arith.addf %dot_general3A_84, %add3A_88 : vector<2048x16xf32>
    %logistic3A_90 = arith.negf %add3A_89 : vector<2048x16xf32>
    %logistic3A_91 = math.exp %logistic3A_90 : vector<2048x16xf32>
    %logistic3A_92 = arith.constant 1.000000e+00 : f32
    %logistic3A_93 = vector.broadcast %logistic3A_92 : f32 to vector<2048x16xf32>
    %logistic3A_94 = arith.addf %logistic3A_93, %logistic3A_91 : vector<2048x16xf32>
    %logistic3A_95 = arith.divf %logistic3A_93, %logistic3A_94 : vector<2048x16xf32>
    %get3A_96 = arith.constant 0 : index
    %get3A_97 = arith.constant 0 : index
    %get3A_98 = vector.load %arg8[%get3A_96, %get3A_97] : memref<1x16xf32, #tpu.memory_space<vmem>>, vector<1x16xf32>
    %slice3A_99 = vector.extract_strided_slice %dot_general3A_17 {offsets = [0, 51], sizes = [2048, 16], strides = [1, 1]} : vector<2048x132xf32> to vector<2048x16xf32>
    %mul3A_100 = vector.broadcast %get3A_98 : vector<1x16xf32> to vector<2048x16xf32>
    %mul3A_101 = arith.mulf %slice3A_99, %mul3A_100 : vector<2048x16xf32>
    %slice3A_102 = vector.extract_strided_slice %get3A_1 {offsets = [0, 196], sizes = [2048, 16], strides = [1, 1]} : vector<2048x256xf32> to vector<2048x16xf32>
    %add3A_103 = arith.addf %mul3A_101, %slice3A_102 : vector<2048x16xf32>
    %mul3A_104 = arith.mulf %logistic3A_95, %add3A_103 : vector<2048x16xf32>
    %slice3A_105 = vector.extract_strided_slice %dot_general3A_17 {offsets = [0, 67], sizes = [2048, 16], strides = [1, 1]} : vector<2048x132xf32> to vector<2048x16xf32>
    %mul3A_106 = vector.broadcast %get3A_98 : vector<1x16xf32> to vector<2048x16xf32>
    %mul3A_107 = arith.mulf %slice3A_105, %mul3A_106 : vector<2048x16xf32>
    %slice3A_108 = vector.extract_strided_slice %get3A_1 {offsets = [0, 212], sizes = [2048, 16], strides = [1, 1]} : vector<2048x256xf32> to vector<2048x16xf32>
    %add3A_109 = arith.addf %mul3A_107, %slice3A_108 : vector<2048x16xf32>
    %mul3A_110 = arith.mulf %logistic3A_95, %add3A_109 : vector<2048x16xf32>
    %slice3A_111 = vector.extract_strided_slice %dot_general3A_17 {offsets = [0, 83], sizes = [2048, 16], strides = [1, 1]} : vector<2048x132xf32> to vector<2048x16xf32>
    %mul3A_112 = vector.broadcast %get3A_98 : vector<1x16xf32> to vector<2048x16xf32>
    %mul3A_113 = arith.mulf %slice3A_111, %mul3A_112 : vector<2048x16xf32>
    %slice3A_114 = vector.extract_strided_slice %get3A_1 {offsets = [0, 228], sizes = [2048, 16], strides = [1, 1]} : vector<2048x256xf32> to vector<2048x16xf32>
    %add3A_115 = arith.addf %mul3A_113, %slice3A_114 : vector<2048x16xf32>
    %mul3A_116 = arith.mulf %logistic3A_95, %add3A_115 : vector<2048x16xf32>
    %mul3A_117 = arith.constant 2048 : i32
    %mul3A_118 = arith.muli %arg0, %mul3A_117 : i32
    %add3A_119 = arith.constant 122880 : i32
    %add3A_120 = arith.addi %add3A_119, %mul3A_118 : i32
    %iota3A_121 = tpu.iota {dimensions = array<i32: 0>} : vector<2048x1xi32>
    %add3A_122 = vector.broadcast %add3A_120 : i32 to vector<2048x1xi32>
    %add3A_123 = arith.addi %add3A_122, %iota3A_121 : vector<2048x1xi32>
    %lt3A = arith.constant 160000 : i32
    %lt3A_124 = vector.broadcast %lt3A : i32 to vector<2048x1xi32>
    %lt3A_125 = arith.cmpi slt, %add3A_123, %lt3A_124 : vector<2048x1xi32>
    %convert_element_type3A_126 = arith.extui %lt3A_125 : vector<2048x1xi1> to vector<2048x1xi32>
    %convert_element_type3A_127 = arith.sitofp %convert_element_type3A_126 : vector<2048x1xi32> to vector<2048x1xf32>
    %mul3A_128 = vector.broadcast %convert_element_type3A_127 : vector<2048x1xf32> to vector<2048x128xf32>
    %mul3A_129 = arith.mulf %mul3A_79, %mul3A_128 : vector<2048x128xf32>
    %swap3A = arith.constant 0 : index
    %swap3A_130 = arith.constant 0 : index
    %swap3A_131 = vector.load %arg13[%swap3A, %swap3A_130] : memref<2048x128xf32, #tpu.memory_space<vmem>>, vector<2048x128xf32>
    tpu.vector_store %arg13[%swap3A, %swap3A_130], %mul3A_129 {strides = array<i32>} : memref<2048x128xf32, #tpu.memory_space<vmem>>, vector<2048x128xf32>,
    %broadcast_in_dim3A_132 = arith.constant 0.000000e+00 : f32
    %broadcast_in_dim3A_133 = vector.broadcast %broadcast_in_dim3A_132 : f32 to vector<2048x80xf32>
    %concatenate3A_134 = tpu.concatenate %mul3A_104, %mul3A_110, %mul3A_116, %broadcast_in_dim3A_133 in 1 : vector<2048x16xf32>, vector<2048x16xf32>, vector<2048x16xf32>, vector<2048x80xf32> -> vector<2048x128xf32>
    %mul3A_135 = vector.broadcast %convert_element_type3A_127 : vector<2048x1xf32> to vector<2048x128xf32>
    %mul3A_136 = arith.mulf %concatenate3A_134, %mul3A_135 : vector<2048x128xf32>
    %swap3A_137 = arith.constant 0 : index
    %swap3A_138 = arith.constant 0 : index
    %swap3A_139 = vector.load %arg14[%swap3A_137, %swap3A_138] : memref<2048x128xf32, #tpu.memory_space<vmem>>, vector<2048x128xf32>
    tpu.vector_store %arg14[%swap3A_137, %swap3A_138], %mul3A_136 {strides = array<i32>} : memref<2048x128xf32, #tpu.memory_space<vmem>>, vector<2048x128xf32>,
    return
  }
  func.func @transform_0(%arg0: i32) -> (i32, i32) {
    %c0_i32 = arith.constant 0 : i32
    %c0_i32_0 = arith.constant 0 : i32
    %c0_i32_1 = arith.constant 0 : i32
    return %c0_i32, %c0_i32_0 : i32, i32
  }
  func.func @transform_1(%arg0: i32) -> (i32, i32) {
    %c0_i32 = arith.constant 0 : i32
    %c0_i32_0 = arith.constant 0 : i32
    %c0_i32_1 = arith.constant 0 : i32
    return %c0_i32, %c0_i32_0 : i32, i32
  }
  func.func @transform_2(%arg0: i32) -> (i32, i32) {
    %c0_i32 = arith.constant 0 : i32
    %c0_i32_0 = arith.constant 0 : i32
    return %arg0, %c0_i32 : i32, i32
  }
  func.func @transform_3(%arg0: i32) -> (i32, i32) {
    %add3A = arith.constant 60 : i32
    %add3A_0 = arith.addi %arg0, %add3A : i32
    %c0_i32 = arith.constant 0 : i32
    %c0_i32_1 = arith.constant 0 : i32
    return %add3A_0, %c0_i32 : i32, i32
  }
  func.func @transform_4(%arg0: i32) -> (i32, i32) {
    %c0_i32 = arith.constant 0 : i32
    %c0_i32_0 = arith.constant 0 : i32
    %c0_i32_1 = arith.constant 0 : i32
    return %c0_i32, %c0_i32_0 : i32, i32
  }
  func.func @transform_5(%arg0: i32) -> (i32, i32) {
    %c0_i32 = arith.constant 0 : i32
    %c0_i32_0 = arith.constant 0 : i32
    %c0_i32_1 = arith.constant 0 : i32
    return %c0_i32, %c0_i32_0 : i32, i32
  }
  func.func @transform_6(%arg0: i32) -> (i32, i32) {
    %c0_i32 = arith.constant 0 : i32
    %c0_i32_0 = arith.constant 0 : i32
    %c0_i32_1 = arith.constant 0 : i32
    return %c0_i32, %c0_i32_0 : i32, i32
  }
  func.func @transform_7(%arg0: i32) -> (i32, i32) {
    %c0_i32 = arith.constant 0 : i32
    %c0_i32_0 = arith.constant 0 : i32
    %c0_i32_1 = arith.constant 0 : i32
    return %c0_i32, %c0_i32_0 : i32, i32
  }
  func.func @transform_8(%arg0: i32) -> (i32, i32) {
    %c0_i32 = arith.constant 0 : i32
    %c0_i32_0 = arith.constant 0 : i32
    %c0_i32_1 = arith.constant 0 : i32
    return %c0_i32, %c0_i32_0 : i32, i32
  }
  func.func @transform_9(%arg0: i32) -> (i32, i32) {
    %c0_i32 = arith.constant 0 : i32
    %c0_i32_0 = arith.constant 0 : i32
    %c0_i32_1 = arith.constant 0 : i32
    return %c0_i32, %c0_i32_0 : i32, i32
  }
  func.func @transform_10(%arg0: i32) -> (i32, i32) {
    %c0_i32 = arith.constant 0 : i32
    %c0_i32_0 = arith.constant 0 : i32
    %c0_i32_1 = arith.constant 0 : i32
    return %c0_i32, %c0_i32_0 : i32, i32
  }
  func.func @transform_11(%arg0: i32) -> (i32, i32) {
    %c0_i32 = arith.constant 0 : i32
    %c0_i32_0 = arith.constant 0 : i32
    %c0_i32_1 = arith.constant 0 : i32
    return %c0_i32, %c0_i32_0 : i32, i32
  }
  func.func @transform_12(%arg0: i32) -> (i32, i32) {
    %add3A = arith.constant 60 : i32
    %add3A_0 = arith.addi %arg0, %add3A : i32
    %c0_i32 = arith.constant 0 : i32
    %c0_i32_1 = arith.constant 0 : i32
    return %add3A_0, %c0_i32 : i32, i32
  }
  func.func @transform_13(%arg0: i32) -> (i32, i32) {
    %add3A = arith.constant 60 : i32
    %add3A_0 = arith.addi %arg0, %add3A : i32
    %c0_i32 = arith.constant 0 : i32
    %c0_i32_1 = arith.constant 0 : i32
    return %add3A_0, %c0_i32 : i32, i32
  }
}

module attributes {stable_mosaic.version = 14 : i64} {
  func.func @_node_update_body(%arg0: i32, %arg1: memref<1000x128xf32, #tpu.memory_space<vmem>>, %arg2: memref<3x1000x16xf32, #tpu.memory_space<vmem>>, %arg3: memref<2x1000x128xf32, #tpu.memory_space<vmem>>, %arg4: memref<2x1000x128xf32, #tpu.memory_space<vmem>>, %arg5: memref<1x128xf32, #tpu.memory_space<vmem>>, %arg6: memref<1x128xf32, #tpu.memory_space<vmem>>, %arg7: memref<1x128xf32, #tpu.memory_space<vmem>>, %arg8: memref<1x128xf32, #tpu.memory_space<vmem>>, %arg9: memref<16x16xf32, #tpu.memory_space<vmem>>, %arg10: memref<16x16xf32, #tpu.memory_space<vmem>>, %arg11: memref<144x128xf32, #tpu.memory_space<vmem>>, %arg12: memref<1x128xf32, #tpu.memory_space<vmem>>, %arg13: memref<128x16xf32, #tpu.memory_space<vmem>>, %arg14: memref<1x16xf32, #tpu.memory_space<vmem>>, %arg15: memref<1000x128xf32, #tpu.memory_space<vmem>>, %arg16: memref<3x1000x16xf32, #tpu.memory_space<vmem>>) attributes {dimension_semantics = [#tpu.dimension_semantics<arbitrary>], iteration_bounds = array<i64: 10>, scalar_prefetch = 0 : i64, scratch_operands = 0 : i64, tpu.core_type = #tpu.core_type<tc>, window_params = [{transform_indices = @transform_0, window_bounds = array<i64: 1000, 128>}, {transform_indices = @transform_1, window_bounds = array<i64: 3, 1000, 16>}, {transform_indices = @transform_2, window_bounds = array<i64: 2, 1000, 128>}, {transform_indices = @transform_3, window_bounds = array<i64: 2, 1000, 128>}, {pipeline_mode = #tpu.pipeline_mode<synchronous>, transform_indices = @transform_4, window_bounds = array<i64: 1, 128>}, {pipeline_mode = #tpu.pipeline_mode<synchronous>, transform_indices = @transform_5, window_bounds = array<i64: 1, 128>}, {pipeline_mode = #tpu.pipeline_mode<synchronous>, transform_indices = @transform_6, window_bounds = array<i64: 1, 128>}, {pipeline_mode = #tpu.pipeline_mode<synchronous>, transform_indices = @transform_7, window_bounds = array<i64: 1, 128>}, {pipeline_mode = #tpu.pipeline_mode<synchronous>, transform_indices = @transform_8, window_bounds = array<i64: 16, 16>}, {pipeline_mode = #tpu.pipeline_mode<synchronous>, transform_indices = @transform_9, window_bounds = array<i64: 16, 16>}, {pipeline_mode = #tpu.pipeline_mode<synchronous>, transform_indices = @transform_10, window_bounds = array<i64: 144, 128>}, {pipeline_mode = #tpu.pipeline_mode<synchronous>, transform_indices = @transform_11, window_bounds = array<i64: 1, 128>}, {pipeline_mode = #tpu.pipeline_mode<synchronous>, transform_indices = @transform_12, window_bounds = array<i64: 128, 16>}, {pipeline_mode = #tpu.pipeline_mode<synchronous>, transform_indices = @transform_13, window_bounds = array<i64: 1, 16>}, {transform_indices = @transform_14, window_bounds = array<i64: 1000, 128>}, {transform_indices = @transform_15, window_bounds = array<i64: 3, 1000, 16>}]} {
    %get3A = arith.constant 0 : index
    %get3A_0 = arith.constant 0 : index
    %get3A_1 = arith.constant 0 : index
    %get3A_2 = vector.load %arg3[%get3A, %get3A_0, %get3A_1] : memref<2x1000x128xf32, #tpu.memory_space<vmem>>, vector<2x1000x128xf32>
    %get3A_3 = arith.constant 0 : index
    %get3A_4 = arith.constant 0 : index
    %get3A_5 = arith.constant 0 : index
    %get3A_6 = vector.load %arg4[%get3A_3, %get3A_4, %get3A_5] : memref<2x1000x128xf32, #tpu.memory_space<vmem>>, vector<2x1000x128xf32>
    %get3A_7 = arith.constant 0 : index
    %get3A_8 = arith.constant 0 : index
    %get3A_9 = vector.load %arg1[%get3A_7, %get3A_8] : memref<1000x128xf32, #tpu.memory_space<vmem>>, vector<1000x128xf32>
    %slice3A = vector.extract_strided_slice %get3A_2 {offsets = [0, 0, 0], sizes = [1, 1000, 128], strides = [1, 1, 1]} : vector<2x1000x128xf32> to vector<1x1000x128xf32>
    %squeeze3A = vector.shape_cast %slice3A : vector<1x1000x128xf32> to vector<1000x128xf32>
    %slice3A_10 = vector.extract_strided_slice %get3A_2 {offsets = [1, 0, 0], sizes = [1, 1000, 128], strides = [1, 1, 1]} : vector<2x1000x128xf32> to vector<1x1000x128xf32>
    %squeeze3A_11 = vector.shape_cast %slice3A_10 : vector<1x1000x128xf32> to vector<1000x128xf32>
    %add3A = arith.addf %squeeze3A, %squeeze3A_11 : vector<1000x128xf32>
    %mul3A = arith.constant 1.000000e-01 : f32
    %mul3A_12 = vector.broadcast %mul3A : f32 to vector<1000x128xf32>
    %mul3A_13 = arith.mulf %add3A, %mul3A_12 : vector<1000x128xf32>
    %add3A_14 = arith.addf %get3A_9, %mul3A_13 : vector<1000x128xf32>
    %get3A_15 = arith.constant 0 : index
    %get3A_16 = arith.constant 0 : index
    %get3A_17 = arith.constant 0 : index
    %get3A_18 = vector.load %arg2[%get3A_15, %get3A_16, %get3A_17] : memref<3x1000x16xf32, #tpu.memory_space<vmem>>, vector<1x1000x16xf32>
    %get3A_19 = vector.shape_cast %get3A_18 : vector<1x1000x16xf32> to vector<1000x16xf32>
    %slice3A_20 = vector.extract_strided_slice %get3A_6 {offsets = [0, 0, 0], sizes = [1, 1000, 16], strides = [1, 1, 1]} : vector<2x1000x128xf32> to vector<1x1000x16xf32>
    %squeeze3A_21 = vector.shape_cast %slice3A_20 : vector<1x1000x16xf32> to vector<1000x16xf32>
    %slice3A_22 = vector.extract_strided_slice %get3A_6 {offsets = [1, 0, 0], sizes = [1, 1000, 16], strides = [1, 1, 1]} : vector<2x1000x128xf32> to vector<1x1000x16xf32>
    %squeeze3A_23 = vector.shape_cast %slice3A_22 : vector<1x1000x16xf32> to vector<1000x16xf32>
    %add3A_24 = arith.addf %squeeze3A_21, %squeeze3A_23 : vector<1000x16xf32>
    %mul3A_25 = arith.constant 1.000000e-01 : f32
    %mul3A_26 = vector.broadcast %mul3A_25 : f32 to vector<1000x16xf32>
    %mul3A_27 = arith.mulf %add3A_24, %mul3A_26 : vector<1000x16xf32>
    %add3A_28 = arith.addf %get3A_19, %mul3A_27 : vector<1000x16xf32>
    %get3A_29 = arith.constant 1 : index
    %get3A_30 = arith.constant 0 : index
    %get3A_31 = arith.constant 0 : index
    %get3A_32 = vector.load %arg2[%get3A_29, %get3A_30, %get3A_31] : memref<3x1000x16xf32, #tpu.memory_space<vmem>>, vector<1x1000x16xf32>
    %get3A_33 = vector.shape_cast %get3A_32 : vector<1x1000x16xf32> to vector<1000x16xf32>
    %slice3A_34 = vector.extract_strided_slice %get3A_6 {offsets = [0, 0, 16], sizes = [1, 1000, 16], strides = [1, 1, 1]} : vector<2x1000x128xf32> to vector<1x1000x16xf32>
    %squeeze3A_35 = vector.shape_cast %slice3A_34 : vector<1x1000x16xf32> to vector<1000x16xf32>
    %slice3A_36 = vector.extract_strided_slice %get3A_6 {offsets = [1, 0, 16], sizes = [1, 1000, 16], strides = [1, 1, 1]} : vector<2x1000x128xf32> to vector<1x1000x16xf32>
    %squeeze3A_37 = vector.shape_cast %slice3A_36 : vector<1x1000x16xf32> to vector<1000x16xf32>
    %add3A_38 = arith.addf %squeeze3A_35, %squeeze3A_37 : vector<1000x16xf32>
    %mul3A_39 = arith.constant 1.000000e-01 : f32
    %mul3A_40 = vector.broadcast %mul3A_39 : f32 to vector<1000x16xf32>
    %mul3A_41 = arith.mulf %add3A_38, %mul3A_40 : vector<1000x16xf32>
    %add3A_42 = arith.addf %get3A_33, %mul3A_41 : vector<1000x16xf32>
    %get3A_43 = arith.constant 2 : index
    %get3A_44 = arith.constant 0 : index
    %get3A_45 = arith.constant 0 : index
    %get3A_46 = vector.load %arg2[%get3A_43, %get3A_44, %get3A_45] : memref<3x1000x16xf32, #tpu.memory_space<vmem>>, vector<1x1000x16xf32>
    %get3A_47 = vector.shape_cast %get3A_46 : vector<1x1000x16xf32> to vector<1000x16xf32>
    %slice3A_48 = vector.extract_strided_slice %get3A_6 {offsets = [0, 0, 32], sizes = [1, 1000, 16], strides = [1, 1, 1]} : vector<2x1000x128xf32> to vector<1x1000x16xf32>
    %squeeze3A_49 = vector.shape_cast %slice3A_48 : vector<1x1000x16xf32> to vector<1000x16xf32>
    %slice3A_50 = vector.extract_strided_slice %get3A_6 {offsets = [1, 0, 32], sizes = [1, 1000, 16], strides = [1, 1, 1]} : vector<2x1000x128xf32> to vector<1x1000x16xf32>
    %squeeze3A_51 = vector.shape_cast %slice3A_50 : vector<1x1000x16xf32> to vector<1000x16xf32>
    %add3A_52 = arith.addf %squeeze3A_49, %squeeze3A_51 : vector<1000x16xf32>
    %mul3A_53 = arith.constant 1.000000e-01 : f32
    %mul3A_54 = vector.broadcast %mul3A_53 : f32 to vector<1000x16xf32>
    %mul3A_55 = arith.mulf %add3A_52, %mul3A_54 : vector<1000x16xf32>
    %add3A_56 = arith.addf %get3A_47, %mul3A_55 : vector<1000x16xf32>
    %get3A_57 = arith.constant 0 : index
    %get3A_58 = arith.constant 0 : index
    %get3A_59 = vector.load %arg5[%get3A_57, %get3A_58] : memref<1x128xf32, #tpu.memory_space<vmem>>, vector<1x128xf32>
    %get3A_60 = arith.constant 0 : index
    %get3A_61 = arith.constant 0 : index
    %get3A_62 = vector.load %arg6[%get3A_60, %get3A_61] : memref<1x128xf32, #tpu.memory_space<vmem>>, vector<1x128xf32>
    %reduce_sum3A = arith.constant dense<0.000000e+00> : vector<1000xf32>
    %reduce_sum3A_63 = vector.multi_reduction <add>, %add3A_14, %reduce_sum3A [1] : vector<1000x128xf32> to vector<1000xf32>
    %broadcast_in_dim3A = vector.shape_cast %reduce_sum3A_63 : vector<1000xf32> to vector<1000x1xf32>
    %div3A = arith.constant 1.280000e+02 : f32
    %div3A_64 = vector.broadcast %div3A : f32 to vector<1000x1xf32>
    %div3A_65 = arith.divf %broadcast_in_dim3A, %div3A_64 : vector<1000x1xf32>
    %sub3A = vector.broadcast %div3A_65 : vector<1000x1xf32> to vector<1000x128xf32>
    %sub3A_66 = arith.subf %add3A_14, %sub3A : vector<1000x128xf32>
    %mul3A_67 = arith.mulf %sub3A_66, %sub3A_66 : vector<1000x128xf32>
    %reduce_sum3A_68 = arith.constant dense<0.000000e+00> : vector<1000xf32>
    %reduce_sum3A_69 = vector.multi_reduction <add>, %mul3A_67, %reduce_sum3A_68 [1] : vector<1000x128xf32> to vector<1000xf32>
    %broadcast_in_dim3A_70 = vector.shape_cast %reduce_sum3A_69 : vector<1000xf32> to vector<1000x1xf32>
    %div3A_71 = arith.constant 1.280000e+02 : f32
    %div3A_72 = vector.broadcast %div3A_71 : f32 to vector<1000x1xf32>
    %div3A_73 = arith.divf %broadcast_in_dim3A_70, %div3A_72 : vector<1000x1xf32>
    %add3A_74 = arith.constant 9.99999974E-6 : f32
    %add3A_75 = vector.broadcast %add3A_74 : f32 to vector<1000x1xf32>
    %add3A_76 = arith.addf %div3A_73, %add3A_75 : vector<1000x1xf32>
    %rsqrt3A = math.rsqrt %add3A_76 : vector<1000x1xf32>
    %mul3A_77 = vector.broadcast %rsqrt3A : vector<1000x1xf32> to vector<1000x128xf32>
    %mul3A_78 = arith.mulf %sub3A_66, %mul3A_77 : vector<1000x128xf32>
    %mul3A_79 = vector.broadcast %get3A_59 : vector<1x128xf32> to vector<1000x128xf32>
    %mul3A_80 = arith.mulf %mul3A_78, %mul3A_79 : vector<1000x128xf32>
    %add3A_81 = vector.broadcast %get3A_62 : vector<1x128xf32> to vector<1000x128xf32>
    %add3A_82 = arith.addf %mul3A_80, %add3A_81 : vector<1000x128xf32>
    %mul3A_83 = arith.mulf %add3A_28, %add3A_28 : vector<1000x16xf32>
    %mul3A_84 = arith.mulf %add3A_42, %add3A_42 : vector<1000x16xf32>
    %add3A_85 = arith.addf %mul3A_83, %mul3A_84 : vector<1000x16xf32>
    %mul3A_86 = arith.mulf %add3A_56, %add3A_56 : vector<1000x16xf32>
    %add3A_87 = arith.addf %add3A_85, %mul3A_86 : vector<1000x16xf32>
    %max3A = arith.constant 9.99999993E-9 : f32
    %max3A_88 = vector.broadcast %max3A : f32 to vector<1000x16xf32>
    %max3A_89 = arith.maximumf %add3A_87, %max3A_88 : vector<1000x16xf32>
    %reduce_sum3A_90 = arith.constant dense<0.000000e+00> : vector<1000xf32>
    %reduce_sum3A_91 = vector.multi_reduction <add>, %max3A_89, %reduce_sum3A_90 [1] : vector<1000x16xf32> to vector<1000xf32>
    %broadcast_in_dim3A_92 = vector.shape_cast %reduce_sum3A_91 : vector<1000xf32> to vector<1000x1xf32>
    %div3A_93 = arith.constant 1.600000e+01 : f32
    %div3A_94 = vector.broadcast %div3A_93 : f32 to vector<1000x1xf32>
    %div3A_95 = arith.divf %broadcast_in_dim3A_92, %div3A_94 : vector<1000x1xf32>
    %sqrt3A = math.sqrt %div3A_95 : vector<1000x1xf32>
    %div3A_96 = vector.broadcast %sqrt3A : vector<1000x1xf32> to vector<1000x16xf32>
    %div3A_97 = arith.divf %add3A_28, %div3A_96 : vector<1000x16xf32>
    %div3A_98 = vector.broadcast %sqrt3A : vector<1000x1xf32> to vector<1000x16xf32>
    %div3A_99 = arith.divf %add3A_42, %div3A_98 : vector<1000x16xf32>
    %div3A_100 = vector.broadcast %sqrt3A : vector<1000x1xf32> to vector<1000x16xf32>
    %div3A_101 = arith.divf %add3A_56, %div3A_100 : vector<1000x16xf32>
    %get3A_102 = arith.constant 0 : index
    %get3A_103 = arith.constant 0 : index
    %get3A_104 = vector.load %arg9[%get3A_102, %get3A_103] : memref<16x16xf32, #tpu.memory_space<vmem>>, vector<16x16xf32>
    %dot_general3A = arith.constant dense<0.000000e+00> : vector<1000x16xf32>
    %dot_general3A_105 = tpu.matmul %div3A_97, %get3A_104, %dot_general3A {dimension_numbers = #tpu.dot_dimension_numbers<[1], [0], [0], [1], [0, 0, 1, 1], [], []>, transpose_lhs_hint = false} : vector<1000x16xf32>, vector<16x16xf32>, vector<1000x16xf32> -> vector<1000x16xf32>
    %dot_general3A_106 = arith.constant dense<0.000000e+00> : vector<1000x16xf32>
    %dot_general3A_107 = tpu.matmul %div3A_99, %get3A_104, %dot_general3A_106 {dimension_numbers = #tpu.dot_dimension_numbers<[1], [0], [0], [1], [0, 0, 1, 1], [], []>, transpose_lhs_hint = false} : vector<1000x16xf32>, vector<16x16xf32>, vector<1000x16xf32> -> vector<1000x16xf32>
    %dot_general3A_108 = arith.constant dense<0.000000e+00> : vector<1000x16xf32>
    %dot_general3A_109 = tpu.matmul %div3A_101, %get3A_104, %dot_general3A_108 {dimension_numbers = #tpu.dot_dimension_numbers<[1], [0], [0], [1], [0, 0, 1, 1], [], []>, transpose_lhs_hint = false} : vector<1000x16xf32>, vector<16x16xf32>, vector<1000x16xf32> -> vector<1000x16xf32>
    %mul3A_110 = arith.mulf %dot_general3A_105, %dot_general3A_105 : vector<1000x16xf32>
    %mul3A_111 = arith.mulf %dot_general3A_107, %dot_general3A_107 : vector<1000x16xf32>
    %add3A_112 = arith.addf %mul3A_110, %mul3A_111 : vector<1000x16xf32>
    %mul3A_113 = arith.mulf %dot_general3A_109, %dot_general3A_109 : vector<1000x16xf32>
    %add3A_114 = arith.addf %add3A_112, %mul3A_113 : vector<1000x16xf32>
    %max3A_115 = arith.constant 9.99999993E-9 : f32
    %max3A_116 = vector.broadcast %max3A_115 : f32 to vector<1000x16xf32>
    %max3A_117 = arith.maximumf %add3A_114, %max3A_116 : vector<1000x16xf32>
    %sqrt3A_118 = math.sqrt %max3A_117 : vector<1000x16xf32>
    %concatenate3A = tpu.concatenate %add3A_82, %sqrt3A_118 in 1 : vector<1000x128xf32>, vector<1000x16xf32> -> vector<1000x144xf32>
    %get3A_119 = arith.constant 0 : index
    %get3A_120 = arith.constant 0 : index
    %get3A_121 = vector.load %arg11[%get3A_119, %get3A_120] : memref<144x128xf32, #tpu.memory_space<vmem>>, vector<144x128xf32>
    %dot_general3A_122 = arith.constant dense<0.000000e+00> : vector<1000x128xf32>
    %dot_general3A_123 = tpu.matmul %concatenate3A, %get3A_121, %dot_general3A_122 {dimension_numbers = #tpu.dot_dimension_numbers<[1], [0], [0], [1], [0, 0, 1, 1], [], []>, transpose_lhs_hint = false} : vector<1000x144xf32>, vector<144x128xf32>, vector<1000x128xf32> -> vector<1000x128xf32>
    %get3A_124 = arith.constant 0 : index
    %get3A_125 = arith.constant 0 : index
    %get3A_126 = vector.load %arg12[%get3A_124, %get3A_125] : memref<1x128xf32, #tpu.memory_space<vmem>>, vector<1x128xf32>
    %add3A_127 = vector.broadcast %get3A_126 : vector<1x128xf32> to vector<1000x128xf32>
    %add3A_128 = arith.addf %dot_general3A_123, %add3A_127 : vector<1000x128xf32>
    %logistic3A = arith.negf %add3A_128 : vector<1000x128xf32>
    %logistic3A_129 = math.exp %logistic3A : vector<1000x128xf32>
    %logistic3A_130 = arith.constant 1.000000e+00 : f32
    %logistic3A_131 = vector.broadcast %logistic3A_130 : f32 to vector<1000x128xf32>
    %logistic3A_132 = arith.addf %logistic3A_131, %logistic3A_129 : vector<1000x128xf32>
    %logistic3A_133 = arith.divf %logistic3A_131, %logistic3A_132 : vector<1000x128xf32>
    %mul3A_134 = arith.mulf %add3A_128, %logistic3A_133 : vector<1000x128xf32>
    %get3A_135 = arith.constant 0 : index
    %get3A_136 = arith.constant 0 : index
    %get3A_137 = vector.load %arg13[%get3A_135, %get3A_136] : memref<128x16xf32, #tpu.memory_space<vmem>>, vector<128x16xf32>
    %dot_general3A_138 = arith.constant dense<0.000000e+00> : vector<1000x16xf32>
    %dot_general3A_139 = tpu.matmul %mul3A_134, %get3A_137, %dot_general3A_138 {dimension_numbers = #tpu.dot_dimension_numbers<[1], [0], [0], [1], [0, 0, 1, 1], [], []>, transpose_lhs_hint = false} : vector<1000x128xf32>, vector<128x16xf32>, vector<1000x16xf32> -> vector<1000x16xf32>
    %get3A_140 = arith.constant 0 : index
    %get3A_141 = arith.constant 0 : index
    %get3A_142 = vector.load %arg14[%get3A_140, %get3A_141] : memref<1x16xf32, #tpu.memory_space<vmem>>, vector<1x16xf32>
    %add3A_143 = vector.broadcast %get3A_142 : vector<1x16xf32> to vector<1000x16xf32>
    %add3A_144 = arith.addf %dot_general3A_139, %add3A_143 : vector<1000x16xf32>
    %logistic3A_145 = arith.negf %add3A_144 : vector<1000x16xf32>
    %logistic3A_146 = math.exp %logistic3A_145 : vector<1000x16xf32>
    %logistic3A_147 = arith.constant 1.000000e+00 : f32
    %logistic3A_148 = vector.broadcast %logistic3A_147 : f32 to vector<1000x16xf32>
    %logistic3A_149 = arith.addf %logistic3A_148, %logistic3A_146 : vector<1000x16xf32>
    %logistic3A_150 = arith.divf %logistic3A_148, %logistic3A_149 : vector<1000x16xf32>
    %get3A_151 = arith.constant 0 : index
    %get3A_152 = arith.constant 0 : index
    %get3A_153 = vector.load %arg10[%get3A_151, %get3A_152] : memref<16x16xf32, #tpu.memory_space<vmem>>, vector<16x16xf32>
    %dot_general3A_154 = arith.constant dense<0.000000e+00> : vector<1000x16xf32>
    %dot_general3A_155 = tpu.matmul %dot_general3A_105, %get3A_153, %dot_general3A_154 {dimension_numbers = #tpu.dot_dimension_numbers<[1], [0], [0], [1], [0, 0, 1, 1], [], []>, transpose_lhs_hint = false} : vector<1000x16xf32>, vector<16x16xf32>, vector<1000x16xf32> -> vector<1000x16xf32>
    %mul3A_156 = arith.mulf %logistic3A_150, %dot_general3A_155 : vector<1000x16xf32>
    %dot_general3A_157 = arith.constant dense<0.000000e+00> : vector<1000x16xf32>
    %dot_general3A_158 = tpu.matmul %dot_general3A_107, %get3A_153, %dot_general3A_157 {dimension_numbers = #tpu.dot_dimension_numbers<[1], [0], [0], [1], [0, 0, 1, 1], [], []>, transpose_lhs_hint = false} : vector<1000x16xf32>, vector<16x16xf32>, vector<1000x16xf32> -> vector<1000x16xf32>
    %mul3A_159 = arith.mulf %logistic3A_150, %dot_general3A_158 : vector<1000x16xf32>
    %dot_general3A_160 = arith.constant dense<0.000000e+00> : vector<1000x16xf32>
    %dot_general3A_161 = tpu.matmul %dot_general3A_109, %get3A_153, %dot_general3A_160 {dimension_numbers = #tpu.dot_dimension_numbers<[1], [0], [0], [1], [0, 0, 1, 1], [], []>, transpose_lhs_hint = false} : vector<1000x16xf32>, vector<16x16xf32>, vector<1000x16xf32> -> vector<1000x16xf32>
    %mul3A_162 = arith.mulf %logistic3A_150, %dot_general3A_161 : vector<1000x16xf32>
    %add3A_163 = arith.addf %add3A_82, %mul3A_134 : vector<1000x128xf32>
    %add3A_164 = arith.addf %div3A_97, %mul3A_156 : vector<1000x16xf32>
    %add3A_165 = arith.addf %div3A_99, %mul3A_159 : vector<1000x16xf32>
    %add3A_166 = arith.addf %div3A_101, %mul3A_162 : vector<1000x16xf32>
    %get3A_167 = arith.constant 0 : index
    %get3A_168 = arith.constant 0 : index
    %get3A_169 = vector.load %arg7[%get3A_167, %get3A_168] : memref<1x128xf32, #tpu.memory_space<vmem>>, vector<1x128xf32>
    %get3A_170 = arith.constant 0 : index
    %get3A_171 = arith.constant 0 : index
    %get3A_172 = vector.load %arg8[%get3A_170, %get3A_171] : memref<1x128xf32, #tpu.memory_space<vmem>>, vector<1x128xf32>
    %reduce_sum3A_173 = arith.constant dense<0.000000e+00> : vector<1000xf32>
    %reduce_sum3A_174 = vector.multi_reduction <add>, %add3A_163, %reduce_sum3A_173 [1] : vector<1000x128xf32> to vector<1000xf32>
    %broadcast_in_dim3A_175 = vector.shape_cast %reduce_sum3A_174 : vector<1000xf32> to vector<1000x1xf32>
    %div3A_176 = arith.constant 1.280000e+02 : f32
    %div3A_177 = vector.broadcast %div3A_176 : f32 to vector<1000x1xf32>
    %div3A_178 = arith.divf %broadcast_in_dim3A_175, %div3A_177 : vector<1000x1xf32>
    %sub3A_179 = vector.broadcast %div3A_178 : vector<1000x1xf32> to vector<1000x128xf32>
    %sub3A_180 = arith.subf %add3A_163, %sub3A_179 : vector<1000x128xf32>
    %mul3A_181 = arith.mulf %sub3A_180, %sub3A_180 : vector<1000x128xf32>
    %reduce_sum3A_182 = arith.constant dense<0.000000e+00> : vector<1000xf32>
    %reduce_sum3A_183 = vector.multi_reduction <add>, %mul3A_181, %reduce_sum3A_182 [1] : vector<1000x128xf32> to vector<1000xf32>
    %broadcast_in_dim3A_184 = vector.shape_cast %reduce_sum3A_183 : vector<1000xf32> to vector<1000x1xf32>
    %div3A_185 = arith.constant 1.280000e+02 : f32
    %div3A_186 = vector.broadcast %div3A_185 : f32 to vector<1000x1xf32>
    %div3A_187 = arith.divf %broadcast_in_dim3A_184, %div3A_186 : vector<1000x1xf32>
    %add3A_188 = arith.constant 9.99999974E-6 : f32
    %add3A_189 = vector.broadcast %add3A_188 : f32 to vector<1000x1xf32>
    %add3A_190 = arith.addf %div3A_187, %add3A_189 : vector<1000x1xf32>
    %rsqrt3A_191 = math.rsqrt %add3A_190 : vector<1000x1xf32>
    %mul3A_192 = vector.broadcast %rsqrt3A_191 : vector<1000x1xf32> to vector<1000x128xf32>
    %mul3A_193 = arith.mulf %sub3A_180, %mul3A_192 : vector<1000x128xf32>
    %mul3A_194 = vector.broadcast %get3A_169 : vector<1x128xf32> to vector<1000x128xf32>
    %mul3A_195 = arith.mulf %mul3A_193, %mul3A_194 : vector<1000x128xf32>
    %add3A_196 = vector.broadcast %get3A_172 : vector<1x128xf32> to vector<1000x128xf32>
    %add3A_197 = arith.addf %mul3A_195, %add3A_196 : vector<1000x128xf32>
    %swap3A = arith.constant 0 : index
    %swap3A_198 = arith.constant 0 : index
    %swap3A_199 = vector.load %arg15[%swap3A, %swap3A_198] : memref<1000x128xf32, #tpu.memory_space<vmem>>, vector<1000x128xf32>
    tpu.vector_store %arg15[%swap3A, %swap3A_198], %add3A_197 {strides = array<i32>} : memref<1000x128xf32, #tpu.memory_space<vmem>>, vector<1000x128xf32>,
    %mul3A_200 = arith.mulf %add3A_164, %add3A_164 : vector<1000x16xf32>
    %mul3A_201 = arith.mulf %add3A_165, %add3A_165 : vector<1000x16xf32>
    %add3A_202 = arith.addf %mul3A_200, %mul3A_201 : vector<1000x16xf32>
    %mul3A_203 = arith.mulf %add3A_166, %add3A_166 : vector<1000x16xf32>
    %add3A_204 = arith.addf %add3A_202, %mul3A_203 : vector<1000x16xf32>
    %max3A_205 = arith.constant 9.99999993E-9 : f32
    %max3A_206 = vector.broadcast %max3A_205 : f32 to vector<1000x16xf32>
    %max3A_207 = arith.maximumf %add3A_204, %max3A_206 : vector<1000x16xf32>
    %reduce_sum3A_208 = arith.constant dense<0.000000e+00> : vector<1000xf32>
    %reduce_sum3A_209 = vector.multi_reduction <add>, %max3A_207, %reduce_sum3A_208 [1] : vector<1000x16xf32> to vector<1000xf32>
    %broadcast_in_dim3A_210 = vector.shape_cast %reduce_sum3A_209 : vector<1000xf32> to vector<1000x1xf32>
    %div3A_211 = arith.constant 1.600000e+01 : f32
    %div3A_212 = vector.broadcast %div3A_211 : f32 to vector<1000x1xf32>
    %div3A_213 = arith.divf %broadcast_in_dim3A_210, %div3A_212 : vector<1000x1xf32>
    %sqrt3A_214 = math.sqrt %div3A_213 : vector<1000x1xf32>
    %div3A_215 = vector.broadcast %sqrt3A_214 : vector<1000x1xf32> to vector<1000x16xf32>
    %div3A_216 = arith.divf %add3A_164, %div3A_215 : vector<1000x16xf32>
    %div3A_217 = vector.broadcast %sqrt3A_214 : vector<1000x1xf32> to vector<1000x16xf32>
    %div3A_218 = arith.divf %add3A_165, %div3A_217 : vector<1000x16xf32>
    %div3A_219 = vector.broadcast %sqrt3A_214 : vector<1000x1xf32> to vector<1000x16xf32>
    %div3A_220 = arith.divf %add3A_166, %div3A_219 : vector<1000x16xf32>
    %stack3A = vector.shape_cast %div3A_216 : vector<1000x16xf32> to vector<1x1000x16xf32>
    %stack3A_221 = vector.shape_cast %div3A_218 : vector<1000x16xf32> to vector<1x1000x16xf32>
    %stack3A_222 = vector.shape_cast %div3A_220 : vector<1000x16xf32> to vector<1x1000x16xf32>
    %stack3A_223 = tpu.concatenate %stack3A, %stack3A_221, %stack3A_222 in 0 : vector<1x1000x16xf32>, vector<1x1000x16xf32>, vector<1x1000x16xf32> -> vector<3x1000x16xf32>
    %swap3A_224 = arith.constant 0 : index
    %swap3A_225 = arith.constant 0 : index
    %swap3A_226 = arith.constant 0 : index
    %swap3A_227 = vector.load %arg16[%swap3A_224, %swap3A_225, %swap3A_226] : memref<3x1000x16xf32, #tpu.memory_space<vmem>>, vector<3x1000x16xf32>
    tpu.vector_store %arg16[%swap3A_224, %swap3A_225, %swap3A_226], %stack3A_223 {strides = array<i32>} : memref<3x1000x16xf32, #tpu.memory_space<vmem>>, vector<3x1000x16xf32>,
    return
  }
  func.func @transform_0(%arg0: i32) -> (i32, i32) {
    %c0_i32 = arith.constant 0 : i32
    %c0_i32_0 = arith.constant 0 : i32
    return %arg0, %c0_i32 : i32, i32
  }
  func.func @transform_1(%arg0: i32) -> (i32, i32, i32) {
    %c0_i32 = arith.constant 0 : i32
    %c0_i32_0 = arith.constant 0 : i32
    %c0_i32_1 = arith.constant 0 : i32
    return %c0_i32, %arg0, %c0_i32_0 : i32, i32, i32
  }
  func.func @transform_2(%arg0: i32) -> (i32, i32, i32) {
    %c0_i32 = arith.constant 0 : i32
    %c0_i32_0 = arith.constant 0 : i32
    %c0_i32_1 = arith.constant 0 : i32
    return %c0_i32, %arg0, %c0_i32_0 : i32, i32, i32
  }
  func.func @transform_3(%arg0: i32) -> (i32, i32, i32) {
    %c0_i32 = arith.constant 0 : i32
    %c0_i32_0 = arith.constant 0 : i32
    %c0_i32_1 = arith.constant 0 : i32
    return %c0_i32, %arg0, %c0_i32_0 : i32, i32, i32
  }
  func.func @transform_4(%arg0: i32) -> (i32, i32) {
    %c0_i32 = arith.constant 0 : i32
    %c0_i32_0 = arith.constant 0 : i32
    %c0_i32_1 = arith.constant 0 : i32
    return %c0_i32, %c0_i32_0 : i32, i32
  }
  func.func @transform_5(%arg0: i32) -> (i32, i32) {
    %c0_i32 = arith.constant 0 : i32
    %c0_i32_0 = arith.constant 0 : i32
    %c0_i32_1 = arith.constant 0 : i32
    return %c0_i32, %c0_i32_0 : i32, i32
  }
  func.func @transform_6(%arg0: i32) -> (i32, i32) {
    %c0_i32 = arith.constant 0 : i32
    %c0_i32_0 = arith.constant 0 : i32
    %c0_i32_1 = arith.constant 0 : i32
    return %c0_i32, %c0_i32_0 : i32, i32
  }
  func.func @transform_7(%arg0: i32) -> (i32, i32) {
    %c0_i32 = arith.constant 0 : i32
    %c0_i32_0 = arith.constant 0 : i32
    %c0_i32_1 = arith.constant 0 : i32
    return %c0_i32, %c0_i32_0 : i32, i32
  }
  func.func @transform_8(%arg0: i32) -> (i32, i32) {
    %c0_i32 = arith.constant 0 : i32
    %c0_i32_0 = arith.constant 0 : i32
    %c0_i32_1 = arith.constant 0 : i32
    return %c0_i32, %c0_i32_0 : i32, i32
  }
  func.func @transform_9(%arg0: i32) -> (i32, i32) {
    %c0_i32 = arith.constant 0 : i32
    %c0_i32_0 = arith.constant 0 : i32
    %c0_i32_1 = arith.constant 0 : i32
    return %c0_i32, %c0_i32_0 : i32, i32
  }
  func.func @transform_10(%arg0: i32) -> (i32, i32) {
    %c0_i32 = arith.constant 0 : i32
    %c0_i32_0 = arith.constant 0 : i32
    %c0_i32_1 = arith.constant 0 : i32
    return %c0_i32, %c0_i32_0 : i32, i32
  }
  func.func @transform_11(%arg0: i32) -> (i32, i32) {
    %c0_i32 = arith.constant 0 : i32
    %c0_i32_0 = arith.constant 0 : i32
    %c0_i32_1 = arith.constant 0 : i32
    return %c0_i32, %c0_i32_0 : i32, i32
  }
  func.func @transform_12(%arg0: i32) -> (i32, i32) {
    %c0_i32 = arith.constant 0 : i32
    %c0_i32_0 = arith.constant 0 : i32
    %c0_i32_1 = arith.constant 0 : i32
    return %c0_i32, %c0_i32_0 : i32, i32
  }
  func.func @transform_13(%arg0: i32) -> (i32, i32) {
    %c0_i32 = arith.constant 0 : i32
    %c0_i32_0 = arith.constant 0 : i32
    %c0_i32_1 = arith.constant 0 : i32
    return %c0_i32, %c0_i32_0 : i32, i32
  }
  func.func @transform_14(%arg0: i32) -> (i32, i32) {
    %c0_i32 = arith.constant 0 : i32
    %c0_i32_0 = arith.constant 0 : i32
    return %arg0, %c0_i32 : i32, i32
  }
  func.func @transform_15(%arg0: i32) -> (i32, i32, i32) {
    %c0_i32 = arith.constant 0 : i32
    %c0_i32_0 = arith.constant 0 : i32
    %c0_i32_1 = arith.constant 0 : i32
    return %c0_i32, %arg0, %c0_i32_0 : i32, i32, i32
  }
}

</mosaic_0001>

<sc_bundles>
// kernel: kernel.15.cloned.1.call-start
scs
__scs_entry_jumppad:
0x0: {  	(pc) =	sbr.rel $0x88, $3  }
0x1: {  	(tag) =	ssettag $0x0;
	lr =	simm.s32 $0x1  }
0x2: {  	[smem:$0x3F8D] =	sst lr;
	_ =	strace $0xD0000000  }
0x3: {  	_ = 	snop  }
0x4: {  	_ = 	snop  }
0x5: {  	_ = 	snop  }
0x6: {  	_ = 	snop  }
0x7: {  	_ = 	snop  }
__scs_overlays_trampoline_lowered:
0x8: {  	[smem:$0x3F9C] =	sst s0  }
0x9: {  	[smem:$0x3F9D] =	sst s1  }
0xa: {  	[smem:$0x3F9E] =	sst s2  }
0xb: {  	[smem:$0x3F9F] =	sst s3  }
0xc: {  	[smem:$0x3FA0] =	sst s4  }
0xd: {  	[smem:$0x3FA1] =	sst s5  }
0xe: {  	[smem:$0x3FA2] =	sst s6  }
0xf: {  	[smem:$0x3FA3] =	sst s7  }
0x10: {  	[smem:$0x3FA4] =	sst s8  }
0x11: {  	[smem:$0x3FA5] =	sst s9;
	s0 =	simm.s32 @!p0 $0x0  }
0x12: {  	s1 =	sld [smem:$0x3F8B];
	s0 =	simm.s32 @p0 $0x1  }
0x13: {  	[smem:$0x3FA6] =	sst s0;
	s0 =	simm.s32 @!p1 $0x0  }
0x14: {  	s2 =	sld [smem:$0x3F8A];
	s0 =	simm.s32 @p1 $0x1  }
0x15: {  	[smem:$0x3FA7] =	sst s0;
	s0 =	simm.s32 @!p2 $0x0  }
0x16: {  	s3 =	sld [smem:$0x3FDB];
	s0 =	simm.s32 @p2 $0x1  }
0x17: {  	s4 =	simm.s32 $0x1BF5;
	[smem:$0x3FA9] =	sst s0  }
0x18: {  	s0 =	sld [smem:$0x3F8C];
	_ =	swait.ge [sflag:s4], $0x0  }
0x19: {  	s7 =	sld [smem:$0x3F8D]  }
0x1a: {  	s8 =	sadd.s32 $0xFFFFE003, lr  }
0x1b: {  	s9 =	sadd.s32 $0xFFFFFEF7, lr;
	s5 =	simm.s32 $0xFFFFFFFF;
	p2 =	slt.u32 s8, $0xFFFFF086  }
0x1c: {  	p1 =	slt.u32 s9, $0xF7A;
	s5 =	simm.s32 @!p2 $0x0  }
0x1d: {  	s5 =	simm.s32 @p1 $0x1;
	p0 =	seq.s32 s7, s2  }
0x1e: {  	s7 =	smul.u32 @!p0 $0xF7A, s2;
	p2 =	seq.s32 @!p0 s5, $0x0  }
0x1f: {  	s9 =	smul.u32 $0xF7A, s1;
	s8 =	simm.s32 @!p0 $0x1BF5;
	p2 =	por !p2, p0  }
0x20: {  	[sflag:s8] =	ssyncset.s32 @!p0 $0xFFFFF086;
	s6 =	sadd.s32 @!p0 s3, s7;
	s7 =	simm.s32 @!p0 $0x108  }
0x21: {  	s3 =	sadd.s32 s3, s9;
	s6 =	sadd.s32 @!p0 $0x88, s6;
	s7 =	simm.s32 @p2 $0x1082  }
0x22: {  	[simem:s7], [sflag:s8] =	dma.local @!p0 [hbm:s6], $0xF7A  }
0x23: {  	s9 =	sor.u32 $0xD0000000, s2;
	s6 =	simm.s32 $0x108;
	_ =	swait.ge @!p0 [sflag:s8], $0x0  }
0x24: {  	s3 =	sadd.s32 $0x88, s3;
	s6 =	simm.s32 @!p1 $0x1082;
	[sflag:s4] =	ssyncset.s32 $0xFFFFF086  }
0x25: {  	[simem:s6], [sflag:s4] =	dma.local [hbm:s3], $0xF7A  }
0x26: {  	[smem:$0x3F8D] =	sst s1;
	(tag) =	ssettag s2;
	_ =	strace s9  }
0x27: {  	s1 =	sld [smem:$0x3F9D]  }
0x28: {  	s2 =	sld [smem:$0x3F9E]  }
0x29: {  	s4 =	sld [smem:$0x3FA0]  }
0x2a: {  	p0 =	seq.s32 s5, $0x0;
	s5 =	sld [smem:$0x3FA1]  }
0x2b: {  	s6 =	sld [smem:$0x3FA2]  }
0x2c: {  	s7 =	sld [smem:$0x3FA3]  }
0x2d: {  	s3 =	simm.s32 $0x108;
	s8 =	sld [smem:$0x3FA4]  }
0x2e: {  	s3 =	simm.s32 @!p0 $0x1082;
	s9 =	sld [smem:$0x3FA5]  }
0x2f: {  	lr =	sadd.s32 s0, s3;
	s0 =	sld [smem:$0x3F9C]  }
0x30: {  	s3 =	sld [smem:$0x3F9F]  }
0x31: {  	[smem:$0x3FA8] =	sst s10  }
0x32: {  	s10 =	sld [smem:$0x3FA6];
	_ =	sdelay $0x3  }
0x33: {  	p0 =	seq.s32 s10, $0x1;
	s10 =	sld [smem:$0x3FA8];
	_ =	sdelay $0x3  }
0x34: {  	[smem:$0x3FA8] =	sst s10  }
0x35: {  	s10 =	sld [smem:$0x3FA7];
	_ =	sdelay $0x3  }
0x36: {  	p1 =	seq.s32 s10, $0x1;
	s10 =	sld [smem:$0x3FA8];
	_ =	sdelay $0x3  }
0x37: {  	[smem:$0x3FA8] =	sst s10  }
0x38: {  	s10 =	sld [smem:$0x3FA9]  }
0x39: {  	_ = 	snop;
	(pc) =	sbr.ind lr, $3  }
0x3a: {  	_ = 	snop  }
0x3b: {  	_ = 	snop  }
0x3c: {  	p2 =	seq.s32 s10, $0x1;
	s10 =	sld [smem:$0x3FA8]  }
0x3d: {  	_ =	shalt  }
0x3e: {  	_ =	shalt  }
0x3f: {  	_ =	shalt  }
0x40: {  	_ =	shalt  }
0x41: {  	_ =	shalt  }
0x42: {  	_ =	shalt  }
0x43: {  	_ =	shalt  }
0x44: {  	_ =	shalt  }
0x45: {  	_ =	shalt  }
0x46: {  	_ =	shalt  }
0x47: {  	_ =	shalt  }
0x48: {  	_ =	shalt  }
0x49: {  	_ =	shalt  }
0x4a: {  	_ =	shalt  }
0x4b: {  	_ =	shalt  }
0x4c: {  	_ =	shalt  }
0x4d: {  	_ =	shalt  }
0x4e: {  	_ =	shalt  }
0x4f: {  	_ =	shalt  }
0x50: {  	_ =	shalt  }
0x51: {  	_ =	shalt  }
0x52: {  	_ =	shalt  }
0x53: {  	_ =	shalt  }
0x54: {  	_ =	shalt  }
0x55: {  	_ =	shalt  }
0x56: {  	_ =	shalt  }
0x57: {  	_ =	shalt  }
0x58: {  	_ =	shalt  }
0x59: {  	_ =	shalt  }
0x5a: {  	_ =	shalt  }
0x5b: {  	_ =	shalt  }
0x5c: {  	_ =	shalt  }
0x5d: {  	_ =	shalt  }
0x5e: {  	_ =	shalt  }
0x5f: {  	_ =	shalt  }
0x60: {  	_ =	shalt  }
0x61: {  	_ =	shalt  }
0x62: {  	_ =	shalt  }
0x63: {  	_ =	shalt  }
0x64: {  	_ =	shalt  }
0x65: {  	_ =	shalt  }
0x66: {  	_ =	shalt  }
0x67: {  	_ =	shalt  }
0x68: {  	_ =	shalt  }
0x69: {  	_ =	shalt  }
0x6a: {  	_ =	shalt  }
0x6b: {  	_ =	shalt  }
0x6c: {  	_ =	shalt  }
0x6d: {  	_ =	shalt  }
0x6e: {  	_ =	shalt  }
0x6f: {  	_ =	shalt  }
0x70: {  	_ =	shalt  }
0x71: {  	_ =	shalt  }
0x72: {  	_ =	shalt  }
0x73: {  	_ =	shalt  }
0x74: {  	_ =	shalt  }
0x75: {  	_ =	shalt  }
0x76: {  	_ =	shalt  }
0x77: {  	_ =	shalt  }
0x78: {  	_ =	shalt  }
0x79: {  	_ =	shalt  }
0x7a: {  	_ =	shalt  }
0x7b: {  	_ =	shalt  }
0x7c: {  	_ =	shalt  }
0x7d: {  	_ =	shalt  }
0x7e: {  	_ =	shalt  }
0x7f: {  	_ =	shalt  }
0x80: {  	_ =	shalt  }
0x81: {  	_ =	shalt  }
0x82: {  	_ =	shalt  }
0x83: {  	_ =	shalt  }
0x84: {  	_ =	shalt  }
0x85: {  	_ =	shalt  }
0x86: {  	_ =	shalt  }
0x87: {  	_ =	shalt  }
.Lfunc_end0:
.L_simem_size_0:
called_computation_lowered:
.L_overlay_start_0:
0x88: {  	s2 =	sld [smem:$0x3FD9]  }
0x89: {  	s3 =	sld [smem:$0x3FFE];
	_ =	sdelay $0x1  }
0x8a: {  	s1 =	srdreg.scid  }
0x8b: {  	s0 =	sand.u32 $0x1, s1  }
0x8c: {  	s14 =	sshll.u32 s0, $0xA;
	s2 =	sadd.s32 s3, s2  }
0x8d: {  	s2 =	sadd.s32 s2, s14  }
0x8e: {  	[smem:$0x3FB4] =	sst s2  }
0x8f: {  	_ = 	snop  }
0x90: {  	s2 =	sld [smem:$0x3FD0];
	_ =	sdelay $0x2  }
0x91: {  	s15 =	simm.s32 $0xE;
	s4 =	simm.s32 $0x10  }
0x92: {  	[smem:s4], [sflag:s15] =	dma.local [hbm:s2], $0x1  }
0x93: {  	_ =	swait.eq [sflag:s15], $0x1  }
0x94: {  	[sflag:s15] =	ssyncset.done $0x0  }
0x95: {  	[sflag:s15] =	ssyncadd.s32 $0xFFFFFFFF  }
0x96: {  	s16 =	sld [smem:$0x10];
	(tm) =	ssettm $0x1  }
0x97: {  	s17 =	sld [smem:$0x3FFB];
	_ =	sdelay $0x3  }
0x98: {  	_ =	strace s17  }
0x99: {  	s3 =	sld [smem:$0x3FFC];
	_ =	sdelay $0x3  }
0x9a: {  	_ =	strace s3  }
0x9b: {  	s3 =	sld [smem:$0x3FFD];
	_ =	sdelay $0x3  }
0x9c: {  	_ =	strace s3  }
0x9d: {  	_ =	strace $0x8FFFFFFF  }
0x9e: {  	s18 =	sld [smem:$0x3FDB];
	_ =	sdelay $0x1  }
0x9f: {  	s19 =	simm.s32 $_scs_section_size  }
0xa0: {  	s5 =	simm.s32 $_size__tile_overlayer_lowered;
	s6 =	simm.s32 $_tile_overlayer_lowered  }
0xa1: {  	s22 =	simm.s32 $0x1BFF;
	s21 =	sshll.u32 s6, $0x1;
	s3 =	sadd.s32 s19, s18  }
0xa2: {  	s7 =	simm.s32 $0x0;
	s20 =	sshll.u32 s5, $0x1;
	s5 =	sadd.s32 s21, s3  }
0xa3: {  	[timem:s7], [sflag:s22] =	dma.local [hbm:s5], s20  }
0xa4: {  	_ =	swait.ge [sflag:s22], s20  }
0xa5: {  	s4 =	ssub.s32 $0x0, s20;
	[sflag:s22] =	ssyncset.done $0x0  }
0xa6: {  	[sflag:s22] =	ssyncadd.s32 s4;
	_ =	sdelay $0x1  }
0xa7: {  	s23 =	simm.s32 $0x1B8B  }
0xa8: {  	_ =	swait.ge [sflag:s23], $0x1  }
0xa9: {  	[sflag:s23] =	ssyncset.done $0x0  }
0xaa: {  	s25 =	simm.s32 $0x1B8E;
	s24 =	sld [smem:$0x3FFE];
	[sflag:s23] =	ssyncadd.s32 $0xFFFFFFFF  }
0xab: {  	s26 =	simm.s32 $execute0_lowered;
	[smem:$0x3FD2] =	sst s25  }
0xac: {  	s5 =	sshll.u32 s26, $0x1;
	_ =	strace $0x80000046;
	[dreg:$0x1] =	wrdreg $0xFFFFFFFF  }
0xad: {  	s28 =	simm.s32 $_size_execute0_lowered;
	s3 =	sadd.s32 s3, s5;
	[dreg:$0x0] =	wrdreg $0x0  }
0xae: {  	s5 =	sshll.u32 s28, $0x1;
	[dreg:$0x2] =	wrdreg s3  }
0xaf: {  	[dreg:$0x3] =	wrdreg s5  }
0xb0: {  	[dreg:$0x4] =	wrdreg $0xC0  }
0xb1: {  	_ =	task [dreg:s7], $0x5FFFF  }
0xb2: {  	[dreg:$0x1] =	wrdreg $0xFFFFFFFF  }
0xb3: {  	[dreg:$0x0] =	wrdreg $0x60  }
0xb4: {  	[dreg:$0x2] =	wrdreg s24  }
0xb5: {  	[dreg:$0x3] =	wrdreg s16  }
0xb6: {  	[dreg:$0x4] =	wrdreg $0x9  }
0xb7: {  	_ =	task.clear_ibuf [dreg:s7], $0x5FFFF;
	_ =	strace $0x90000046  }
0xb8: {  	s29 =	simm.s32 $0x9;
	_ =	strace $0x80000048  }
0xb9: {  	_ =	swait.ge [sflag:s29], $0x1  }
0xba: {  	[sflag:s29] =	ssyncadd.s32 $0xFFFFFFFF  }
0xbb: {  	_ =	strace $0x90000048  }
0xbc: {  	_ =	sfence  }
0xbd: {  	s30 =	sld [smem:$0x0];
	_ =	sdelay $0x2  }
0xbe: {  	s31 =	sshll.u32 s1, $0xD;
	s1 =	sshrl.u32 s1, $0x2  }
0xbf: {  	s3 =	sand.u32 $0x4000, s31;
	s1 =	sadd.s32 s1, s30  }
0xc0: {  	s0 =	sor.u32 s3, s0;
	s1 =	sshll.u32 s1, $0x11  }
0xc1: {  	s0 =	sor.u32 s1, s0  }
0xc2: {  	s0 =	sadd.s32 $0x8F2B, s0  }
0xc3: {  	[sflag:s0] =	ssyncadd.remote.s32 $0x1  }
0xc4: {  	_ =	sfence.sel $0xFFFF  }
0xc5: {  	[dreg:$0x0] =	wrdreg $0xFFFFFFFF;
	(pc) =	sbr.abs _section_cstart, $3  }
0xc6: {  	[dreg:$0x1] =	wrdreg $0xFFFFFFFF  }
0xc7: {  	_ =	task.clear_ibuf [dreg:s7], $0x2FFFF;
	_ =	strace $0x9FFFFFFF  }
0xc8: {  	(tm) =	ssettm $0x7FFFFFFF  }
0xc9: {  	_ =	shalt  }
tec
execute0_lowered:
.L_overlay_start_1:
0x0: {  	(tag) =	ssettag $0x1  }
0x1: {  	s4 =	rddreg [dreg:$0x0]  }
0x2: {  	s12 =	rddreg [dreg:$0x1]  }
0x3: {  	s0 =	rddreg [dreg:$0x2];
	s3 =	srdreg.scid  }
0x4: {  	s1 =	stileid.u32;
	s2 =	simm.s32 $0x0;
	s17 =	simm.s32 $0x1  }
0x5: {  	s18 =	simm.s32 $0x2;
	s19 =	simm.s32 $0x0;
	s10 =	smul.u32 $0x28000, s1  }
0x6: {  	s5 =	sand.u32 $0x1, s3;
	s24 =	sshll.u32 s1, $0x1;
	s14 =	smul.u32 $0x2800, s1  }
0x7: {  	[smem:$0x7FF] =	sst s2;
	s3 =	sadd.s32 $0x5800, s4;
	s26 =	smul.u32 $0x14000, s5  }
0x8: {  	s6 =	sor.u32 s5, s24;
	s25 =	ssub.s32 $0x2, s5;
	s16 =	smul.u32 $0x1400, s5  }
0x9: {  	s11 =	sadd.s32 $0xA800, s4;
	s7 =	smul.u32 $0x1400, s6;
	s8 =	sshrl.u32 s25, $0x1  }
0xa: {  	_ =	strace $0x80000047;
	s6 =	smul.u32 $0x14000, s6;
	s8 =	ssub.s32 s25, s8  }
0xb: {  	s29 =	sadd.s32 s16, s14;
	s16 =	simm.s32 $0x900;
	s9 =	sshrl.u32 s7, $0x3  }
0xc: {  	s13 =	sadd.s32 $0x1380, s7;
	s6 =	sshrl.u32 s6, $0x3;
	s5 =	smax.u32 s8, $0x1  }
0xd: {  	s30 =	sor.u32 $0x100, s29;
	s14 =	sor.u32 $0x80, s29;
	s4 =	sadd.s32 s12, s9  }
0xe: {  	s7 =	sshrl.u32 s13, $0x3;
	s15 =	sadd.s32 s11, s6;
	s28 =	sshll.u32 s13, $0x1  }
0xf: {  	s9 =	sadd.s32 s26, s10;
	s13 =	sshrl.u32 s30, $0x3;
	s31 =	sshll.u32 s14, $0x1  }
0x10: {  	s14 =	sshrl.u32 s14, $0x3;
	s6 =	sadd.s32 s12, s7;
	s7 =	sadd.s32 $0x2600, s15  }
0x11: {  	s8 =	sadd.s32 s11, s28;
	s9 =	sshrl.u32 s9, $0x3;
	s10 =	sadd.s32 s13, s12  }
0x12: {  	s12 =	sadd.s32 s14, s12;
	s13 =	simm.s32 $0x3;
	s14 =	simm.s32 $0x80  }
0x13: {  	s15 =	simm.s32 $0x100;
	s9 =	sadd.s32 s9, s11;
	s11 =	sadd.s32 s31, s11  }
.LBB2_1:
0x14: {  	[tilespmem:s2], [sflag:$0x3] =	stream.linear.gather [hbm4b:s4+s2], $0x80, $0x38;
	[tilespmem:$0x1100] =	vst v63  }
0x15: {  	_ =	swait.ge [sflag:s13], $0x80  }
0x16: {  	[sflag:s13] =	ssyncset.done $0x0  }
0x17: {  	[sflag:s13] =	ssyncadd.s32 $0xFFFFFF80  }
0x18: {  	[tilespmem:s15], [sflag:$0x1] =	stream.indirect.gather [hbm4b:s3+s14], $0x10, s2, s14, $0xb8;
	[tilespmem:$0x1100] =	vst v63  }
0x19: {  	s20 =	sadd.s32 $0x0, s12  }
0x1a: {  	[tilespmem:s14], [sflag:$0x3] =	stream.linear.gather [hbm4b:s20+s2], $0x80, $0x38;
	[tilespmem:$0x1100] =	vst v63  }
0x1b: {  	_ =	swait.ge [sflag:s13], $0x80  }
0x1c: {  	[sflag:s13] =	ssyncset.done $0x0  }
0x1d: {  	[sflag:s13] =	ssyncadd.s32 $0xFFFFFF80  }
0x1e: {  	[tilespmem:s16], [sflag:$0x2] =	stream.indirect.gather [hbm4b:s3+s14], $0x10, s14, s14, $0xb8;
	[tilespmem:$0x1100] =	vst v63  }
0x1f: {  	_ =	swait.ge [sflag:s17], $0x800  }
0x20: {  	[sflag:s17] =	ssyncset.done $0x0  }
0x21: {  	[sflag:s17] =	ssyncadd.s32 $0xFFFFF800  }
0x22: {  	[hbm4b:s9+s2] =	stream.linear.scatter [tilespmem:s15], [sflag:$0x3], $0x800, $0x38;
	[tilespmem:$0x1100] =	vst v63  }
0x23: {  	_ =	swait.ge [sflag:s13], $0x800  }
0x24: {  	[sflag:s13] =	ssyncset.done $0x0  }
0x25: {  	s31 =	sadd.s32 $0x0, s10;
	[sflag:s13] =	ssyncadd.s32 $0xFFFFF800  }
0x26: {  	[tilespmem:s2], [sflag:$0x3] =	stream.linear.gather [hbm4b:s31+s2], $0x80, $0x38;
	[tilespmem:$0x1100] =	vst v63  }
0x27: {  	_ =	swait.ge [sflag:s13], $0x80  }
0x28: {  	[sflag:s13] =	ssyncset.done $0x0  }
0x29: {  	[sflag:s13] =	ssyncadd.s32 $0xFFFFFF80  }
0x2a: {  	[tilespmem:s15], [sflag:$0x1] =	stream.indirect.gather [hbm4b:s3+s14], $0x10, s2, s14, $0xb8;
	[tilespmem:$0x1100] =	vst v63  }
0x2b: {  	_ =	swait.ge [sflag:s18], $0x800  }
0x2c: {  	[sflag:s18] =	ssyncset.done $0x0  }
0x2d: {  	[sflag:s18] =	ssyncadd.s32 $0xFFFFF800  }
0x2e: {  	[hbm4b:s11+s2] =	stream.linear.scatter [tilespmem:s16], [sflag:$0x3], $0x800, $0x38;
	[tilespmem:$0x1100] =	vst v63  }
0x2f: {  	s21 =	simm.s32 $0x20;
	s23 =	simm.s32 $0x40;
	_ =	swait.ge [sflag:s13], $0x800  }
0x30: {  	s22 =	sadd.s32 $0x200, s9;
	s20 =	sadd.s32 $0x200, s11;
	[sflag:s13] =	ssyncset.done $0x0  }
.LBB2_2:
0x31: {  	s24 =	sadd.s32 s21, s12  }
0x32: {  	[sflag:s13] =	ssyncadd.s32 $0xFFFFF800;
	s25 =	smov.u32 s23;
	s26 =	sadd.s32 $0x20, s23  }
0x33: {  	[tilespmem:s14], [sflag:$0x3] =	stream.linear.gather [hbm4b:s24+s2], $0x80, $0x38;
	[tilespmem:$0x1100] =	vst v63  }
0x34: {  	p0 =	sne.s32 s23, $0x240;
	_ =	swait.ge [sflag:s13], $0x80  }
0x35: {  	[sflag:s13] =	ssyncset.done $0x0  }
0x36: {  	[sflag:s13] =	ssyncadd.s32 $0xFFFFFF80  }
0x37: {  	[tilespmem:s16], [sflag:$0x2] =	stream.indirect.gather [hbm4b:s3+s14], $0x10, s14, s14, $0xb8;
	[tilespmem:$0x1100] =	vst v63  }
0x38: {  	_ =	swait.ge [sflag:s17], $0x800  }
0x39: {  	[sflag:s17] =	ssyncset.done $0x0  }
0x3a: {  	[sflag:s17] =	ssyncadd.s32 $0xFFFFF800  }
0x3b: {  	[hbm4b:s22+s2] =	stream.linear.scatter [tilespmem:s15], [sflag:$0x3], $0x800, $0x38;
	[tilespmem:$0x1100] =	vst v63  }
0x3c: {  	_ =	swait.ge [sflag:s13], $0x800  }
0x3d: {  	[sflag:s13] =	ssyncset.done $0x0  }
0x3e: {  	s23 =	sadd.s32 s21, s10;
	s21 =	smov.u32 s25;
	[sflag:s13] =	ssyncadd.s32 $0xFFFFF800  }
0x3f: {  	[tilespmem:s2], [sflag:$0x3] =	stream.linear.gather [hbm4b:s23+s2], $0x80, $0x38;
	[tilespmem:$0x1100] =	vst v63  }
0x40: {  	_ =	swait.ge [sflag:s13], $0x80  }
0x41: {  	[sflag:s13] =	ssyncset.done $0x0  }
0x42: {  	[sflag:s13] =	ssyncadd.s32 $0xFFFFFF80  }
0x43: {  	[tilespmem:s15], [sflag:$0x1] =	stream.indirect.gather [hbm4b:s3+s14], $0x10, s2, s14, $0xb8;
	[tilespmem:$0x1100] =	vst v63  }
0x44: {  	_ =	swait.ge [sflag:s18], $0x800  }
.Ltmp0:
0x45: {  	[sflag:s18] =	ssyncset.done $0x0;
	(pc) =	sbr.rel @p0 .LBB2_2-.Ltmp0, $4  }
0x46: {  	[sflag:s18] =	ssyncadd.s32 $0xFFFFF800  }
0x47: {  	[hbm4b:s20+s2] =	stream.linear.scatter [tilespmem:s16], [sflag:$0x3], $0x800, $0x38;
	[tilespmem:$0x1100] =	vst v63  }
0x48: {  	s22 =	sadd.s32 $0x200, s22;
	_ =	swait.ge [sflag:s13], $0x800  }
0x49: {  	s23 =	smov.u32 s26;
	s20 =	sadd.s32 $0x200, s20;
	[sflag:s13] =	ssyncset.done $0x0  }
0x4a: {  	s23 =	sadd.s32 s21, s12;
	[sflag:s13] =	ssyncadd.s32 $0xFFFFF800  }
0x4b: {  	[tilespmem:s14], [sflag:$0x3] =	stream.linear.gather [hbm4b:s23+s2], $0x80, $0x38;
	[tilespmem:$0x1100] =	vst v63  }
0x4c: {  	_ =	swait.ge [sflag:s13], $0x80  }
0x4d: {  	[sflag:s13] =	ssyncset.done $0x0  }
0x4e: {  	[sflag:s13] =	ssyncadd.s32 $0xFFFFFF80  }
0x4f: {  	[tilespmem:s16], [sflag:$0x2] =	stream.indirect.gather [hbm4b:s3+s14], $0x10, s14, s14, $0xb8;
	[tilespmem:$0x1100] =	vst v63  }
0x50: {  	_ =	swait.ge [sflag:s17], $0x800  }
0x51: {  	[sflag:s17] =	ssyncset.done $0x0  }
0x52: {  	[sflag:s17] =	ssyncadd.s32 $0xFFFFF800  }
0x53: {  	[hbm4b:s22+s2] =	stream.linear.scatter [tilespmem:s15], [sflag:$0x3], $0x800, $0x38;
	[tilespmem:$0x1100] =	vst v63  }
0x54: {  	_ =	swait.ge [sflag:s13], $0x800  }
0x55: {  	[sflag:s13] =	ssyncset.done $0x0  }
0x56: {  	s31 =	sadd.s32 s21, s10;
	[sflag:s13] =	ssyncadd.s32 $0xFFFFF800  }
0x57: {  	[tilespmem:s2], [sflag:$0x3] =	stream.linear.gather [hbm4b:s31+s2], $0x80, $0x38;
	[tilespmem:$0x1100] =	vst v63  }
0x58: {  	_ =	swait.ge [sflag:s13], $0x80  }
0x59: {  	[sflag:s13] =	ssyncset.done $0x0  }
0x5a: {  	[sflag:s13] =	ssyncadd.s32 $0xFFFFFF80  }
0x5b: {  	[tilespmem:s15], [sflag:$0x1] =	stream.indirect.gather [hbm4b:s3+s14], $0x10, s2, s14, $0xb8;
	[tilespmem:$0x1100] =	vst v63  }
0x5c: {  	_ =	swait.ge [sflag:s18], $0x800  }
0x5d: {  	[sflag:s18] =	ssyncset.done $0x0  }
0x5e: {  	[sflag:s18] =	ssyncadd.s32 $0xFFFFF800  }
0x5f: {  	[hbm4b:s20+s2] =	stream.linear.scatter [tilespmem:s16], [sflag:$0x3], $0x800, $0x38;
	[tilespmem:$0x1100] =	vst v63  }
0x60: {  	_ =	swait.ge [sflag:s13], $0x800  }
0x61: {  	[sflag:s13] =	ssyncset.done $0x0  }
0x62: {  	[sflag:s13] =	ssyncadd.s32 $0xFFFFF800  }
0x63: {  	[tilespmem:s14], [sflag:$0x3] =	stream.linear.gather [hbm4b:s6+s2], $0x80, $0x38;
	[tilespmem:$0x1100] =	vst v63  }
0x64: {  	_ =	swait.ge [sflag:s13], $0x80  }
0x65: {  	[sflag:s13] =	ssyncset.done $0x0  }
0x66: {  	[sflag:s13] =	ssyncadd.s32 $0xFFFFFF80  }
0x67: {  	[tilespmem:s16], [sflag:$0x2] =	stream.indirect.gather [hbm4b:s3+s14], $0x10, s14, s14, $0xb8;
	[tilespmem:$0x1100] =	vst v63  }
0x68: {  	_ =	swait.ge [sflag:s17], $0x800  }
0x69: {  	[sflag:s17] =	ssyncset.done $0x0  }
0x6a: {  	[sflag:s17] =	ssyncadd.s32 $0xFFFFF800  }
0x6b: {  	[hbm4b:s7+s2] =	stream.linear.scatter [tilespmem:s15], [sflag:$0x3], $0x800, $0x38;
	[tilespmem:$0x1100] =	vst v63  }
0x6c: {  	_ =	swait.ge [sflag:s13], $0x800  }
0x6d: {  	[sflag:s13] =	ssyncset.done $0x0  }
0x6e: {  	[sflag:s13] =	ssyncadd.s32 $0xFFFFF800  }
0x6f: {  	s19 =	sadd.s32 $0x1, s19;
	_ =	swait.ge [sflag:s18], $0x800  }
0x70: {  	p0 =	sne.s32 s19, s5;
	[sflag:s18] =	ssyncset.done $0x0  }
.Ltmp1:
0x71: {  	[sflag:s18] =	ssyncadd.s32 $0xFFFFF800;
	(pc) =	sbr.rel @p0 .LBB2_1-.Ltmp1, $4  }
0x72: {  	[hbm4b:s8+s2] =	stream.linear.scatter [tilespmem:s16], [sflag:$0x3], $0x800, $0x38;
	[tilespmem:$0x1100] =	vst v63  }
0x73: {  	_ =	swait.ge [sflag:s13], $0x800  }
0x74: {  	[sflag:s13] =	ssyncset.done $0x0  }
0x75: {  	[sflag:s13] =	ssyncadd.s32 $0xFFFFF800  }
0x76: {  	_ =	sfence.sel $0x180000  }
0x77: {  	[bflag:$0x0] =	sbarrier.arrive $0xFFFF  }
0x78: {  	p0 =	sne.s32 s1, $0x0;
	_ =	strace $0x90000047  }
0x79: {  	s0 =	sadd.s32 @!p0 $0x100000, s0;
	[bflag:$0x2] =	sbarrier.arrive $0xFFFF  }
0x7a: {  	[sflag:s0] =	ssyncadd.tile.s32 @!p0 $0x1;
	_ =	shalt  }
.Lfunc_end2:
_tile_overlayer_lowered:
.L_overlay_start_2:
0x7b: {  	(tag) =	ssettag $0x2  }
0x7c: {  	s0 =	rddreg [dreg:$0x0];
	s2 =	stileid.u32  }
0x7d: {  	s1 =	rddreg [dreg:$0x1];
	p0 =	sne.s32 s2, $0x0  }
0x7e: {  	s3 =	rddreg [dreg:$0x2];
	[bflag:$0x3] =	sbarrier.arrive $0xFFFF;
	s2 =	simm.s32 @!p0 $0x1C03  }
0x7f: {  	[timem:s3], [sflag:s2] =	dma.local @!p0 [hbm:s0], s1  }
0x80: {  	s0 =	simm.s32 @!p0 $0x3  }
0x81: {  	_ =	swait.ge @!p0 [sflag:s0], s1  }
0x82: {  	s1 =	ssub.s32 @!p0 $0x0, s1;
	[sflag:s0] =	ssyncset.done @!p0 $0x0  }
0x83: {  	[sflag:s0] =	ssyncadd.s32 @!p0 s1  }
0x84: {  	[bflag:$0x3] =	sbarrier.arrive $0xFFFF  }
0x85: {  	_ =	shalt  }

// kernel: kernel.18.cloned.1.call-start
scs
__scs_entry_jumppad:
0x0: {  	(pc) =	sbr.rel $0x88, $3  }
0x1: {  	(tag) =	ssettag $0x0;
	lr =	simm.s32 $0x1  }
0x2: {  	[smem:$0x3F8D] =	sst lr;
	_ =	strace $0xD0000000  }
0x3: {  	_ = 	snop  }
0x4: {  	_ = 	snop  }
0x5: {  	_ = 	snop  }
0x6: {  	_ = 	snop  }
0x7: {  	_ = 	snop  }
__scs_overlays_trampoline_lowered:
0x8: {  	[smem:$0x3F9C] =	sst s0  }
0x9: {  	[smem:$0x3F9D] =	sst s1  }
0xa: {  	[smem:$0x3F9E] =	sst s2  }
0xb: {  	[smem:$0x3F9F] =	sst s3  }
0xc: {  	[smem:$0x3FA0] =	sst s4  }
0xd: {  	[smem:$0x3FA1] =	sst s5  }
0xe: {  	[smem:$0x3FA2] =	sst s6  }
0xf: {  	[smem:$0x3FA3] =	sst s7  }
0x10: {  	[smem:$0x3FA4] =	sst s8  }
0x11: {  	[smem:$0x3FA5] =	sst s9;
	s0 =	simm.s32 @!p0 $0x0  }
0x12: {  	s1 =	sld [smem:$0x3F8B];
	s0 =	simm.s32 @p0 $0x1  }
0x13: {  	[smem:$0x3FA6] =	sst s0;
	s0 =	simm.s32 @!p1 $0x0  }
0x14: {  	s2 =	sld [smem:$0x3F8A];
	s0 =	simm.s32 @p1 $0x1  }
0x15: {  	[smem:$0x3FA7] =	sst s0;
	s0 =	simm.s32 @!p2 $0x0  }
0x16: {  	s3 =	sld [smem:$0x3FDB];
	s0 =	simm.s32 @p2 $0x1  }
0x17: {  	s4 =	simm.s32 $0x1BF5;
	[smem:$0x3FA9] =	sst s0  }
0x18: {  	s0 =	sld [smem:$0x3F8C];
	_ =	swait.ge [sflag:s4], $0x0  }
0x19: {  	s7 =	sld [smem:$0x3F8D]  }
0x1a: {  	s8 =	sadd.s32 $0xFFFFE003, lr  }
0x1b: {  	s9 =	sadd.s32 $0xFFFFFEF7, lr;
	s5 =	simm.s32 $0xFFFFFFFF;
	p2 =	slt.u32 s8, $0xFFFFF086  }
0x1c: {  	p1 =	slt.u32 s9, $0xF7A;
	s5 =	simm.s32 @!p2 $0x0  }
0x1d: {  	s5 =	simm.s32 @p1 $0x1;
	p0 =	seq.s32 s7, s2  }
0x1e: {  	s7 =	smul.u32 @!p0 $0xF7A, s2;
	p2 =	seq.s32 @!p0 s5, $0x0  }
0x1f: {  	s9 =	smul.u32 $0xF7A, s1;
	s8 =	simm.s32 @!p0 $0x1BF5;
	p2 =	por !p2, p0  }
0x20: {  	[sflag:s8] =	ssyncset.s32 @!p0 $0xFFFFF086;
	s6 =	sadd.s32 @!p0 s3, s7;
	s7 =	simm.s32 @!p0 $0x108  }
0x21: {  	s3 =	sadd.s32 s3, s9;
	s6 =	sadd.s32 @!p0 $0x88, s6;
	s7 =	simm.s32 @p2 $0x1082  }
0x22: {  	[simem:s7], [sflag:s8] =	dma.local @!p0 [hbm:s6], $0xF7A  }
0x23: {  	s9 =	sor.u32 $0xD0000000, s2;
	s6 =	simm.s32 $0x108;
	_ =	swait.ge @!p0 [sflag:s8], $0x0  }
0x24: {  	s3 =	sadd.s32 $0x88, s3;
	s6 =	simm.s32 @!p1 $0x1082;
	[sflag:s4] =	ssyncset.s32 $0xFFFFF086  }
0x25: {  	[simem:s6], [sflag:s4] =	dma.local [hbm:s3], $0xF7A  }
0x26: {  	[smem:$0x3F8D] =	sst s1;
	(tag) =	ssettag s2;
	_ =	strace s9  }
0x27: {  	s1 =	sld [smem:$0x3F9D]  }
0x28: {  	s2 =	sld [smem:$0x3F9E]  }
0x29: {  	s4 =	sld [smem:$0x3FA0]  }
0x2a: {  	p0 =	seq.s32 s5, $0x0;
	s5 =	sld [smem:$0x3FA1]  }
0x2b: {  	s6 =	sld [smem:$0x3FA2]  }
0x2c: {  	s7 =	sld [smem:$0x3FA3]  }
0x2d: {  	s3 =	simm.s32 $0x108;
	s8 =	sld [smem:$0x3FA4]  }
0x2e: {  	s3 =	simm.s32 @!p0 $0x1082;
	s9 =	sld [smem:$0x3FA5]  }
0x2f: {  	lr =	sadd.s32 s0, s3;
	s0 =	sld [smem:$0x3F9C]  }
0x30: {  	s3 =	sld [smem:$0x3F9F]  }
0x31: {  	[smem:$0x3FA8] =	sst s10  }
0x32: {  	s10 =	sld [smem:$0x3FA6];
	_ =	sdelay $0x3  }
0x33: {  	p0 =	seq.s32 s10, $0x1;
	s10 =	sld [smem:$0x3FA8];
	_ =	sdelay $0x3  }
0x34: {  	[smem:$0x3FA8] =	sst s10  }
0x35: {  	s10 =	sld [smem:$0x3FA7];
	_ =	sdelay $0x3  }
0x36: {  	p1 =	seq.s32 s10, $0x1;
	s10 =	sld [smem:$0x3FA8];
	_ =	sdelay $0x3  }
0x37: {  	[smem:$0x3FA8] =	sst s10  }
0x38: {  	s10 =	sld [smem:$0x3FA9]  }
0x39: {  	_ = 	snop;
	(pc) =	sbr.ind lr, $3  }
0x3a: {  	_ = 	snop  }
0x3b: {  	_ = 	snop  }
0x3c: {  	p2 =	seq.s32 s10, $0x1;
	s10 =	sld [smem:$0x3FA8]  }
0x3d: {  	_ =	shalt  }
0x3e: {  	_ =	shalt  }
0x3f: {  	_ =	shalt  }
0x40: {  	_ =	shalt  }
0x41: {  	_ =	shalt  }
0x42: {  	_ =	shalt  }
0x43: {  	_ =	shalt  }
0x44: {  	_ =	shalt  }
0x45: {  	_ =	shalt  }
0x46: {  	_ =	shalt  }
0x47: {  	_ =	shalt  }
0x48: {  	_ =	shalt  }
0x49: {  	_ =	shalt  }
0x4a: {  	_ =	shalt  }
0x4b: {  	_ =	shalt  }
0x4c: {  	_ =	shalt  }
0x4d: {  	_ =	shalt  }
0x4e: {  	_ =	shalt  }
0x4f: {  	_ =	shalt  }
0x50: {  	_ =	shalt  }
0x51: {  	_ =	shalt  }
0x52: {  	_ =	shalt  }
0x53: {  	_ =	shalt  }
0x54: {  	_ =	shalt  }
0x55: {  	_ =	shalt  }
0x56: {  	_ =	shalt  }
0x57: {  	_ =	shalt  }
0x58: {  	_ =	shalt  }
0x59: {  	_ =	shalt  }
0x5a: {  	_ =	shalt  }
0x5b: {  	_ =	shalt  }
0x5c: {  	_ =	shalt  }
0x5d: {  	_ =	shalt  }
0x5e: {  	_ =	shalt  }
0x5f: {  	_ =	shalt  }
0x60: {  	_ =	shalt  }
0x61: {  	_ =	shalt  }
0x62: {  	_ =	shalt  }
0x63: {  	_ =	shalt  }
0x64: {  	_ =	shalt  }
0x65: {  	_ =	shalt  }
0x66: {  	_ =	shalt  }
0x67: {  	_ =	shalt  }
0x68: {  	_ =	shalt  }
0x69: {  	_ =	shalt  }
0x6a: {  	_ =	shalt  }
0x6b: {  	_ =	shalt  }
0x6c: {  	_ =	shalt  }
0x6d: {  	_ =	shalt  }
0x6e: {  	_ =	shalt  }
0x6f: {  	_ =	shalt  }
0x70: {  	_ =	shalt  }
0x71: {  	_ =	shalt  }
0x72: {  	_ =	shalt  }
0x73: {  	_ =	shalt  }
0x74: {  	_ =	shalt  }
0x75: {  	_ =	shalt  }
0x76: {  	_ =	shalt  }
0x77: {  	_ =	shalt  }
0x78: {  	_ =	shalt  }
0x79: {  	_ =	shalt  }
0x7a: {  	_ =	shalt  }
0x7b: {  	_ =	shalt  }
0x7c: {  	_ =	shalt  }
0x7d: {  	_ =	shalt  }
0x7e: {  	_ =	shalt  }
0x7f: {  	_ =	shalt  }
0x80: {  	_ =	shalt  }
0x81: {  	_ =	shalt  }
0x82: {  	_ =	shalt  }
0x83: {  	_ =	shalt  }
0x84: {  	_ =	shalt  }
0x85: {  	_ =	shalt  }
0x86: {  	_ =	shalt  }
0x87: {  	_ =	shalt  }
.Lfunc_end0:
.L_simem_size_0:
called_computation.1_lowered:
.L_overlay_start_0:
0x88: {  	s2 =	sld [smem:$0x3FD9]  }
0x89: {  	s3 =	sld [smem:$0x3FFE];
	_ =	sdelay $0x1  }
0x8a: {  	s1 =	srdreg.scid  }
0x8b: {  	s0 =	sand.u32 $0x1, s1  }
0x8c: {  	s15 =	sshll.u32 s0, $0xA;
	s2 =	sadd.s32 s3, s2  }
0x8d: {  	s2 =	sadd.s32 s2, s15  }
0x8e: {  	[smem:$0x3FB4] =	sst s2  }
0x8f: {  	_ = 	snop  }
0x90: {  	s2 =	sld [smem:$0x3FD0];
	_ =	sdelay $0x2  }
0x91: {  	s16 =	simm.s32 $0xE;
	s4 =	simm.s32 $0x10  }
0x92: {  	[smem:s4], [sflag:s16] =	dma.local [hbm:s2], $0x1  }
0x93: {  	_ =	swait.eq [sflag:s16], $0x1  }
0x94: {  	[sflag:s16] =	ssyncset.done $0x0  }
0x95: {  	[sflag:s16] =	ssyncadd.s32 $0xFFFFFFFF  }
0x96: {  	s17 =	sld [smem:$0x11];
	(tm) =	ssettm $0x1  }
0x97: {  	s18 =	sld [smem:$0x3FFB];
	_ =	sdelay $0x3  }
0x98: {  	_ =	strace s18  }
0x99: {  	s2 =	sld [smem:$0x3FFC];
	_ =	sdelay $0x3  }
0x9a: {  	_ =	strace s2  }
0x9b: {  	s2 =	sld [smem:$0x3FFD];
	_ =	sdelay $0x3  }
0x9c: {  	_ =	strace s2  }
0x9d: {  	_ =	strace $0x8FFFFFFF  }
0x9e: {  	s19 =	sld [smem:$0x3FDB];
	_ =	sdelay $0x1  }
0x9f: {  	s20 =	simm.s32 $_scs_section_size  }
0xa0: {  	s5 =	simm.s32 $_size__tile_overlayer_lowered;
	s6 =	simm.s32 $_tile_overlayer_lowered  }
0xa1: {  	s7 =	simm.s32 $0x1BFF;
	s21 =	sshll.u32 s6, $0x1;
	s4 =	sadd.s32 s20, s19  }
0xa2: {  	s22 =	simm.s32 $0x0;
	s5 =	sshll.u32 s5, $0x1;
	s6 =	sadd.s32 s21, s4  }
0xa3: {  	[timem:s22], [sflag:s7] =	dma.local [hbm:s6], s5  }
0xa4: {  	_ =	swait.ge [sflag:s7], s5  }
0xa5: {  	s5 =	ssub.s32 $0x0, s5;
	[sflag:s7] =	ssyncset.done $0x0  }
0xa6: {  	[sflag:s7] =	ssyncadd.s32 s5;
	_ =	sdelay $0x1  }
0xa7: {  	s23 =	simm.s32 $0x1B8B  }
0xa8: {  	_ =	swait.ge [sflag:s23], $0x1  }
0xa9: {  	[sflag:s23] =	ssyncset.done $0x0  }
0xaa: {  	[sflag:s23] =	ssyncadd.s32 $0xFFFFFFFF  }
0xab: {  	s5 =	sld [smem:$0x0]  }
0xac: {  	s6 =	sand.u32 $0xFFFFFFFE, s1  }
0xad: {  	p0 =	sne.s32 s1, s6  }
0xae: {  	s6 =	sshll.u32 @p0 s6, $0xE  }
0xaf: {  	s6 =	sadd.s32 @p0 $0x11B8D, s6;
	s7 =	sshll.u32 @p0 s5, $0x11  }
0xb0: {  	s6 =	sor.u32 @p0 s7, s6  }
0xb1: {  	[sflag:s6] =	ssyncadd.remote.s32 @p0 $0x1;
	_ =	sdelay $0x1  }
0xb2: {  	s6 =	simm.s32 @p0 $0x1B8D  }
0xb3: {  	_ =	swait.eq @p0 [sflag:s6], $0x1  }
0xb4: {  	[sflag:s6] =	ssyncadd.s32 @p0 $0xFFFFFFFF  }
0xb5: {  	s7 =	sshll.u32 @!p0 s1, $0xE  }
0xb6: {  	s7 =	sor.u32 @!p0 $0x4000, s7;
	s6 =	simm.s32 @!p0 $0x1B8D  }
0xb7: {  	s5 =	sshll.u32 @!p0 s5, $0x11;
	s7 =	sadd.s32 @!p0 $0x11B8D, s7;
	_ =	swait.eq @!p0 [sflag:s6], $0x1  }
0xb8: {  	s5 =	sor.u32 @!p0 s5, s7;
	[sflag:s6] =	ssyncadd.s32 @!p0 $0xFFFFFFFF  }
0xb9: {  	s25 =	simm.s32 $0x1B8E;
	s24 =	sld [smem:$0x3FFE];
	[sflag:s5] =	ssyncadd.remote.s32 @!p0 $0x1  }
0xba: {  	s26 =	simm.s32 $execute0_lowered;
	[smem:$0x3FD2] =	sst s25  }
0xbb: {  	s6 =	sshll.u32 s26, $0x1;
	_ =	strace $0x80000049;
	[dreg:$0x1] =	wrdreg $0xFFFFFFFF  }
0xbc: {  	s28 =	simm.s32 $_size_execute0_lowered;
	s4 =	sadd.s32 s4, s6;
	[dreg:$0x0] =	wrdreg $0x0  }
0xbd: {  	s6 =	sshll.u32 s28, $0x1;
	[dreg:$0x2] =	wrdreg s4  }
0xbe: {  	[dreg:$0x3] =	wrdreg s6  }
0xbf: {  	[dreg:$0x4] =	wrdreg $0xC0  }
0xc0: {  	_ =	task [dreg:s22], $0x5FFFF  }
0xc1: {  	[dreg:$0x1] =	wrdreg $0xFFFFFFFF  }
0xc2: {  	[dreg:$0x0] =	wrdreg $0x60  }
0xc3: {  	[dreg:$0x2] =	wrdreg s24  }
0xc4: {  	[dreg:$0x3] =	wrdreg s17  }
0xc5: {  	[dreg:$0x4] =	wrdreg $0xA  }
0xc6: {  	_ =	task.clear_ibuf [dreg:s22], $0x5FFFF;
	_ =	strace $0x90000049  }
0xc7: {  	s29 =	simm.s32 $0xA;
	_ =	strace $0x8000004B  }
0xc8: {  	_ =	swait.ge [sflag:s29], $0x1  }
0xc9: {  	[sflag:s29] =	ssyncadd.s32 $0xFFFFFFFF  }
0xca: {  	_ =	strace $0x9000004B  }
0xcb: {  	_ =	sfence  }
0xcc: {  	s30 =	sld [smem:$0x0];
	_ =	sdelay $0x2  }
0xcd: {  	s31 =	sshll.u32 s1, $0xD;
	s1 =	sshrl.u32 s1, $0x2  }
0xce: {  	s4 =	sand.u32 $0x4000, s31;
	s1 =	sadd.s32 s1, s30  }
0xcf: {  	s0 =	sor.u32 s4, s0;
	s1 =	sshll.u32 s1, $0x11  }
0xd0: {  	s0 =	sor.u32 s1, s0  }
0xd1: {  	s0 =	sadd.s32 $0x8F2B, s0  }
0xd2: {  	[sflag:s0] =	ssyncadd.remote.s32 $0x1  }
0xd3: {  	_ =	sfence.sel $0xFFFF  }
0xd4: {  	[dreg:$0x0] =	wrdreg $0xFFFFFFFF;
	(pc) =	sbr.abs _section_cstart, $3  }
0xd5: {  	[dreg:$0x1] =	wrdreg $0xFFFFFFFF  }
0xd6: {  	_ =	task.clear_ibuf [dreg:s22], $0x2FFFF;
	_ =	strace $0x9FFFFFFF  }
0xd7: {  	(tm) =	ssettm $0x7FFFFFFF  }
tec
execute0_lowered:
.L_overlay_start_1:
0x0: {  	(tag) =	ssettag $0x1  }
0x1: {  	s0 =	rddreg [dreg:$0x0];
	s1 =	srdreg.scid  }
0x2: {  	s10 =	stileid.u32;
	s11 =	rddreg [dreg:$0x1]  }
0x3: {  	s3 =	simm.s32 $0x0;
	s12 =	simm.s32 $0x100;
	s28 =	simm.s32 $0x7900  }
0x4: {  	s29 =	simm.s32 $0x80;
	s30 =	simm.s32 $0x8100;
	s31 =	simm.s32 $0x8900  }
0x5: {  	s13 =	simm.s32 $0xC900;
	s14 =	simm.s32 $0xD100;
	s15 =	simm.s32 $0xD900  }
0x6: {  	s16 =	simm.s32 $0xE100;
	s17 =	simm.s32 $0xE900;
	s18 =	simm.s32 $0xF100  }
0x7: {  	s19 =	simm.s32 $0xF900;
	s20 =	simm.s32 $0x1;
	s5 =	smul.u32 $0xA0000, s10  }
0x8: {  	s21 =	simm.s32 $0x2;
	s1 =	sand.u32 $0x1, s1;
	s9 =	smul.u32 $0xA00, s10  }
0x9: {  	s2 =	sshll.u32 s10, $0x1;
	[smem:$0x7FF] =	sst s3;
	s23 =	smul.u32 $0x14000, s10  }
0xa: {  	s4 =	sadd.s32 $0xCFC00, s0;
	s0 =	sadd.s32 $0x11DE00, s0;
	s7 =	smul.u32 $0x50000, s1  }
0xb: {  	s2 =	sor.u32 s1, s2;
	s6 =	ssub.s32 $0x2, s1;
	s22 =	smul.u32 $0x500, s1  }
0xc: {  	s10 =	simm.s32 $0xB900;
	s2 =	smul.u32 $0x500, s2;
	s8 =	sshrl.u32 s6, $0x1  }
0xd: {  	_ =	strace $0x8000004A;
	s1 =	smul.u32 $0xA000, s1;
	s6 =	ssub.s32 s6, s8  }
0xe: {  	s5 =	sadd.s32 s7, s5;
	s8 =	simm.s32 $0xB100;
	s2 =	sshrl.u32 s2, $0x3  }
0xf: {  	s6 =	smax.u32 s6, $0x1;
	s5 =	sshrl.u32 s5, $0x3;
	s2 =	sadd.s32 s11, s2  }
0x10: {  	[dreg:$0x4] =	wrdreg s6;
	s7 =	sadd.s32 s5, s0;
	s0 =	sadd.s32 s23, s0  }
0x11: {  	s5 =	simm.s32 $0xA100;
	s6 =	simm.s32 $0xA900;
	s23 =	simm.s32 $0x0  }
.Ltmp0:
0x12: {  	[dreg:$0x3] =	wrdreg s2;
	s2 =	sadd.s32 s22, s9;
	(pc) =	sbr.rel .LBB2_1-.Ltmp0, $4  }
0x13: {  	s0 =	sadd.s32 s1, s0;
	s1 =	simm.s32 $0x9100;
	s24 =	sor.u32 $0x80, s2  }
0x14: {  	v2 =	vlaneseq.u32;
	s2 =	sadd.s32 $0x100, s2;
	s9 =	sadd.s32 $0x1000, s0;
	s25 =	sshrl.u32 s24, $0x3  }
0x15: {  	vm0 =	vmmov $0xffff;
	v1 =	vshrl.u32 v2, $0x3;
	s0 =	simm.s32 $0x9900;
	[dreg:$0x5] =	wrdreg s2;
	s26 =	sadd.s32 s25, s11  }
0x16: {  	v0 =	vand.u32 $0x7, v2;
	v2 =	vor.u32 $0x8, v2;
	v1 =	vmul.u32 $0x8, v1;
	s2 =	simm.s32 $0xC100;
	s11 =	simm.s32 $0x3;
	[dreg:$0x6] =	wrdreg s26  }
.LBB2_5:
0x17: {  	s23 =	rddreg [dreg:$0x7]  }
0x18: {  	s22 =	rddreg [dreg:$0x4];
	s23 =	sadd.s32 $0x1, s23  }
0x19: {  	p0 =	sne.s32 s23, s22  }
.Ltmp1:
0x1a: {  	_ = 	snop;
	(pc) =	sbr.rel @!p0 .LBB2_6-.Ltmp1, $1  }
0x1b: {  	_ =	sdelay $0x3  }
.LBB2_1:
0x1c: {  	[dreg:$0x7] =	wrdreg s23  }
0x1d: {  	s22 =	rddreg [dreg:$0x3]  }
0x1e: {  	[tilespmem:s3], [sflag:$0x3] =	stream.linear.gather [hbm4b:s22+s3], $0x80, $0x38;
	[tilespmem:$0x10100] =	vst v63  }
0x1f: {  	_ =	swait.ge [sflag:s11], $0x80  }
0x20: {  	[sflag:s11] =	ssyncset.done $0x0  }
0x21: {  	[sflag:s11] =	ssyncadd.s32 $0xFFFFFF80  }
0x22: {  	v3 =	vld [tilespmem:$0x0];
	_ =	sdelay $0x4  }
0x23: {  	v4 =	vshll.u32 v3, $0x1  }
0x24: {  	v3 =	vand.u32 $0x7, v3;
	v4 =	vand.u32 $0xFFFFFFF0, v4  }
0x25: {  	v3 =	vor.u32 v3, v4  }
0x26: {  	v4 =	vperm.xlane v3, v0;
	_ =	sdelay $0x1  }
0x27: {  	v3 =	vperm.xlane v3, v2;
	v4 =	vadd.s32 v1, v4;
	_ =	sdelay $0x1  }
0x28: {  	v3 =	vadd.s32 v1, v3;
	_ =	sdelay $0x2  }
0x29: {  	[tilespmem:s12], [sflag:$0x1] =	stream.indirect_vreg.gather [hbm4b:s4+s3], $0x80, v4, vm0, $0xb8;
	[tilespmem:$0x10100] =	vst v63  }
0x2a: {  	s25 =	simm.s32 $0x900  }
0x2b: {  	[tilespmem:s25], [sflag:$0x1] =	stream.indirect_vreg.gather [hbm4b:s4+s3], $0x80, v3, vm0, $0xb8;
	[tilespmem:$0x10100] =	vst v63  }
0x2c: {  	v3 =	vld [tilespmem:$0x10];
	_ =	sdelay $0x4  }
0x2d: {  	v57 =	vshll.u32 v3, $0x1  }
0x2e: {  	v3 =	vand.u32 $0x7, v3;
	v4 =	vand.u32 $0xFFFFFFF0, v57  }
0x2f: {  	v3 =	vor.u32 v3, v4  }
0x30: {  	v4 =	vperm.xlane v3, v0;
	_ =	sdelay $0x1  }
0x31: {  	v3 =	vperm.xlane v3, v2;
	v4 =	vadd.s32 v1, v4;
	_ =	sdelay $0x1  }
0x32: {  	v3 =	vadd.s32 v1, v3;
	_ =	sdelay $0x1  }
0x33: {  	s26 =	simm.s32 $0x1100  }
0x34: {  	[tilespmem:s26], [sflag:$0x1] =	stream.indirect_vreg.gather [hbm4b:s4+s3], $0x80, v4, vm0, $0xb8;
	[tilespmem:$0x10100] =	vst v63  }
0x35: {  	s23 =	simm.s32 $0x1900  }
0x36: {  	[tilespmem:s23], [sflag:$0x1] =	stream.indirect_vreg.gather [hbm4b:s4+s3], $0x80, v3, vm0, $0xb8;
	[tilespmem:$0x10100] =	vst v63  }
0x37: {  	v3 =	vld [tilespmem:$0x20];
	_ =	sdelay $0x4  }
0x38: {  	v58 =	vshll.u32 v3, $0x1  }
0x39: {  	v3 =	vand.u32 $0x7, v3;
	v4 =	vand.u32 $0xFFFFFFF0, v58  }
0x3a: {  	v3 =	vor.u32 v3, v4  }
0x3b: {  	v4 =	vperm.xlane v3, v0;
	_ =	sdelay $0x1  }
0x3c: {  	v3 =	vperm.xlane v3, v2;
	v4 =	vadd.s32 v1, v4;
	_ =	sdelay $0x1  }
0x3d: {  	v3 =	vadd.s32 v1, v3;
	_ =	sdelay $0x1  }
0x3e: {  	s24 =	simm.s32 $0x2100  }
0x3f: {  	[tilespmem:s24], [sflag:$0x1] =	stream.indirect_vreg.gather [hbm4b:s4+s3], $0x80, v4, vm0, $0xb8;
	[tilespmem:$0x10100] =	vst v63  }
0x40: {  	s25 =	simm.s32 $0x2900  }
0x41: {  	[tilespmem:s25], [sflag:$0x1] =	stream.indirect_vreg.gather [hbm4b:s4+s3], $0x80, v3, vm0, $0xb8;
	[tilespmem:$0x10100] =	vst v63  }
0x42: {  	v3 =	vld [tilespmem:$0x30];
	_ =	sdelay $0x4  }
0x43: {  	v59 =	vshll.u32 v3, $0x1  }
0x44: {  	v3 =	vand.u32 $0x7, v3;
	v4 =	vand.u32 $0xFFFFFFF0, v59  }
0x45: {  	v3 =	vor.u32 v3, v4  }
0x46: {  	v4 =	vperm.xlane v3, v0;
	_ =	sdelay $0x1  }
0x47: {  	v3 =	vperm.xlane v3, v2;
	v4 =	vadd.s32 v1, v4;
	_ =	sdelay $0x1  }
0x48: {  	v3 =	vadd.s32 v1, v3;
	_ =	sdelay $0x1  }
0x49: {  	s26 =	simm.s32 $0x3100  }
0x4a: {  	[tilespmem:s26], [sflag:$0x1] =	stream.indirect_vreg.gather [hbm4b:s4+s3], $0x80, v4, vm0, $0xb8;
	[tilespmem:$0x10100] =	vst v63  }
0x4b: {  	s23 =	simm.s32 $0x3900  }
0x4c: {  	[tilespmem:s23], [sflag:$0x1] =	stream.indirect_vreg.gather [hbm4b:s4+s3], $0x80, v3, vm0, $0xb8;
	[tilespmem:$0x10100] =	vst v63  }
0x4d: {  	v3 =	vld [tilespmem:$0x40];
	_ =	sdelay $0x4  }
0x4e: {  	v60 =	vshll.u32 v3, $0x1  }
0x4f: {  	v3 =	vand.u32 $0x7, v3;
	v4 =	vand.u32 $0xFFFFFFF0, v60  }
0x50: {  	v3 =	vor.u32 v3, v4  }
0x51: {  	v4 =	vperm.xlane v3, v0;
	_ =	sdelay $0x1  }
0x52: {  	v3 =	vperm.xlane v3, v2;
	v4 =	vadd.s32 v1, v4;
	_ =	sdelay $0x1  }
0x53: {  	v3 =	vadd.s32 v1, v3;
	_ =	sdelay $0x1  }
0x54: {  	s24 =	simm.s32 $0x4100  }
0x55: {  	[tilespmem:s24], [sflag:$0x1] =	stream.indirect_vreg.gather [hbm4b:s4+s3], $0x80, v4, vm0, $0xb8;
	[tilespmem:$0x10100] =	vst v63  }
0x56: {  	s25 =	simm.s32 $0x4900  }
0x57: {  	[tilespmem:s25], [sflag:$0x1] =	stream.indirect_vreg.gather [hbm4b:s4+s3], $0x80, v3, vm0, $0xb8;
	[tilespmem:$0x10100] =	vst v63  }
0x58: {  	v3 =	vld [tilespmem:$0x50];
	_ =	sdelay $0x4  }
0x59: {  	v61 =	vshll.u32 v3, $0x1  }
0x5a: {  	v3 =	vand.u32 $0x7, v3;
	v4 =	vand.u32 $0xFFFFFFF0, v61  }
0x5b: {  	v3 =	vor.u32 v3, v4  }
0x5c: {  	v4 =	vperm.xlane v3, v0;
	_ =	sdelay $0x1  }
0x5d: {  	v3 =	vperm.xlane v3, v2;
	v4 =	vadd.s32 v1, v4;
	_ =	sdelay $0x1  }
0x5e: {  	v3 =	vadd.s32 v1, v3;
	_ =	sdelay $0x1  }
0x5f: {  	s26 =	simm.s32 $0x5100  }
0x60: {  	[tilespmem:s26], [sflag:$0x1] =	stream.indirect_vreg.gather [hbm4b:s4+s3], $0x80, v4, vm0, $0xb8;
	[tilespmem:$0x10100] =	vst v63  }
0x61: {  	s23 =	simm.s32 $0x5900  }
0x62: {  	[tilespmem:s23], [sflag:$0x1] =	stream.indirect_vreg.gather [hbm4b:s4+s3], $0x80, v3, vm0, $0xb8;
	[tilespmem:$0x10100] =	vst v63  }
0x63: {  	v3 =	vld [tilespmem:$0x60];
	_ =	sdelay $0x4  }
0x64: {  	v62 =	vshll.u32 v3, $0x1  }
0x65: {  	v3 =	vand.u32 $0x7, v3;
	v4 =	vand.u32 $0xFFFFFFF0, v62  }
0x66: {  	v3 =	vor.u32 v3, v4  }
0x67: {  	v4 =	vperm.xlane v3, v0;
	_ =	sdelay $0x1  }
0x68: {  	v3 =	vperm.xlane v3, v2;
	v4 =	vadd.s32 v1, v4;
	_ =	sdelay $0x1  }
0x69: {  	v3 =	vadd.s32 v1, v3;
	_ =	sdelay $0x1  }
0x6a: {  	s24 =	simm.s32 $0x6100  }
0x6b: {  	[tilespmem:s24], [sflag:$0x1] =	stream.indirect_vreg.gather [hbm4b:s4+s3], $0x80, v4, vm0, $0xb8;
	[tilespmem:$0x10100] =	vst v63  }
0x6c: {  	s25 =	simm.s32 $0x6900  }
0x6d: {  	[tilespmem:s25], [sflag:$0x1] =	stream.indirect_vreg.gather [hbm4b:s4+s3], $0x80, v3, vm0, $0xb8;
	[tilespmem:$0x10100] =	vst v63  }
0x6e: {  	v3 =	vld [tilespmem:$0x70];
	_ =	sdelay $0x4  }
0x6f: {  	v63 =	vshll.u32 v3, $0x1  }
0x70: {  	v3 =	vand.u32 $0x7, v3;
	v4 =	vand.u32 $0xFFFFFFF0, v63  }
0x71: {  	v3 =	vor.u32 v3, v4  }
0x72: {  	v4 =	vperm.xlane v3, v0;
	_ =	sdelay $0x1  }
0x73: {  	v3 =	vperm.xlane v3, v2;
	v4 =	vadd.s32 v1, v4;
	_ =	sdelay $0x1  }
0x74: {  	v3 =	vadd.s32 v1, v3  }
.Ltmp2:
0x75: {  	_ = 	snop;
	(pc) =	sbr.rel .LBB2_2-.Ltmp2, $4  }
0x76: {  	s22 =	rddreg [dreg:$0x6];
	s26 =	simm.s32 $0x7100  }
0x77: {  	[tilespmem:s26], [sflag:$0x1] =	stream.indirect_vreg.gather [hbm4b:s4+s3], $0x80, v4, vm0, $0xb8;
	[tilespmem:$0x10100] =	vst v63  }
0x78: {  	s23 =	rddreg [dreg:$0x5];
	s24 =	simm.s32 $0x0  }
0x79: {  	[tilespmem:s28], [sflag:$0x1] =	stream.indirect_vreg.gather [hbm4b:s4+s3], $0x80, v3, vm0, $0xb8;
	[tilespmem:$0x10100] =	vst v63  }
.LBB2_4:
0x7a: {  	_ =	swait.ge [sflag:s21], $0x8000;
	s25 =	sadd.s32 s24, s9;
	s24 =	sadd.s32 $0x2000, s24  }
0x7b: {  	[sflag:s21] =	ssyncset.done $0x0;
	p0 =	sne.s32 s24, $0xA000  }
.Ltmp3:
0x7c: {  	[sflag:s21] =	ssyncadd.s32 $0xFFFF8000;
	(pc) =	sbr.rel @!p0 .LBB2_5-.Ltmp3, $4  }
0x7d: {  	[hbm4b:s25+s3] =	stream.linear.scatter [tilespmem:s30], [sflag:$0x3], $0x8000, $0x38;
	[tilespmem:$0x10100] =	vst v63  }
0x7e: {  	_ =	swait.ge [sflag:s11], $0x8000  }
0x7f: {  	[sflag:s11] =	ssyncset.done $0x0  }
0x80: {  	s23 =	sadd.s32 $0x100, s23;
	s22 =	sadd.s32 $0x20, s22;
	[sflag:s11] =	ssyncadd.s32 $0xFFFF8000  }
.LBB2_2:
0x81: {  	[tilespmem:s29], [sflag:$0x3] =	stream.linear.gather [hbm4b:s22+s3], $0x80, $0x38;
	[tilespmem:$0x10100] =	vst v63  }
0x82: {  	_ =	swait.ge [sflag:s11], $0x80  }
0x83: {  	[sflag:s11] =	ssyncset.done $0x0  }
0x84: {  	[sflag:s11] =	ssyncadd.s32 $0xFFFFFF80  }
0x85: {  	v3 =	vld [tilespmem:$0x80];
	_ =	sdelay $0x4  }
0x86: {  	v4 =	vshll.u32 v3, $0x1  }
0x87: {  	v3 =	vand.u32 $0x7, v3;
	v4 =	vand.u32 $0xFFFFFFF0, v4  }
0x88: {  	v3 =	vor.u32 v3, v4  }
0x89: {  	v4 =	vperm.xlane v3, v0;
	_ =	sdelay $0x1  }
0x8a: {  	v3 =	vperm.xlane v3, v2;
	v4 =	vadd.s32 v1, v4;
	_ =	sdelay $0x1  }
0x8b: {  	v3 =	vadd.s32 v1, v3;
	_ =	sdelay $0x2  }
0x8c: {  	[tilespmem:s30], [sflag:$0x2] =	stream.indirect_vreg.gather [hbm4b:s4+s3], $0x80, v4, vm0, $0xb8;
	[tilespmem:$0x10100] =	vst v63  }
0x8d: {  	_ = 	snop  }
0x8e: {  	[tilespmem:s31], [sflag:$0x2] =	stream.indirect_vreg.gather [hbm4b:s4+s3], $0x80, v3, vm0, $0xb8;
	[tilespmem:$0x10100] =	vst v63  }
0x8f: {  	v3 =	vld [tilespmem:$0x90];
	_ =	sdelay $0x4  }
0x90: {  	v57 =	vshll.u32 v3, $0x1  }
0x91: {  	v3 =	vand.u32 $0x7, v3;
	v4 =	vand.u32 $0xFFFFFFF0, v57  }
0x92: {  	v3 =	vor.u32 v3, v4  }
0x93: {  	v4 =	vperm.xlane v3, v0;
	_ =	sdelay $0x1  }
0x94: {  	v3 =	vperm.xlane v3, v2;
	v4 =	vadd.s32 v1, v4;
	_ =	sdelay $0x1  }
0x95: {  	v3 =	vadd.s32 v1, v3;
	_ =	sdelay $0x2  }
0x96: {  	[tilespmem:s1], [sflag:$0x2] =	stream.indirect_vreg.gather [hbm4b:s4+s3], $0x80, v4, vm0, $0xb8;
	[tilespmem:$0x10100] =	vst v63  }
0x97: {  	_ = 	snop  }
0x98: {  	[tilespmem:s0], [sflag:$0x2] =	stream.indirect_vreg.gather [hbm4b:s4+s3], $0x80, v3, vm0, $0xb8;
	[tilespmem:$0x10100] =	vst v63  }
0x99: {  	v3 =	vld [tilespmem:$0xA0];
	_ =	sdelay $0x4  }
0x9a: {  	v58 =	vshll.u32 v3, $0x1  }
0x9b: {  	v3 =	vand.u32 $0x7, v3;
	v4 =	vand.u32 $0xFFFFFFF0, v58  }
0x9c: {  	v3 =	vor.u32 v3, v4  }
0x9d: {  	v4 =	vperm.xlane v3, v0;
	_ =	sdelay $0x1  }
0x9e: {  	v3 =	vperm.xlane v3, v2;
	v4 =	vadd.s32 v1, v4;
	_ =	sdelay $0x1  }
0x9f: {  	v3 =	vadd.s32 v1, v3;
	_ =	sdelay $0x2  }
0xa0: {  	[tilespmem:s5], [sflag:$0x2] =	stream.indirect_vreg.gather [hbm4b:s4+s3], $0x80, v4, vm0, $0xb8;
	[tilespmem:$0x10100] =	vst v63  }
0xa1: {  	_ = 	snop  }
0xa2: {  	[tilespmem:s6], [sflag:$0x2] =	stream.indirect_vreg.gather [hbm4b:s4+s3], $0x80, v3, vm0, $0xb8;
	[tilespmem:$0x10100] =	vst v63  }
0xa3: {  	v3 =	vld [tilespmem:$0xB0];
	_ =	sdelay $0x4  }
0xa4: {  	v59 =	vshll.u32 v3, $0x1  }
0xa5: {  	v3 =	vand.u32 $0x7, v3;
	v4 =	vand.u32 $0xFFFFFFF0, v59  }
0xa6: {  	v3 =	vor.u32 v3, v4  }
0xa7: {  	v4 =	vperm.xlane v3, v0;
	_ =	sdelay $0x1  }
0xa8: {  	v3 =	vperm.xlane v3, v2;
	v4 =	vadd.s32 v1, v4;
	_ =	sdelay $0x1  }
0xa9: {  	v3 =	vadd.s32 v1, v3;
	_ =	sdelay $0x2  }
0xaa: {  	[tilespmem:s8], [sflag:$0x2] =	stream.indirect_vreg.gather [hbm4b:s4+s3], $0x80, v4, vm0, $0xb8;
	[tilespmem:$0x10100] =	vst v63  }
0xab: {  	_ = 	snop  }
0xac: {  	[tilespmem:s10], [sflag:$0x2] =	stream.indirect_vreg.gather [hbm4b:s4+s3], $0x80, v3, vm0, $0xb8;
	[tilespmem:$0x10100] =	vst v63  }
0xad: {  	v3 =	vld [tilespmem:$0xC0];
	_ =	sdelay $0x4  }
0xae: {  	v60 =	vshll.u32 v3, $0x1  }
0xaf: {  	v3 =	vand.u32 $0x7, v3;
	v4 =	vand.u32 $0xFFFFFFF0, v60  }
0xb0: {  	v3 =	vor.u32 v3, v4  }
0xb1: {  	v4 =	vperm.xlane v3, v0;
	_ =	sdelay $0x1  }
0xb2: {  	v3 =	vperm.xlane v3, v2;
	v4 =	vadd.s32 v1, v4;
	_ =	sdelay $0x1  }
0xb3: {  	v3 =	vadd.s32 v1, v3;
	_ =	sdelay $0x2  }
0xb4: {  	[tilespmem:s2], [sflag:$0x2] =	stream.indirect_vreg.gather [hbm4b:s4+s3], $0x80, v4, vm0, $0xb8;
	[tilespmem:$0x10100] =	vst v63  }
0xb5: {  	_ = 	snop  }
0xb6: {  	[tilespmem:s13], [sflag:$0x2] =	stream.indirect_vreg.gather [hbm4b:s4+s3], $0x80, v3, vm0, $0xb8;
	[tilespmem:$0x10100] =	vst v63  }
0xb7: {  	v3 =	vld [tilespmem:$0xD0];
	_ =	sdelay $0x4  }
0xb8: {  	v61 =	vshll.u32 v3, $0x1  }
0xb9: {  	v3 =	vand.u32 $0x7, v3;
	v4 =	vand.u32 $0xFFFFFFF0, v61  }
0xba: {  	v3 =	vor.u32 v3, v4  }
0xbb: {  	v4 =	vperm.xlane v3, v0;
	_ =	sdelay $0x1  }
0xbc: {  	v3 =	vperm.xlane v3, v2;
	v4 =	vadd.s32 v1, v4;
	_ =	sdelay $0x1  }
0xbd: {  	v3 =	vadd.s32 v1, v3;
	_ =	sdelay $0x2  }
0xbe: {  	[tilespmem:s14], [sflag:$0x2] =	stream.indirect_vreg.gather [hbm4b:s4+s3], $0x80, v4, vm0, $0xb8;
	[tilespmem:$0x10100] =	vst v63  }
0xbf: {  	_ = 	snop  }
0xc0: {  	[tilespmem:s15], [sflag:$0x2] =	stream.indirect_vreg.gather [hbm4b:s4+s3], $0x80, v3, vm0, $0xb8;
	[tilespmem:$0x10100] =	vst v63  }
0xc1: {  	v3 =	vld [tilespmem:$0xE0];
	_ =	sdelay $0x4  }
0xc2: {  	v62 =	vshll.u32 v3, $0x1  }
0xc3: {  	v3 =	vand.u32 $0x7, v3;
	v4 =	vand.u32 $0xFFFFFFF0, v62  }
0xc4: {  	v3 =	vor.u32 v3, v4  }
0xc5: {  	v4 =	vperm.xlane v3, v0;
	_ =	sdelay $0x1  }
0xc6: {  	v3 =	vperm.xlane v3, v2;
	v4 =	vadd.s32 v1, v4;
	_ =	sdelay $0x1  }
0xc7: {  	v3 =	vadd.s32 v1, v3;
	_ =	sdelay $0x2  }
0xc8: {  	[tilespmem:s16], [sflag:$0x2] =	stream.indirect_vreg.gather [hbm4b:s4+s3], $0x80, v4, vm0, $0xb8;
	[tilespmem:$0x10100] =	vst v63  }
0xc9: {  	_ = 	snop  }
0xca: {  	[tilespmem:s17], [sflag:$0x2] =	stream.indirect_vreg.gather [hbm4b:s4+s3], $0x80, v3, vm0, $0xb8;
	[tilespmem:$0x10100] =	vst v63  }
0xcb: {  	v3 =	vld [tilespmem:$0xF0];
	_ =	sdelay $0x4  }
0xcc: {  	v63 =	vshll.u32 v3, $0x1  }
0xcd: {  	v3 =	vand.u32 $0x7, v3;
	v4 =	vand.u32 $0xFFFFFFF0, v63  }
0xce: {  	v3 =	vor.u32 v3, v4  }
0xcf: {  	v4 =	vperm.xlane v3, v0;
	_ =	sdelay $0x1  }
0xd0: {  	v3 =	vperm.xlane v3, v2;
	v4 =	vadd.s32 v1, v4;
	_ =	sdelay $0x1  }
0xd1: {  	v3 =	vadd.s32 v1, v3;
	_ =	sdelay $0x2  }
0xd2: {  	[tilespmem:s18], [sflag:$0x2] =	stream.indirect_vreg.gather [hbm4b:s4+s3], $0x80, v4, vm0, $0xb8;
	[tilespmem:$0x10100] =	vst v63  }
0xd3: {  	_ = 	snop  }
0xd4: {  	[tilespmem:s19], [sflag:$0x2] =	stream.indirect_vreg.gather [hbm4b:s4+s3], $0x80, v3, vm0, $0xb8;
	[tilespmem:$0x10100] =	vst v63  }
0xd5: {  	_ =	swait.ge [sflag:s20], $0x8000  }
0xd6: {  	p0 =	seq.s32 s24, $0x8000;
	[sflag:s20] =	ssyncset.done $0x0  }
.Ltmp4:
0xd7: {  	s25 =	sadd.s32 s24, s7;
	[sflag:s20] =	ssyncadd.s32 $0xFFFF8000;
	(pc) =	sbr.rel @p0 .LBB2_4-.Ltmp4, $4  }
0xd8: {  	[hbm4b:s25+s3] =	stream.linear.scatter [tilespmem:s12], [sflag:$0x3], $0x8000, $0x38;
	[tilespmem:$0x10100] =	vst v63  }
0xd9: {  	_ =	swait.ge [sflag:s11], $0x8000  }
0xda: {  	[sflag:s11] =	ssyncset.done $0x0  }
0xdb: {  	[sflag:s11] =	ssyncadd.s32 $0xFFFF8000  }
0xdc: {  	s25 =	sshrl.u32 s23, $0x3;
	s26 =	rddreg [dreg:$0x1]  }
0xdd: {  	s25 =	sadd.s32 s26, s25  }
0xde: {  	[tilespmem:s3], [sflag:$0x3] =	stream.linear.gather [hbm4b:s25+s3], $0x80, $0x38;
	[tilespmem:$0x10100] =	vst v63  }
0xdf: {  	_ =	swait.ge [sflag:s11], $0x80  }
0xe0: {  	[sflag:s11] =	ssyncset.done $0x0  }
0xe1: {  	[sflag:s11] =	ssyncadd.s32 $0xFFFFFF80  }
0xe2: {  	v3 =	vld [tilespmem:$0x0];
	_ =	sdelay $0x4  }
0xe3: {  	v4 =	vshll.u32 v3, $0x1  }
0xe4: {  	v3 =	vand.u32 $0x7, v3;
	v4 =	vand.u32 $0xFFFFFFF0, v4  }
0xe5: {  	v3 =	vor.u32 v3, v4  }
0xe6: {  	v4 =	vperm.xlane v3, v0;
	_ =	sdelay $0x1  }
0xe7: {  	v3 =	vperm.xlane v3, v2;
	v4 =	vadd.s32 v1, v4;
	_ =	sdelay $0x1  }
0xe8: {  	v3 =	vadd.s32 v1, v3;
	_ =	sdelay $0x2  }
0xe9: {  	[tilespmem:s12], [sflag:$0x1] =	stream.indirect_vreg.gather [hbm4b:s4+s3], $0x80, v4, vm0, $0xb8;
	[tilespmem:$0x10100] =	vst v63  }
0xea: {  	s26 =	simm.s32 $0x900  }
0xeb: {  	[tilespmem:s26], [sflag:$0x1] =	stream.indirect_vreg.gather [hbm4b:s4+s3], $0x80, v3, vm0, $0xb8;
	[tilespmem:$0x10100] =	vst v63  }
0xec: {  	v3 =	vld [tilespmem:$0x10];
	_ =	sdelay $0x4  }
0xed: {  	v57 =	vshll.u32 v3, $0x1  }
0xee: {  	v3 =	vand.u32 $0x7, v3;
	v4 =	vand.u32 $0xFFFFFFF0, v57  }
0xef: {  	v3 =	vor.u32 v3, v4  }
0xf0: {  	v4 =	vperm.xlane v3, v0;
	_ =	sdelay $0x1  }
0xf1: {  	v3 =	vperm.xlane v3, v2;
	v4 =	vadd.s32 v1, v4;
	_ =	sdelay $0x1  }
0xf2: {  	v3 =	vadd.s32 v1, v3;
	_ =	sdelay $0x1  }
0xf3: {  	s26 =	simm.s32 $0x1100  }
0xf4: {  	[tilespmem:s26], [sflag:$0x1] =	stream.indirect_vreg.gather [hbm4b:s4+s3], $0x80, v4, vm0, $0xb8;
	[tilespmem:$0x10100] =	vst v63  }
0xf5: {  	s26 =	simm.s32 $0x1900  }
0xf6: {  	[tilespmem:s26], [sflag:$0x1] =	stream.indirect_vreg.gather [hbm4b:s4+s3], $0x80, v3, vm0, $0xb8;
	[tilespmem:$0x10100] =	vst v63  }
0xf7: {  	v3 =	vld [tilespmem:$0x20];
	_ =	sdelay $0x4  }
0xf8: {  	v58 =	vshll.u32 v3, $0x1  }
0xf9: {  	v3 =	vand.u32 $0x7, v3;
	v4 =	vand.u32 $0xFFFFFFF0, v58  }
0xfa: {  	v3 =	vor.u32 v3, v4  }
0xfb: {  	v4 =	vperm.xlane v3, v0;
	_ =	sdelay $0x1  }
0xfc: {  	v3 =	vperm.xlane v3, v2;
	v4 =	vadd.s32 v1, v4;
	_ =	sdelay $0x1  }
0xfd: {  	v3 =	vadd.s32 v1, v3;
	_ =	sdelay $0x1  }
0xfe: {  	s26 =	simm.s32 $0x2100  }
0xff: {  	[tilespmem:s26], [sflag:$0x1] =	stream.indirect_vreg.gather [hbm4b:s4+s3], $0x80, v4, vm0, $0xb8;
	[tilespmem:$0x10100] =	vst v63  }
0x100: {  	s26 =	simm.s32 $0x2900  }
0x101: {  	[tilespmem:s26], [sflag:$0x1] =	stream.indirect_vreg.gather [hbm4b:s4+s3], $0x80, v3, vm0, $0xb8;
	[tilespmem:$0x10100] =	vst v63  }
0x102: {  	v3 =	vld [tilespmem:$0x30];
	_ =	sdelay $0x4  }
0x103: {  	v59 =	vshll.u32 v3, $0x1  }
0x104: {  	v3 =	vand.u32 $0x7, v3;
	v4 =	vand.u32 $0xFFFFFFF0, v59  }
0x105: {  	v3 =	vor.u32 v3, v4  }
0x106: {  	v4 =	vperm.xlane v3, v0;
	_ =	sdelay $0x1  }
0x107: {  	v3 =	vperm.xlane v3, v2;
	v4 =	vadd.s32 v1, v4;
	_ =	sdelay $0x1  }
0x108: {  	v3 =	vadd.s32 v1, v3;
	_ =	sdelay $0x1  }
0x109: {  	s26 =	simm.s32 $0x3100  }
0x10a: {  	[tilespmem:s26], [sflag:$0x1] =	stream.indirect_vreg.gather [hbm4b:s4+s3], $0x80, v4, vm0, $0xb8;
	[tilespmem:$0x10100] =	vst v63  }
0x10b: {  	s26 =	simm.s32 $0x3900  }
0x10c: {  	[tilespmem:s26], [sflag:$0x1] =	stream.indirect_vreg.gather [hbm4b:s4+s3], $0x80, v3, vm0, $0xb8;
	[tilespmem:$0x10100] =	vst v63  }
0x10d: {  	v3 =	vld [tilespmem:$0x40];
	_ =	sdelay $0x4  }
0x10e: {  	v60 =	vshll.u32 v3, $0x1  }
0x10f: {  	v3 =	vand.u32 $0x7, v3;
	v4 =	vand.u32 $0xFFFFFFF0, v60  }
0x110: {  	v3 =	vor.u32 v3, v4  }
0x111: {  	v4 =	vperm.xlane v3, v0;
	_ =	sdelay $0x1  }
0x112: {  	v3 =	vperm.xlane v3, v2;
	v4 =	vadd.s32 v1, v4;
	_ =	sdelay $0x1  }
0x113: {  	v3 =	vadd.s32 v1, v3;
	_ =	sdelay $0x1  }
0x114: {  	s26 =	simm.s32 $0x4100  }
0x115: {  	[tilespmem:s26], [sflag:$0x1] =	stream.indirect_vreg.gather [hbm4b:s4+s3], $0x80, v4, vm0, $0xb8;
	[tilespmem:$0x10100] =	vst v63  }
0x116: {  	s26 =	simm.s32 $0x4900  }
0x117: {  	[tilespmem:s26], [sflag:$0x1] =	stream.indirect_vreg.gather [hbm4b:s4+s3], $0x80, v3, vm0, $0xb8;
	[tilespmem:$0x10100] =	vst v63  }
0x118: {  	v3 =	vld [tilespmem:$0x50];
	_ =	sdelay $0x4  }
0x119: {  	v61 =	vshll.u32 v3, $0x1  }
0x11a: {  	v3 =	vand.u32 $0x7, v3;
	v4 =	vand.u32 $0xFFFFFFF0, v61  }
0x11b: {  	v3 =	vor.u32 v3, v4  }
0x11c: {  	v4 =	vperm.xlane v3, v0;
	_ =	sdelay $0x1  }
0x11d: {  	v3 =	vperm.xlane v3, v2;
	v4 =	vadd.s32 v1, v4;
	_ =	sdelay $0x1  }
0x11e: {  	v3 =	vadd.s32 v1, v3;
	_ =	sdelay $0x1  }
0x11f: {  	s26 =	simm.s32 $0x5100  }
0x120: {  	[tilespmem:s26], [sflag:$0x1] =	stream.indirect_vreg.gather [hbm4b:s4+s3], $0x80, v4, vm0, $0xb8;
	[tilespmem:$0x10100] =	vst v63  }
0x121: {  	s26 =	simm.s32 $0x5900  }
0x122: {  	[tilespmem:s26], [sflag:$0x1] =	stream.indirect_vreg.gather [hbm4b:s4+s3], $0x80, v3, vm0, $0xb8;
	[tilespmem:$0x10100] =	vst v63  }
0x123: {  	v3 =	vld [tilespmem:$0x60];
	_ =	sdelay $0x4  }
0x124: {  	v62 =	vshll.u32 v3, $0x1  }
0x125: {  	v3 =	vand.u32 $0x7, v3;
	v4 =	vand.u32 $0xFFFFFFF0, v62  }
0x126: {  	v3 =	vor.u32 v3, v4  }
0x127: {  	v4 =	vperm.xlane v3, v0;
	_ =	sdelay $0x1  }
0x128: {  	v3 =	vperm.xlane v3, v2;
	v4 =	vadd.s32 v1, v4;
	_ =	sdelay $0x1  }
0x129: {  	v3 =	vadd.s32 v1, v3;
	_ =	sdelay $0x1  }
0x12a: {  	s26 =	simm.s32 $0x6100  }
0x12b: {  	[tilespmem:s26], [sflag:$0x1] =	stream.indirect_vreg.gather [hbm4b:s4+s3], $0x80, v4, vm0, $0xb8;
	[tilespmem:$0x10100] =	vst v63  }
0x12c: {  	s26 =	simm.s32 $0x6900  }
0x12d: {  	[tilespmem:s26], [sflag:$0x1] =	stream.indirect_vreg.gather [hbm4b:s4+s3], $0x80, v3, vm0, $0xb8;
	[tilespmem:$0x10100] =	vst v63  }
0x12e: {  	v3 =	vld [tilespmem:$0x70];
	_ =	sdelay $0x4  }
0x12f: {  	v63 =	vshll.u32 v3, $0x1  }
0x130: {  	v3 =	vand.u32 $0x7, v3;
	v4 =	vand.u32 $0xFFFFFFF0, v63  }
0x131: {  	v3 =	vor.u32 v3, v4  }
0x132: {  	v4 =	vperm.xlane v3, v0;
	_ =	sdelay $0x1  }
0x133: {  	v3 =	vperm.xlane v3, v2;
	v4 =	vadd.s32 v1, v4;
	_ =	sdelay $0x1  }
0x134: {  	v3 =	vadd.s32 v1, v3  }
.Ltmp5:
0x135: {  	_ = 	snop;
	(pc) =	sbr.rel .LBB2_4-.Ltmp5, $4  }
0x136: {  	s26 =	simm.s32 $0x7100  }
0x137: {  	[tilespmem:s26], [sflag:$0x1] =	stream.indirect_vreg.gather [hbm4b:s4+s3], $0x80, v4, vm0, $0xb8;
	[tilespmem:$0x10100] =	vst v63  }
0x138: {  	_ = 	snop  }
0x139: {  	[tilespmem:s28], [sflag:$0x1] =	stream.indirect_vreg.gather [hbm4b:s4+s3], $0x80, v3, vm0, $0xb8;
	[tilespmem:$0x10100] =	vst v63  }
.LBB2_6:
0x13a: {  	_ =	sfence.sel $0x180000  }
0x13b: {  	[bflag:$0x0] =	sbarrier.arrive $0xFFFF  }
0x13c: {  	_ =	strace $0x9000004A  }
0x13d: {  	s0 =	stileid.u32;
	[bflag:$0x2] =	sbarrier.arrive $0xFFFF  }
0x13e: {  	p0 =	sne.s32 s0, $0x0;
	s0 =	rddreg [dreg:$0x2]  }
0x13f: {  	s0 =	sadd.s32 @!p0 $0x100000, s0  }
0x140: {  	[sflag:s0] =	ssyncadd.tile.s32 @!p0 $0x1;
	_ =	shalt  }
.Lfunc_end2:
_tile_overlayer_lowered:
.L_overlay_start_2:
0x141: {  	(tag) =	ssettag $0x2  }
0x142: {  	s0 =	rddreg [dreg:$0x0];
	s2 =	stileid.u32  }
0x143: {  	s1 =	rddreg [dreg:$0x1];
	p0 =	sne.s32 s2, $0x0  }
0x144: {  	s3 =	rddreg [dreg:$0x2];
	[bflag:$0x3] =	sbarrier.arrive $0xFFFF;
	s2 =	simm.s32 @!p0 $0x1C03  }
0x145: {  	[timem:s3], [sflag:s2] =	dma.local @!p0 [hbm:s0], s1  }
0x146: {  	s0 =	simm.s32 @!p0 $0x3  }
0x147: {  	_ =	swait.ge @!p0 [sflag:s0], s1  }
0x148: {  	s1 =	ssub.s32 @!p0 $0x0, s1;
	[sflag:s0] =	ssyncset.done @!p0 $0x0  }
0x149: {  	[sflag:s0] =	ssyncadd.s32 @!p0 s1  }
0x14a: {  	[bflag:$0x3] =	sbarrier.arrive $0xFFFF  }
0x14b: {  	_ =	shalt  }

// kernel: kernel.21.cloned.1.call-start
scs
__scs_entry_jumppad:
0x0: {  	(pc) =	sbr.rel $0x88, $3  }
0x1: {  	(tag) =	ssettag $0x0;
	lr =	simm.s32 $0x1  }
0x2: {  	[smem:$0x3F8D] =	sst lr;
	_ =	strace $0xD0000000  }
0x3: {  	_ = 	snop  }
0x4: {  	_ = 	snop  }
0x5: {  	_ = 	snop  }
0x6: {  	_ = 	snop  }
0x7: {  	_ = 	snop  }
__scs_overlays_trampoline_lowered:
0x8: {  	[smem:$0x3F9C] =	sst s0  }
0x9: {  	[smem:$0x3F9D] =	sst s1  }
0xa: {  	[smem:$0x3F9E] =	sst s2  }
0xb: {  	[smem:$0x3F9F] =	sst s3  }
0xc: {  	[smem:$0x3FA0] =	sst s4  }
0xd: {  	[smem:$0x3FA1] =	sst s5  }
0xe: {  	[smem:$0x3FA2] =	sst s6  }
0xf: {  	[smem:$0x3FA3] =	sst s7  }
0x10: {  	[smem:$0x3FA4] =	sst s8  }
0x11: {  	[smem:$0x3FA5] =	sst s9;
	s0 =	simm.s32 @!p0 $0x0  }
0x12: {  	s1 =	sld [smem:$0x3F8B];
	s0 =	simm.s32 @p0 $0x1  }
0x13: {  	[smem:$0x3FA6] =	sst s0;
	s0 =	simm.s32 @!p1 $0x0  }
0x14: {  	s2 =	sld [smem:$0x3F8A];
	s0 =	simm.s32 @p1 $0x1  }
0x15: {  	[smem:$0x3FA7] =	sst s0;
	s0 =	simm.s32 @!p2 $0x0  }
0x16: {  	s3 =	sld [smem:$0x3FDB];
	s0 =	simm.s32 @p2 $0x1  }
0x17: {  	s4 =	simm.s32 $0x1BF5;
	[smem:$0x3FA9] =	sst s0  }
0x18: {  	s0 =	sld [smem:$0x3F8C];
	_ =	swait.ge [sflag:s4], $0x0  }
0x19: {  	s7 =	sld [smem:$0x3F8D]  }
0x1a: {  	s8 =	sadd.s32 $0xFFFFE003, lr  }
0x1b: {  	s9 =	sadd.s32 $0xFFFFFEF7, lr;
	s5 =	simm.s32 $0xFFFFFFFF;
	p2 =	slt.u32 s8, $0xFFFFF086  }
0x1c: {  	p1 =	slt.u32 s9, $0xF7A;
	s5 =	simm.s32 @!p2 $0x0  }
0x1d: {  	s5 =	simm.s32 @p1 $0x1;
	p0 =	seq.s32 s7, s2  }
0x1e: {  	s7 =	smul.u32 @!p0 $0xF7A, s2;
	p2 =	seq.s32 @!p0 s5, $0x0  }
0x1f: {  	s9 =	smul.u32 $0xF7A, s1;
	s8 =	simm.s32 @!p0 $0x1BF5;
	p2 =	por !p2, p0  }
0x20: {  	[sflag:s8] =	ssyncset.s32 @!p0 $0xFFFFF086;
	s6 =	sadd.s32 @!p0 s3, s7;
	s7 =	simm.s32 @!p0 $0x108  }
0x21: {  	s3 =	sadd.s32 s3, s9;
	s6 =	sadd.s32 @!p0 $0x88, s6;
	s7 =	simm.s32 @p2 $0x1082  }
0x22: {  	[simem:s7], [sflag:s8] =	dma.local @!p0 [hbm:s6], $0xF7A  }
0x23: {  	s9 =	sor.u32 $0xD0000000, s2;
	s6 =	simm.s32 $0x108;
	_ =	swait.ge @!p0 [sflag:s8], $0x0  }
0x24: {  	s3 =	sadd.s32 $0x88, s3;
	s6 =	simm.s32 @!p1 $0x1082;
	[sflag:s4] =	ssyncset.s32 $0xFFFFF086  }
0x25: {  	[simem:s6], [sflag:s4] =	dma.local [hbm:s3], $0xF7A  }
0x26: {  	[smem:$0x3F8D] =	sst s1;
	(tag) =	ssettag s2;
	_ =	strace s9  }
0x27: {  	s1 =	sld [smem:$0x3F9D]  }
0x28: {  	s2 =	sld [smem:$0x3F9E]  }
0x29: {  	s4 =	sld [smem:$0x3FA0]  }
0x2a: {  	p0 =	seq.s32 s5, $0x0;
	s5 =	sld [smem:$0x3FA1]  }
0x2b: {  	s6 =	sld [smem:$0x3FA2]  }
0x2c: {  	s7 =	sld [smem:$0x3FA3]  }
0x2d: {  	s3 =	simm.s32 $0x108;
	s8 =	sld [smem:$0x3FA4]  }
0x2e: {  	s3 =	simm.s32 @!p0 $0x1082;
	s9 =	sld [smem:$0x3FA5]  }
0x2f: {  	lr =	sadd.s32 s0, s3;
	s0 =	sld [smem:$0x3F9C]  }
0x30: {  	s3 =	sld [smem:$0x3F9F]  }
0x31: {  	[smem:$0x3FA8] =	sst s10  }
0x32: {  	s10 =	sld [smem:$0x3FA6];
	_ =	sdelay $0x3  }
0x33: {  	p0 =	seq.s32 s10, $0x1;
	s10 =	sld [smem:$0x3FA8];
	_ =	sdelay $0x3  }
0x34: {  	[smem:$0x3FA8] =	sst s10  }
0x35: {  	s10 =	sld [smem:$0x3FA7];
	_ =	sdelay $0x3  }
0x36: {  	p1 =	seq.s32 s10, $0x1;
	s10 =	sld [smem:$0x3FA8];
	_ =	sdelay $0x3  }
0x37: {  	[smem:$0x3FA8] =	sst s10  }
0x38: {  	s10 =	sld [smem:$0x3FA9]  }
0x39: {  	_ = 	snop;
	(pc) =	sbr.ind lr, $3  }
0x3a: {  	_ = 	snop  }
0x3b: {  	_ = 	snop  }
0x3c: {  	p2 =	seq.s32 s10, $0x1;
	s10 =	sld [smem:$0x3FA8]  }
0x3d: {  	_ =	shalt  }
0x3e: {  	_ =	shalt  }
0x3f: {  	_ =	shalt  }
0x40: {  	_ =	shalt  }
0x41: {  	_ =	shalt  }
0x42: {  	_ =	shalt  }
0x43: {  	_ =	shalt  }
0x44: {  	_ =	shalt  }
0x45: {  	_ =	shalt  }
0x46: {  	_ =	shalt  }
0x47: {  	_ =	shalt  }
0x48: {  	_ =	shalt  }
0x49: {  	_ =	shalt  }
0x4a: {  	_ =	shalt  }
0x4b: {  	_ =	shalt  }
0x4c: {  	_ =	shalt  }
0x4d: {  	_ =	shalt  }
0x4e: {  	_ =	shalt  }
0x4f: {  	_ =	shalt  }
0x50: {  	_ =	shalt  }
0x51: {  	_ =	shalt  }
0x52: {  	_ =	shalt  }
0x53: {  	_ =	shalt  }
0x54: {  	_ =	shalt  }
0x55: {  	_ =	shalt  }
0x56: {  	_ =	shalt  }
0x57: {  	_ =	shalt  }
0x58: {  	_ =	shalt  }
0x59: {  	_ =	shalt  }
0x5a: {  	_ =	shalt  }
0x5b: {  	_ =	shalt  }
0x5c: {  	_ =	shalt  }
0x5d: {  	_ =	shalt  }
0x5e: {  	_ =	shalt  }
0x5f: {  	_ =	shalt  }
0x60: {  	_ =	shalt  }
0x61: {  	_ =	shalt  }
0x62: {  	_ =	shalt  }
0x63: {  	_ =	shalt  }
0x64: {  	_ =	shalt  }
0x65: {  	_ =	shalt  }
0x66: {  	_ =	shalt  }
0x67: {  	_ =	shalt  }
0x68: {  	_ =	shalt  }
0x69: {  	_ =	shalt  }
0x6a: {  	_ =	shalt  }
0x6b: {  	_ =	shalt  }
0x6c: {  	_ =	shalt  }
0x6d: {  	_ =	shalt  }
0x6e: {  	_ =	shalt  }
0x6f: {  	_ =	shalt  }
0x70: {  	_ =	shalt  }
0x71: {  	_ =	shalt  }
0x72: {  	_ =	shalt  }
0x73: {  	_ =	shalt  }
0x74: {  	_ =	shalt  }
0x75: {  	_ =	shalt  }
0x76: {  	_ =	shalt  }
0x77: {  	_ =	shalt  }
0x78: {  	_ =	shalt  }
0x79: {  	_ =	shalt  }
0x7a: {  	_ =	shalt  }
0x7b: {  	_ =	shalt  }
0x7c: {  	_ =	shalt  }
0x7d: {  	_ =	shalt  }
0x7e: {  	_ =	shalt  }
0x7f: {  	_ =	shalt  }
0x80: {  	_ =	shalt  }
0x81: {  	_ =	shalt  }
0x82: {  	_ =	shalt  }
0x83: {  	_ =	shalt  }
0x84: {  	_ =	shalt  }
0x85: {  	_ =	shalt  }
0x86: {  	_ =	shalt  }
0x87: {  	_ =	shalt  }
.Lfunc_end0:
.L_simem_size_0:
called_computation.2_lowered:
.L_overlay_start_0:
0x88: {  	s2 =	sld [smem:$0x3FD9]  }
0x89: {  	s3 =	sld [smem:$0x3FFE];
	_ =	sdelay $0x1  }
0x8a: {  	s1 =	srdreg.scid  }
0x8b: {  	s0 =	sand.u32 $0x1, s1  }
0x8c: {  	s15 =	sshll.u32 s0, $0xA;
	s2 =	sadd.s32 s3, s2  }
0x8d: {  	s2 =	sadd.s32 s2, s15  }
0x8e: {  	[smem:$0x3FB4] =	sst s2  }
0x8f: {  	_ = 	snop  }
0x90: {  	s2 =	sld [smem:$0x3FD0];
	_ =	sdelay $0x2  }
0x91: {  	s16 =	simm.s32 $0xE;
	s4 =	simm.s32 $0x10  }
0x92: {  	[smem:s4], [sflag:s16] =	dma.local [hbm:s2], $0x1  }
0x93: {  	_ =	swait.eq [sflag:s16], $0x1  }
0x94: {  	[sflag:s16] =	ssyncset.done $0x0  }
0x95: {  	[sflag:s16] =	ssyncadd.s32 $0xFFFFFFFF  }
0x96: {  	s17 =	sld [smem:$0x11];
	(tm) =	ssettm $0x1  }
0x97: {  	s18 =	sld [smem:$0x3FFB];
	_ =	sdelay $0x3  }
0x98: {  	_ =	strace s18  }
0x99: {  	s2 =	sld [smem:$0x3FFC];
	_ =	sdelay $0x3  }
0x9a: {  	_ =	strace s2  }
0x9b: {  	s2 =	sld [smem:$0x3FFD];
	_ =	sdelay $0x3  }
0x9c: {  	_ =	strace s2  }
0x9d: {  	_ =	strace $0x8FFFFFFF  }
0x9e: {  	s19 =	sld [smem:$0x3FDB];
	_ =	sdelay $0x1  }
0x9f: {  	s20 =	simm.s32 $_scs_section_size  }
0xa0: {  	s5 =	simm.s32 $_size__tile_overlayer_lowered;
	s6 =	simm.s32 $_tile_overlayer_lowered  }
0xa1: {  	s7 =	simm.s32 $0x1BFF;
	s21 =	sshll.u32 s6, $0x1;
	s4 =	sadd.s32 s20, s19  }
0xa2: {  	s22 =	simm.s32 $0x0;
	s5 =	sshll.u32 s5, $0x1;
	s6 =	sadd.s32 s21, s4  }
0xa3: {  	[timem:s22], [sflag:s7] =	dma.local [hbm:s6], s5  }
0xa4: {  	_ =	swait.ge [sflag:s7], s5  }
0xa5: {  	s5 =	ssub.s32 $0x0, s5;
	[sflag:s7] =	ssyncset.done $0x0  }
0xa6: {  	[sflag:s7] =	ssyncadd.s32 s5;
	_ =	sdelay $0x1  }
0xa7: {  	s23 =	simm.s32 $0x1B8B  }
0xa8: {  	_ =	swait.ge [sflag:s23], $0x1  }
0xa9: {  	[sflag:s23] =	ssyncset.done $0x0  }
0xaa: {  	[sflag:s23] =	ssyncadd.s32 $0xFFFFFFFF  }
0xab: {  	s5 =	sld [smem:$0x0]  }
0xac: {  	s6 =	sand.u32 $0xFFFFFFFE, s1  }
0xad: {  	p0 =	sne.s32 s1, s6  }
0xae: {  	s6 =	sshll.u32 @p0 s6, $0xE  }
0xaf: {  	s6 =	sadd.s32 @p0 $0x11B8D, s6;
	s7 =	sshll.u32 @p0 s5, $0x11  }
0xb0: {  	s6 =	sor.u32 @p0 s7, s6  }
0xb1: {  	[sflag:s6] =	ssyncadd.remote.s32 @p0 $0x1;
	_ =	sdelay $0x1  }
0xb2: {  	s6 =	simm.s32 @p0 $0x1B8D  }
0xb3: {  	_ =	swait.eq @p0 [sflag:s6], $0x1  }
0xb4: {  	[sflag:s6] =	ssyncadd.s32 @p0 $0xFFFFFFFF  }
0xb5: {  	s7 =	sshll.u32 @!p0 s1, $0xE  }
0xb6: {  	s7 =	sor.u32 @!p0 $0x4000, s7;
	s6 =	simm.s32 @!p0 $0x1B8D  }
0xb7: {  	s5 =	sshll.u32 @!p0 s5, $0x11;
	s7 =	sadd.s32 @!p0 $0x11B8D, s7;
	_ =	swait.eq @!p0 [sflag:s6], $0x1  }
0xb8: {  	s5 =	sor.u32 @!p0 s5, s7;
	[sflag:s6] =	ssyncadd.s32 @!p0 $0xFFFFFFFF  }
0xb9: {  	s25 =	simm.s32 $0x1B8E;
	s24 =	sld [smem:$0x3FFE];
	[sflag:s5] =	ssyncadd.remote.s32 @!p0 $0x1  }
0xba: {  	s26 =	simm.s32 $execute0_lowered;
	[smem:$0x3FD2] =	sst s25  }
0xbb: {  	s6 =	sshll.u32 s26, $0x1;
	_ =	strace $0x8000004C;
	[dreg:$0x1] =	wrdreg $0xFFFFFFFF  }
0xbc: {  	s28 =	simm.s32 $_size_execute0_lowered;
	s4 =	sadd.s32 s4, s6;
	[dreg:$0x0] =	wrdreg $0x0  }
0xbd: {  	s6 =	sshll.u32 s28, $0x1;
	[dreg:$0x2] =	wrdreg s4  }
0xbe: {  	[dreg:$0x3] =	wrdreg s6  }
0xbf: {  	[dreg:$0x4] =	wrdreg $0xC0  }
0xc0: {  	_ =	task [dreg:s22], $0x5FFFF  }
0xc1: {  	[dreg:$0x1] =	wrdreg $0xFFFFFFFF  }
0xc2: {  	[dreg:$0x0] =	wrdreg $0x60  }
0xc3: {  	[dreg:$0x2] =	wrdreg s24  }
0xc4: {  	[dreg:$0x3] =	wrdreg s17  }
0xc5: {  	[dreg:$0x4] =	wrdreg $0xB  }
0xc6: {  	_ =	task.clear_ibuf [dreg:s22], $0x5FFFF;
	_ =	strace $0x9000004C  }
0xc7: {  	s29 =	simm.s32 $0xB;
	_ =	strace $0x8000004E  }
0xc8: {  	_ =	swait.ge [sflag:s29], $0x1  }
0xc9: {  	[sflag:s29] =	ssyncadd.s32 $0xFFFFFFFF  }
0xca: {  	_ =	strace $0x9000004E  }
0xcb: {  	_ =	sfence  }
0xcc: {  	s30 =	sld [smem:$0x0];
	_ =	sdelay $0x2  }
0xcd: {  	s31 =	sshll.u32 s1, $0xD;
	s1 =	sshrl.u32 s1, $0x2  }
0xce: {  	s4 =	sand.u32 $0x4000, s31;
	s1 =	sadd.s32 s1, s30  }
0xcf: {  	s0 =	sor.u32 s4, s0;
	s1 =	sshll.u32 s1, $0x11  }
0xd0: {  	s0 =	sor.u32 s1, s0  }
0xd1: {  	s0 =	sadd.s32 $0x8F2B, s0  }
0xd2: {  	[sflag:s0] =	ssyncadd.remote.s32 $0x1  }
0xd3: {  	_ =	sfence.sel $0xFFFF  }
0xd4: {  	[dreg:$0x0] =	wrdreg $0xFFFFFFFF;
	(pc) =	sbr.abs _section_cstart, $3  }
0xd5: {  	[dreg:$0x1] =	wrdreg $0xFFFFFFFF  }
0xd6: {  	_ =	task.clear_ibuf [dreg:s22], $0x2FFFF;
	_ =	strace $0x9FFFFFFF  }
0xd7: {  	(tm) =	ssettm $0x7FFFFFFF  }
tec
execute0_lowered:
.L_overlay_start_1:
0x0: {  	(tag) =	ssettag $0x1  }
0x1: {  	s0 =	rddreg [dreg:$0x0];
	s1 =	srdreg.scid  }
0x2: {  	s11 =	stileid.u32;
	s4 =	rddreg [dreg:$0x1];
	s2 =	simm.s32 $0x0  }
0x3: {  	s28 =	simm.s32 $0x80;
	s29 =	simm.s32 $0x8100;
	s30 =	simm.s32 $0x8900  }
0x4: {  	s31 =	simm.s32 $0x9100;
	s12 =	simm.s32 $0xC900;
	s13 =	simm.s32 $0xD100  }
0x5: {  	s14 =	simm.s32 $0xD900;
	s15 =	simm.s32 $0xE100;
	s6 =	smul.u32 $0xA0000, s11  }
0x6: {  	s16 =	simm.s32 $0xE900;
	s17 =	simm.s32 $0xF100;
	s10 =	smul.u32 $0xA00, s11  }
0x7: {  	s18 =	simm.s32 $0xF900;
	s1 =	sand.u32 $0x1, s1;
	s23 =	smul.u32 $0x14000, s11  }
0x8: {  	s3 =	sshll.u32 s11, $0x1;
	[smem:$0x7FF] =	sst s2;
	s8 =	smul.u32 $0x50000, s1  }
0x9: {  	s11 =	simm.s32 $0x100;
	s3 =	sor.u32 s1, s3;
	s19 =	smul.u32 $0x500, s1  }
0xa: {  	_ =	strace $0x8000004D;
	s7 =	ssub.s32 $0x2, s1;
	s1 =	smul.u32 $0xA000, s1  }
0xb: {  	s5 =	smul.u32 $0x500, s3;
	s3 =	sadd.s32 $0xCFC00, s0;
	s9 =	sshrl.u32 s7, $0x1  }
0xc: {  	s0 =	sadd.s32 $0x25DE00, s0;
	s7 =	ssub.s32 s7, s9;
	s21 =	sadd.s32 s8, s6  }
0xd: {  	s22 =	sadd.s32 s19, s10;
	s10 =	simm.s32 $0x3;
	s9 =	simm.s32 $0xC100  }
0xe: {  	s19 =	simm.s32 $0x1;
	s5 =	sshrl.u32 s5, $0x3;
	s20 =	smax.u32 s7, $0x1  }
0xf: {  	s24 =	sadd.s32 $0xA100, s22;
	s7 =	sadd.s32 $0xA080, s22;
	s22 =	simm.s32 $0x0  }
0x10: {  	s5 =	sadd.s32 s4, s5;
	[dreg:$0x4] =	wrdreg s20;
	s25 =	sshrl.u32 s7, $0x3  }
0x11: {  	s7 =	simm.s32 $0xB900;
	s20 =	simm.s32 $0x2;
	s5 =	sadd.s32 $0x1400, s5  }
0x12: {  	s26 =	sadd.s32 s25, s4;
	s25 =	simm.s32 $0x7100;
	[dreg:$0x3] =	wrdreg s5  }
.Ltmp0:
0x13: {  	s5 =	sshrl.u32 s21, $0x3;
	[dreg:$0x6] =	wrdreg s26;
	(pc) =	sbr.rel .LBB2_1-.Ltmp0, $4  }
0x14: {  	s6 =	sadd.s32 s5, s0;
	s5 =	sshrl.u32 s24, $0x3;
	s0 =	sadd.s32 s23, s0  }
0x15: {  	v2 =	vlaneseq.u32;
	s26 =	simm.s32 $0x7900;
	s5 =	sadd.s32 s5, s4;
	s0 =	sadd.s32 s1, s0  }
0x16: {  	vm0 =	vmmov $0xffff;
	v1 =	vshrl.u32 v2, $0x3;
	s1 =	simm.s32 $0x9900;
	s4 =	simm.s32 $0xA900;
	[dreg:$0x5] =	wrdreg s5  }
0x17: {  	v0 =	vand.u32 $0x7, v2;
	v2 =	vor.u32 $0x8, v2;
	v1 =	vmul.u32 $0x8, v1;
	s8 =	sadd.s32 $0x1000, s0;
	s0 =	simm.s32 $0xA100;
	s5 =	simm.s32 $0xB100  }
.LBB2_5:
0x18: {  	s22 =	rddreg [dreg:$0x7]  }
0x19: {  	s21 =	rddreg [dreg:$0x4];
	s22 =	sadd.s32 $0x1, s22  }
0x1a: {  	p0 =	sne.s32 s22, s21  }
.Ltmp1:
0x1b: {  	_ = 	snop;
	(pc) =	sbr.rel @!p0 .LBB2_6-.Ltmp1, $1  }
0x1c: {  	_ =	sdelay $0x3  }
.LBB2_1:
0x1d: {  	[dreg:$0x7] =	wrdreg s22  }
0x1e: {  	s21 =	rddreg [dreg:$0x3]  }
0x1f: {  	[tilespmem:s2], [sflag:$0x3] =	stream.linear.gather [hbm4b:s21+s2], $0x80, $0x38;
	[tilespmem:$0x10100] =	vst v63  }
0x20: {  	_ =	swait.ge [sflag:s10], $0x80  }
0x21: {  	[sflag:s10] =	ssyncset.done $0x0  }
0x22: {  	[sflag:s10] =	ssyncadd.s32 $0xFFFFFF80  }
0x23: {  	v3 =	vld [tilespmem:$0x0];
	_ =	sdelay $0x4  }
0x24: {  	v4 =	vshll.u32 v3, $0x1  }
0x25: {  	v3 =	vand.u32 $0x7, v3;
	v4 =	vand.u32 $0xFFFFFFF0, v4  }
0x26: {  	v3 =	vor.u32 v3, v4  }
0x27: {  	v4 =	vperm.xlane v3, v0;
	_ =	sdelay $0x1  }
0x28: {  	v3 =	vperm.xlane v3, v2;
	v4 =	vadd.s32 v1, v4;
	_ =	sdelay $0x1  }
0x29: {  	v3 =	vadd.s32 v1, v3;
	_ =	sdelay $0x2  }
0x2a: {  	[tilespmem:s11], [sflag:$0x1] =	stream.indirect_vreg.gather [hbm4b:s3+s2], $0x80, v4, vm0, $0xb8;
	[tilespmem:$0x10100] =	vst v63  }
0x2b: {  	s24 =	simm.s32 $0x900  }
0x2c: {  	[tilespmem:s24], [sflag:$0x1] =	stream.indirect_vreg.gather [hbm4b:s3+s2], $0x80, v3, vm0, $0xb8;
	[tilespmem:$0x10100] =	vst v63  }
0x2d: {  	v3 =	vld [tilespmem:$0x10];
	_ =	sdelay $0x4  }
0x2e: {  	v57 =	vshll.u32 v3, $0x1  }
0x2f: {  	v3 =	vand.u32 $0x7, v3;
	v4 =	vand.u32 $0xFFFFFFF0, v57  }
0x30: {  	v3 =	vor.u32 v3, v4  }
0x31: {  	v4 =	vperm.xlane v3, v0;
	_ =	sdelay $0x1  }
0x32: {  	v3 =	vperm.xlane v3, v2;
	v4 =	vadd.s32 v1, v4;
	_ =	sdelay $0x1  }
0x33: {  	v3 =	vadd.s32 v1, v3;
	_ =	sdelay $0x1  }
0x34: {  	s22 =	simm.s32 $0x1100  }
0x35: {  	[tilespmem:s22], [sflag:$0x1] =	stream.indirect_vreg.gather [hbm4b:s3+s2], $0x80, v4, vm0, $0xb8;
	[tilespmem:$0x10100] =	vst v63  }
0x36: {  	s23 =	simm.s32 $0x1900  }
0x37: {  	[tilespmem:s23], [sflag:$0x1] =	stream.indirect_vreg.gather [hbm4b:s3+s2], $0x80, v3, vm0, $0xb8;
	[tilespmem:$0x10100] =	vst v63  }
0x38: {  	v3 =	vld [tilespmem:$0x20];
	_ =	sdelay $0x4  }
0x39: {  	v58 =	vshll.u32 v3, $0x1  }
0x3a: {  	v3 =	vand.u32 $0x7, v3;
	v4 =	vand.u32 $0xFFFFFFF0, v58  }
0x3b: {  	v3 =	vor.u32 v3, v4  }
0x3c: {  	v4 =	vperm.xlane v3, v0;
	_ =	sdelay $0x1  }
0x3d: {  	v3 =	vperm.xlane v3, v2;
	v4 =	vadd.s32 v1, v4;
	_ =	sdelay $0x1  }
0x3e: {  	v3 =	vadd.s32 v1, v3;
	_ =	sdelay $0x1  }
0x3f: {  	s24 =	simm.s32 $0x2100  }
0x40: {  	[tilespmem:s24], [sflag:$0x1] =	stream.indirect_vreg.gather [hbm4b:s3+s2], $0x80, v4, vm0, $0xb8;
	[tilespmem:$0x10100] =	vst v63  }
0x41: {  	s22 =	simm.s32 $0x2900  }
0x42: {  	[tilespmem:s22], [sflag:$0x1] =	stream.indirect_vreg.gather [hbm4b:s3+s2], $0x80, v3, vm0, $0xb8;
	[tilespmem:$0x10100] =	vst v63  }
0x43: {  	v3 =	vld [tilespmem:$0x30];
	_ =	sdelay $0x4  }
0x44: {  	v59 =	vshll.u32 v3, $0x1  }
0x45: {  	v3 =	vand.u32 $0x7, v3;
	v4 =	vand.u32 $0xFFFFFFF0, v59  }
0x46: {  	v3 =	vor.u32 v3, v4  }
0x47: {  	v4 =	vperm.xlane v3, v0;
	_ =	sdelay $0x1  }
0x48: {  	v3 =	vperm.xlane v3, v2;
	v4 =	vadd.s32 v1, v4;
	_ =	sdelay $0x1  }
0x49: {  	v3 =	vadd.s32 v1, v3;
	_ =	sdelay $0x1  }
0x4a: {  	s23 =	simm.s32 $0x3100  }
0x4b: {  	[tilespmem:s23], [sflag:$0x1] =	stream.indirect_vreg.gather [hbm4b:s3+s2], $0x80, v4, vm0, $0xb8;
	[tilespmem:$0x10100] =	vst v63  }
0x4c: {  	s24 =	simm.s32 $0x3900  }
0x4d: {  	[tilespmem:s24], [sflag:$0x1] =	stream.indirect_vreg.gather [hbm4b:s3+s2], $0x80, v3, vm0, $0xb8;
	[tilespmem:$0x10100] =	vst v63  }
0x4e: {  	v3 =	vld [tilespmem:$0x40];
	_ =	sdelay $0x4  }
0x4f: {  	v60 =	vshll.u32 v3, $0x1  }
0x50: {  	v3 =	vand.u32 $0x7, v3;
	v4 =	vand.u32 $0xFFFFFFF0, v60  }
0x51: {  	v3 =	vor.u32 v3, v4  }
0x52: {  	v4 =	vperm.xlane v3, v0;
	_ =	sdelay $0x1  }
0x53: {  	v3 =	vperm.xlane v3, v2;
	v4 =	vadd.s32 v1, v4;
	_ =	sdelay $0x1  }
0x54: {  	v3 =	vadd.s32 v1, v3;
	_ =	sdelay $0x1  }
0x55: {  	s22 =	simm.s32 $0x4100  }
0x56: {  	[tilespmem:s22], [sflag:$0x1] =	stream.indirect_vreg.gather [hbm4b:s3+s2], $0x80, v4, vm0, $0xb8;
	[tilespmem:$0x10100] =	vst v63  }
0x57: {  	s23 =	simm.s32 $0x4900  }
0x58: {  	[tilespmem:s23], [sflag:$0x1] =	stream.indirect_vreg.gather [hbm4b:s3+s2], $0x80, v3, vm0, $0xb8;
	[tilespmem:$0x10100] =	vst v63  }
0x59: {  	v3 =	vld [tilespmem:$0x50];
	_ =	sdelay $0x4  }
0x5a: {  	v61 =	vshll.u32 v3, $0x1  }
0x5b: {  	v3 =	vand.u32 $0x7, v3;
	v4 =	vand.u32 $0xFFFFFFF0, v61  }
0x5c: {  	v3 =	vor.u32 v3, v4  }
0x5d: {  	v4 =	vperm.xlane v3, v0;
	_ =	sdelay $0x1  }
0x5e: {  	v3 =	vperm.xlane v3, v2;
	v4 =	vadd.s32 v1, v4;
	_ =	sdelay $0x1  }
0x5f: {  	v3 =	vadd.s32 v1, v3;
	_ =	sdelay $0x1  }
0x60: {  	s24 =	simm.s32 $0x5100  }
0x61: {  	[tilespmem:s24], [sflag:$0x1] =	stream.indirect_vreg.gather [hbm4b:s3+s2], $0x80, v4, vm0, $0xb8;
	[tilespmem:$0x10100] =	vst v63  }
0x62: {  	s22 =	simm.s32 $0x5900  }
0x63: {  	[tilespmem:s22], [sflag:$0x1] =	stream.indirect_vreg.gather [hbm4b:s3+s2], $0x80, v3, vm0, $0xb8;
	[tilespmem:$0x10100] =	vst v63  }
0x64: {  	v3 =	vld [tilespmem:$0x60];
	_ =	sdelay $0x4  }
0x65: {  	v62 =	vshll.u32 v3, $0x1  }
0x66: {  	v3 =	vand.u32 $0x7, v3;
	v4 =	vand.u32 $0xFFFFFFF0, v62  }
0x67: {  	v3 =	vor.u32 v3, v4  }
0x68: {  	v4 =	vperm.xlane v3, v0;
	_ =	sdelay $0x1  }
0x69: {  	v3 =	vperm.xlane v3, v2;
	v4 =	vadd.s32 v1, v4;
	_ =	sdelay $0x1  }
0x6a: {  	v3 =	vadd.s32 v1, v3;
	_ =	sdelay $0x1  }
0x6b: {  	s23 =	simm.s32 $0x6100  }
0x6c: {  	[tilespmem:s23], [sflag:$0x1] =	stream.indirect_vreg.gather [hbm4b:s3+s2], $0x80, v4, vm0, $0xb8;
	[tilespmem:$0x10100] =	vst v63  }
0x6d: {  	s24 =	simm.s32 $0x6900  }
0x6e: {  	[tilespmem:s24], [sflag:$0x1] =	stream.indirect_vreg.gather [hbm4b:s3+s2], $0x80, v3, vm0, $0xb8;
	[tilespmem:$0x10100] =	vst v63  }
0x6f: {  	v3 =	vld [tilespmem:$0x70];
	_ =	sdelay $0x4  }
0x70: {  	v63 =	vshll.u32 v3, $0x1  }
0x71: {  	v3 =	vand.u32 $0x7, v3;
	v4 =	vand.u32 $0xFFFFFFF0, v63  }
0x72: {  	v3 =	vor.u32 v3, v4  }
0x73: {  	v4 =	vperm.xlane v3, v0;
	_ =	sdelay $0x1  }
0x74: {  	v3 =	vperm.xlane v3, v2;
	v4 =	vadd.s32 v1, v4;
	_ =	sdelay $0x1  }
0x75: {  	v3 =	vadd.s32 v1, v3  }
.Ltmp2:
0x76: {  	_ = 	snop;
	(pc) =	sbr.rel .LBB2_2-.Ltmp2, $4  }
0x77: {  	s21 =	rddreg [dreg:$0x6]  }
0x78: {  	[tilespmem:s25], [sflag:$0x1] =	stream.indirect_vreg.gather [hbm4b:s3+s2], $0x80, v4, vm0, $0xb8;
	[tilespmem:$0x10100] =	vst v63  }
0x79: {  	s22 =	rddreg [dreg:$0x5];
	s23 =	simm.s32 $0x0  }
0x7a: {  	[tilespmem:s26], [sflag:$0x1] =	stream.indirect_vreg.gather [hbm4b:s3+s2], $0x80, v3, vm0, $0xb8;
	[tilespmem:$0x10100] =	vst v63  }
.LBB2_4:
0x7b: {  	_ =	swait.ge [sflag:s20], $0x8000;
	s24 =	sadd.s32 s23, s8;
	s23 =	sadd.s32 $0x2000, s23  }
0x7c: {  	[sflag:s20] =	ssyncset.done $0x0;
	p0 =	sne.s32 s23, $0xA000  }
.Ltmp3:
0x7d: {  	[sflag:s20] =	ssyncadd.s32 $0xFFFF8000;
	(pc) =	sbr.rel @!p0 .LBB2_5-.Ltmp3, $4  }
0x7e: {  	[hbm4b:s24+s2] =	stream.linear.scatter [tilespmem:s29], [sflag:$0x3], $0x8000, $0x38;
	[tilespmem:$0x10100] =	vst v63  }
0x7f: {  	_ =	swait.ge [sflag:s10], $0x8000  }
0x80: {  	[sflag:s10] =	ssyncset.done $0x0  }
0x81: {  	s22 =	sadd.s32 $0x20, s22;
	s21 =	sadd.s32 $0x20, s21;
	[sflag:s10] =	ssyncadd.s32 $0xFFFF8000  }
.LBB2_2:
0x82: {  	[tilespmem:s28], [sflag:$0x3] =	stream.linear.gather [hbm4b:s21+s2], $0x80, $0x38;
	[tilespmem:$0x10100] =	vst v63  }
0x83: {  	_ =	swait.ge [sflag:s10], $0x80  }
0x84: {  	[sflag:s10] =	ssyncset.done $0x0  }
0x85: {  	[sflag:s10] =	ssyncadd.s32 $0xFFFFFF80  }
0x86: {  	v3 =	vld [tilespmem:$0x80];
	_ =	sdelay $0x4  }
0x87: {  	v4 =	vshll.u32 v3, $0x1  }
0x88: {  	v3 =	vand.u32 $0x7, v3;
	v4 =	vand.u32 $0xFFFFFFF0, v4  }
0x89: {  	v3 =	vor.u32 v3, v4  }
0x8a: {  	v4 =	vperm.xlane v3, v0;
	_ =	sdelay $0x1  }
0x8b: {  	v3 =	vperm.xlane v3, v2;
	v4 =	vadd.s32 v1, v4;
	_ =	sdelay $0x1  }
0x8c: {  	v3 =	vadd.s32 v1, v3;
	_ =	sdelay $0x2  }
0x8d: {  	[tilespmem:s29], [sflag:$0x2] =	stream.indirect_vreg.gather [hbm4b:s3+s2], $0x80, v4, vm0, $0xb8;
	[tilespmem:$0x10100] =	vst v63  }
0x8e: {  	_ = 	snop  }
0x8f: {  	[tilespmem:s30], [sflag:$0x2] =	stream.indirect_vreg.gather [hbm4b:s3+s2], $0x80, v3, vm0, $0xb8;
	[tilespmem:$0x10100] =	vst v63  }
0x90: {  	v3 =	vld [tilespmem:$0x90];
	_ =	sdelay $0x4  }
0x91: {  	v57 =	vshll.u32 v3, $0x1  }
0x92: {  	v3 =	vand.u32 $0x7, v3;
	v4 =	vand.u32 $0xFFFFFFF0, v57  }
0x93: {  	v3 =	vor.u32 v3, v4  }
0x94: {  	v4 =	vperm.xlane v3, v0;
	_ =	sdelay $0x1  }
0x95: {  	v3 =	vperm.xlane v3, v2;
	v4 =	vadd.s32 v1, v4;
	_ =	sdelay $0x1  }
0x96: {  	v3 =	vadd.s32 v1, v3;
	_ =	sdelay $0x2  }
0x97: {  	[tilespmem:s31], [sflag:$0x2] =	stream.indirect_vreg.gather [hbm4b:s3+s2], $0x80, v4, vm0, $0xb8;
	[tilespmem:$0x10100] =	vst v63  }
0x98: {  	_ = 	snop  }
0x99: {  	[tilespmem:s1], [sflag:$0x2] =	stream.indirect_vreg.gather [hbm4b:s3+s2], $0x80, v3, vm0, $0xb8;
	[tilespmem:$0x10100] =	vst v63  }
0x9a: {  	v3 =	vld [tilespmem:$0xA0];
	_ =	sdelay $0x4  }
0x9b: {  	v58 =	vshll.u32 v3, $0x1  }
0x9c: {  	v3 =	vand.u32 $0x7, v3;
	v4 =	vand.u32 $0xFFFFFFF0, v58  }
0x9d: {  	v3 =	vor.u32 v3, v4  }
0x9e: {  	v4 =	vperm.xlane v3, v0;
	_ =	sdelay $0x1  }
0x9f: {  	v3 =	vperm.xlane v3, v2;
	v4 =	vadd.s32 v1, v4;
	_ =	sdelay $0x1  }
0xa0: {  	v3 =	vadd.s32 v1, v3;
	_ =	sdelay $0x2  }
0xa1: {  	[tilespmem:s0], [sflag:$0x2] =	stream.indirect_vreg.gather [hbm4b:s3+s2], $0x80, v4, vm0, $0xb8;
	[tilespmem:$0x10100] =	vst v63  }
0xa2: {  	_ = 	snop  }
0xa3: {  	[tilespmem:s4], [sflag:$0x2] =	stream.indirect_vreg.gather [hbm4b:s3+s2], $0x80, v3, vm0, $0xb8;
	[tilespmem:$0x10100] =	vst v63  }
0xa4: {  	v3 =	vld [tilespmem:$0xB0];
	_ =	sdelay $0x4  }
0xa5: {  	v59 =	vshll.u32 v3, $0x1  }
0xa6: {  	v3 =	vand.u32 $0x7, v3;
	v4 =	vand.u32 $0xFFFFFFF0, v59  }
0xa7: {  	v3 =	vor.u32 v3, v4  }
0xa8: {  	v4 =	vperm.xlane v3, v0;
	_ =	sdelay $0x1  }
0xa9: {  	v3 =	vperm.xlane v3, v2;
	v4 =	vadd.s32 v1, v4;
	_ =	sdelay $0x1  }
0xaa: {  	v3 =	vadd.s32 v1, v3;
	_ =	sdelay $0x2  }
0xab: {  	[tilespmem:s5], [sflag:$0x2] =	stream.indirect_vreg.gather [hbm4b:s3+s2], $0x80, v4, vm0, $0xb8;
	[tilespmem:$0x10100] =	vst v63  }
0xac: {  	_ = 	snop  }
0xad: {  	[tilespmem:s7], [sflag:$0x2] =	stream.indirect_vreg.gather [hbm4b:s3+s2], $0x80, v3, vm0, $0xb8;
	[tilespmem:$0x10100] =	vst v63  }
0xae: {  	v3 =	vld [tilespmem:$0xC0];
	_ =	sdelay $0x4  }
0xaf: {  	v60 =	vshll.u32 v3, $0x1  }
0xb0: {  	v3 =	vand.u32 $0x7, v3;
	v4 =	vand.u32 $0xFFFFFFF0, v60  }
0xb1: {  	v3 =	vor.u32 v3, v4  }
0xb2: {  	v4 =	vperm.xlane v3, v0;
	_ =	sdelay $0x1  }
0xb3: {  	v3 =	vperm.xlane v3, v2;
	v4 =	vadd.s32 v1, v4;
	_ =	sdelay $0x1  }
0xb4: {  	v3 =	vadd.s32 v1, v3;
	_ =	sdelay $0x2  }
0xb5: {  	[tilespmem:s9], [sflag:$0x2] =	stream.indirect_vreg.gather [hbm4b:s3+s2], $0x80, v4, vm0, $0xb8;
	[tilespmem:$0x10100] =	vst v63  }
0xb6: {  	_ = 	snop  }
0xb7: {  	[tilespmem:s12], [sflag:$0x2] =	stream.indirect_vreg.gather [hbm4b:s3+s2], $0x80, v3, vm0, $0xb8;
	[tilespmem:$0x10100] =	vst v63  }
0xb8: {  	v3 =	vld [tilespmem:$0xD0];
	_ =	sdelay $0x4  }
0xb9: {  	v61 =	vshll.u32 v3, $0x1  }
0xba: {  	v3 =	vand.u32 $0x7, v3;
	v4 =	vand.u32 $0xFFFFFFF0, v61  }
0xbb: {  	v3 =	vor.u32 v3, v4  }
0xbc: {  	v4 =	vperm.xlane v3, v0;
	_ =	sdelay $0x1  }
0xbd: {  	v3 =	vperm.xlane v3, v2;
	v4 =	vadd.s32 v1, v4;
	_ =	sdelay $0x1  }
0xbe: {  	v3 =	vadd.s32 v1, v3;
	_ =	sdelay $0x2  }
0xbf: {  	[tilespmem:s13], [sflag:$0x2] =	stream.indirect_vreg.gather [hbm4b:s3+s2], $0x80, v4, vm0, $0xb8;
	[tilespmem:$0x10100] =	vst v63  }
0xc0: {  	_ = 	snop  }
0xc1: {  	[tilespmem:s14], [sflag:$0x2] =	stream.indirect_vreg.gather [hbm4b:s3+s2], $0x80, v3, vm0, $0xb8;
	[tilespmem:$0x10100] =	vst v63  }
0xc2: {  	v3 =	vld [tilespmem:$0xE0];
	_ =	sdelay $0x4  }
0xc3: {  	v62 =	vshll.u32 v3, $0x1  }
0xc4: {  	v3 =	vand.u32 $0x7, v3;
	v4 =	vand.u32 $0xFFFFFFF0, v62  }
0xc5: {  	v3 =	vor.u32 v3, v4  }
0xc6: {  	v4 =	vperm.xlane v3, v0;
	_ =	sdelay $0x1  }
0xc7: {  	v3 =	vperm.xlane v3, v2;
	v4 =	vadd.s32 v1, v4;
	_ =	sdelay $0x1  }
0xc8: {  	v3 =	vadd.s32 v1, v3;
	_ =	sdelay $0x2  }
0xc9: {  	[tilespmem:s15], [sflag:$0x2] =	stream.indirect_vreg.gather [hbm4b:s3+s2], $0x80, v4, vm0, $0xb8;
	[tilespmem:$0x10100] =	vst v63  }
0xca: {  	_ = 	snop  }
0xcb: {  	[tilespmem:s16], [sflag:$0x2] =	stream.indirect_vreg.gather [hbm4b:s3+s2], $0x80, v3, vm0, $0xb8;
	[tilespmem:$0x10100] =	vst v63  }
0xcc: {  	v3 =	vld [tilespmem:$0xF0];
	_ =	sdelay $0x4  }
0xcd: {  	v63 =	vshll.u32 v3, $0x1  }
0xce: {  	v3 =	vand.u32 $0x7, v3;
	v4 =	vand.u32 $0xFFFFFFF0, v63  }
0xcf: {  	v3 =	vor.u32 v3, v4  }
0xd0: {  	v4 =	vperm.xlane v3, v0;
	_ =	sdelay $0x1  }
0xd1: {  	v3 =	vperm.xlane v3, v2;
	v4 =	vadd.s32 v1, v4;
	_ =	sdelay $0x1  }
0xd2: {  	v3 =	vadd.s32 v1, v3;
	_ =	sdelay $0x2  }
0xd3: {  	[tilespmem:s17], [sflag:$0x2] =	stream.indirect_vreg.gather [hbm4b:s3+s2], $0x80, v4, vm0, $0xb8;
	[tilespmem:$0x10100] =	vst v63  }
0xd4: {  	_ = 	snop  }
0xd5: {  	[tilespmem:s18], [sflag:$0x2] =	stream.indirect_vreg.gather [hbm4b:s3+s2], $0x80, v3, vm0, $0xb8;
	[tilespmem:$0x10100] =	vst v63  }
0xd6: {  	_ =	swait.ge [sflag:s19], $0x8000  }
0xd7: {  	p0 =	seq.s32 s23, $0x8000;
	[sflag:s19] =	ssyncset.done $0x0  }
.Ltmp4:
0xd8: {  	s24 =	sadd.s32 s23, s6;
	[sflag:s19] =	ssyncadd.s32 $0xFFFF8000;
	(pc) =	sbr.rel @p0 .LBB2_4-.Ltmp4, $4  }
0xd9: {  	[hbm4b:s24+s2] =	stream.linear.scatter [tilespmem:s11], [sflag:$0x3], $0x8000, $0x38;
	[tilespmem:$0x10100] =	vst v63  }
0xda: {  	_ =	swait.ge [sflag:s10], $0x8000  }
0xdb: {  	[sflag:s10] =	ssyncset.done $0x0  }
0xdc: {  	[sflag:s10] =	ssyncadd.s32 $0xFFFF8000  }
0xdd: {  	[tilespmem:s2], [sflag:$0x3] =	stream.linear.gather [hbm4b:s22+s2], $0x80, $0x38;
	[tilespmem:$0x10100] =	vst v63  }
0xde: {  	_ =	swait.ge [sflag:s10], $0x80  }
0xdf: {  	[sflag:s10] =	ssyncset.done $0x0  }
0xe0: {  	[sflag:s10] =	ssyncadd.s32 $0xFFFFFF80  }
0xe1: {  	v3 =	vld [tilespmem:$0x0];
	_ =	sdelay $0x4  }
0xe2: {  	v4 =	vshll.u32 v3, $0x1  }
0xe3: {  	v3 =	vand.u32 $0x7, v3;
	v4 =	vand.u32 $0xFFFFFFF0, v4  }
0xe4: {  	v3 =	vor.u32 v3, v4  }
0xe5: {  	v4 =	vperm.xlane v3, v0;
	_ =	sdelay $0x1  }
0xe6: {  	v3 =	vperm.xlane v3, v2;
	v4 =	vadd.s32 v1, v4;
	_ =	sdelay $0x1  }
0xe7: {  	v3 =	vadd.s32 v1, v3;
	_ =	sdelay $0x2  }
0xe8: {  	[tilespmem:s11], [sflag:$0x1] =	stream.indirect_vreg.gather [hbm4b:s3+s2], $0x80, v4, vm0, $0xb8;
	[tilespmem:$0x10100] =	vst v63  }
0xe9: {  	s24 =	simm.s32 $0x900  }
0xea: {  	[tilespmem:s24], [sflag:$0x1] =	stream.indirect_vreg.gather [hbm4b:s3+s2], $0x80, v3, vm0, $0xb8;
	[tilespmem:$0x10100] =	vst v63  }
0xeb: {  	v3 =	vld [tilespmem:$0x10];
	_ =	sdelay $0x4  }
0xec: {  	v57 =	vshll.u32 v3, $0x1  }
0xed: {  	v3 =	vand.u32 $0x7, v3;
	v4 =	vand.u32 $0xFFFFFFF0, v57  }
0xee: {  	v3 =	vor.u32 v3, v4  }
0xef: {  	v4 =	vperm.xlane v3, v0;
	_ =	sdelay $0x1  }
0xf0: {  	v3 =	vperm.xlane v3, v2;
	v4 =	vadd.s32 v1, v4;
	_ =	sdelay $0x1  }
0xf1: {  	v3 =	vadd.s32 v1, v3;
	_ =	sdelay $0x1  }
0xf2: {  	s24 =	simm.s32 $0x1100  }
0xf3: {  	[tilespmem:s24], [sflag:$0x1] =	stream.indirect_vreg.gather [hbm4b:s3+s2], $0x80, v4, vm0, $0xb8;
	[tilespmem:$0x10100] =	vst v63  }
0xf4: {  	s24 =	simm.s32 $0x1900  }
0xf5: {  	[tilespmem:s24], [sflag:$0x1] =	stream.indirect_vreg.gather [hbm4b:s3+s2], $0x80, v3, vm0, $0xb8;
	[tilespmem:$0x10100] =	vst v63  }
0xf6: {  	v3 =	vld [tilespmem:$0x20];
	_ =	sdelay $0x4  }
0xf7: {  	v58 =	vshll.u32 v3, $0x1  }
0xf8: {  	v3 =	vand.u32 $0x7, v3;
	v4 =	vand.u32 $0xFFFFFFF0, v58  }
0xf9: {  	v3 =	vor.u32 v3, v4  }
0xfa: {  	v4 =	vperm.xlane v3, v0;
	_ =	sdelay $0x1  }
0xfb: {  	v3 =	vperm.xlane v3, v2;
	v4 =	vadd.s32 v1, v4;
	_ =	sdelay $0x1  }
0xfc: {  	v3 =	vadd.s32 v1, v3;
	_ =	sdelay $0x1  }
0xfd: {  	s24 =	simm.s32 $0x2100  }
0xfe: {  	[tilespmem:s24], [sflag:$0x1] =	stream.indirect_vreg.gather [hbm4b:s3+s2], $0x80, v4, vm0, $0xb8;
	[tilespmem:$0x10100] =	vst v63  }
0xff: {  	s24 =	simm.s32 $0x2900  }
0x100: {  	[tilespmem:s24], [sflag:$0x1] =	stream.indirect_vreg.gather [hbm4b:s3+s2], $0x80, v3, vm0, $0xb8;
	[tilespmem:$0x10100] =	vst v63  }
0x101: {  	v3 =	vld [tilespmem:$0x30];
	_ =	sdelay $0x4  }
0x102: {  	v59 =	vshll.u32 v3, $0x1  }
0x103: {  	v3 =	vand.u32 $0x7, v3;
	v4 =	vand.u32 $0xFFFFFFF0, v59  }
0x104: {  	v3 =	vor.u32 v3, v4  }
0x105: {  	v4 =	vperm.xlane v3, v0;
	_ =	sdelay $0x1  }
0x106: {  	v3 =	vperm.xlane v3, v2;
	v4 =	vadd.s32 v1, v4;
	_ =	sdelay $0x1  }
0x107: {  	v3 =	vadd.s32 v1, v3;
	_ =	sdelay $0x1  }
0x108: {  	s24 =	simm.s32 $0x3100  }
0x109: {  	[tilespmem:s24], [sflag:$0x1] =	stream.indirect_vreg.gather [hbm4b:s3+s2], $0x80, v4, vm0, $0xb8;
	[tilespmem:$0x10100] =	vst v63  }
0x10a: {  	s24 =	simm.s32 $0x3900  }
0x10b: {  	[tilespmem:s24], [sflag:$0x1] =	stream.indirect_vreg.gather [hbm4b:s3+s2], $0x80, v3, vm0, $0xb8;
	[tilespmem:$0x10100] =	vst v63  }
0x10c: {  	v3 =	vld [tilespmem:$0x40];
	_ =	sdelay $0x4  }
0x10d: {  	v60 =	vshll.u32 v3, $0x1  }
0x10e: {  	v3 =	vand.u32 $0x7, v3;
	v4 =	vand.u32 $0xFFFFFFF0, v60  }
0x10f: {  	v3 =	vor.u32 v3, v4  }
0x110: {  	v4 =	vperm.xlane v3, v0;
	_ =	sdelay $0x1  }
0x111: {  	v3 =	vperm.xlane v3, v2;
	v4 =	vadd.s32 v1, v4;
	_ =	sdelay $0x1  }
0x112: {  	v3 =	vadd.s32 v1, v3;
	_ =	sdelay $0x1  }
0x113: {  	s24 =	simm.s32 $0x4100  }
0x114: {  	[tilespmem:s24], [sflag:$0x1] =	stream.indirect_vreg.gather [hbm4b:s3+s2], $0x80, v4, vm0, $0xb8;
	[tilespmem:$0x10100] =	vst v63  }
0x115: {  	s24 =	simm.s32 $0x4900  }
0x116: {  	[tilespmem:s24], [sflag:$0x1] =	stream.indirect_vreg.gather [hbm4b:s3+s2], $0x80, v3, vm0, $0xb8;
	[tilespmem:$0x10100] =	vst v63  }
0x117: {  	v3 =	vld [tilespmem:$0x50];
	_ =	sdelay $0x4  }
0x118: {  	v61 =	vshll.u32 v3, $0x1  }
0x119: {  	v3 =	vand.u32 $0x7, v3;
	v4 =	vand.u32 $0xFFFFFFF0, v61  }
0x11a: {  	v3 =	vor.u32 v3, v4  }
0x11b: {  	v4 =	vperm.xlane v3, v0;
	_ =	sdelay $0x1  }
0x11c: {  	v3 =	vperm.xlane v3, v2;
	v4 =	vadd.s32 v1, v4;
	_ =	sdelay $0x1  }
0x11d: {  	v3 =	vadd.s32 v1, v3;
	_ =	sdelay $0x1  }
0x11e: {  	s24 =	simm.s32 $0x5100  }
0x11f: {  	[tilespmem:s24], [sflag:$0x1] =	stream.indirect_vreg.gather [hbm4b:s3+s2], $0x80, v4, vm0, $0xb8;
	[tilespmem:$0x10100] =	vst v63  }
0x120: {  	s24 =	simm.s32 $0x5900  }
0x121: {  	[tilespmem:s24], [sflag:$0x1] =	stream.indirect_vreg.gather [hbm4b:s3+s2], $0x80, v3, vm0, $0xb8;
	[tilespmem:$0x10100] =	vst v63  }
0x122: {  	v3 =	vld [tilespmem:$0x60];
	_ =	sdelay $0x4  }
0x123: {  	v62 =	vshll.u32 v3, $0x1  }
0x124: {  	v3 =	vand.u32 $0x7, v3;
	v4 =	vand.u32 $0xFFFFFFF0, v62  }
0x125: {  	v3 =	vor.u32 v3, v4  }
0x126: {  	v4 =	vperm.xlane v3, v0;
	_ =	sdelay $0x1  }
0x127: {  	v3 =	vperm.xlane v3, v2;
	v4 =	vadd.s32 v1, v4;
	_ =	sdelay $0x1  }
0x128: {  	v3 =	vadd.s32 v1, v3;
	_ =	sdelay $0x1  }
0x129: {  	s24 =	simm.s32 $0x6100  }
0x12a: {  	[tilespmem:s24], [sflag:$0x1] =	stream.indirect_vreg.gather [hbm4b:s3+s2], $0x80, v4, vm0, $0xb8;
	[tilespmem:$0x10100] =	vst v63  }
0x12b: {  	s24 =	simm.s32 $0x6900  }
0x12c: {  	[tilespmem:s24], [sflag:$0x1] =	stream.indirect_vreg.gather [hbm4b:s3+s2], $0x80, v3, vm0, $0xb8;
	[tilespmem:$0x10100] =	vst v63  }
0x12d: {  	v3 =	vld [tilespmem:$0x70];
	_ =	sdelay $0x4  }
0x12e: {  	v63 =	vshll.u32 v3, $0x1  }
0x12f: {  	v3 =	vand.u32 $0x7, v3;
	v4 =	vand.u32 $0xFFFFFFF0, v63  }
0x130: {  	v3 =	vor.u32 v3, v4  }
0x131: {  	v4 =	vperm.xlane v3, v0;
	_ =	sdelay $0x1  }
0x132: {  	v3 =	vperm.xlane v3, v2;
	v4 =	vadd.s32 v1, v4;
	_ =	sdelay $0x1  }
0x133: {  	v3 =	vadd.s32 v1, v3  }
.Ltmp5:
0x134: {  	_ = 	snop;
	(pc) =	sbr.rel .LBB2_4-.Ltmp5, $4  }
0x135: {  	_ = 	snop  }
0x136: {  	[tilespmem:s25], [sflag:$0x1] =	stream.indirect_vreg.gather [hbm4b:s3+s2], $0x80, v4, vm0, $0xb8;
	[tilespmem:$0x10100] =	vst v63  }
0x137: {  	_ = 	snop  }
0x138: {  	[tilespmem:s26], [sflag:$0x1] =	stream.indirect_vreg.gather [hbm4b:s3+s2], $0x80, v3, vm0, $0xb8;
	[tilespmem:$0x10100] =	vst v63  }
.LBB2_6:
0x139: {  	_ =	sfence.sel $0x180000  }
0x13a: {  	[bflag:$0x0] =	sbarrier.arrive $0xFFFF  }
0x13b: {  	_ =	strace $0x9000004D  }
0x13c: {  	s0 =	stileid.u32;
	[bflag:$0x2] =	sbarrier.arrive $0xFFFF  }
0x13d: {  	p0 =	sne.s32 s0, $0x0;
	s0 =	rddreg [dreg:$0x2]  }
0x13e: {  	s0 =	sadd.s32 @!p0 $0x100000, s0  }
0x13f: {  	[sflag:s0] =	ssyncadd.tile.s32 @!p0 $0x1;
	_ =	shalt  }
.Lfunc_end2:
_tile_overlayer_lowered:
.L_overlay_start_2:
0x140: {  	(tag) =	ssettag $0x2  }
0x141: {  	s0 =	rddreg [dreg:$0x0];
	s2 =	stileid.u32  }
0x142: {  	s1 =	rddreg [dreg:$0x1];
	p0 =	sne.s32 s2, $0x0  }
0x143: {  	s3 =	rddreg [dreg:$0x2];
	[bflag:$0x3] =	sbarrier.arrive $0xFFFF;
	s2 =	simm.s32 @!p0 $0x1C03  }
0x144: {  	[timem:s3], [sflag:s2] =	dma.local @!p0 [hbm:s0], s1  }
0x145: {  	s0 =	simm.s32 @!p0 $0x3  }
0x146: {  	_ =	swait.ge @!p0 [sflag:s0], s1  }
0x147: {  	s1 =	ssub.s32 @!p0 $0x0, s1;
	[sflag:s0] =	ssyncset.done @!p0 $0x0  }
0x148: {  	[sflag:s0] =	ssyncadd.s32 @!p0 s1  }
0x149: {  	[bflag:$0x3] =	sbarrier.arrive $0xFFFF  }
0x14a: {  	_ =	shalt  }

// kernel: kernel.24.cloned.1.call-start
scs
__scs_entry_jumppad:
0x0: {  	(pc) =	sbr.rel $0x88, $3  }
0x1: {  	(tag) =	ssettag $0x0;
	lr =	simm.s32 $0x1  }
0x2: {  	[smem:$0x3F8D] =	sst lr;
	_ =	strace $0xD0000000  }
0x3: {  	_ = 	snop  }
0x4: {  	_ = 	snop  }
0x5: {  	_ = 	snop  }
0x6: {  	_ = 	snop  }
0x7: {  	_ = 	snop  }
__scs_overlays_trampoline_lowered:
0x8: {  	[smem:$0x3F9C] =	sst s0  }
0x9: {  	[smem:$0x3F9D] =	sst s1  }
0xa: {  	[smem:$0x3F9E] =	sst s2  }
0xb: {  	[smem:$0x3F9F] =	sst s3  }
0xc: {  	[smem:$0x3FA0] =	sst s4  }
0xd: {  	[smem:$0x3FA1] =	sst s5  }
0xe: {  	[smem:$0x3FA2] =	sst s6  }
0xf: {  	[smem:$0x3FA3] =	sst s7  }
0x10: {  	[smem:$0x3FA4] =	sst s8  }
0x11: {  	[smem:$0x3FA5] =	sst s9;
	s0 =	simm.s32 @!p0 $0x0  }
0x12: {  	s1 =	sld [smem:$0x3F8B];
	s0 =	simm.s32 @p0 $0x1  }
0x13: {  	[smem:$0x3FA6] =	sst s0;
	s0 =	simm.s32 @!p1 $0x0  }
0x14: {  	s2 =	sld [smem:$0x3F8A];
	s0 =	simm.s32 @p1 $0x1  }
0x15: {  	[smem:$0x3FA7] =	sst s0;
	s0 =	simm.s32 @!p2 $0x0  }
0x16: {  	s3 =	sld [smem:$0x3FDB];
	s0 =	simm.s32 @p2 $0x1  }
0x17: {  	s4 =	simm.s32 $0x1BF5;
	[smem:$0x3FA9] =	sst s0  }
0x18: {  	s0 =	sld [smem:$0x3F8C];
	_ =	swait.ge [sflag:s4], $0x0  }
0x19: {  	s7 =	sld [smem:$0x3F8D]  }
0x1a: {  	s8 =	sadd.s32 $0xFFFFE003, lr  }
0x1b: {  	s9 =	sadd.s32 $0xFFFFFEF7, lr;
	s5 =	simm.s32 $0xFFFFFFFF;
	p2 =	slt.u32 s8, $0xFFFFF086  }
0x1c: {  	p1 =	slt.u32 s9, $0xF7A;
	s5 =	simm.s32 @!p2 $0x0  }
0x1d: {  	s5 =	simm.s32 @p1 $0x1;
	p0 =	seq.s32 s7, s2  }
0x1e: {  	s7 =	smul.u32 @!p0 $0xF7A, s2;
	p2 =	seq.s32 @!p0 s5, $0x0  }
0x1f: {  	s9 =	smul.u32 $0xF7A, s1;
	s8 =	simm.s32 @!p0 $0x1BF5;
	p2 =	por !p2, p0  }
0x20: {  	[sflag:s8] =	ssyncset.s32 @!p0 $0xFFFFF086;
	s6 =	sadd.s32 @!p0 s3, s7;
	s7 =	simm.s32 @!p0 $0x108  }
0x21: {  	s3 =	sadd.s32 s3, s9;
	s6 =	sadd.s32 @!p0 $0x88, s6;
	s7 =	simm.s32 @p2 $0x1082  }
0x22: {  	[simem:s7], [sflag:s8] =	dma.local @!p0 [hbm:s6], $0xF7A  }
0x23: {  	s9 =	sor.u32 $0xD0000000, s2;
	s6 =	simm.s32 $0x108;
	_ =	swait.ge @!p0 [sflag:s8], $0x0  }
0x24: {  	s3 =	sadd.s32 $0x88, s3;
	s6 =	simm.s32 @!p1 $0x1082;
	[sflag:s4] =	ssyncset.s32 $0xFFFFF086  }
0x25: {  	[simem:s6], [sflag:s4] =	dma.local [hbm:s3], $0xF7A  }
0x26: {  	[smem:$0x3F8D] =	sst s1;
	(tag) =	ssettag s2;
	_ =	strace s9  }
0x27: {  	s1 =	sld [smem:$0x3F9D]  }
0x28: {  	s2 =	sld [smem:$0x3F9E]  }
0x29: {  	s4 =	sld [smem:$0x3FA0]  }
0x2a: {  	p0 =	seq.s32 s5, $0x0;
	s5 =	sld [smem:$0x3FA1]  }
0x2b: {  	s6 =	sld [smem:$0x3FA2]  }
0x2c: {  	s7 =	sld [smem:$0x3FA3]  }
0x2d: {  	s3 =	simm.s32 $0x108;
	s8 =	sld [smem:$0x3FA4]  }
0x2e: {  	s3 =	simm.s32 @!p0 $0x1082;
	s9 =	sld [smem:$0x3FA5]  }
0x2f: {  	lr =	sadd.s32 s0, s3;
	s0 =	sld [smem:$0x3F9C]  }
0x30: {  	s3 =	sld [smem:$0x3F9F]  }
0x31: {  	[smem:$0x3FA8] =	sst s10  }
0x32: {  	s10 =	sld [smem:$0x3FA6];
	_ =	sdelay $0x3  }
0x33: {  	p0 =	seq.s32 s10, $0x1;
	s10 =	sld [smem:$0x3FA8];
	_ =	sdelay $0x3  }
0x34: {  	[smem:$0x3FA8] =	sst s10  }
0x35: {  	s10 =	sld [smem:$0x3FA7];
	_ =	sdelay $0x3  }
0x36: {  	p1 =	seq.s32 s10, $0x1;
	s10 =	sld [smem:$0x3FA8];
	_ =	sdelay $0x3  }
0x37: {  	[smem:$0x3FA8] =	sst s10  }
0x38: {  	s10 =	sld [smem:$0x3FA9]  }
0x39: {  	_ = 	snop;
	(pc) =	sbr.ind lr, $3  }
0x3a: {  	_ = 	snop  }
0x3b: {  	_ = 	snop  }
0x3c: {  	p2 =	seq.s32 s10, $0x1;
	s10 =	sld [smem:$0x3FA8]  }
0x3d: {  	_ =	shalt  }
0x3e: {  	_ =	shalt  }
0x3f: {  	_ =	shalt  }
0x40: {  	_ =	shalt  }
0x41: {  	_ =	shalt  }
0x42: {  	_ =	shalt  }
0x43: {  	_ =	shalt  }
0x44: {  	_ =	shalt  }
0x45: {  	_ =	shalt  }
0x46: {  	_ =	shalt  }
0x47: {  	_ =	shalt  }
0x48: {  	_ =	shalt  }
0x49: {  	_ =	shalt  }
0x4a: {  	_ =	shalt  }
0x4b: {  	_ =	shalt  }
0x4c: {  	_ =	shalt  }
0x4d: {  	_ =	shalt  }
0x4e: {  	_ =	shalt  }
0x4f: {  	_ =	shalt  }
0x50: {  	_ =	shalt  }
0x51: {  	_ =	shalt  }
0x52: {  	_ =	shalt  }
0x53: {  	_ =	shalt  }
0x54: {  	_ =	shalt  }
0x55: {  	_ =	shalt  }
0x56: {  	_ =	shalt  }
0x57: {  	_ =	shalt  }
0x58: {  	_ =	shalt  }
0x59: {  	_ =	shalt  }
0x5a: {  	_ =	shalt  }
0x5b: {  	_ =	shalt  }
0x5c: {  	_ =	shalt  }
0x5d: {  	_ =	shalt  }
0x5e: {  	_ =	shalt  }
0x5f: {  	_ =	shalt  }
0x60: {  	_ =	shalt  }
0x61: {  	_ =	shalt  }
0x62: {  	_ =	shalt  }
0x63: {  	_ =	shalt  }
0x64: {  	_ =	shalt  }
0x65: {  	_ =	shalt  }
0x66: {  	_ =	shalt  }
0x67: {  	_ =	shalt  }
0x68: {  	_ =	shalt  }
0x69: {  	_ =	shalt  }
0x6a: {  	_ =	shalt  }
0x6b: {  	_ =	shalt  }
0x6c: {  	_ =	shalt  }
0x6d: {  	_ =	shalt  }
0x6e: {  	_ =	shalt  }
0x6f: {  	_ =	shalt  }
0x70: {  	_ =	shalt  }
0x71: {  	_ =	shalt  }
0x72: {  	_ =	shalt  }
0x73: {  	_ =	shalt  }
0x74: {  	_ =	shalt  }
0x75: {  	_ =	shalt  }
0x76: {  	_ =	shalt  }
0x77: {  	_ =	shalt  }
0x78: {  	_ =	shalt  }
0x79: {  	_ =	shalt  }
0x7a: {  	_ =	shalt  }
0x7b: {  	_ =	shalt  }
0x7c: {  	_ =	shalt  }
0x7d: {  	_ =	shalt  }
0x7e: {  	_ =	shalt  }
0x7f: {  	_ =	shalt  }
0x80: {  	_ =	shalt  }
0x81: {  	_ =	shalt  }
0x82: {  	_ =	shalt  }
0x83: {  	_ =	shalt  }
0x84: {  	_ =	shalt  }
0x85: {  	_ =	shalt  }
0x86: {  	_ =	shalt  }
0x87: {  	_ =	shalt  }
.Lfunc_end0:
.L_simem_size_0:
called_computation.3_lowered:
.L_overlay_start_0:
0x88: {  	s2 =	sld [smem:$0x3FD9]  }
0x89: {  	s3 =	sld [smem:$0x3FFE];
	_ =	sdelay $0x1  }
0x8a: {  	s1 =	srdreg.scid  }
0x8b: {  	s0 =	sand.u32 $0x1, s1  }
0x8c: {  	s15 =	sshll.u32 s0, $0xA;
	s2 =	sadd.s32 s3, s2  }
0x8d: {  	s2 =	sadd.s32 s2, s15  }
0x8e: {  	[smem:$0x3FB4] =	sst s2  }
0x8f: {  	_ = 	snop  }
0x90: {  	s2 =	sld [smem:$0x3FD0];
	_ =	sdelay $0x2  }
0x91: {  	s16 =	simm.s32 $0xE;
	s4 =	simm.s32 $0x10  }
0x92: {  	[smem:s4], [sflag:s16] =	dma.local [hbm:s2], $0x1  }
0x93: {  	_ =	swait.eq [sflag:s16], $0x1  }
0x94: {  	[sflag:s16] =	ssyncset.done $0x0  }
0x95: {  	[sflag:s16] =	ssyncadd.s32 $0xFFFFFFFF  }
0x96: {  	s17 =	sld [smem:$0x11];
	(tm) =	ssettm $0x1  }
0x97: {  	s18 =	sld [smem:$0x3FFB];
	_ =	sdelay $0x3  }
0x98: {  	_ =	strace s18  }
0x99: {  	s2 =	sld [smem:$0x3FFC];
	_ =	sdelay $0x3  }
0x9a: {  	_ =	strace s2  }
0x9b: {  	s2 =	sld [smem:$0x3FFD];
	_ =	sdelay $0x3  }
0x9c: {  	_ =	strace s2  }
0x9d: {  	_ =	strace $0x8FFFFFFF  }
0x9e: {  	s19 =	sld [smem:$0x3FDB];
	_ =	sdelay $0x1  }
0x9f: {  	s20 =	simm.s32 $_scs_section_size  }
0xa0: {  	s5 =	simm.s32 $_size__tile_overlayer_lowered;
	s6 =	simm.s32 $_tile_overlayer_lowered  }
0xa1: {  	s7 =	simm.s32 $0x1BFF;
	s21 =	sshll.u32 s6, $0x1;
	s4 =	sadd.s32 s20, s19  }
0xa2: {  	s22 =	simm.s32 $0x0;
	s5 =	sshll.u32 s5, $0x1;
	s6 =	sadd.s32 s21, s4  }
0xa3: {  	[timem:s22], [sflag:s7] =	dma.local [hbm:s6], s5  }
0xa4: {  	_ =	swait.ge [sflag:s7], s5  }
0xa5: {  	s5 =	ssub.s32 $0x0, s5;
	[sflag:s7] =	ssyncset.done $0x0  }
0xa6: {  	[sflag:s7] =	ssyncadd.s32 s5;
	_ =	sdelay $0x1  }
0xa7: {  	s23 =	simm.s32 $0x1B8B  }
0xa8: {  	_ =	swait.ge [sflag:s23], $0x1  }
0xa9: {  	[sflag:s23] =	ssyncset.done $0x0  }
0xaa: {  	[sflag:s23] =	ssyncadd.s32 $0xFFFFFFFF  }
0xab: {  	s5 =	sld [smem:$0x0]  }
0xac: {  	s6 =	sand.u32 $0xFFFFFFFE, s1  }
0xad: {  	p0 =	sne.s32 s1, s6  }
0xae: {  	s6 =	sshll.u32 @p0 s6, $0xE  }
0xaf: {  	s6 =	sadd.s32 @p0 $0x11B8D, s6;
	s7 =	sshll.u32 @p0 s5, $0x11  }
0xb0: {  	s6 =	sor.u32 @p0 s7, s6  }
0xb1: {  	[sflag:s6] =	ssyncadd.remote.s32 @p0 $0x1;
	_ =	sdelay $0x1  }
0xb2: {  	s6 =	simm.s32 @p0 $0x1B8D  }
0xb3: {  	_ =	swait.eq @p0 [sflag:s6], $0x1  }
0xb4: {  	[sflag:s6] =	ssyncadd.s32 @p0 $0xFFFFFFFF  }
0xb5: {  	s7 =	sshll.u32 @!p0 s1, $0xE  }
0xb6: {  	s7 =	sor.u32 @!p0 $0x4000, s7;
	s6 =	simm.s32 @!p0 $0x1B8D  }
0xb7: {  	s5 =	sshll.u32 @!p0 s5, $0x11;
	s7 =	sadd.s32 @!p0 $0x11B8D, s7;
	_ =	swait.eq @!p0 [sflag:s6], $0x1  }
0xb8: {  	s5 =	sor.u32 @!p0 s5, s7;
	[sflag:s6] =	ssyncadd.s32 @!p0 $0xFFFFFFFF  }
0xb9: {  	s25 =	simm.s32 $0x1B8E;
	s24 =	sld [smem:$0x3FFE];
	[sflag:s5] =	ssyncadd.remote.s32 @!p0 $0x1  }
0xba: {  	s26 =	simm.s32 $execute0_lowered;
	[smem:$0x3FD2] =	sst s25  }
0xbb: {  	s6 =	sshll.u32 s26, $0x1;
	_ =	strace $0x8000004F;
	[dreg:$0x1] =	wrdreg $0xFFFFFFFF  }
0xbc: {  	s28 =	simm.s32 $_size_execute0_lowered;
	s4 =	sadd.s32 s4, s6;
	[dreg:$0x0] =	wrdreg $0x0  }
0xbd: {  	s6 =	sshll.u32 s28, $0x1;
	[dreg:$0x2] =	wrdreg s4  }
0xbe: {  	[dreg:$0x3] =	wrdreg s6  }
0xbf: {  	[dreg:$0x4] =	wrdreg $0xC0  }
0xc0: {  	_ =	task [dreg:s22], $0x5FFFF  }
0xc1: {  	[dreg:$0x1] =	wrdreg $0xFFFFFFFF  }
0xc2: {  	[dreg:$0x0] =	wrdreg $0x60  }
0xc3: {  	[dreg:$0x2] =	wrdreg s24  }
0xc4: {  	[dreg:$0x3] =	wrdreg s17  }
0xc5: {  	[dreg:$0x4] =	wrdreg $0xC  }
0xc6: {  	_ =	task.clear_ibuf [dreg:s22], $0x5FFFF;
	_ =	strace $0x9000004F  }
0xc7: {  	s29 =	simm.s32 $0xC;
	_ =	strace $0x80000051  }
0xc8: {  	_ =	swait.ge [sflag:s29], $0x1  }
0xc9: {  	[sflag:s29] =	ssyncadd.s32 $0xFFFFFFFF  }
0xca: {  	_ =	strace $0x90000051  }
0xcb: {  	_ =	sfence  }
0xcc: {  	s30 =	sld [smem:$0x0];
	_ =	sdelay $0x2  }
0xcd: {  	s31 =	sshll.u32 s1, $0xD;
	s1 =	sshrl.u32 s1, $0x2  }
0xce: {  	s4 =	sand.u32 $0x4000, s31;
	s1 =	sadd.s32 s1, s30  }
0xcf: {  	s0 =	sor.u32 s4, s0;
	s1 =	sshll.u32 s1, $0x11  }
0xd0: {  	s0 =	sor.u32 s1, s0  }
0xd1: {  	s0 =	sadd.s32 $0x8F2B, s0  }
0xd2: {  	[sflag:s0] =	ssyncadd.remote.s32 $0x1  }
0xd3: {  	_ =	sfence.sel $0xFFFF  }
0xd4: {  	[dreg:$0x0] =	wrdreg $0xFFFFFFFF;
	(pc) =	sbr.abs _section_cstart, $3  }
0xd5: {  	[dreg:$0x1] =	wrdreg $0xFFFFFFFF  }
0xd6: {  	_ =	task.clear_ibuf [dreg:s22], $0x2FFFF;
	_ =	strace $0x9FFFFFFF  }
0xd7: {  	(tm) =	ssettm $0x7FFFFFFF  }
tec
execute0_lowered:
.L_overlay_start_1:
0x0: {  	(tag) =	ssettag $0x1  }
0x1: {  	s0 =	rddreg [dreg:$0x0];
	s1 =	srdreg.scid  }
0x2: {  	s11 =	stileid.u32;
	s4 =	rddreg [dreg:$0x1];
	s2 =	simm.s32 $0x0  }
0x3: {  	s28 =	simm.s32 $0x80;
	s29 =	simm.s32 $0x8100;
	s30 =	simm.s32 $0x8900  }
0x4: {  	s31 =	simm.s32 $0x9100;
	s12 =	simm.s32 $0xC900;
	s13 =	simm.s32 $0xD100  }
0x5: {  	s14 =	simm.s32 $0xD900;
	s15 =	simm.s32 $0xE100;
	s6 =	smul.u32 $0xA0000, s11  }
0x6: {  	s16 =	simm.s32 $0xE900;
	s17 =	simm.s32 $0xF100;
	s10 =	smul.u32 $0xA00, s11  }
0x7: {  	s18 =	simm.s32 $0xF900;
	s1 =	sand.u32 $0x1, s1;
	s23 =	smul.u32 $0x14000, s11  }
0x8: {  	s3 =	sshll.u32 s11, $0x1;
	[smem:$0x7FF] =	sst s2;
	s8 =	smul.u32 $0x50000, s1  }
0x9: {  	s11 =	simm.s32 $0x100;
	s3 =	sor.u32 s1, s3;
	s19 =	smul.u32 $0x500, s1  }
0xa: {  	_ =	strace $0x80000050;
	s7 =	ssub.s32 $0x2, s1;
	s1 =	smul.u32 $0xA000, s1  }
0xb: {  	s5 =	smul.u32 $0x500, s3;
	s3 =	sadd.s32 $0xCFC00, s0;
	s9 =	sshrl.u32 s7, $0x1  }
0xc: {  	s0 =	sadd.s32 $0x39DE00, s0;
	s7 =	ssub.s32 s7, s9;
	s21 =	sadd.s32 s8, s6  }
0xd: {  	s22 =	sadd.s32 s19, s10;
	s10 =	simm.s32 $0x3;
	s9 =	simm.s32 $0xC100  }
0xe: {  	s19 =	simm.s32 $0x1;
	s5 =	sshrl.u32 s5, $0x3;
	s20 =	smax.u32 s7, $0x1  }
0xf: {  	s24 =	sadd.s32 $0x14100, s22;
	s7 =	sadd.s32 $0x14080, s22;
	s22 =	simm.s32 $0x0  }
0x10: {  	s5 =	sadd.s32 s4, s5;
	[dreg:$0x4] =	wrdreg s20;
	s25 =	sshrl.u32 s7, $0x3  }
0x11: {  	s7 =	simm.s32 $0xB900;
	s20 =	simm.s32 $0x2;
	s5 =	sadd.s32 $0x2800, s5  }
0x12: {  	s26 =	sadd.s32 s25, s4;
	s25 =	simm.s32 $0x7100;
	[dreg:$0x3] =	wrdreg s5  }
.Ltmp0:
0x13: {  	s5 =	sshrl.u32 s21, $0x3;
	[dreg:$0x6] =	wrdreg s26;
	(pc) =	sbr.rel .LBB2_1-.Ltmp0, $4  }
0x14: {  	s6 =	sadd.s32 s5, s0;
	s5 =	sshrl.u32 s24, $0x3;
	s0 =	sadd.s32 s23, s0  }
0x15: {  	v2 =	vlaneseq.u32;
	s26 =	simm.s32 $0x7900;
	s5 =	sadd.s32 s5, s4;
	s0 =	sadd.s32 s1, s0  }
0x16: {  	vm0 =	vmmov $0xffff;
	v1 =	vshrl.u32 v2, $0x3;
	s1 =	simm.s32 $0x9900;
	s4 =	simm.s32 $0xA900;
	[dreg:$0x5] =	wrdreg s5  }
0x17: {  	v0 =	vand.u32 $0x7, v2;
	v2 =	vor.u32 $0x8, v2;
	v1 =	vmul.u32 $0x8, v1;
	s8 =	sadd.s32 $0x1000, s0;
	s0 =	simm.s32 $0xA100;
	s5 =	simm.s32 $0xB100  }
.LBB2_5:
0x18: {  	s22 =	rddreg [dreg:$0x7]  }
0x19: {  	s21 =	rddreg [dreg:$0x4];
	s22 =	sadd.s32 $0x1, s22  }
0x1a: {  	p0 =	sne.s32 s22, s21  }
.Ltmp1:
0x1b: {  	_ = 	snop;
	(pc) =	sbr.rel @!p0 .LBB2_6-.Ltmp1, $1  }
0x1c: {  	_ =	sdelay $0x3  }
.LBB2_1:
0x1d: {  	[dreg:$0x7] =	wrdreg s22  }
0x1e: {  	s21 =	rddreg [dreg:$0x3]  }
0x1f: {  	[tilespmem:s2], [sflag:$0x3] =	stream.linear.gather [hbm4b:s21+s2], $0x80, $0x38;
	[tilespmem:$0x10100] =	vst v63  }
0x20: {  	_ =	swait.ge [sflag:s10], $0x80  }
0x21: {  	[sflag:s10] =	ssyncset.done $0x0  }
0x22: {  	[sflag:s10] =	ssyncadd.s32 $0xFFFFFF80  }
0x23: {  	v3 =	vld [tilespmem:$0x0];
	_ =	sdelay $0x4  }
0x24: {  	v4 =	vshll.u32 v3, $0x1  }
0x25: {  	v3 =	vand.u32 $0x7, v3;
	v4 =	vand.u32 $0xFFFFFFF0, v4  }
0x26: {  	v3 =	vor.u32 v3, v4  }
0x27: {  	v4 =	vperm.xlane v3, v0;
	_ =	sdelay $0x1  }
0x28: {  	v3 =	vperm.xlane v3, v2;
	v4 =	vadd.s32 v1, v4;
	_ =	sdelay $0x1  }
0x29: {  	v3 =	vadd.s32 v1, v3;
	_ =	sdelay $0x2  }
0x2a: {  	[tilespmem:s11], [sflag:$0x1] =	stream.indirect_vreg.gather [hbm4b:s3+s2], $0x80, v4, vm0, $0xb8;
	[tilespmem:$0x10100] =	vst v63  }
0x2b: {  	s24 =	simm.s32 $0x900  }
0x2c: {  	[tilespmem:s24], [sflag:$0x1] =	stream.indirect_vreg.gather [hbm4b:s3+s2], $0x80, v3, vm0, $0xb8;
	[tilespmem:$0x10100] =	vst v63  }
0x2d: {  	v3 =	vld [tilespmem:$0x10];
	_ =	sdelay $0x4  }
0x2e: {  	v57 =	vshll.u32 v3, $0x1  }
0x2f: {  	v3 =	vand.u32 $0x7, v3;
	v4 =	vand.u32 $0xFFFFFFF0, v57  }
0x30: {  	v3 =	vor.u32 v3, v4  }
0x31: {  	v4 =	vperm.xlane v3, v0;
	_ =	sdelay $0x1  }
0x32: {  	v3 =	vperm.xlane v3, v2;
	v4 =	vadd.s32 v1, v4;
	_ =	sdelay $0x1  }
0x33: {  	v3 =	vadd.s32 v1, v3;
	_ =	sdelay $0x1  }
0x34: {  	s22 =	simm.s32 $0x1100  }
0x35: {  	[tilespmem:s22], [sflag:$0x1] =	stream.indirect_vreg.gather [hbm4b:s3+s2], $0x80, v4, vm0, $0xb8;
	[tilespmem:$0x10100] =	vst v63  }
0x36: {  	s23 =	simm.s32 $0x1900  }
0x37: {  	[tilespmem:s23], [sflag:$0x1] =	stream.indirect_vreg.gather [hbm4b:s3+s2], $0x80, v3, vm0, $0xb8;
	[tilespmem:$0x10100] =	vst v63  }
0x38: {  	v3 =	vld [tilespmem:$0x20];
	_ =	sdelay $0x4  }
0x39: {  	v58 =	vshll.u32 v3, $0x1  }
0x3a: {  	v3 =	vand.u32 $0x7, v3;
	v4 =	vand.u32 $0xFFFFFFF0, v58  }
0x3b: {  	v3 =	vor.u32 v3, v4  }
0x3c: {  	v4 =	vperm.xlane v3, v0;
	_ =	sdelay $0x1  }
0x3d: {  	v3 =	vperm.xlane v3, v2;
	v4 =	vadd.s32 v1, v4;
	_ =	sdelay $0x1  }
0x3e: {  	v3 =	vadd.s32 v1, v3;
	_ =	sdelay $0x1  }
0x3f: {  	s24 =	simm.s32 $0x2100  }
0x40: {  	[tilespmem:s24], [sflag:$0x1] =	stream.indirect_vreg.gather [hbm4b:s3+s2], $0x80, v4, vm0, $0xb8;
	[tilespmem:$0x10100] =	vst v63  }
0x41: {  	s22 =	simm.s32 $0x2900  }
0x42: {  	[tilespmem:s22], [sflag:$0x1] =	stream.indirect_vreg.gather [hbm4b:s3+s2], $0x80, v3, vm0, $0xb8;
	[tilespmem:$0x10100] =	vst v63  }
0x43: {  	v3 =	vld [tilespmem:$0x30];
	_ =	sdelay $0x4  }
0x44: {  	v59 =	vshll.u32 v3, $0x1  }
0x45: {  	v3 =	vand.u32 $0x7, v3;
	v4 =	vand.u32 $0xFFFFFFF0, v59  }
0x46: {  	v3 =	vor.u32 v3, v4  }
0x47: {  	v4 =	vperm.xlane v3, v0;
	_ =	sdelay $0x1  }
0x48: {  	v3 =	vperm.xlane v3, v2;
	v4 =	vadd.s32 v1, v4;
	_ =	sdelay $0x1  }
0x49: {  	v3 =	vadd.s32 v1, v3;
	_ =	sdelay $0x1  }
0x4a: {  	s23 =	simm.s32 $0x3100  }
0x4b: {  	[tilespmem:s23], [sflag:$0x1] =	stream.indirect_vreg.gather [hbm4b:s3+s2], $0x80, v4, vm0, $0xb8;
	[tilespmem:$0x10100] =	vst v63  }
0x4c: {  	s24 =	simm.s32 $0x3900  }
0x4d: {  	[tilespmem:s24], [sflag:$0x1] =	stream.indirect_vreg.gather [hbm4b:s3+s2], $0x80, v3, vm0, $0xb8;
	[tilespmem:$0x10100] =	vst v63  }
0x4e: {  	v3 =	vld [tilespmem:$0x40];
	_ =	sdelay $0x4  }
0x4f: {  	v60 =	vshll.u32 v3, $0x1  }
0x50: {  	v3 =	vand.u32 $0x7, v3;
	v4 =	vand.u32 $0xFFFFFFF0, v60  }
0x51: {  	v3 =	vor.u32 v3, v4  }
0x52: {  	v4 =	vperm.xlane v3, v0;
	_ =	sdelay $0x1  }
0x53: {  	v3 =	vperm.xlane v3, v2;
	v4 =	vadd.s32 v1, v4;
	_ =	sdelay $0x1  }
0x54: {  	v3 =	vadd.s32 v1, v3;
	_ =	sdelay $0x1  }
0x55: {  	s22 =	simm.s32 $0x4100  }
0x56: {  	[tilespmem:s22], [sflag:$0x1] =	stream.indirect_vreg.gather [hbm4b:s3+s2], $0x80, v4, vm0, $0xb8;
	[tilespmem:$0x10100] =	vst v63  }
0x57: {  	s23 =	simm.s32 $0x4900  }
0x58: {  	[tilespmem:s23], [sflag:$0x1] =	stream.indirect_vreg.gather [hbm4b:s3+s2], $0x80, v3, vm0, $0xb8;
	[tilespmem:$0x10100] =	vst v63  }
0x59: {  	v3 =	vld [tilespmem:$0x50];
	_ =	sdelay $0x4  }
0x5a: {  	v61 =	vshll.u32 v3, $0x1  }
0x5b: {  	v3 =	vand.u32 $0x7, v3;
	v4 =	vand.u32 $0xFFFFFFF0, v61  }
0x5c: {  	v3 =	vor.u32 v3, v4  }
0x5d: {  	v4 =	vperm.xlane v3, v0;
	_ =	sdelay $0x1  }
0x5e: {  	v3 =	vperm.xlane v3, v2;
	v4 =	vadd.s32 v1, v4;
	_ =	sdelay $0x1  }
0x5f: {  	v3 =	vadd.s32 v1, v3;
	_ =	sdelay $0x1  }
0x60: {  	s24 =	simm.s32 $0x5100  }
0x61: {  	[tilespmem:s24], [sflag:$0x1] =	stream.indirect_vreg.gather [hbm4b:s3+s2], $0x80, v4, vm0, $0xb8;
	[tilespmem:$0x10100] =	vst v63  }
0x62: {  	s22 =	simm.s32 $0x5900  }
0x63: {  	[tilespmem:s22], [sflag:$0x1] =	stream.indirect_vreg.gather [hbm4b:s3+s2], $0x80, v3, vm0, $0xb8;
	[tilespmem:$0x10100] =	vst v63  }
0x64: {  	v3 =	vld [tilespmem:$0x60];
	_ =	sdelay $0x4  }
0x65: {  	v62 =	vshll.u32 v3, $0x1  }
0x66: {  	v3 =	vand.u32 $0x7, v3;
	v4 =	vand.u32 $0xFFFFFFF0, v62  }
0x67: {  	v3 =	vor.u32 v3, v4  }
0x68: {  	v4 =	vperm.xlane v3, v0;
	_ =	sdelay $0x1  }
0x69: {  	v3 =	vperm.xlane v3, v2;
	v4 =	vadd.s32 v1, v4;
	_ =	sdelay $0x1  }
0x6a: {  	v3 =	vadd.s32 v1, v3;
	_ =	sdelay $0x1  }
0x6b: {  	s23 =	simm.s32 $0x6100  }
0x6c: {  	[tilespmem:s23], [sflag:$0x1] =	stream.indirect_vreg.gather [hbm4b:s3+s2], $0x80, v4, vm0, $0xb8;
	[tilespmem:$0x10100] =	vst v63  }
0x6d: {  	s24 =	simm.s32 $0x6900  }
0x6e: {  	[tilespmem:s24], [sflag:$0x1] =	stream.indirect_vreg.gather [hbm4b:s3+s2], $0x80, v3, vm0, $0xb8;
	[tilespmem:$0x10100] =	vst v63  }
0x6f: {  	v3 =	vld [tilespmem:$0x70];
	_ =	sdelay $0x4  }
0x70: {  	v63 =	vshll.u32 v3, $0x1  }
0x71: {  	v3 =	vand.u32 $0x7, v3;
	v4 =	vand.u32 $0xFFFFFFF0, v63  }
0x72: {  	v3 =	vor.u32 v3, v4  }
0x73: {  	v4 =	vperm.xlane v3, v0;
	_ =	sdelay $0x1  }
0x74: {  	v3 =	vperm.xlane v3, v2;
	v4 =	vadd.s32 v1, v4;
	_ =	sdelay $0x1  }
0x75: {  	v3 =	vadd.s32 v1, v3  }
.Ltmp2:
0x76: {  	_ = 	snop;
	(pc) =	sbr.rel .LBB2_2-.Ltmp2, $4  }
0x77: {  	s21 =	rddreg [dreg:$0x6]  }
0x78: {  	[tilespmem:s25], [sflag:$0x1] =	stream.indirect_vreg.gather [hbm4b:s3+s2], $0x80, v4, vm0, $0xb8;
	[tilespmem:$0x10100] =	vst v63  }
0x79: {  	s22 =	rddreg [dreg:$0x5];
	s23 =	simm.s32 $0x0  }
0x7a: {  	[tilespmem:s26], [sflag:$0x1] =	stream.indirect_vreg.gather [hbm4b:s3+s2], $0x80, v3, vm0, $0xb8;
	[tilespmem:$0x10100] =	vst v63  }
.LBB2_4:
0x7b: {  	_ =	swait.ge [sflag:s20], $0x8000;
	s24 =	sadd.s32 s23, s8;
	s23 =	sadd.s32 $0x2000, s23  }
0x7c: {  	[sflag:s20] =	ssyncset.done $0x0;
	p0 =	sne.s32 s23, $0xA000  }
.Ltmp3:
0x7d: {  	[sflag:s20] =	ssyncadd.s32 $0xFFFF8000;
	(pc) =	sbr.rel @!p0 .LBB2_5-.Ltmp3, $4  }
0x7e: {  	[hbm4b:s24+s2] =	stream.linear.scatter [tilespmem:s29], [sflag:$0x3], $0x8000, $0x38;
	[tilespmem:$0x10100] =	vst v63  }
0x7f: {  	_ =	swait.ge [sflag:s10], $0x8000  }
0x80: {  	[sflag:s10] =	ssyncset.done $0x0  }
0x81: {  	s22 =	sadd.s32 $0x20, s22;
	s21 =	sadd.s32 $0x20, s21;
	[sflag:s10] =	ssyncadd.s32 $0xFFFF8000  }
.LBB2_2:
0x82: {  	[tilespmem:s28], [sflag:$0x3] =	stream.linear.gather [hbm4b:s21+s2], $0x80, $0x38;
	[tilespmem:$0x10100] =	vst v63  }
0x83: {  	_ =	swait.ge [sflag:s10], $0x80  }
0x84: {  	[sflag:s10] =	ssyncset.done $0x0  }
0x85: {  	[sflag:s10] =	ssyncadd.s32 $0xFFFFFF80  }
0x86: {  	v3 =	vld [tilespmem:$0x80];
	_ =	sdelay $0x4  }
0x87: {  	v4 =	vshll.u32 v3, $0x1  }
0x88: {  	v3 =	vand.u32 $0x7, v3;
	v4 =	vand.u32 $0xFFFFFFF0, v4  }
0x89: {  	v3 =	vor.u32 v3, v4  }
0x8a: {  	v4 =	vperm.xlane v3, v0;
	_ =	sdelay $0x1  }
0x8b: {  	v3 =	vperm.xlane v3, v2;
	v4 =	vadd.s32 v1, v4;
	_ =	sdelay $0x1  }
0x8c: {  	v3 =	vadd.s32 v1, v3;
	_ =	sdelay $0x2  }
0x8d: {  	[tilespmem:s29], [sflag:$0x2] =	stream.indirect_vreg.gather [hbm4b:s3+s2], $0x80, v4, vm0, $0xb8;
	[tilespmem:$0x10100] =	vst v63  }
0x8e: {  	_ = 	snop  }
0x8f: {  	[tilespmem:s30], [sflag:$0x2] =	stream.indirect_vreg.gather [hbm4b:s3+s2], $0x80, v3, vm0, $0xb8;
	[tilespmem:$0x10100] =	vst v63  }
0x90: {  	v3 =	vld [tilespmem:$0x90];
	_ =	sdelay $0x4  }
0x91: {  	v57 =	vshll.u32 v3, $0x1  }
0x92: {  	v3 =	vand.u32 $0x7, v3;
	v4 =	vand.u32 $0xFFFFFFF0, v57  }
0x93: {  	v3 =	vor.u32 v3, v4  }
0x94: {  	v4 =	vperm.xlane v3, v0;
	_ =	sdelay $0x1  }
0x95: {  	v3 =	vperm.xlane v3, v2;
	v4 =	vadd.s32 v1, v4;
	_ =	sdelay $0x1  }
0x96: {  	v3 =	vadd.s32 v1, v3;
	_ =	sdelay $0x2  }
0x97: {  	[tilespmem:s31], [sflag:$0x2] =	stream.indirect_vreg.gather [hbm4b:s3+s2], $0x80, v4, vm0, $0xb8;
	[tilespmem:$0x10100] =	vst v63  }
0x98: {  	_ = 	snop  }
0x99: {  	[tilespmem:s1], [sflag:$0x2] =	stream.indirect_vreg.gather [hbm4b:s3+s2], $0x80, v3, vm0, $0xb8;
	[tilespmem:$0x10100] =	vst v63  }
0x9a: {  	v3 =	vld [tilespmem:$0xA0];
	_ =	sdelay $0x4  }
0x9b: {  	v58 =	vshll.u32 v3, $0x1  }
0x9c: {  	v3 =	vand.u32 $0x7, v3;
	v4 =	vand.u32 $0xFFFFFFF0, v58  }
0x9d: {  	v3 =	vor.u32 v3, v4  }
0x9e: {  	v4 =	vperm.xlane v3, v0;
	_ =	sdelay $0x1  }
0x9f: {  	v3 =	vperm.xlane v3, v2;
	v4 =	vadd.s32 v1, v4;
	_ =	sdelay $0x1  }
0xa0: {  	v3 =	vadd.s32 v1, v3;
	_ =	sdelay $0x2  }
0xa1: {  	[tilespmem:s0], [sflag:$0x2] =	stream.indirect_vreg.gather [hbm4b:s3+s2], $0x80, v4, vm0, $0xb8;
	[tilespmem:$0x10100] =	vst v63  }
0xa2: {  	_ = 	snop  }
0xa3: {  	[tilespmem:s4], [sflag:$0x2] =	stream.indirect_vreg.gather [hbm4b:s3+s2], $0x80, v3, vm0, $0xb8;
	[tilespmem:$0x10100] =	vst v63  }
0xa4: {  	v3 =	vld [tilespmem:$0xB0];
	_ =	sdelay $0x4  }
0xa5: {  	v59 =	vshll.u32 v3, $0x1  }
0xa6: {  	v3 =	vand.u32 $0x7, v3;
	v4 =	vand.u32 $0xFFFFFFF0, v59  }
0xa7: {  	v3 =	vor.u32 v3, v4  }
0xa8: {  	v4 =	vperm.xlane v3, v0;
	_ =	sdelay $0x1  }
0xa9: {  	v3 =	vperm.xlane v3, v2;
	v4 =	vadd.s32 v1, v4;
	_ =	sdelay $0x1  }
0xaa: {  	v3 =	vadd.s32 v1, v3;
	_ =	sdelay $0x2  }
0xab: {  	[tilespmem:s5], [sflag:$0x2] =	stream.indirect_vreg.gather [hbm4b:s3+s2], $0x80, v4, vm0, $0xb8;
	[tilespmem:$0x10100] =	vst v63  }
0xac: {  	_ = 	snop  }
0xad: {  	[tilespmem:s7], [sflag:$0x2] =	stream.indirect_vreg.gather [hbm4b:s3+s2], $0x80, v3, vm0, $0xb8;
	[tilespmem:$0x10100] =	vst v63  }
0xae: {  	v3 =	vld [tilespmem:$0xC0];
	_ =	sdelay $0x4  }
0xaf: {  	v60 =	vshll.u32 v3, $0x1  }
0xb0: {  	v3 =	vand.u32 $0x7, v3;
	v4 =	vand.u32 $0xFFFFFFF0, v60  }
0xb1: {  	v3 =	vor.u32 v3, v4  }
0xb2: {  	v4 =	vperm.xlane v3, v0;
	_ =	sdelay $0x1  }
0xb3: {  	v3 =	vperm.xlane v3, v2;
	v4 =	vadd.s32 v1, v4;
	_ =	sdelay $0x1  }
0xb4: {  	v3 =	vadd.s32 v1, v3;
	_ =	sdelay $0x2  }
0xb5: {  	[tilespmem:s9], [sflag:$0x2] =	stream.indirect_vreg.gather [hbm4b:s3+s2], $0x80, v4, vm0, $0xb8;
	[tilespmem:$0x10100] =	vst v63  }
0xb6: {  	_ = 	snop  }
0xb7: {  	[tilespmem:s12], [sflag:$0x2] =	stream.indirect_vreg.gather [hbm4b:s3+s2], $0x80, v3, vm0, $0xb8;
	[tilespmem:$0x10100] =	vst v63  }
0xb8: {  	v3 =	vld [tilespmem:$0xD0];
	_ =	sdelay $0x4  }
0xb9: {  	v61 =	vshll.u32 v3, $0x1  }
0xba: {  	v3 =	vand.u32 $0x7, v3;
	v4 =	vand.u32 $0xFFFFFFF0, v61  }
0xbb: {  	v3 =	vor.u32 v3, v4  }
0xbc: {  	v4 =	vperm.xlane v3, v0;
	_ =	sdelay $0x1  }
0xbd: {  	v3 =	vperm.xlane v3, v2;
	v4 =	vadd.s32 v1, v4;
	_ =	sdelay $0x1  }
0xbe: {  	v3 =	vadd.s32 v1, v3;
	_ =	sdelay $0x2  }
0xbf: {  	[tilespmem:s13], [sflag:$0x2] =	stream.indirect_vreg.gather [hbm4b:s3+s2], $0x80, v4, vm0, $0xb8;
	[tilespmem:$0x10100] =	vst v63  }
0xc0: {  	_ = 	snop  }
0xc1: {  	[tilespmem:s14], [sflag:$0x2] =	stream.indirect_vreg.gather [hbm4b:s3+s2], $0x80, v3, vm0, $0xb8;
	[tilespmem:$0x10100] =	vst v63  }
0xc2: {  	v3 =	vld [tilespmem:$0xE0];
	_ =	sdelay $0x4  }
0xc3: {  	v62 =	vshll.u32 v3, $0x1  }
0xc4: {  	v3 =	vand.u32 $0x7, v3;
	v4 =	vand.u32 $0xFFFFFFF0, v62  }
0xc5: {  	v3 =	vor.u32 v3, v4  }
0xc6: {  	v4 =	vperm.xlane v3, v0;
	_ =	sdelay $0x1  }
0xc7: {  	v3 =	vperm.xlane v3, v2;
	v4 =	vadd.s32 v1, v4;
	_ =	sdelay $0x1  }
0xc8: {  	v3 =	vadd.s32 v1, v3;
	_ =	sdelay $0x2  }
0xc9: {  	[tilespmem:s15], [sflag:$0x2] =	stream.indirect_vreg.gather [hbm4b:s3+s2], $0x80, v4, vm0, $0xb8;
	[tilespmem:$0x10100] =	vst v63  }
0xca: {  	_ = 	snop  }
0xcb: {  	[tilespmem:s16], [sflag:$0x2] =	stream.indirect_vreg.gather [hbm4b:s3+s2], $0x80, v3, vm0, $0xb8;
	[tilespmem:$0x10100] =	vst v63  }
0xcc: {  	v3 =	vld [tilespmem:$0xF0];
	_ =	sdelay $0x4  }
0xcd: {  	v63 =	vshll.u32 v3, $0x1  }
0xce: {  	v3 =	vand.u32 $0x7, v3;
	v4 =	vand.u32 $0xFFFFFFF0, v63  }
0xcf: {  	v3 =	vor.u32 v3, v4  }
0xd0: {  	v4 =	vperm.xlane v3, v0;
	_ =	sdelay $0x1  }
0xd1: {  	v3 =	vperm.xlane v3, v2;
	v4 =	vadd.s32 v1, v4;
	_ =	sdelay $0x1  }
0xd2: {  	v3 =	vadd.s32 v1, v3;
	_ =	sdelay $0x2  }
0xd3: {  	[tilespmem:s17], [sflag:$0x2] =	stream.indirect_vreg.gather [hbm4b:s3+s2], $0x80, v4, vm0, $0xb8;
	[tilespmem:$0x10100] =	vst v63  }
0xd4: {  	_ = 	snop  }
0xd5: {  	[tilespmem:s18], [sflag:$0x2] =	stream.indirect_vreg.gather [hbm4b:s3+s2], $0x80, v3, vm0, $0xb8;
	[tilespmem:$0x10100] =	vst v63  }
0xd6: {  	_ =	swait.ge [sflag:s19], $0x8000  }
0xd7: {  	p0 =	seq.s32 s23, $0x8000;
	[sflag:s19] =	ssyncset.done $0x0  }
.Ltmp4:
0xd8: {  	s24 =	sadd.s32 s23, s6;
	[sflag:s19] =	ssyncadd.s32 $0xFFFF8000;
	(pc) =	sbr.rel @p0 .LBB2_4-.Ltmp4, $4  }
0xd9: {  	[hbm4b:s24+s2] =	stream.linear.scatter [tilespmem:s11], [sflag:$0x3], $0x8000, $0x38;
	[tilespmem:$0x10100] =	vst v63  }
0xda: {  	_ =	swait.ge [sflag:s10], $0x8000  }
0xdb: {  	[sflag:s10] =	ssyncset.done $0x0  }
0xdc: {  	[sflag:s10] =	ssyncadd.s32 $0xFFFF8000  }
0xdd: {  	[tilespmem:s2], [sflag:$0x3] =	stream.linear.gather [hbm4b:s22+s2], $0x80, $0x38;
	[tilespmem:$0x10100] =	vst v63  }
0xde: {  	_ =	swait.ge [sflag:s10], $0x80  }
0xdf: {  	[sflag:s10] =	ssyncset.done $0x0  }
0xe0: {  	[sflag:s10] =	ssyncadd.s32 $0xFFFFFF80  }
0xe1: {  	v3 =	vld [tilespmem:$0x0];
	_ =	sdelay $0x4  }
0xe2: {  	v4 =	vshll.u32 v3, $0x1  }
0xe3: {  	v3 =	vand.u32 $0x7, v3;
	v4 =	vand.u32 $0xFFFFFFF0, v4  }
0xe4: {  	v3 =	vor.u32 v3, v4  }
0xe5: {  	v4 =	vperm.xlane v3, v0;
	_ =	sdelay $0x1  }
0xe6: {  	v3 =	vperm.xlane v3, v2;
	v4 =	vadd.s32 v1, v4;
	_ =	sdelay $0x1  }
0xe7: {  	v3 =	vadd.s32 v1, v3;
	_ =	sdelay $0x2  }
0xe8: {  	[tilespmem:s11], [sflag:$0x1] =	stream.indirect_vreg.gather [hbm4b:s3+s2], $0x80, v4, vm0, $0xb8;
	[tilespmem:$0x10100] =	vst v63  }
0xe9: {  	s24 =	simm.s32 $0x900  }
0xea: {  	[tilespmem:s24], [sflag:$0x1] =	stream.indirect_vreg.gather [hbm4b:s3+s2], $0x80, v3, vm0, $0xb8;
	[tilespmem:$0x10100] =	vst v63  }
0xeb: {  	v3 =	vld [tilespmem:$0x10];
	_ =	sdelay $0x4  }
0xec: {  	v57 =	vshll.u32 v3, $0x1  }
0xed: {  	v3 =	vand.u32 $0x7, v3;
	v4 =	vand.u32 $0xFFFFFFF0, v57  }
0xee: {  	v3 =	vor.u32 v3, v4  }
0xef: {  	v4 =	vperm.xlane v3, v0;
	_ =	sdelay $0x1  }
0xf0: {  	v3 =	vperm.xlane v3, v2;
	v4 =	vadd.s32 v1, v4;
	_ =	sdelay $0x1  }
0xf1: {  	v3 =	vadd.s32 v1, v3;
	_ =	sdelay $0x1  }
0xf2: {  	s24 =	simm.s32 $0x1100  }
0xf3: {  	[tilespmem:s24], [sflag:$0x1] =	stream.indirect_vreg.gather [hbm4b:s3+s2], $0x80, v4, vm0, $0xb8;
	[tilespmem:$0x10100] =	vst v63  }
0xf4: {  	s24 =	simm.s32 $0x1900  }
0xf5: {  	[tilespmem:s24], [sflag:$0x1] =	stream.indirect_vreg.gather [hbm4b:s3+s2], $0x80, v3, vm0, $0xb8;
	[tilespmem:$0x10100] =	vst v63  }
0xf6: {  	v3 =	vld [tilespmem:$0x20];
	_ =	sdelay $0x4  }
0xf7: {  	v58 =	vshll.u32 v3, $0x1  }
0xf8: {  	v3 =	vand.u32 $0x7, v3;
	v4 =	vand.u32 $0xFFFFFFF0, v58  }
0xf9: {  	v3 =	vor.u32 v3, v4  }
0xfa: {  	v4 =	vperm.xlane v3, v0;
	_ =	sdelay $0x1  }
0xfb: {  	v3 =	vperm.xlane v3, v2;
	v4 =	vadd.s32 v1, v4;
	_ =	sdelay $0x1  }
0xfc: {  	v3 =	vadd.s32 v1, v3;
	_ =	sdelay $0x1  }
0xfd: {  	s24 =	simm.s32 $0x2100  }
0xfe: {  	[tilespmem:s24], [sflag:$0x1] =	stream.indirect_vreg.gather [hbm4b:s3+s2], $0x80, v4, vm0, $0xb8;
	[tilespmem:$0x10100] =	vst v63  }
0xff: {  	s24 =	simm.s32 $0x2900  }
0x100: {  	[tilespmem:s24], [sflag:$0x1] =	stream.indirect_vreg.gather [hbm4b:s3+s2], $0x80, v3, vm0, $0xb8;
	[tilespmem:$0x10100] =	vst v63  }
0x101: {  	v3 =	vld [tilespmem:$0x30];
	_ =	sdelay $0x4  }
0x102: {  	v59 =	vshll.u32 v3, $0x1  }
0x103: {  	v3 =	vand.u32 $0x7, v3;
	v4 =	vand.u32 $0xFFFFFFF0, v59  }
0x104: {  	v3 =	vor.u32 v3, v4  }
0x105: {  	v4 =	vperm.xlane v3, v0;
	_ =	sdelay $0x1  }
0x106: {  	v3 =	vperm.xlane v3, v2;
	v4 =	vadd.s32 v1, v4;
	_ =	sdelay $0x1  }
0x107: {  	v3 =	vadd.s32 v1, v3;
	_ =	sdelay $0x1  }
0x108: {  	s24 =	simm.s32 $0x3100  }
0x109: {  	[tilespmem:s24], [sflag:$0x1] =	stream.indirect_vreg.gather [hbm4b:s3+s2], $0x80, v4, vm0, $0xb8;
	[tilespmem:$0x10100] =	vst v63  }
0x10a: {  	s24 =	simm.s32 $0x3900  }
0x10b: {  	[tilespmem:s24], [sflag:$0x1] =	stream.indirect_vreg.gather [hbm4b:s3+s2], $0x80, v3, vm0, $0xb8;
	[tilespmem:$0x10100] =	vst v63  }
0x10c: {  	v3 =	vld [tilespmem:$0x40];
	_ =	sdelay $0x4  }
0x10d: {  	v60 =	vshll.u32 v3, $0x1  }
0x10e: {  	v3 =	vand.u32 $0x7, v3;
	v4 =	vand.u32 $0xFFFFFFF0, v60  }
0x10f: {  	v3 =	vor.u32 v3, v4  }
0x110: {  	v4 =	vperm.xlane v3, v0;
	_ =	sdelay $0x1  }
0x111: {  	v3 =	vperm.xlane v3, v2;
	v4 =	vadd.s32 v1, v4;
	_ =	sdelay $0x1  }
0x112: {  	v3 =	vadd.s32 v1, v3;
	_ =	sdelay $0x1  }
0x113: {  	s24 =	simm.s32 $0x4100  }
0x114: {  	[tilespmem:s24], [sflag:$0x1] =	stream.indirect_vreg.gather [hbm4b:s3+s2], $0x80, v4, vm0, $0xb8;
	[tilespmem:$0x10100] =	vst v63  }
0x115: {  	s24 =	simm.s32 $0x4900  }
0x116: {  	[tilespmem:s24], [sflag:$0x1] =	stream.indirect_vreg.gather [hbm4b:s3+s2], $0x80, v3, vm0, $0xb8;
	[tilespmem:$0x10100] =	vst v63  }
0x117: {  	v3 =	vld [tilespmem:$0x50];
	_ =	sdelay $0x4  }
0x118: {  	v61 =	vshll.u32 v3, $0x1  }
0x119: {  	v3 =	vand.u32 $0x7, v3;
	v4 =	vand.u32 $0xFFFFFFF0, v61  }
0x11a: {  	v3 =	vor.u32 v3, v4  }
0x11b: {  	v4 =	vperm.xlane v3, v0;
	_ =	sdelay $0x1  }
0x11c: {  	v3 =	vperm.xlane v3, v2;
	v4 =	vadd.s32 v1, v4;
	_ =	sdelay $0x1  }
0x11d: {  	v3 =	vadd.s32 v1, v3;
	_ =	sdelay $0x1  }
0x11e: {  	s24 =	simm.s32 $0x5100  }
0x11f: {  	[tilespmem:s24], [sflag:$0x1] =	stream.indirect_vreg.gather [hbm4b:s3+s2], $0x80, v4, vm0, $0xb8;
	[tilespmem:$0x10100] =	vst v63  }
0x120: {  	s24 =	simm.s32 $0x5900  }
0x121: {  	[tilespmem:s24], [sflag:$0x1] =	stream.indirect_vreg.gather [hbm4b:s3+s2], $0x80, v3, vm0, $0xb8;
	[tilespmem:$0x10100] =	vst v63  }
0x122: {  	v3 =	vld [tilespmem:$0x60];
	_ =	sdelay $0x4  }
0x123: {  	v62 =	vshll.u32 v3, $0x1  }
0x124: {  	v3 =	vand.u32 $0x7, v3;
	v4 =	vand.u32 $0xFFFFFFF0, v62  }
0x125: {  	v3 =	vor.u32 v3, v4  }
0x126: {  	v4 =	vperm.xlane v3, v0;
	_ =	sdelay $0x1  }
0x127: {  	v3 =	vperm.xlane v3, v2;
	v4 =	vadd.s32 v1, v4;
	_ =	sdelay $0x1  }
0x128: {  	v3 =	vadd.s32 v1, v3;
	_ =	sdelay $0x1  }
0x129: {  	s24 =	simm.s32 $0x6100  }
0x12a: {  	[tilespmem:s24], [sflag:$0x1] =	stream.indirect_vreg.gather [hbm4b:s3+s2], $0x80, v4, vm0, $0xb8;
	[tilespmem:$0x10100] =	vst v63  }
0x12b: {  	s24 =	simm.s32 $0x6900  }
0x12c: {  	[tilespmem:s24], [sflag:$0x1] =	stream.indirect_vreg.gather [hbm4b:s3+s2], $0x80, v3, vm0, $0xb8;
	[tilespmem:$0x10100] =	vst v63  }
0x12d: {  	v3 =	vld [tilespmem:$0x70];
	_ =	sdelay $0x4  }
0x12e: {  	v63 =	vshll.u32 v3, $0x1  }
0x12f: {  	v3 =	vand.u32 $0x7, v3;
	v4 =	vand.u32 $0xFFFFFFF0, v63  }
0x130: {  	v3 =	vor.u32 v3, v4  }
0x131: {  	v4 =	vperm.xlane v3, v0;
	_ =	sdelay $0x1  }
0x132: {  	v3 =	vperm.xlane v3, v2;
	v4 =	vadd.s32 v1, v4;
	_ =	sdelay $0x1  }
0x133: {  	v3 =	vadd.s32 v1, v3  }
.Ltmp5:
0x134: {  	_ = 	snop;
	(pc) =	sbr.rel .LBB2_4-.Ltmp5, $4  }
0x135: {  	_ = 	snop  }
0x136: {  	[tilespmem:s25], [sflag:$0x1] =	stream.indirect_vreg.gather [hbm4b:s3+s2], $0x80, v4, vm0, $0xb8;
	[tilespmem:$0x10100] =	vst v63  }
0x137: {  	_ = 	snop  }
0x138: {  	[tilespmem:s26], [sflag:$0x1] =	stream.indirect_vreg.gather [hbm4b:s3+s2], $0x80, v3, vm0, $0xb8;
	[tilespmem:$0x10100] =	vst v63  }
.LBB2_6:
0x139: {  	_ =	sfence.sel $0x180000  }
0x13a: {  	[bflag:$0x0] =	sbarrier.arrive $0xFFFF  }
0x13b: {  	_ =	strace $0x90000050  }
0x13c: {  	s0 =	stileid.u32;
	[bflag:$0x2] =	sbarrier.arrive $0xFFFF  }
0x13d: {  	p0 =	sne.s32 s0, $0x0;
	s0 =	rddreg [dreg:$0x2]  }
0x13e: {  	s0 =	sadd.s32 @!p0 $0x100000, s0  }
0x13f: {  	[sflag:s0] =	ssyncadd.tile.s32 @!p0 $0x1;
	_ =	shalt  }
.Lfunc_end2:
_tile_overlayer_lowered:
.L_overlay_start_2:
0x140: {  	(tag) =	ssettag $0x2  }
0x141: {  	s0 =	rddreg [dreg:$0x0];
	s2 =	stileid.u32  }
0x142: {  	s1 =	rddreg [dreg:$0x1];
	p0 =	sne.s32 s2, $0x0  }
0x143: {  	s3 =	rddreg [dreg:$0x2];
	[bflag:$0x3] =	sbarrier.arrive $0xFFFF;
	s2 =	simm.s32 @!p0 $0x1C03  }
0x144: {  	[timem:s3], [sflag:s2] =	dma.local @!p0 [hbm:s0], s1  }
0x145: {  	s0 =	simm.s32 @!p0 $0x3  }
0x146: {  	_ =	swait.ge @!p0 [sflag:s0], s1  }
0x147: {  	s1 =	ssub.s32 @!p0 $0x0, s1;
	[sflag:s0] =	ssyncset.done @!p0 $0x0  }
0x148: {  	[sflag:s0] =	ssyncadd.s32 @!p0 s1  }
0x149: {  	[bflag:$0x3] =	sbarrier.arrive $0xFFFF  }
0x14a: {  	_ =	shalt  }

// kernel: kernel.27.cloned.1.call-start
scs
__scs_entry_jumppad:
0x0: {  	(pc) =	sbr.rel $0x88, $3  }
0x1: {  	(tag) =	ssettag $0x0;
	lr =	simm.s32 $0x1  }
0x2: {  	[smem:$0x3F8D] =	sst lr;
	_ =	strace $0xD0000000  }
0x3: {  	_ = 	snop  }
0x4: {  	_ = 	snop  }
0x5: {  	_ = 	snop  }
0x6: {  	_ = 	snop  }
0x7: {  	_ = 	snop  }
__scs_overlays_trampoline_lowered:
0x8: {  	[smem:$0x3F9C] =	sst s0  }
0x9: {  	[smem:$0x3F9D] =	sst s1  }
0xa: {  	[smem:$0x3F9E] =	sst s2  }
0xb: {  	[smem:$0x3F9F] =	sst s3  }
0xc: {  	[smem:$0x3FA0] =	sst s4  }
0xd: {  	[smem:$0x3FA1] =	sst s5  }
0xe: {  	[smem:$0x3FA2] =	sst s6  }
0xf: {  	[smem:$0x3FA3] =	sst s7  }
0x10: {  	[smem:$0x3FA4] =	sst s8  }
0x11: {  	[smem:$0x3FA5] =	sst s9;
	s0 =	simm.s32 @!p0 $0x0  }
0x12: {  	s1 =	sld [smem:$0x3F8B];
	s0 =	simm.s32 @p0 $0x1  }
0x13: {  	[smem:$0x3FA6] =	sst s0;
	s0 =	simm.s32 @!p1 $0x0  }
0x14: {  	s2 =	sld [smem:$0x3F8A];
	s0 =	simm.s32 @p1 $0x1  }
0x15: {  	[smem:$0x3FA7] =	sst s0;
	s0 =	simm.s32 @!p2 $0x0  }
0x16: {  	s3 =	sld [smem:$0x3FDB];
	s0 =	simm.s32 @p2 $0x1  }
0x17: {  	s4 =	simm.s32 $0x1BF5;
	[smem:$0x3FA9] =	sst s0  }
0x18: {  	s0 =	sld [smem:$0x3F8C];
	_ =	swait.ge [sflag:s4], $0x0  }
0x19: {  	s7 =	sld [smem:$0x3F8D]  }
0x1a: {  	s8 =	sadd.s32 $0xFFFFE003, lr  }
0x1b: {  	s9 =	sadd.s32 $0xFFFFFEF7, lr;
	s5 =	simm.s32 $0xFFFFFFFF;
	p2 =	slt.u32 s8, $0xFFFFF086  }
0x1c: {  	p1 =	slt.u32 s9, $0xF7A;
	s5 =	simm.s32 @!p2 $0x0  }
0x1d: {  	s5 =	simm.s32 @p1 $0x1;
	p0 =	seq.s32 s7, s2  }
0x1e: {  	s7 =	smul.u32 @!p0 $0xF7A, s2;
	p2 =	seq.s32 @!p0 s5, $0x0  }
0x1f: {  	s9 =	smul.u32 $0xF7A, s1;
	s8 =	simm.s32 @!p0 $0x1BF5;
	p2 =	por !p2, p0  }
0x20: {  	[sflag:s8] =	ssyncset.s32 @!p0 $0xFFFFF086;
	s6 =	sadd.s32 @!p0 s3, s7;
	s7 =	simm.s32 @!p0 $0x108  }
0x21: {  	s3 =	sadd.s32 s3, s9;
	s6 =	sadd.s32 @!p0 $0x88, s6;
	s7 =	simm.s32 @p2 $0x1082  }
0x22: {  	[simem:s7], [sflag:s8] =	dma.local @!p0 [hbm:s6], $0xF7A  }
0x23: {  	s9 =	sor.u32 $0xD0000000, s2;
	s6 =	simm.s32 $0x108;
	_ =	swait.ge @!p0 [sflag:s8], $0x0  }
0x24: {  	s3 =	sadd.s32 $0x88, s3;
	s6 =	simm.s32 @!p1 $0x1082;
	[sflag:s4] =	ssyncset.s32 $0xFFFFF086  }
0x25: {  	[simem:s6], [sflag:s4] =	dma.local [hbm:s3], $0xF7A  }
0x26: {  	[smem:$0x3F8D] =	sst s1;
	(tag) =	ssettag s2;
	_ =	strace s9  }
0x27: {  	s1 =	sld [smem:$0x3F9D]  }
0x28: {  	s2 =	sld [smem:$0x3F9E]  }
0x29: {  	s4 =	sld [smem:$0x3FA0]  }
0x2a: {  	p0 =	seq.s32 s5, $0x0;
	s5 =	sld [smem:$0x3FA1]  }
0x2b: {  	s6 =	sld [smem:$0x3FA2]  }
0x2c: {  	s7 =	sld [smem:$0x3FA3]  }
0x2d: {  	s3 =	simm.s32 $0x108;
	s8 =	sld [smem:$0x3FA4]  }
0x2e: {  	s3 =	simm.s32 @!p0 $0x1082;
	s9 =	sld [smem:$0x3FA5]  }
0x2f: {  	lr =	sadd.s32 s0, s3;
	s0 =	sld [smem:$0x3F9C]  }
0x30: {  	s3 =	sld [smem:$0x3F9F]  }
0x31: {  	[smem:$0x3FA8] =	sst s10  }
0x32: {  	s10 =	sld [smem:$0x3FA6];
	_ =	sdelay $0x3  }
0x33: {  	p0 =	seq.s32 s10, $0x1;
	s10 =	sld [smem:$0x3FA8];
	_ =	sdelay $0x3  }
0x34: {  	[smem:$0x3FA8] =	sst s10  }
0x35: {  	s10 =	sld [smem:$0x3FA7];
	_ =	sdelay $0x3  }
0x36: {  	p1 =	seq.s32 s10, $0x1;
	s10 =	sld [smem:$0x3FA8];
	_ =	sdelay $0x3  }
0x37: {  	[smem:$0x3FA8] =	sst s10  }
0x38: {  	s10 =	sld [smem:$0x3FA9]  }
0x39: {  	_ = 	snop;
	(pc) =	sbr.ind lr, $3  }
0x3a: {  	_ = 	snop  }
0x3b: {  	_ = 	snop  }
0x3c: {  	p2 =	seq.s32 s10, $0x1;
	s10 =	sld [smem:$0x3FA8]  }
0x3d: {  	_ =	shalt  }
0x3e: {  	_ =	shalt  }
0x3f: {  	_ =	shalt  }
0x40: {  	_ =	shalt  }
0x41: {  	_ =	shalt  }
0x42: {  	_ =	shalt  }
0x43: {  	_ =	shalt  }
0x44: {  	_ =	shalt  }
0x45: {  	_ =	shalt  }
0x46: {  	_ =	shalt  }
0x47: {  	_ =	shalt  }
0x48: {  	_ =	shalt  }
0x49: {  	_ =	shalt  }
0x4a: {  	_ =	shalt  }
0x4b: {  	_ =	shalt  }
0x4c: {  	_ =	shalt  }
0x4d: {  	_ =	shalt  }
0x4e: {  	_ =	shalt  }
0x4f: {  	_ =	shalt  }
0x50: {  	_ =	shalt  }
0x51: {  	_ =	shalt  }
0x52: {  	_ =	shalt  }
0x53: {  	_ =	shalt  }
0x54: {  	_ =	shalt  }
0x55: {  	_ =	shalt  }
0x56: {  	_ =	shalt  }
0x57: {  	_ =	shalt  }
0x58: {  	_ =	shalt  }
0x59: {  	_ =	shalt  }
0x5a: {  	_ =	shalt  }
0x5b: {  	_ =	shalt  }
0x5c: {  	_ =	shalt  }
0x5d: {  	_ =	shalt  }
0x5e: {  	_ =	shalt  }
0x5f: {  	_ =	shalt  }
0x60: {  	_ =	shalt  }
0x61: {  	_ =	shalt  }
0x62: {  	_ =	shalt  }
0x63: {  	_ =	shalt  }
0x64: {  	_ =	shalt  }
0x65: {  	_ =	shalt  }
0x66: {  	_ =	shalt  }
0x67: {  	_ =	shalt  }
0x68: {  	_ =	shalt  }
0x69: {  	_ =	shalt  }
0x6a: {  	_ =	shalt  }
0x6b: {  	_ =	shalt  }
0x6c: {  	_ =	shalt  }
0x6d: {  	_ =	shalt  }
0x6e: {  	_ =	shalt  }
0x6f: {  	_ =	shalt  }
0x70: {  	_ =	shalt  }
0x71: {  	_ =	shalt  }
0x72: {  	_ =	shalt  }
0x73: {  	_ =	shalt  }
0x74: {  	_ =	shalt  }
0x75: {  	_ =	shalt  }
0x76: {  	_ =	shalt  }
0x77: {  	_ =	shalt  }
0x78: {  	_ =	shalt  }
0x79: {  	_ =	shalt  }
0x7a: {  	_ =	shalt  }
0x7b: {  	_ =	shalt  }
0x7c: {  	_ =	shalt  }
0x7d: {  	_ =	shalt  }
0x7e: {  	_ =	shalt  }
0x7f: {  	_ =	shalt  }
0x80: {  	_ =	shalt  }
0x81: {  	_ =	shalt  }
0x82: {  	_ =	shalt  }
0x83: {  	_ =	shalt  }
0x84: {  	_ =	shalt  }
0x85: {  	_ =	shalt  }
0x86: {  	_ =	shalt  }
0x87: {  	_ =	shalt  }
.Lfunc_end0:
.L_simem_size_0:
called_computation.4_lowered:
.L_overlay_start_0:
0x88: {  	s2 =	sld [smem:$0x3FD9]  }
0x89: {  	s3 =	sld [smem:$0x3FFE];
	_ =	sdelay $0x1  }
0x8a: {  	s1 =	srdreg.scid  }
0x8b: {  	s0 =	sand.u32 $0x1, s1  }
0x8c: {  	s15 =	sshll.u32 s0, $0xA;
	s2 =	sadd.s32 s3, s2  }
0x8d: {  	s2 =	sadd.s32 s2, s15  }
0x8e: {  	[smem:$0x3FB4] =	sst s2  }
0x8f: {  	_ = 	snop  }
0x90: {  	s2 =	sld [smem:$0x3FD0];
	_ =	sdelay $0x2  }
0x91: {  	s16 =	simm.s32 $0xE;
	s4 =	simm.s32 $0x10  }
0x92: {  	[smem:s4], [sflag:s16] =	dma.local [hbm:s2], $0x1  }
0x93: {  	_ =	swait.eq [sflag:s16], $0x1  }
0x94: {  	[sflag:s16] =	ssyncset.done $0x0  }
0x95: {  	[sflag:s16] =	ssyncadd.s32 $0xFFFFFFFF  }
0x96: {  	s17 =	sld [smem:$0x11];
	(tm) =	ssettm $0x1  }
0x97: {  	s18 =	sld [smem:$0x3FFB];
	_ =	sdelay $0x3  }
0x98: {  	_ =	strace s18  }
0x99: {  	s2 =	sld [smem:$0x3FFC];
	_ =	sdelay $0x3  }
0x9a: {  	_ =	strace s2  }
0x9b: {  	s2 =	sld [smem:$0x3FFD];
	_ =	sdelay $0x3  }
0x9c: {  	_ =	strace s2  }
0x9d: {  	_ =	strace $0x8FFFFFFF  }
0x9e: {  	s19 =	sld [smem:$0x3FDB];
	_ =	sdelay $0x1  }
0x9f: {  	s20 =	simm.s32 $_scs_section_size  }
0xa0: {  	s5 =	simm.s32 $_size__tile_overlayer_lowered;
	s6 =	simm.s32 $_tile_overlayer_lowered  }
0xa1: {  	s7 =	simm.s32 $0x1BFF;
	s21 =	sshll.u32 s6, $0x1;
	s4 =	sadd.s32 s20, s19  }
0xa2: {  	s22 =	simm.s32 $0x0;
	s5 =	sshll.u32 s5, $0x1;
	s6 =	sadd.s32 s21, s4  }
0xa3: {  	[timem:s22], [sflag:s7] =	dma.local [hbm:s6], s5  }
0xa4: {  	_ =	swait.ge [sflag:s7], s5  }
0xa5: {  	s5 =	ssub.s32 $0x0, s5;
	[sflag:s7] =	ssyncset.done $0x0  }
0xa6: {  	[sflag:s7] =	ssyncadd.s32 s5;
	_ =	sdelay $0x1  }
0xa7: {  	s23 =	simm.s32 $0x1B8B  }
0xa8: {  	_ =	swait.ge [sflag:s23], $0x1  }
0xa9: {  	[sflag:s23] =	ssyncset.done $0x0  }
0xaa: {  	[sflag:s23] =	ssyncadd.s32 $0xFFFFFFFF  }
0xab: {  	s5 =	sld [smem:$0x0]  }
0xac: {  	s6 =	sand.u32 $0xFFFFFFFE, s1  }
0xad: {  	p0 =	sne.s32 s1, s6  }
0xae: {  	s6 =	sshll.u32 @p0 s6, $0xE  }
0xaf: {  	s6 =	sadd.s32 @p0 $0x11B8D, s6;
	s7 =	sshll.u32 @p0 s5, $0x11  }
0xb0: {  	s6 =	sor.u32 @p0 s7, s6  }
0xb1: {  	[sflag:s6] =	ssyncadd.remote.s32 @p0 $0x1;
	_ =	sdelay $0x1  }
0xb2: {  	s6 =	simm.s32 @p0 $0x1B8D  }
0xb3: {  	_ =	swait.eq @p0 [sflag:s6], $0x1  }
0xb4: {  	[sflag:s6] =	ssyncadd.s32 @p0 $0xFFFFFFFF  }
0xb5: {  	s7 =	sshll.u32 @!p0 s1, $0xE  }
0xb6: {  	s7 =	sor.u32 @!p0 $0x4000, s7;
	s6 =	simm.s32 @!p0 $0x1B8D  }
0xb7: {  	s5 =	sshll.u32 @!p0 s5, $0x11;
	s7 =	sadd.s32 @!p0 $0x11B8D, s7;
	_ =	swait.eq @!p0 [sflag:s6], $0x1  }
0xb8: {  	s5 =	sor.u32 @!p0 s5, s7;
	[sflag:s6] =	ssyncadd.s32 @!p0 $0xFFFFFFFF  }
0xb9: {  	s25 =	simm.s32 $0x1B8E;
	s24 =	sld [smem:$0x3FFE];
	[sflag:s5] =	ssyncadd.remote.s32 @!p0 $0x1  }
0xba: {  	s26 =	simm.s32 $execute0_lowered;
	[smem:$0x3FD2] =	sst s25  }
0xbb: {  	s6 =	sshll.u32 s26, $0x1;
	_ =	strace $0x80000052;
	[dreg:$0x1] =	wrdreg $0xFFFFFFFF  }
0xbc: {  	s28 =	simm.s32 $_size_execute0_lowered;
	s4 =	sadd.s32 s4, s6;
	[dreg:$0x0] =	wrdreg $0x0  }
0xbd: {  	s6 =	sshll.u32 s28, $0x1;
	[dreg:$0x2] =	wrdreg s4  }
0xbe: {  	[dreg:$0x3] =	wrdreg s6  }
0xbf: {  	[dreg:$0x4] =	wrdreg $0xC0  }
0xc0: {  	_ =	task [dreg:s22], $0x5FFFF  }
0xc1: {  	[dreg:$0x1] =	wrdreg $0xFFFFFFFF  }
0xc2: {  	[dreg:$0x0] =	wrdreg $0x60  }
0xc3: {  	[dreg:$0x2] =	wrdreg s24  }
0xc4: {  	[dreg:$0x3] =	wrdreg s17  }
0xc5: {  	[dreg:$0x4] =	wrdreg $0xD  }
0xc6: {  	_ =	task.clear_ibuf [dreg:s22], $0x5FFFF;
	_ =	strace $0x90000052  }
0xc7: {  	s29 =	simm.s32 $0xD;
	_ =	strace $0x80000054  }
0xc8: {  	_ =	swait.ge [sflag:s29], $0x1  }
0xc9: {  	[sflag:s29] =	ssyncadd.s32 $0xFFFFFFFF  }
0xca: {  	_ =	strace $0x90000054  }
0xcb: {  	_ =	sfence  }
0xcc: {  	s30 =	sld [smem:$0x0];
	_ =	sdelay $0x2  }
0xcd: {  	s31 =	sshll.u32 s1, $0xD;
	s1 =	sshrl.u32 s1, $0x2  }
0xce: {  	s4 =	sand.u32 $0x4000, s31;
	s1 =	sadd.s32 s1, s30  }
0xcf: {  	s0 =	sor.u32 s4, s0;
	s1 =	sshll.u32 s1, $0x11  }
0xd0: {  	s0 =	sor.u32 s1, s0  }
0xd1: {  	s0 =	sadd.s32 $0x8F2B, s0  }
0xd2: {  	[sflag:s0] =	ssyncadd.remote.s32 $0x1  }
0xd3: {  	_ =	sfence.sel $0xFFFF  }
0xd4: {  	[dreg:$0x0] =	wrdreg $0xFFFFFFFF;
	(pc) =	sbr.abs _section_cstart, $3  }
0xd5: {  	[dreg:$0x1] =	wrdreg $0xFFFFFFFF  }
0xd6: {  	_ =	task.clear_ibuf [dreg:s22], $0x2FFFF;
	_ =	strace $0x9FFFFFFF  }
0xd7: {  	(tm) =	ssettm $0x7FFFFFFF  }
tec
execute0_lowered:
.L_overlay_start_1:
0x0: {  	(tag) =	ssettag $0x1  }
0x1: {  	s0 =	rddreg [dreg:$0x0];
	s1 =	srdreg.scid  }
0x2: {  	s11 =	stileid.u32;
	s4 =	rddreg [dreg:$0x1];
	s2 =	simm.s32 $0x0  }
0x3: {  	s28 =	simm.s32 $0x80;
	s29 =	simm.s32 $0x8100;
	s30 =	simm.s32 $0x8900  }
0x4: {  	s31 =	simm.s32 $0x9100;
	s12 =	simm.s32 $0xC900;
	s13 =	simm.s32 $0xD100  }
0x5: {  	s14 =	simm.s32 $0xD900;
	s15 =	simm.s32 $0xE100;
	s6 =	smul.u32 $0xA0000, s11  }
0x6: {  	s16 =	simm.s32 $0xE900;
	s17 =	simm.s32 $0xF100;
	s10 =	smul.u32 $0xA00, s11  }
0x7: {  	s18 =	simm.s32 $0xF900;
	s1 =	sand.u32 $0x1, s1;
	s23 =	smul.u32 $0x14000, s11  }
0x8: {  	s3 =	sshll.u32 s11, $0x1;
	[smem:$0x7FF] =	sst s2;
	s8 =	smul.u32 $0x50000, s1  }
0x9: {  	s11 =	simm.s32 $0x100;
	s3 =	sor.u32 s1, s3;
	s19 =	smul.u32 $0x500, s1  }
0xa: {  	_ =	strace $0x80000053;
	s7 =	ssub.s32 $0x2, s1;
	s1 =	smul.u32 $0xA000, s1  }
0xb: {  	s5 =	smul.u32 $0x500, s3;
	s3 =	sadd.s32 $0xCFC00, s0;
	s9 =	sshrl.u32 s7, $0x1  }
0xc: {  	s0 =	sadd.s32 $0x4DDE00, s0;
	s7 =	ssub.s32 s7, s9;
	s21 =	sadd.s32 s8, s6  }
0xd: {  	s22 =	sadd.s32 s19, s10;
	s10 =	simm.s32 $0x3;
	s9 =	simm.s32 $0xC100  }
0xe: {  	s19 =	simm.s32 $0x1;
	s5 =	sshrl.u32 s5, $0x3;
	s20 =	smax.u32 s7, $0x1  }
0xf: {  	s24 =	sadd.s32 $0x1E100, s22;
	s7 =	sadd.s32 $0x1E080, s22;
	s22 =	simm.s32 $0x0  }
0x10: {  	s5 =	sadd.s32 s4, s5;
	[dreg:$0x4] =	wrdreg s20;
	s25 =	sshrl.u32 s7, $0x3  }
0x11: {  	s7 =	simm.s32 $0xB900;
	s20 =	simm.s32 $0x2;
	s5 =	sadd.s32 $0x3C00, s5  }
0x12: {  	s26 =	sadd.s32 s25, s4;
	s25 =	simm.s32 $0x7100;
	[dreg:$0x3] =	wrdreg s5  }
.Ltmp0:
0x13: {  	s5 =	sshrl.u32 s21, $0x3;
	[dreg:$0x6] =	wrdreg s26;
	(pc) =	sbr.rel .LBB2_1-.Ltmp0, $4  }
0x14: {  	s6 =	sadd.s32 s5, s0;
	s5 =	sshrl.u32 s24, $0x3;
	s0 =	sadd.s32 s23, s0  }
0x15: {  	v2 =	vlaneseq.u32;
	s26 =	simm.s32 $0x7900;
	s5 =	sadd.s32 s5, s4;
	s0 =	sadd.s32 s1, s0  }
0x16: {  	vm0 =	vmmov $0xffff;
	v1 =	vshrl.u32 v2, $0x3;
	s1 =	simm.s32 $0x9900;
	s4 =	simm.s32 $0xA900;
	[dreg:$0x5] =	wrdreg s5  }
0x17: {  	v0 =	vand.u32 $0x7, v2;
	v2 =	vor.u32 $0x8, v2;
	v1 =	vmul.u32 $0x8, v1;
	s8 =	sadd.s32 $0x1000, s0;
	s0 =	simm.s32 $0xA100;
	s5 =	simm.s32 $0xB100  }
.LBB2_5:
0x18: {  	s22 =	rddreg [dreg:$0x7]  }
0x19: {  	s21 =	rddreg [dreg:$0x4];
	s22 =	sadd.s32 $0x1, s22  }
0x1a: {  	p0 =	sne.s32 s22, s21  }
.Ltmp1:
0x1b: {  	_ = 	snop;
	(pc) =	sbr.rel @!p0 .LBB2_6-.Ltmp1, $1  }
0x1c: {  	_ =	sdelay $0x3  }
.LBB2_1:
0x1d: {  	[dreg:$0x7] =	wrdreg s22  }
0x1e: {  	s21 =	rddreg [dreg:$0x3]  }
0x1f: {  	[tilespmem:s2], [sflag:$0x3] =	stream.linear.gather [hbm4b:s21+s2], $0x80, $0x38;
	[tilespmem:$0x10100] =	vst v63  }
0x20: {  	_ =	swait.ge [sflag:s10], $0x80  }
0x21: {  	[sflag:s10] =	ssyncset.done $0x0  }
0x22: {  	[sflag:s10] =	ssyncadd.s32 $0xFFFFFF80  }
0x23: {  	v3 =	vld [tilespmem:$0x0];
	_ =	sdelay $0x4  }
0x24: {  	v4 =	vshll.u32 v3, $0x1  }
0x25: {  	v3 =	vand.u32 $0x7, v3;
	v4 =	vand.u32 $0xFFFFFFF0, v4  }
0x26: {  	v3 =	vor.u32 v3, v4  }
0x27: {  	v4 =	vperm.xlane v3, v0;
	_ =	sdelay $0x1  }
0x28: {  	v3 =	vperm.xlane v3, v2;
	v4 =	vadd.s32 v1, v4;
	_ =	sdelay $0x1  }
0x29: {  	v3 =	vadd.s32 v1, v3;
	_ =	sdelay $0x2  }
0x2a: {  	[tilespmem:s11], [sflag:$0x1] =	stream.indirect_vreg.gather [hbm4b:s3+s2], $0x80, v4, vm0, $0xb8;
	[tilespmem:$0x10100] =	vst v63  }
0x2b: {  	s24 =	simm.s32 $0x900  }
0x2c: {  	[tilespmem:s24], [sflag:$0x1] =	stream.indirect_vreg.gather [hbm4b:s3+s2], $0x80, v3, vm0, $0xb8;
	[tilespmem:$0x10100] =	vst v63  }
0x2d: {  	v3 =	vld [tilespmem:$0x10];
	_ =	sdelay $0x4  }
0x2e: {  	v57 =	vshll.u32 v3, $0x1  }
0x2f: {  	v3 =	vand.u32 $0x7, v3;
	v4 =	vand.u32 $0xFFFFFFF0, v57  }
0x30: {  	v3 =	vor.u32 v3, v4  }
0x31: {  	v4 =	vperm.xlane v3, v0;
	_ =	sdelay $0x1  }
0x32: {  	v3 =	vperm.xlane v3, v2;
	v4 =	vadd.s32 v1, v4;
	_ =	sdelay $0x1  }
0x33: {  	v3 =	vadd.s32 v1, v3;
	_ =	sdelay $0x1  }
0x34: {  	s22 =	simm.s32 $0x1100  }
0x35: {  	[tilespmem:s22], [sflag:$0x1] =	stream.indirect_vreg.gather [hbm4b:s3+s2], $0x80, v4, vm0, $0xb8;
	[tilespmem:$0x10100] =	vst v63  }
0x36: {  	s23 =	simm.s32 $0x1900  }
0x37: {  	[tilespmem:s23], [sflag:$0x1] =	stream.indirect_vreg.gather [hbm4b:s3+s2], $0x80, v3, vm0, $0xb8;
	[tilespmem:$0x10100] =	vst v63  }
0x38: {  	v3 =	vld [tilespmem:$0x20];
	_ =	sdelay $0x4  }
0x39: {  	v58 =	vshll.u32 v3, $0x1  }
0x3a: {  	v3 =	vand.u32 $0x7, v3;
	v4 =	vand.u32 $0xFFFFFFF0, v58  }
0x3b: {  	v3 =	vor.u32 v3, v4  }
0x3c: {  	v4 =	vperm.xlane v3, v0;
	_ =	sdelay $0x1  }
0x3d: {  	v3 =	vperm.xlane v3, v2;
	v4 =	vadd.s32 v1, v4;
	_ =	sdelay $0x1  }
0x3e: {  	v3 =	vadd.s32 v1, v3;
	_ =	sdelay $0x1  }
0x3f: {  	s24 =	simm.s32 $0x2100  }
0x40: {  	[tilespmem:s24], [sflag:$0x1] =	stream.indirect_vreg.gather [hbm4b:s3+s2], $0x80, v4, vm0, $0xb8;
	[tilespmem:$0x10100] =	vst v63  }
0x41: {  	s22 =	simm.s32 $0x2900  }
0x42: {  	[tilespmem:s22], [sflag:$0x1] =	stream.indirect_vreg.gather [hbm4b:s3+s2], $0x80, v3, vm0, $0xb8;
	[tilespmem:$0x10100] =	vst v63  }
0x43: {  	v3 =	vld [tilespmem:$0x30];
	_ =	sdelay $0x4  }
0x44: {  	v59 =	vshll.u32 v3, $0x1  }
0x45: {  	v3 =	vand.u32 $0x7, v3;
	v4 =	vand.u32 $0xFFFFFFF0, v59  }
0x46: {  	v3 =	vor.u32 v3, v4  }
0x47: {  	v4 =	vperm.xlane v3, v0;
	_ =	sdelay $0x1  }
0x48: {  	v3 =	vperm.xlane v3, v2;
	v4 =	vadd.s32 v1, v4;
	_ =	sdelay $0x1  }
0x49: {  	v3 =	vadd.s32 v1, v3;
	_ =	sdelay $0x1  }
0x4a: {  	s23 =	simm.s32 $0x3100  }
0x4b: {  	[tilespmem:s23], [sflag:$0x1] =	stream.indirect_vreg.gather [hbm4b:s3+s2], $0x80, v4, vm0, $0xb8;
	[tilespmem:$0x10100] =	vst v63  }
0x4c: {  	s24 =	simm.s32 $0x3900  }
0x4d: {  	[tilespmem:s24], [sflag:$0x1] =	stream.indirect_vreg.gather [hbm4b:s3+s2], $0x80, v3, vm0, $0xb8;
	[tilespmem:$0x10100] =	vst v63  }
0x4e: {  	v3 =	vld [tilespmem:$0x40];
	_ =	sdelay $0x4  }
0x4f: {  	v60 =	vshll.u32 v3, $0x1  }
0x50: {  	v3 =	vand.u32 $0x7, v3;
	v4 =	vand.u32 $0xFFFFFFF0, v60  }
0x51: {  	v3 =	vor.u32 v3, v4  }
0x52: {  	v4 =	vperm.xlane v3, v0;
	_ =	sdelay $0x1  }
0x53: {  	v3 =	vperm.xlane v3, v2;
	v4 =	vadd.s32 v1, v4;
	_ =	sdelay $0x1  }
0x54: {  	v3 =	vadd.s32 v1, v3;
	_ =	sdelay $0x1  }
0x55: {  	s22 =	simm.s32 $0x4100  }
0x56: {  	[tilespmem:s22], [sflag:$0x1] =	stream.indirect_vreg.gather [hbm4b:s3+s2], $0x80, v4, vm0, $0xb8;
	[tilespmem:$0x10100] =	vst v63  }
0x57: {  	s23 =	simm.s32 $0x4900  }
0x58: {  	[tilespmem:s23], [sflag:$0x1] =	stream.indirect_vreg.gather [hbm4b:s3+s2], $0x80, v3, vm0, $0xb8;
	[tilespmem:$0x10100] =	vst v63  }
0x59: {  	v3 =	vld [tilespmem:$0x50];
	_ =	sdelay $0x4  }
0x5a: {  	v61 =	vshll.u32 v3, $0x1  }
0x5b: {  	v3 =	vand.u32 $0x7, v3;
	v4 =	vand.u32 $0xFFFFFFF0, v61  }
0x5c: {  	v3 =	vor.u32 v3, v4  }
0x5d: {  	v4 =	vperm.xlane v3, v0;
	_ =	sdelay $0x1  }
0x5e: {  	v3 =	vperm.xlane v3, v2;
	v4 =	vadd.s32 v1, v4;
	_ =	sdelay $0x1  }
0x5f: {  	v3 =	vadd.s32 v1, v3;
	_ =	sdelay $0x1  }
0x60: {  	s24 =	simm.s32 $0x5100  }
0x61: {  	[tilespmem:s24], [sflag:$0x1] =	stream.indirect_vreg.gather [hbm4b:s3+s2], $0x80, v4, vm0, $0xb8;
	[tilespmem:$0x10100] =	vst v63  }
0x62: {  	s22 =	simm.s32 $0x5900  }
0x63: {  	[tilespmem:s22], [sflag:$0x1] =	stream.indirect_vreg.gather [hbm4b:s3+s2], $0x80, v3, vm0, $0xb8;
	[tilespmem:$0x10100] =	vst v63  }
0x64: {  	v3 =	vld [tilespmem:$0x60];
	_ =	sdelay $0x4  }
0x65: {  	v62 =	vshll.u32 v3, $0x1  }
0x66: {  	v3 =	vand.u32 $0x7, v3;
	v4 =	vand.u32 $0xFFFFFFF0, v62  }
0x67: {  	v3 =	vor.u32 v3, v4  }
0x68: {  	v4 =	vperm.xlane v3, v0;
	_ =	sdelay $0x1  }
0x69: {  	v3 =	vperm.xlane v3, v2;
	v4 =	vadd.s32 v1, v4;
	_ =	sdelay $0x1  }
0x6a: {  	v3 =	vadd.s32 v1, v3;
	_ =	sdelay $0x1  }
0x6b: {  	s23 =	simm.s32 $0x6100  }
0x6c: {  	[tilespmem:s23], [sflag:$0x1] =	stream.indirect_vreg.gather [hbm4b:s3+s2], $0x80, v4, vm0, $0xb8;
	[tilespmem:$0x10100] =	vst v63  }
0x6d: {  	s24 =	simm.s32 $0x6900  }
0x6e: {  	[tilespmem:s24], [sflag:$0x1] =	stream.indirect_vreg.gather [hbm4b:s3+s2], $0x80, v3, vm0, $0xb8;
	[tilespmem:$0x10100] =	vst v63  }
0x6f: {  	v3 =	vld [tilespmem:$0x70];
	_ =	sdelay $0x4  }
0x70: {  	v63 =	vshll.u32 v3, $0x1  }
0x71: {  	v3 =	vand.u32 $0x7, v3;
	v4 =	vand.u32 $0xFFFFFFF0, v63  }
0x72: {  	v3 =	vor.u32 v3, v4  }
0x73: {  	v4 =	vperm.xlane v3, v0;
	_ =	sdelay $0x1  }
0x74: {  	v3 =	vperm.xlane v3, v2;
	v4 =	vadd.s32 v1, v4;
	_ =	sdelay $0x1  }
0x75: {  	v3 =	vadd.s32 v1, v3  }
.Ltmp2:
0x76: {  	_ = 	snop;
	(pc) =	sbr.rel .LBB2_2-.Ltmp2, $4  }
0x77: {  	s21 =	rddreg [dreg:$0x6]  }
0x78: {  	[tilespmem:s25], [sflag:$0x1] =	stream.indirect_vreg.gather [hbm4b:s3+s2], $0x80, v4, vm0, $0xb8;
	[tilespmem:$0x10100] =	vst v63  }
0x79: {  	s22 =	rddreg [dreg:$0x5];
	s23 =	simm.s32 $0x0  }
0x7a: {  	[tilespmem:s26], [sflag:$0x1] =	stream.indirect_vreg.gather [hbm4b:s3+s2], $0x80, v3, vm0, $0xb8;
	[tilespmem:$0x10100] =	vst v63  }
.LBB2_4:
0x7b: {  	_ =	swait.ge [sflag:s20], $0x8000;
	s24 =	sadd.s32 s23, s8;
	s23 =	sadd.s32 $0x2000, s23  }
0x7c: {  	[sflag:s20] =	ssyncset.done $0x0;
	p0 =	sne.s32 s23, $0xA000  }
.Ltmp3:
0x7d: {  	[sflag:s20] =	ssyncadd.s32 $0xFFFF8000;
	(pc) =	sbr.rel @!p0 .LBB2_5-.Ltmp3, $4  }
0x7e: {  	[hbm4b:s24+s2] =	stream.linear.scatter [tilespmem:s29], [sflag:$0x3], $0x8000, $0x38;
	[tilespmem:$0x10100] =	vst v63  }
0x7f: {  	_ =	swait.ge [sflag:s10], $0x8000  }
0x80: {  	[sflag:s10] =	ssyncset.done $0x0  }
0x81: {  	s22 =	sadd.s32 $0x20, s22;
	s21 =	sadd.s32 $0x20, s21;
	[sflag:s10] =	ssyncadd.s32 $0xFFFF8000  }
.LBB2_2:
0x82: {  	[tilespmem:s28], [sflag:$0x3] =	stream.linear.gather [hbm4b:s21+s2], $0x80, $0x38;
	[tilespmem:$0x10100] =	vst v63  }
0x83: {  	_ =	swait.ge [sflag:s10], $0x80  }
0x84: {  	[sflag:s10] =	ssyncset.done $0x0  }
0x85: {  	[sflag:s10] =	ssyncadd.s32 $0xFFFFFF80  }
0x86: {  	v3 =	vld [tilespmem:$0x80];
	_ =	sdelay $0x4  }
0x87: {  	v4 =	vshll.u32 v3, $0x1  }
0x88: {  	v3 =	vand.u32 $0x7, v3;
	v4 =	vand.u32 $0xFFFFFFF0, v4  }
0x89: {  	v3 =	vor.u32 v3, v4  }
0x8a: {  	v4 =	vperm.xlane v3, v0;
	_ =	sdelay $0x1  }
0x8b: {  	v3 =	vperm.xlane v3, v2;
	v4 =	vadd.s32 v1, v4;
	_ =	sdelay $0x1  }
0x8c: {  	v3 =	vadd.s32 v1, v3;
	_ =	sdelay $0x2  }
0x8d: {  	[tilespmem:s29], [sflag:$0x2] =	stream.indirect_vreg.gather [hbm4b:s3+s2], $0x80, v4, vm0, $0xb8;
	[tilespmem:$0x10100] =	vst v63  }
0x8e: {  	_ = 	snop  }
0x8f: {  	[tilespmem:s30], [sflag:$0x2] =	stream.indirect_vreg.gather [hbm4b:s3+s2], $0x80, v3, vm0, $0xb8;
	[tilespmem:$0x10100] =	vst v63  }
0x90: {  	v3 =	vld [tilespmem:$0x90];
	_ =	sdelay $0x4  }
0x91: {  	v57 =	vshll.u32 v3, $0x1  }
0x92: {  	v3 =	vand.u32 $0x7, v3;
	v4 =	vand.u32 $0xFFFFFFF0, v57  }
0x93: {  	v3 =	vor.u32 v3, v4  }
0x94: {  	v4 =	vperm.xlane v3, v0;
	_ =	sdelay $0x1  }
0x95: {  	v3 =	vperm.xlane v3, v2;
	v4 =	vadd.s32 v1, v4;
	_ =	sdelay $0x1  }
0x96: {  	v3 =	vadd.s32 v1, v3;
	_ =	sdelay $0x2  }
0x97: {  	[tilespmem:s31], [sflag:$0x2] =	stream.indirect_vreg.gather [hbm4b:s3+s2], $0x80, v4, vm0, $0xb8;
	[tilespmem:$0x10100] =	vst v63  }
0x98: {  	_ = 	snop  }
0x99: {  	[tilespmem:s1], [sflag:$0x2] =	stream.indirect_vreg.gather [hbm4b:s3+s2], $0x80, v3, vm0, $0xb8;
	[tilespmem:$0x10100] =	vst v63  }
0x9a: {  	v3 =	vld [tilespmem:$0xA0];
	_ =	sdelay $0x4  }
0x9b: {  	v58 =	vshll.u32 v3, $0x1  }
0x9c: {  	v3 =	vand.u32 $0x7, v3;
	v4 =	vand.u32 $0xFFFFFFF0, v58  }
0x9d: {  	v3 =	vor.u32 v3, v4  }
0x9e: {  	v4 =	vperm.xlane v3, v0;
	_ =	sdelay $0x1  }
0x9f: {  	v3 =	vperm.xlane v3, v2;
	v4 =	vadd.s32 v1, v4;
	_ =	sdelay $0x1  }
0xa0: {  	v3 =	vadd.s32 v1, v3;
	_ =	sdelay $0x2  }
0xa1: {  	[tilespmem:s0], [sflag:$0x2] =	stream.indirect_vreg.gather [hbm4b:s3+s2], $0x80, v4, vm0, $0xb8;
	[tilespmem:$0x10100] =	vst v63  }
0xa2: {  	_ = 	snop  }
0xa3: {  	[tilespmem:s4], [sflag:$0x2] =	stream.indirect_vreg.gather [hbm4b:s3+s2], $0x80, v3, vm0, $0xb8;
	[tilespmem:$0x10100] =	vst v63  }
0xa4: {  	v3 =	vld [tilespmem:$0xB0];
	_ =	sdelay $0x4  }
0xa5: {  	v59 =	vshll.u32 v3, $0x1  }
0xa6: {  	v3 =	vand.u32 $0x7, v3;
	v4 =	vand.u32 $0xFFFFFFF0, v59  }
0xa7: {  	v3 =	vor.u32 v3, v4  }
0xa8: {  	v4 =	vperm.xlane v3, v0;
	_ =	sdelay $0x1  }
0xa9: {  	v3 =	vperm.xlane v3, v2;
	v4 =	vadd.s32 v1, v4;
	_ =	sdelay $0x1  }
0xaa: {  	v3 =	vadd.s32 v1, v3;
	_ =	sdelay $0x2  }
0xab: {  	[tilespmem:s5], [sflag:$0x2] =	stream.indirect_vreg.gather [hbm4b:s3+s2], $0x80, v4, vm0, $0xb8;
	[tilespmem:$0x10100] =	vst v63  }
0xac: {  	_ = 	snop  }
0xad: {  	[tilespmem:s7], [sflag:$0x2] =	stream.indirect_vreg.gather [hbm4b:s3+s2], $0x80, v3, vm0, $0xb8;
	[tilespmem:$0x10100] =	vst v63  }
0xae: {  	v3 =	vld [tilespmem:$0xC0];
	_ =	sdelay $0x4  }
0xaf: {  	v60 =	vshll.u32 v3, $0x1  }
0xb0: {  	v3 =	vand.u32 $0x7, v3;
	v4 =	vand.u32 $0xFFFFFFF0, v60  }
0xb1: {  	v3 =	vor.u32 v3, v4  }
0xb2: {  	v4 =	vperm.xlane v3, v0;
	_ =	sdelay $0x1  }
0xb3: {  	v3 =	vperm.xlane v3, v2;
	v4 =	vadd.s32 v1, v4;
	_ =	sdelay $0x1  }
0xb4: {  	v3 =	vadd.s32 v1, v3;
	_ =	sdelay $0x2  }
0xb5: {  	[tilespmem:s9], [sflag:$0x2] =	stream.indirect_vreg.gather [hbm4b:s3+s2], $0x80, v4, vm0, $0xb8;
	[tilespmem:$0x10100] =	vst v63  }
0xb6: {  	_ = 	snop  }
0xb7: {  	[tilespmem:s12], [sflag:$0x2] =	stream.indirect_vreg.gather [hbm4b:s3+s2], $0x80, v3, vm0, $0xb8;
	[tilespmem:$0x10100] =	vst v63  }
0xb8: {  	v3 =	vld [tilespmem:$0xD0];
	_ =	sdelay $0x4  }
0xb9: {  	v61 =	vshll.u32 v3, $0x1  }
0xba: {  	v3 =	vand.u32 $0x7, v3;
	v4 =	vand.u32 $0xFFFFFFF0, v61  }
0xbb: {  	v3 =	vor.u32 v3, v4  }
0xbc: {  	v4 =	vperm.xlane v3, v0;
	_ =	sdelay $0x1  }
0xbd: {  	v3 =	vperm.xlane v3, v2;
	v4 =	vadd.s32 v1, v4;
	_ =	sdelay $0x1  }
0xbe: {  	v3 =	vadd.s32 v1, v3;
	_ =	sdelay $0x2  }
0xbf: {  	[tilespmem:s13], [sflag:$0x2] =	stream.indirect_vreg.gather [hbm4b:s3+s2], $0x80, v4, vm0, $0xb8;
	[tilespmem:$0x10100] =	vst v63  }
0xc0: {  	_ = 	snop  }
0xc1: {  	[tilespmem:s14], [sflag:$0x2] =	stream.indirect_vreg.gather [hbm4b:s3+s2], $0x80, v3, vm0, $0xb8;
	[tilespmem:$0x10100] =	vst v63  }
0xc2: {  	v3 =	vld [tilespmem:$0xE0];
	_ =	sdelay $0x4  }
0xc3: {  	v62 =	vshll.u32 v3, $0x1  }
0xc4: {  	v3 =	vand.u32 $0x7, v3;
	v4 =	vand.u32 $0xFFFFFFF0, v62  }
0xc5: {  	v3 =	vor.u32 v3, v4  }
0xc6: {  	v4 =	vperm.xlane v3, v0;
	_ =	sdelay $0x1  }
0xc7: {  	v3 =	vperm.xlane v3, v2;
	v4 =	vadd.s32 v1, v4;
	_ =	sdelay $0x1  }
0xc8: {  	v3 =	vadd.s32 v1, v3;
	_ =	sdelay $0x2  }
0xc9: {  	[tilespmem:s15], [sflag:$0x2] =	stream.indirect_vreg.gather [hbm4b:s3+s2], $0x80, v4, vm0, $0xb8;
	[tilespmem:$0x10100] =	vst v63  }
0xca: {  	_ = 	snop  }
0xcb: {  	[tilespmem:s16], [sflag:$0x2] =	stream.indirect_vreg.gather [hbm4b:s3+s2], $0x80, v3, vm0, $0xb8;
	[tilespmem:$0x10100] =	vst v63  }
0xcc: {  	v3 =	vld [tilespmem:$0xF0];
	_ =	sdelay $0x4  }
0xcd: {  	v63 =	vshll.u32 v3, $0x1  }
0xce: {  	v3 =	vand.u32 $0x7, v3;
	v4 =	vand.u32 $0xFFFFFFF0, v63  }
0xcf: {  	v3 =	vor.u32 v3, v4  }
0xd0: {  	v4 =	vperm.xlane v3, v0;
	_ =	sdelay $0x1  }
0xd1: {  	v3 =	vperm.xlane v3, v2;
	v4 =	vadd.s32 v1, v4;
	_ =	sdelay $0x1  }
0xd2: {  	v3 =	vadd.s32 v1, v3;
	_ =	sdelay $0x2  }
0xd3: {  	[tilespmem:s17], [sflag:$0x2] =	stream.indirect_vreg.gather [hbm4b:s3+s2], $0x80, v4, vm0, $0xb8;
	[tilespmem:$0x10100] =	vst v63  }
0xd4: {  	_ = 	snop  }
0xd5: {  	[tilespmem:s18], [sflag:$0x2] =	stream.indirect_vreg.gather [hbm4b:s3+s2], $0x80, v3, vm0, $0xb8;
	[tilespmem:$0x10100] =	vst v63  }
0xd6: {  	_ =	swait.ge [sflag:s19], $0x8000  }
0xd7: {  	p0 =	seq.s32 s23, $0x8000;
	[sflag:s19] =	ssyncset.done $0x0  }
.Ltmp4:
0xd8: {  	s24 =	sadd.s32 s23, s6;
	[sflag:s19] =	ssyncadd.s32 $0xFFFF8000;
	(pc) =	sbr.rel @p0 .LBB2_4-.Ltmp4, $4  }
0xd9: {  	[hbm4b:s24+s2] =	stream.linear.scatter [tilespmem:s11], [sflag:$0x3], $0x8000, $0x38;
	[tilespmem:$0x10100] =	vst v63  }
0xda: {  	_ =	swait.ge [sflag:s10], $0x8000  }
0xdb: {  	[sflag:s10] =	ssyncset.done $0x0  }
0xdc: {  	[sflag:s10] =	ssyncadd.s32 $0xFFFF8000  }
0xdd: {  	[tilespmem:s2], [sflag:$0x3] =	stream.linear.gather [hbm4b:s22+s2], $0x80, $0x38;
	[tilespmem:$0x10100] =	vst v63  }
0xde: {  	_ =	swait.ge [sflag:s10], $0x80  }
0xdf: {  	[sflag:s10] =	ssyncset.done $0x0  }
0xe0: {  	[sflag:s10] =	ssyncadd.s32 $0xFFFFFF80  }
0xe1: {  	v3 =	vld [tilespmem:$0x0];
	_ =	sdelay $0x4  }
0xe2: {  	v4 =	vshll.u32 v3, $0x1  }
0xe3: {  	v3 =	vand.u32 $0x7, v3;
	v4 =	vand.u32 $0xFFFFFFF0, v4  }
0xe4: {  	v3 =	vor.u32 v3, v4  }
0xe5: {  	v4 =	vperm.xlane v3, v0;
	_ =	sdelay $0x1  }
0xe6: {  	v3 =	vperm.xlane v3, v2;
	v4 =	vadd.s32 v1, v4;
	_ =	sdelay $0x1  }
0xe7: {  	v3 =	vadd.s32 v1, v3;
	_ =	sdelay $0x2  }
0xe8: {  	[tilespmem:s11], [sflag:$0x1] =	stream.indirect_vreg.gather [hbm4b:s3+s2], $0x80, v4, vm0, $0xb8;
	[tilespmem:$0x10100] =	vst v63  }
0xe9: {  	s24 =	simm.s32 $0x900  }
0xea: {  	[tilespmem:s24], [sflag:$0x1] =	stream.indirect_vreg.gather [hbm4b:s3+s2], $0x80, v3, vm0, $0xb8;
	[tilespmem:$0x10100] =	vst v63  }
0xeb: {  	v3 =	vld [tilespmem:$0x10];
	_ =	sdelay $0x4  }
0xec: {  	v57 =	vshll.u32 v3, $0x1  }
0xed: {  	v3 =	vand.u32 $0x7, v3;
	v4 =	vand.u32 $0xFFFFFFF0, v57  }
0xee: {  	v3 =	vor.u32 v3, v4  }
0xef: {  	v4 =	vperm.xlane v3, v0;
	_ =	sdelay $0x1  }
0xf0: {  	v3 =	vperm.xlane v3, v2;
	v4 =	vadd.s32 v1, v4;
	_ =	sdelay $0x1  }
0xf1: {  	v3 =	vadd.s32 v1, v3;
	_ =	sdelay $0x1  }
0xf2: {  	s24 =	simm.s32 $0x1100  }
0xf3: {  	[tilespmem:s24], [sflag:$0x1] =	stream.indirect_vreg.gather [hbm4b:s3+s2], $0x80, v4, vm0, $0xb8;
	[tilespmem:$0x10100] =	vst v63  }
0xf4: {  	s24 =	simm.s32 $0x1900  }
0xf5: {  	[tilespmem:s24], [sflag:$0x1] =	stream.indirect_vreg.gather [hbm4b:s3+s2], $0x80, v3, vm0, $0xb8;
	[tilespmem:$0x10100] =	vst v63  }
0xf6: {  	v3 =	vld [tilespmem:$0x20];
	_ =	sdelay $0x4  }
0xf7: {  	v58 =	vshll.u32 v3, $0x1  }
0xf8: {  	v3 =	vand.u32 $0x7, v3;
	v4 =	vand.u32 $0xFFFFFFF0, v58  }
0xf9: {  	v3 =	vor.u32 v3, v4  }
0xfa: {  	v4 =	vperm.xlane v3, v0;
	_ =	sdelay $0x1  }
0xfb: {  	v3 =	vperm.xlane v3, v2;
	v4 =	vadd.s32 v1, v4;
	_ =	sdelay $0x1  }
0xfc: {  	v3 =	vadd.s32 v1, v3;
	_ =	sdelay $0x1  }
0xfd: {  	s24 =	simm.s32 $0x2100  }
0xfe: {  	[tilespmem:s24], [sflag:$0x1] =	stream.indirect_vreg.gather [hbm4b:s3+s2], $0x80, v4, vm0, $0xb8;
	[tilespmem:$0x10100] =	vst v63  }
0xff: {  	s24 =	simm.s32 $0x2900  }
0x100: {  	[tilespmem:s24], [sflag:$0x1] =	stream.indirect_vreg.gather [hbm4b:s3+s2], $0x80, v3, vm0, $0xb8;
	[tilespmem:$0x10100] =	vst v63  }
0x101: {  	v3 =	vld [tilespmem:$0x30];
	_ =	sdelay $0x4  }
0x102: {  	v59 =	vshll.u32 v3, $0x1  }
0x103: {  	v3 =	vand.u32 $0x7, v3;
	v4 =	vand.u32 $0xFFFFFFF0, v59  }
0x104: {  	v3 =	vor.u32 v3, v4  }
0x105: {  	v4 =	vperm.xlane v3, v0;
	_ =	sdelay $0x1  }
0x106: {  	v3 =	vperm.xlane v3, v2;
	v4 =	vadd.s32 v1, v4;
	_ =	sdelay $0x1  }
0x107: {  	v3 =	vadd.s32 v1, v3;
	_ =	sdelay $0x1  }
0x108: {  	s24 =	simm.s32 $0x3100  }
0x109: {  	[tilespmem:s24], [sflag:$0x1] =	stream.indirect_vreg.gather [hbm4b:s3+s2], $0x80, v4, vm0, $0xb8;
	[tilespmem:$0x10100] =	vst v63  }
0x10a: {  	s24 =	simm.s32 $0x3900  }
0x10b: {  	[tilespmem:s24], [sflag:$0x1] =	stream.indirect_vreg.gather [hbm4b:s3+s2], $0x80, v3, vm0, $0xb8;
	[tilespmem:$0x10100] =	vst v63  }
0x10c: {  	v3 =	vld [tilespmem:$0x40];
	_ =	sdelay $0x4  }
0x10d: {  	v60 =	vshll.u32 v3, $0x1  }
0x10e: {  	v3 =	vand.u32 $0x7, v3;
	v4 =	vand.u32 $0xFFFFFFF0, v60  }
0x10f: {  	v3 =	vor.u32 v3, v4  }
0x110: {  	v4 =	vperm.xlane v3, v0;
	_ =	sdelay $0x1  }
0x111: {  	v3 =	vperm.xlane v3, v2;
	v4 =	vadd.s32 v1, v4;
	_ =	sdelay $0x1  }
0x112: {  	v3 =	vadd.s32 v1, v3;
	_ =	sdelay $0x1  }
0x113: {  	s24 =	simm.s32 $0x4100  }
0x114: {  	[tilespmem:s24], [sflag:$0x1] =	stream.indirect_vreg.gather [hbm4b:s3+s2], $0x80, v4, vm0, $0xb8;
	[tilespmem:$0x10100] =	vst v63  }
0x115: {  	s24 =	simm.s32 $0x4900  }
0x116: {  	[tilespmem:s24], [sflag:$0x1] =	stream.indirect_vreg.gather [hbm4b:s3+s2], $0x80, v3, vm0, $0xb8;
	[tilespmem:$0x10100] =	vst v63  }
0x117: {  	v3 =	vld [tilespmem:$0x50];
	_ =	sdelay $0x4  }
0x118: {  	v61 =	vshll.u32 v3, $0x1  }
0x119: {  	v3 =	vand.u32 $0x7, v3;
	v4 =	vand.u32 $0xFFFFFFF0, v61  }
0x11a: {  	v3 =	vor.u32 v3, v4  }
0x11b: {  	v4 =	vperm.xlane v3, v0;
	_ =	sdelay $0x1  }
0x11c: {  	v3 =	vperm.xlane v3, v2;
	v4 =	vadd.s32 v1, v4;
	_ =	sdelay $0x1  }
0x11d: {  	v3 =	vadd.s32 v1, v3;
	_ =	sdelay $0x1  }
0x11e: {  	s24 =	simm.s32 $0x5100  }
0x11f: {  	[tilespmem:s24], [sflag:$0x1] =	stream.indirect_vreg.gather [hbm4b:s3+s2], $0x80, v4, vm0, $0xb8;
	[tilespmem:$0x10100] =	vst v63  }
0x120: {  	s24 =	simm.s32 $0x5900  }
0x121: {  	[tilespmem:s24], [sflag:$0x1] =	stream.indirect_vreg.gather [hbm4b:s3+s2], $0x80, v3, vm0, $0xb8;
	[tilespmem:$0x10100] =	vst v63  }
0x122: {  	v3 =	vld [tilespmem:$0x60];
	_ =	sdelay $0x4  }
0x123: {  	v62 =	vshll.u32 v3, $0x1  }
0x124: {  	v3 =	vand.u32 $0x7, v3;
	v4 =	vand.u32 $0xFFFFFFF0, v62  }
0x125: {  	v3 =	vor.u32 v3, v4  }
0x126: {  	v4 =	vperm.xlane v3, v0;
	_ =	sdelay $0x1  }
0x127: {  	v3 =	vperm.xlane v3, v2;
	v4 =	vadd.s32 v1, v4;
	_ =	sdelay $0x1  }
0x128: {  	v3 =	vadd.s32 v1, v3;
	_ =	sdelay $0x1  }
0x129: {  	s24 =	simm.s32 $0x6100  }
0x12a: {  	[tilespmem:s24], [sflag:$0x1] =	stream.indirect_vreg.gather [hbm4b:s3+s2], $0x80, v4, vm0, $0xb8;
	[tilespmem:$0x10100] =	vst v63  }
0x12b: {  	s24 =	simm.s32 $0x6900  }
0x12c: {  	[tilespmem:s24], [sflag:$0x1] =	stream.indirect_vreg.gather [hbm4b:s3+s2], $0x80, v3, vm0, $0xb8;
	[tilespmem:$0x10100] =	vst v63  }
0x12d: {  	v3 =	vld [tilespmem:$0x70];
	_ =	sdelay $0x4  }
0x12e: {  	v63 =	vshll.u32 v3, $0x1  }
0x12f: {  	v3 =	vand.u32 $0x7, v3;
	v4 =	vand.u32 $0xFFFFFFF0, v63  }
0x130: {  	v3 =	vor.u32 v3, v4  }
0x131: {  	v4 =	vperm.xlane v3, v0;
	_ =	sdelay $0x1  }
0x132: {  	v3 =	vperm.xlane v3, v2;
	v4 =	vadd.s32 v1, v4;
	_ =	sdelay $0x1  }
0x133: {  	v3 =	vadd.s32 v1, v3  }
.Ltmp5:
0x134: {  	_ = 	snop;
	(pc) =	sbr.rel .LBB2_4-.Ltmp5, $4  }
0x135: {  	_ = 	snop  }
0x136: {  	[tilespmem:s25], [sflag:$0x1] =	stream.indirect_vreg.gather [hbm4b:s3+s2], $0x80, v4, vm0, $0xb8;
	[tilespmem:$0x10100] =	vst v63  }
0x137: {  	_ = 	snop  }
0x138: {  	[tilespmem:s26], [sflag:$0x1] =	stream.indirect_vreg.gather [hbm4b:s3+s2], $0x80, v3, vm0, $0xb8;
	[tilespmem:$0x10100] =	vst v63  }
.LBB2_6:
0x139: {  	_ =	sfence.sel $0x180000  }
0x13a: {  	[bflag:$0x0] =	sbarrier.arrive $0xFFFF  }
0x13b: {  	_ =	strace $0x90000053  }
0x13c: {  	s0 =	stileid.u32;
	[bflag:$0x2] =	sbarrier.arrive $0xFFFF  }
0x13d: {  	p0 =	sne.s32 s0, $0x0;
	s0 =	rddreg [dreg:$0x2]  }
0x13e: {  	s0 =	sadd.s32 @!p0 $0x100000, s0  }
0x13f: {  	[sflag:s0] =	ssyncadd.tile.s32 @!p0 $0x1;
	_ =	shalt  }
.Lfunc_end2:
_tile_overlayer_lowered:
.L_overlay_start_2:
0x140: {  	(tag) =	ssettag $0x2  }
0x141: {  	s0 =	rddreg [dreg:$0x0];
	s2 =	stileid.u32  }
0x142: {  	s1 =	rddreg [dreg:$0x1];
	p0 =	sne.s32 s2, $0x0  }
0x143: {  	s3 =	rddreg [dreg:$0x2];
	[bflag:$0x3] =	sbarrier.arrive $0xFFFF;
	s2 =	simm.s32 @!p0 $0x1C03  }
0x144: {  	[timem:s3], [sflag:s2] =	dma.local @!p0 [hbm:s0], s1  }
0x145: {  	s0 =	simm.s32 @!p0 $0x3  }
0x146: {  	_ =	swait.ge @!p0 [sflag:s0], s1  }
0x147: {  	s1 =	ssub.s32 @!p0 $0x0, s1;
	[sflag:s0] =	ssyncset.done @!p0 $0x0  }
0x148: {  	[sflag:s0] =	ssyncadd.s32 @!p0 s1  }
0x149: {  	[bflag:$0x3] =	sbarrier.arrive $0xFFFF  }
0x14a: {  	_ =	shalt  }

// kernel: kernel.30.cloned.1.call-start
scs
__scs_entry_jumppad:
0x0: {  	(pc) =	sbr.rel $0x88, $3  }
0x1: {  	(tag) =	ssettag $0x0;
	lr =	simm.s32 $0x1  }
0x2: {  	[smem:$0x3F8D] =	sst lr;
	_ =	strace $0xD0000000  }
0x3: {  	_ = 	snop  }
0x4: {  	_ = 	snop  }
0x5: {  	_ = 	snop  }
0x6: {  	_ = 	snop  }
0x7: {  	_ = 	snop  }
__scs_overlays_trampoline_lowered:
0x8: {  	[smem:$0x3F9C] =	sst s0  }
0x9: {  	[smem:$0x3F9D] =	sst s1  }
0xa: {  	[smem:$0x3F9E] =	sst s2  }
0xb: {  	[smem:$0x3F9F] =	sst s3  }
0xc: {  	[smem:$0x3FA0] =	sst s4  }
0xd: {  	[smem:$0x3FA1] =	sst s5  }
0xe: {  	[smem:$0x3FA2] =	sst s6  }
0xf: {  	[smem:$0x3FA3] =	sst s7  }
0x10: {  	[smem:$0x3FA4] =	sst s8  }
0x11: {  	[smem:$0x3FA5] =	sst s9;
	s0 =	simm.s32 @!p0 $0x0  }
0x12: {  	s1 =	sld [smem:$0x3F8B];
	s0 =	simm.s32 @p0 $0x1  }
0x13: {  	[smem:$0x3FA6] =	sst s0;
	s0 =	simm.s32 @!p1 $0x0  }
0x14: {  	s2 =	sld [smem:$0x3F8A];
	s0 =	simm.s32 @p1 $0x1  }
0x15: {  	[smem:$0x3FA7] =	sst s0;
	s0 =	simm.s32 @!p2 $0x0  }
0x16: {  	s3 =	sld [smem:$0x3FDB];
	s0 =	simm.s32 @p2 $0x1  }
0x17: {  	s4 =	simm.s32 $0x1BF5;
	[smem:$0x3FA9] =	sst s0  }
0x18: {  	s0 =	sld [smem:$0x3F8C];
	_ =	swait.ge [sflag:s4], $0x0  }
0x19: {  	s7 =	sld [smem:$0x3F8D]  }
0x1a: {  	s8 =	sadd.s32 $0xFFFFE003, lr  }
0x1b: {  	s9 =	sadd.s32 $0xFFFFFEF7, lr;
	s5 =	simm.s32 $0xFFFFFFFF;
	p2 =	slt.u32 s8, $0xFFFFF086  }
0x1c: {  	p1 =	slt.u32 s9, $0xF7A;
	s5 =	simm.s32 @!p2 $0x0  }
0x1d: {  	s5 =	simm.s32 @p1 $0x1;
	p0 =	seq.s32 s7, s2  }
0x1e: {  	s7 =	smul.u32 @!p0 $0xF7A, s2;
	p2 =	seq.s32 @!p0 s5, $0x0  }
0x1f: {  	s9 =	smul.u32 $0xF7A, s1;
	s8 =	simm.s32 @!p0 $0x1BF5;
	p2 =	por !p2, p0  }
0x20: {  	[sflag:s8] =	ssyncset.s32 @!p0 $0xFFFFF086;
	s6 =	sadd.s32 @!p0 s3, s7;
	s7 =	simm.s32 @!p0 $0x108  }
0x21: {  	s3 =	sadd.s32 s3, s9;
	s6 =	sadd.s32 @!p0 $0x88, s6;
	s7 =	simm.s32 @p2 $0x1082  }
0x22: {  	[simem:s7], [sflag:s8] =	dma.local @!p0 [hbm:s6], $0xF7A  }
0x23: {  	s9 =	sor.u32 $0xD0000000, s2;
	s6 =	simm.s32 $0x108;
	_ =	swait.ge @!p0 [sflag:s8], $0x0  }
0x24: {  	s3 =	sadd.s32 $0x88, s3;
	s6 =	simm.s32 @!p1 $0x1082;
	[sflag:s4] =	ssyncset.s32 $0xFFFFF086  }
0x25: {  	[simem:s6], [sflag:s4] =	dma.local [hbm:s3], $0xF7A  }
0x26: {  	[smem:$0x3F8D] =	sst s1;
	(tag) =	ssettag s2;
	_ =	strace s9  }
0x27: {  	s1 =	sld [smem:$0x3F9D]  }
0x28: {  	s2 =	sld [smem:$0x3F9E]  }
0x29: {  	s4 =	sld [smem:$0x3FA0]  }
0x2a: {  	p0 =	seq.s32 s5, $0x0;
	s5 =	sld [smem:$0x3FA1]  }
0x2b: {  	s6 =	sld [smem:$0x3FA2]  }
0x2c: {  	s7 =	sld [smem:$0x3FA3]  }
0x2d: {  	s3 =	simm.s32 $0x108;
	s8 =	sld [smem:$0x3FA4]  }
0x2e: {  	s3 =	simm.s32 @!p0 $0x1082;
	s9 =	sld [smem:$0x3FA5]  }
0x2f: {  	lr =	sadd.s32 s0, s3;
	s0 =	sld [smem:$0x3F9C]  }
0x30: {  	s3 =	sld [smem:$0x3F9F]  }
0x31: {  	[smem:$0x3FA8] =	sst s10  }
0x32: {  	s10 =	sld [smem:$0x3FA6];
	_ =	sdelay $0x3  }
0x33: {  	p0 =	seq.s32 s10, $0x1;
	s10 =	sld [smem:$0x3FA8];
	_ =	sdelay $0x3  }
0x34: {  	[smem:$0x3FA8] =	sst s10  }
0x35: {  	s10 =	sld [smem:$0x3FA7];
	_ =	sdelay $0x3  }
0x36: {  	p1 =	seq.s32 s10, $0x1;
	s10 =	sld [smem:$0x3FA8];
	_ =	sdelay $0x3  }
0x37: {  	[smem:$0x3FA8] =	sst s10  }
0x38: {  	s10 =	sld [smem:$0x3FA9]  }
0x39: {  	_ = 	snop;
	(pc) =	sbr.ind lr, $3  }
0x3a: {  	_ = 	snop  }
0x3b: {  	_ = 	snop  }
0x3c: {  	p2 =	seq.s32 s10, $0x1;
	s10 =	sld [smem:$0x3FA8]  }
0x3d: {  	_ =	shalt  }
0x3e: {  	_ =	shalt  }
0x3f: {  	_ =	shalt  }
0x40: {  	_ =	shalt  }
0x41: {  	_ =	shalt  }
0x42: {  	_ =	shalt  }
0x43: {  	_ =	shalt  }
0x44: {  	_ =	shalt  }
0x45: {  	_ =	shalt  }
0x46: {  	_ =	shalt  }
0x47: {  	_ =	shalt  }
0x48: {  	_ =	shalt  }
0x49: {  	_ =	shalt  }
0x4a: {  	_ =	shalt  }
0x4b: {  	_ =	shalt  }
0x4c: {  	_ =	shalt  }
0x4d: {  	_ =	shalt  }
0x4e: {  	_ =	shalt  }
0x4f: {  	_ =	shalt  }
0x50: {  	_ =	shalt  }
0x51: {  	_ =	shalt  }
0x52: {  	_ =	shalt  }
0x53: {  	_ =	shalt  }
0x54: {  	_ =	shalt  }
0x55: {  	_ =	shalt  }
0x56: {  	_ =	shalt  }
0x57: {  	_ =	shalt  }
0x58: {  	_ =	shalt  }
0x59: {  	_ =	shalt  }
0x5a: {  	_ =	shalt  }
0x5b: {  	_ =	shalt  }
0x5c: {  	_ =	shalt  }
0x5d: {  	_ =	shalt  }
0x5e: {  	_ =	shalt  }
0x5f: {  	_ =	shalt  }
0x60: {  	_ =	shalt  }
0x61: {  	_ =	shalt  }
0x62: {  	_ =	shalt  }
0x63: {  	_ =	shalt  }
0x64: {  	_ =	shalt  }
0x65: {  	_ =	shalt  }
0x66: {  	_ =	shalt  }
0x67: {  	_ =	shalt  }
0x68: {  	_ =	shalt  }
0x69: {  	_ =	shalt  }
0x6a: {  	_ =	shalt  }
0x6b: {  	_ =	shalt  }
0x6c: {  	_ =	shalt  }
0x6d: {  	_ =	shalt  }
0x6e: {  	_ =	shalt  }
0x6f: {  	_ =	shalt  }
0x70: {  	_ =	shalt  }
0x71: {  	_ =	shalt  }
0x72: {  	_ =	shalt  }
0x73: {  	_ =	shalt  }
0x74: {  	_ =	shalt  }
0x75: {  	_ =	shalt  }
0x76: {  	_ =	shalt  }
0x77: {  	_ =	shalt  }
0x78: {  	_ =	shalt  }
0x79: {  	_ =	shalt  }
0x7a: {  	_ =	shalt  }
0x7b: {  	_ =	shalt  }
0x7c: {  	_ =	shalt  }
0x7d: {  	_ =	shalt  }
0x7e: {  	_ =	shalt  }
0x7f: {  	_ =	shalt  }
0x80: {  	_ =	shalt  }
0x81: {  	_ =	shalt  }
0x82: {  	_ =	shalt  }
0x83: {  	_ =	shalt  }
0x84: {  	_ =	shalt  }
0x85: {  	_ =	shalt  }
0x86: {  	_ =	shalt  }
0x87: {  	_ =	shalt  }
.Lfunc_end0:
.L_simem_size_0:
called_computation.5_lowered:
.L_overlay_start_0:
0x88: {  	s2 =	sld [smem:$0x3FD9]  }
0x89: {  	s3 =	sld [smem:$0x3FFE];
	_ =	sdelay $0x1  }
0x8a: {  	s1 =	srdreg.scid  }
0x8b: {  	s0 =	sand.u32 $0x1, s1  }
0x8c: {  	s15 =	sshll.u32 s0, $0xA;
	s2 =	sadd.s32 s3, s2  }
0x8d: {  	s2 =	sadd.s32 s2, s15  }
0x8e: {  	[smem:$0x3FB4] =	sst s2  }
0x8f: {  	_ = 	snop  }
0x90: {  	s2 =	sld [smem:$0x3FD0];
	_ =	sdelay $0x2  }
0x91: {  	s16 =	simm.s32 $0xE;
	s4 =	simm.s32 $0x10  }
0x92: {  	[smem:s4], [sflag:s16] =	dma.local [hbm:s2], $0x1  }
0x93: {  	_ =	swait.eq [sflag:s16], $0x1  }
0x94: {  	[sflag:s16] =	ssyncset.done $0x0  }
0x95: {  	[sflag:s16] =	ssyncadd.s32 $0xFFFFFFFF  }
0x96: {  	s17 =	sld [smem:$0x10];
	(tm) =	ssettm $0x1  }
0x97: {  	s18 =	sld [smem:$0x3FFB];
	_ =	sdelay $0x3  }
0x98: {  	_ =	strace s18  }
0x99: {  	s2 =	sld [smem:$0x3FFC];
	_ =	sdelay $0x3  }
0x9a: {  	_ =	strace s2  }
0x9b: {  	s2 =	sld [smem:$0x3FFD];
	_ =	sdelay $0x3  }
0x9c: {  	_ =	strace s2  }
0x9d: {  	_ =	strace $0x8FFFFFFF  }
0x9e: {  	s19 =	sld [smem:$0x3FDB];
	_ =	sdelay $0x1  }
0x9f: {  	s20 =	simm.s32 $_scs_section_size  }
0xa0: {  	s5 =	simm.s32 $_size__tile_overlayer_lowered;
	s6 =	simm.s32 $_tile_overlayer_lowered  }
0xa1: {  	s7 =	simm.s32 $0x1BFF;
	s21 =	sshll.u32 s6, $0x1;
	s4 =	sadd.s32 s20, s19  }
0xa2: {  	s22 =	simm.s32 $0x0;
	s5 =	sshll.u32 s5, $0x1;
	s6 =	sadd.s32 s21, s4  }
0xa3: {  	[timem:s22], [sflag:s7] =	dma.local [hbm:s6], s5  }
0xa4: {  	_ =	swait.ge [sflag:s7], s5  }
0xa5: {  	s5 =	ssub.s32 $0x0, s5;
	[sflag:s7] =	ssyncset.done $0x0  }
0xa6: {  	[sflag:s7] =	ssyncadd.s32 s5;
	_ =	sdelay $0x1  }
0xa7: {  	s23 =	simm.s32 $0x1B8B  }
0xa8: {  	_ =	swait.ge [sflag:s23], $0x1  }
0xa9: {  	[sflag:s23] =	ssyncset.done $0x0  }
0xaa: {  	[sflag:s23] =	ssyncadd.s32 $0xFFFFFFFF  }
0xab: {  	s5 =	sld [smem:$0x0]  }
0xac: {  	s6 =	sand.u32 $0xFFFFFFFE, s1  }
0xad: {  	p0 =	sne.s32 s1, s6  }
0xae: {  	s6 =	sshll.u32 @p0 s6, $0xE  }
0xaf: {  	s6 =	sadd.s32 @p0 $0x11B8D, s6;
	s7 =	sshll.u32 @p0 s5, $0x11  }
0xb0: {  	s6 =	sor.u32 @p0 s7, s6  }
0xb1: {  	[sflag:s6] =	ssyncadd.remote.s32 @p0 $0x1;
	_ =	sdelay $0x1  }
0xb2: {  	s6 =	simm.s32 @p0 $0x1B8D  }
0xb3: {  	_ =	swait.eq @p0 [sflag:s6], $0x1  }
0xb4: {  	[sflag:s6] =	ssyncadd.s32 @p0 $0xFFFFFFFF  }
0xb5: {  	s7 =	sshll.u32 @!p0 s1, $0xE  }
0xb6: {  	s7 =	sor.u32 @!p0 $0x4000, s7;
	s6 =	simm.s32 @!p0 $0x1B8D  }
0xb7: {  	s5 =	sshll.u32 @!p0 s5, $0x11;
	s7 =	sadd.s32 @!p0 $0x11B8D, s7;
	_ =	swait.eq @!p0 [sflag:s6], $0x1  }
0xb8: {  	s5 =	sor.u32 @!p0 s5, s7;
	[sflag:s6] =	ssyncadd.s32 @!p0 $0xFFFFFFFF  }
0xb9: {  	s25 =	simm.s32 $0x1B8E;
	s24 =	sld [smem:$0x3FFE];
	[sflag:s5] =	ssyncadd.remote.s32 @!p0 $0x1  }
0xba: {  	s26 =	simm.s32 $execute0_lowered;
	[smem:$0x3FD2] =	sst s25  }
0xbb: {  	s6 =	sshll.u32 s26, $0x1;
	_ =	strace $0x80000058;
	[dreg:$0x1] =	wrdreg $0xFFFFFFFF  }
0xbc: {  	s28 =	simm.s32 $_size_execute0_lowered;
	s4 =	sadd.s32 s4, s6;
	[dreg:$0x0] =	wrdreg $0x0  }
0xbd: {  	s6 =	sshll.u32 s28, $0x1;
	[dreg:$0x2] =	wrdreg s4  }
0xbe: {  	[dreg:$0x3] =	wrdreg s6  }
0xbf: {  	[dreg:$0x4] =	wrdreg $0xC0  }
0xc0: {  	_ =	task [dreg:s22], $0x5FFFF  }
0xc1: {  	[dreg:$0x1] =	wrdreg $0xFFFFFFFF  }
0xc2: {  	[dreg:$0x0] =	wrdreg $0x60  }
0xc3: {  	[dreg:$0x2] =	wrdreg s24  }
0xc4: {  	[dreg:$0x3] =	wrdreg s17  }
0xc5: {  	[dreg:$0x4] =	wrdreg $0x40800  }
0xc6: {  	[dreg:$0x5] =	wrdreg $0x9  }
0xc7: {  	_ =	task.clear_ibuf [dreg:s22], $0x6FFFF;
	_ =	strace $0x90000058  }
0xc8: {  	s29 =	simm.s32 $0x9;
	_ =	strace $0x8000005A  }
0xc9: {  	_ =	swait.ge [sflag:s29], $0x1  }
0xca: {  	[sflag:s29] =	ssyncadd.s32 $0xFFFFFFFF  }
0xcb: {  	_ =	strace $0x9000005A  }
0xcc: {  	_ =	sfence  }
0xcd: {  	s30 =	sld [smem:$0x0];
	_ =	sdelay $0x2  }
0xce: {  	s31 =	sshll.u32 s1, $0xD;
	s1 =	sshrl.u32 s1, $0x2  }
0xcf: {  	s4 =	sand.u32 $0x4000, s31;
	s1 =	sadd.s32 s1, s30  }
0xd0: {  	s0 =	sor.u32 s4, s0;
	s1 =	sshll.u32 s1, $0x11  }
0xd1: {  	s0 =	sor.u32 s1, s0  }
0xd2: {  	s0 =	sadd.s32 $0x8F2B, s0  }
0xd3: {  	[sflag:s0] =	ssyncadd.remote.s32 $0x1  }
0xd4: {  	_ =	sfence.sel $0xFFFF  }
0xd5: {  	[dreg:$0x0] =	wrdreg $0xFFFFFFFF;
	(pc) =	sbr.abs _section_cstart, $3  }
0xd6: {  	[dreg:$0x1] =	wrdreg $0xFFFFFFFF  }
0xd7: {  	_ =	task.clear_ibuf [dreg:s22], $0x2FFFF;
	_ =	strace $0x9FFFFFFF  }
0xd8: {  	(tm) =	ssettm $0x7FFFFFFF  }
0xd9: {  	_ =	shalt  }
tec
execute0_lowered:
.L_overlay_start_1:
0x0: {  	(tag) =	ssettag $0x1  }
0x1: {  	s5 =	rddreg [dreg:$0x0]  }
0x2: {  	s0 =	srdreg.scid;
	s12 =	rddreg [dreg:$0x1]  }
0x3: {  	s2 =	rddreg [dreg:$0x2];
	s4 =	sand.u32 $0x1, s0  }
0x4: {  	s0 =	stileid.u32;
	s6 =	smul.u32 $0x140000, s4  }
0x5: {  	s1 =	rddreg [dreg:$0x3];
	s3 =	simm.s32 $0x0;
	s7 =	smul.u32 $0x14000, s0  }
0x6: {  	s17 =	simm.s32 $0x0;
	[smem:$0x7FF] =	sst s3;
	s31 =	smul.u32 $0x50000, s0  }
0x7: {  	_ =	strace $0x80000059;
	s8 =	ssub.s32 $0x2, s4;
	s9 =	smul.u32 $0x14000, s4  }
0x8: {  	s13 =	smul.u32 $0x1400, s0;
	s15 =	sshll.u32 s0, $0x6;
	s10 =	sshrl.u32 s8, $0x1  }
0x9: {  	s15 =	sor.u32 $0x1C01, s15;
	s6 =	sadd.s32 s7, s6;
	s7 =	sshrl.u32 s31, $0x2  }
0xa: {  	s10 =	ssub.s32 s8, s10;
	s13 =	sadd.s32 s13, s9;
	s11 =	sadd.s32 s6, s5  }
0xb: {  	s6 =	sshrl.u32 s6, $0x3;
	s4 =	sadd.s32 s7, s2;
	s13 =	sshrl.u32 s13, $0x3  }
0xc: {  	s10 =	smax.u32 s10, $0x1;
	s14 =	sadd.s32 s6, s5;
	s5 =	sadd.s32 $0x4000, s4  }
0xd: {  	s6 =	sadd.s32 $0x8000, s4;
	s7 =	sadd.s32 $0xC000, s4;
	s8 =	sadd.s32 $0x10000, s4  }
0xe: {  	s11 =	sadd.s32 $0x89DE00, s11;
	s12 =	sadd.s32 s13, s12;
	s13 =	simm.s32 $0x80  }
0xf: {  	v0 =	vimm.f32 $0.0e+00;
	s16 =	sshrl.u32 s4, $0x3;
	s9 =	sadd.s32 $0xCFC00, s14;
	s14 =	simm.s32 $0x1  }
.LBB2_1:
0x10: {  	s18 =	simm.s32 $0x0;
	s19 =	simm.s32 $0x200  }
.LBB2_2:
0x11: {  	p0 =	sne.s32 s19, $0xFE00;
	[tilespmem:s18+$0xF0] =	vst v0  }
0x12: {  	[tilespmem:s18+$0x80] =	vst v0  }
0x13: {  	[tilespmem:s18+$0x90] =	vst v0  }
.Ltmp0:
0x14: {  	[tilespmem:s18+$0xA0] =	vst v0;
	(pc) =	sbr.rel @p0 .LBB2_2-.Ltmp0, $4  }
0x15: {  	[tilespmem:s18+$0xB0] =	vst v0  }
0x16: {  	[tilespmem:s18+$0xC0] =	vst v0  }
0x17: {  	[tilespmem:s18+$0xD0] =	vst v0  }
0x18: {  	[tilespmem:s18+$0xE0] =	vst v0;
	s18 =	sshra.s32 s19, $0x2;
	s19 =	sadd.s32 $0x200, s19  }
0x19: {  	[tilespmem:s18+$0xF0] =	vst v0  }
0x1a: {  	[tilespmem:s18+$0x80] =	vst v0  }
0x1b: {  	[tilespmem:s18+$0x90] =	vst v0  }
0x1c: {  	[tilespmem:s18+$0xA0] =	vst v0  }
0x1d: {  	[tilespmem:s18+$0xB0] =	vst v0  }
0x1e: {  	[tilespmem:s18+$0xC0] =	vst v0  }
0x1f: {  	[tilespmem:s18+$0xD0] =	vst v0  }
0x20: {  	[tilespmem:s18+$0xE0] =	vst v0  }
0x21: {  	[spmem:s4] =	stream.linear.scatter [tilespmem:s13], [sflag:$0x1], $0x4000, $0x38;
	[tilespmem:$0x18080] =	vst v63  }
0x22: {  	_ =	swait.ge [sflag:s14], $0x4000  }
0x23: {  	[sflag:s14] =	ssyncset.done $0x0  }
0x24: {  	[sflag:s14] =	ssyncadd.s32 $0xFFFFC000  }
0x25: {  	[spmem:s5] =	stream.linear.scatter [tilespmem:s13], [sflag:$0x1], $0x4000, $0x38;
	[tilespmem:$0x18080] =	vst v63  }
0x26: {  	_ =	swait.ge [sflag:s14], $0x4000  }
0x27: {  	[sflag:s14] =	ssyncset.done $0x0  }
0x28: {  	[sflag:s14] =	ssyncadd.s32 $0xFFFFC000  }
0x29: {  	[spmem:s6] =	stream.linear.scatter [tilespmem:s13], [sflag:$0x1], $0x4000, $0x38;
	[tilespmem:$0x18080] =	vst v63  }
0x2a: {  	_ =	swait.ge [sflag:s14], $0x4000  }
0x2b: {  	[sflag:s14] =	ssyncset.done $0x0  }
0x2c: {  	[sflag:s14] =	ssyncadd.s32 $0xFFFFC000  }
0x2d: {  	[spmem:s7] =	stream.linear.scatter [tilespmem:s13], [sflag:$0x1], $0x4000, $0x38;
	[tilespmem:$0x18080] =	vst v63  }
0x2e: {  	_ =	swait.ge [sflag:s14], $0x4000  }
0x2f: {  	[sflag:s14] =	ssyncset.done $0x0  }
0x30: {  	[sflag:s14] =	ssyncadd.s32 $0xFFFFC000  }
0x31: {  	[spmem:s8] =	stream.linear.scatter [tilespmem:s13], [sflag:$0x1], $0x4000, $0x38;
	[tilespmem:$0x18080] =	vst v63  }
0x32: {  	_ =	swait.ge [sflag:s14], $0x4000  }
0x33: {  	[sflag:s14] =	ssyncset.done $0x0  }
0x34: {  	[sflag:s14] =	ssyncadd.s32 $0xFFFFC000  }
0x35: {  	s31 =	sadd.s32 $0x0, s12;
	[bflag:$0x0] =	sbarrier.arrive $0xFFFF  }
0x36: {  	[tilespmem:s3], [sflag:$0x1] =	stream.linear.gather [hbm4b:s31+s3], $0x80, $0x38;
	[tilespmem:$0x18080] =	vst v63  }
0x37: {  	_ =	swait.ge [sflag:s14], $0x80  }
0x38: {  	[sflag:s14] =	ssyncset.done $0x0  }
0x39: {  	[sflag:s14] =	ssyncadd.s32 $0xFFFFFF80  }
0x3a: {  	[tilespmem:s13], [sflag:$0x1] =	stream.linear.gather [hbm4b:s11+s3], $0x4000, $0x38;
	[tilespmem:$0x18080] =	vst v63  }
0x3b: {  	_ =	swait.ge [sflag:s14], $0x4000  }
0x3c: {  	[sflag:s14] =	ssyncset.done $0x0  }
0x3d: {  	[sflag:s14] =	ssyncadd.s32 $0xFFFFC000  }
0x3e: {  	[spmem:s2] =	stream.indirect.scatter.add.f32 [tilespmem:s13], [sflag:$0x1], $0x80, s3, s13, $0xb8;
	[tilespmem:$0x18080] =	vst v63  }
0x3f: {  	s19 =	simm.s32 $0x10;
	_ =	swait.ge [sflag:s14], $0x4000  }
0x40: {  	s20 =	simm.s32 $0x20;
	s18 =	sadd.s32 $0x800, s11;
	[sflag:s14] =	ssyncset.done $0x0  }
.LBB2_4:
0x41: {  	s21 =	sadd.s32 s19, s12  }
0x42: {  	[sflag:s14] =	ssyncadd.s32 $0xFFFFC000;
	s19 =	smov.u32 s20;
	s22 =	sadd.s32 $0x10, s20  }
0x43: {  	[tilespmem:s3], [sflag:$0x1] =	stream.linear.gather [hbm4b:s21+s3], $0x80, $0x38;
	[tilespmem:$0x18080] =	vst v63  }
0x44: {  	p0 =	sne.s32 s20, $0x270;
	_ =	swait.ge [sflag:s14], $0x80  }
0x45: {  	[sflag:s14] =	ssyncset.done $0x0  }
0x46: {  	[sflag:s14] =	ssyncadd.s32 $0xFFFFFF80  }
0x47: {  	[tilespmem:s13], [sflag:$0x1] =	stream.linear.gather [hbm4b:s18+s3], $0x4000, $0x38;
	[tilespmem:$0x18080] =	vst v63  }
0x48: {  	_ =	swait.ge [sflag:s14], $0x4000  }
.Ltmp1:
0x49: {  	[sflag:s14] =	ssyncset.done $0x0;
	(pc) =	sbr.rel @p0 .LBB2_4-.Ltmp1, $4  }
0x4a: {  	[sflag:s14] =	ssyncadd.s32 $0xFFFFC000  }
0x4b: {  	[spmem:s2] =	stream.indirect.scatter.add.f32 [tilespmem:s13], [sflag:$0x1], $0x80, s3, s13, $0xb8;
	[tilespmem:$0x18080] =	vst v63  }
0x4c: {  	_ =	swait.ge [sflag:s14], $0x4000  }
0x4d: {  	s20 =	smov.u32 s22;
	s18 =	sadd.s32 $0x800, s18;
	[sflag:s14] =	ssyncset.done $0x0  }
0x4e: {  	s19 =	sadd.s32 s19, s12;
	[sflag:s14] =	ssyncadd.s32 $0xFFFFC000  }
0x4f: {  	[tilespmem:s3], [sflag:$0x1] =	stream.linear.gather [hbm4b:s19+s3], $0x80, $0x38;
	[tilespmem:$0x18080] =	vst v63  }
0x50: {  	_ =	swait.ge [sflag:s14], $0x80  }
0x51: {  	[sflag:s14] =	ssyncset.done $0x0  }
0x52: {  	[sflag:s14] =	ssyncadd.s32 $0xFFFFFF80  }
0x53: {  	[tilespmem:s13], [sflag:$0x1] =	stream.linear.gather [hbm4b:s18+s3], $0x4000, $0x38;
	[tilespmem:$0x18080] =	vst v63  }
0x54: {  	_ =	swait.ge [sflag:s14], $0x4000  }
0x55: {  	[sflag:s14] =	ssyncset.done $0x0  }
0x56: {  	[sflag:s14] =	ssyncadd.s32 $0xFFFFC000  }
0x57: {  	[spmem:s2] =	stream.indirect.scatter.add.f32 [tilespmem:s13], [sflag:$0x1], $0x80, s3, s13, $0xb8;
	[tilespmem:$0x18080] =	vst v63  }
0x58: {  	_ =	swait.ge [sflag:s14], $0x4000  }
0x59: {  	s17 =	sadd.s32 $0x1, s17;
	[sflag:s14] =	ssyncset.done $0x0  }
0x5a: {  	p0 =	sne.s32 s17, s10;
	[sflag:s14] =	ssyncadd.s32 $0xFFFFC000  }
.Ltmp2:
0x5b: {  	[bflag:$0x0] =	sbarrier.arrive $0xFFFF;
	(pc) =	sbr.rel @p0 .LBB2_1-.Ltmp2, $4  }
0x5c: {  	[hbm:s9], [sflag:s15] =	dma.local [spmem:s16], $0x2800  }
0x5d: {  	_ =	swait.ge [sflag:s14], $0x2800  }
0x5e: {  	[sflag:s14] =	ssyncset.done $0x0  }
0x5f: {  	[sflag:s14] =	ssyncadd.s32 $0xFFFFD800  }
0x60: {  	_ =	sfence.sel $0x180000  }
0x61: {  	[bflag:$0x0] =	sbarrier.arrive $0xFFFF  }
0x62: {  	p0 =	sne.s32 s0, $0x0;
	_ =	strace $0x90000059  }
0x63: {  	s0 =	sadd.s32 @!p0 $0x100000, s1;
	[bflag:$0x2] =	sbarrier.arrive $0xFFFF  }
0x64: {  	[sflag:s0] =	ssyncadd.tile.s32 @!p0 $0x1;
	_ =	shalt  }
.Lfunc_end2:
_tile_overlayer_lowered:
.L_overlay_start_2:
0x65: {  	(tag) =	ssettag $0x2  }
0x66: {  	s0 =	rddreg [dreg:$0x0];
	s2 =	stileid.u32  }
0x67: {  	s1 =	rddreg [dreg:$0x1];
	p0 =	sne.s32 s2, $0x0  }
0x68: {  	s3 =	rddreg [dreg:$0x2];
	[bflag:$0x3] =	sbarrier.arrive $0xFFFF;
	s2 =	simm.s32 @!p0 $0x1C01  }
0x69: {  	[timem:s3], [sflag:s2] =	dma.local @!p0 [hbm:s0], s1  }
0x6a: {  	s0 =	simm.s32 @!p0 $0x1  }
0x6b: {  	_ =	swait.ge @!p0 [sflag:s0], s1  }
0x6c: {  	s1 =	ssub.s32 @!p0 $0x0, s1;
	[sflag:s0] =	ssyncset.done @!p0 $0x0  }
0x6d: {  	[sflag:s0] =	ssyncadd.s32 @!p0 s1  }
0x6e: {  	[bflag:$0x3] =	sbarrier.arrive $0xFFFF  }
0x6f: {  	_ =	shalt  }

// kernel: kernel.33.cloned.1.call-start
scs
__scs_entry_jumppad:
0x0: {  	(pc) =	sbr.rel $0x88, $3  }
0x1: {  	(tag) =	ssettag $0x0;
	lr =	simm.s32 $0x1  }
0x2: {  	[smem:$0x3F8D] =	sst lr;
	_ =	strace $0xD0000000  }
0x3: {  	_ = 	snop  }
0x4: {  	_ = 	snop  }
0x5: {  	_ = 	snop  }
0x6: {  	_ = 	snop  }
0x7: {  	_ = 	snop  }
__scs_overlays_trampoline_lowered:
0x8: {  	[smem:$0x3F9C] =	sst s0  }
0x9: {  	[smem:$0x3F9D] =	sst s1  }
0xa: {  	[smem:$0x3F9E] =	sst s2  }
0xb: {  	[smem:$0x3F9F] =	sst s3  }
0xc: {  	[smem:$0x3FA0] =	sst s4  }
0xd: {  	[smem:$0x3FA1] =	sst s5  }
0xe: {  	[smem:$0x3FA2] =	sst s6  }
0xf: {  	[smem:$0x3FA3] =	sst s7  }
0x10: {  	[smem:$0x3FA4] =	sst s8  }
0x11: {  	[smem:$0x3FA5] =	sst s9;
	s0 =	simm.s32 @!p0 $0x0  }
0x12: {  	s1 =	sld [smem:$0x3F8B];
	s0 =	simm.s32 @p0 $0x1  }
0x13: {  	[smem:$0x3FA6] =	sst s0;
	s0 =	simm.s32 @!p1 $0x0  }
0x14: {  	s2 =	sld [smem:$0x3F8A];
	s0 =	simm.s32 @p1 $0x1  }
0x15: {  	[smem:$0x3FA7] =	sst s0;
	s0 =	simm.s32 @!p2 $0x0  }
0x16: {  	s3 =	sld [smem:$0x3FDB];
	s0 =	simm.s32 @p2 $0x1  }
0x17: {  	s4 =	simm.s32 $0x1BF5;
	[smem:$0x3FA9] =	sst s0  }
0x18: {  	s0 =	sld [smem:$0x3F8C];
	_ =	swait.ge [sflag:s4], $0x0  }
0x19: {  	s7 =	sld [smem:$0x3F8D]  }
0x1a: {  	s8 =	sadd.s32 $0xFFFFE003, lr  }
0x1b: {  	s9 =	sadd.s32 $0xFFFFFEF7, lr;
	s5 =	simm.s32 $0xFFFFFFFF;
	p2 =	slt.u32 s8, $0xFFFFF086  }
0x1c: {  	p1 =	slt.u32 s9, $0xF7A;
	s5 =	simm.s32 @!p2 $0x0  }
0x1d: {  	s5 =	simm.s32 @p1 $0x1;
	p0 =	seq.s32 s7, s2  }
0x1e: {  	s7 =	smul.u32 @!p0 $0xF7A, s2;
	p2 =	seq.s32 @!p0 s5, $0x0  }
0x1f: {  	s9 =	smul.u32 $0xF7A, s1;
	s8 =	simm.s32 @!p0 $0x1BF5;
	p2 =	por !p2, p0  }
0x20: {  	[sflag:s8] =	ssyncset.s32 @!p0 $0xFFFFF086;
	s6 =	sadd.s32 @!p0 s3, s7;
	s7 =	simm.s32 @!p0 $0x108  }
0x21: {  	s3 =	sadd.s32 s3, s9;
	s6 =	sadd.s32 @!p0 $0x88, s6;
	s7 =	simm.s32 @p2 $0x1082  }
0x22: {  	[simem:s7], [sflag:s8] =	dma.local @!p0 [hbm:s6], $0xF7A  }
0x23: {  	s9 =	sor.u32 $0xD0000000, s2;
	s6 =	simm.s32 $0x108;
	_ =	swait.ge @!p0 [sflag:s8], $0x0  }
0x24: {  	s3 =	sadd.s32 $0x88, s3;
	s6 =	simm.s32 @!p1 $0x1082;
	[sflag:s4] =	ssyncset.s32 $0xFFFFF086  }
0x25: {  	[simem:s6], [sflag:s4] =	dma.local [hbm:s3], $0xF7A  }
0x26: {  	[smem:$0x3F8D] =	sst s1;
	(tag) =	ssettag s2;
	_ =	strace s9  }
0x27: {  	s1 =	sld [smem:$0x3F9D]  }
0x28: {  	s2 =	sld [smem:$0x3F9E]  }
0x29: {  	s4 =	sld [smem:$0x3FA0]  }
0x2a: {  	p0 =	seq.s32 s5, $0x0;
	s5 =	sld [smem:$0x3FA1]  }
0x2b: {  	s6 =	sld [smem:$0x3FA2]  }
0x2c: {  	s7 =	sld [smem:$0x3FA3]  }
0x2d: {  	s3 =	simm.s32 $0x108;
	s8 =	sld [smem:$0x3FA4]  }
0x2e: {  	s3 =	simm.s32 @!p0 $0x1082;
	s9 =	sld [smem:$0x3FA5]  }
0x2f: {  	lr =	sadd.s32 s0, s3;
	s0 =	sld [smem:$0x3F9C]  }
0x30: {  	s3 =	sld [smem:$0x3F9F]  }
0x31: {  	[smem:$0x3FA8] =	sst s10  }
0x32: {  	s10 =	sld [smem:$0x3FA6];
	_ =	sdelay $0x3  }
0x33: {  	p0 =	seq.s32 s10, $0x1;
	s10 =	sld [smem:$0x3FA8];
	_ =	sdelay $0x3  }
0x34: {  	[smem:$0x3FA8] =	sst s10  }
0x35: {  	s10 =	sld [smem:$0x3FA7];
	_ =	sdelay $0x3  }
0x36: {  	p1 =	seq.s32 s10, $0x1;
	s10 =	sld [smem:$0x3FA8];
	_ =	sdelay $0x3  }
0x37: {  	[smem:$0x3FA8] =	sst s10  }
0x38: {  	s10 =	sld [smem:$0x3FA9]  }
0x39: {  	_ = 	snop;
	(pc) =	sbr.ind lr, $3  }
0x3a: {  	_ = 	snop  }
0x3b: {  	_ = 	snop  }
0x3c: {  	p2 =	seq.s32 s10, $0x1;
	s10 =	sld [smem:$0x3FA8]  }
0x3d: {  	_ =	shalt  }
0x3e: {  	_ =	shalt  }
0x3f: {  	_ =	shalt  }
0x40: {  	_ =	shalt  }
0x41: {  	_ =	shalt  }
0x42: {  	_ =	shalt  }
0x43: {  	_ =	shalt  }
0x44: {  	_ =	shalt  }
0x45: {  	_ =	shalt  }
0x46: {  	_ =	shalt  }
0x47: {  	_ =	shalt  }
0x48: {  	_ =	shalt  }
0x49: {  	_ =	shalt  }
0x4a: {  	_ =	shalt  }
0x4b: {  	_ =	shalt  }
0x4c: {  	_ =	shalt  }
0x4d: {  	_ =	shalt  }
0x4e: {  	_ =	shalt  }
0x4f: {  	_ =	shalt  }
0x50: {  	_ =	shalt  }
0x51: {  	_ =	shalt  }
0x52: {  	_ =	shalt  }
0x53: {  	_ =	shalt  }
0x54: {  	_ =	shalt  }
0x55: {  	_ =	shalt  }
0x56: {  	_ =	shalt  }
0x57: {  	_ =	shalt  }
0x58: {  	_ =	shalt  }
0x59: {  	_ =	shalt  }
0x5a: {  	_ =	shalt  }
0x5b: {  	_ =	shalt  }
0x5c: {  	_ =	shalt  }
0x5d: {  	_ =	shalt  }
0x5e: {  	_ =	shalt  }
0x5f: {  	_ =	shalt  }
0x60: {  	_ =	shalt  }
0x61: {  	_ =	shalt  }
0x62: {  	_ =	shalt  }
0x63: {  	_ =	shalt  }
0x64: {  	_ =	shalt  }
0x65: {  	_ =	shalt  }
0x66: {  	_ =	shalt  }
0x67: {  	_ =	shalt  }
0x68: {  	_ =	shalt  }
0x69: {  	_ =	shalt  }
0x6a: {  	_ =	shalt  }
0x6b: {  	_ =	shalt  }
0x6c: {  	_ =	shalt  }
0x6d: {  	_ =	shalt  }
0x6e: {  	_ =	shalt  }
0x6f: {  	_ =	shalt  }
0x70: {  	_ =	shalt  }
0x71: {  	_ =	shalt  }
0x72: {  	_ =	shalt  }
0x73: {  	_ =	shalt  }
0x74: {  	_ =	shalt  }
0x75: {  	_ =	shalt  }
0x76: {  	_ =	shalt  }
0x77: {  	_ =	shalt  }
0x78: {  	_ =	shalt  }
0x79: {  	_ =	shalt  }
0x7a: {  	_ =	shalt  }
0x7b: {  	_ =	shalt  }
0x7c: {  	_ =	shalt  }
0x7d: {  	_ =	shalt  }
0x7e: {  	_ =	shalt  }
0x7f: {  	_ =	shalt  }
0x80: {  	_ =	shalt  }
0x81: {  	_ =	shalt  }
0x82: {  	_ =	shalt  }
0x83: {  	_ =	shalt  }
0x84: {  	_ =	shalt  }
0x85: {  	_ =	shalt  }
0x86: {  	_ =	shalt  }
0x87: {  	_ =	shalt  }
.Lfunc_end0:
.L_simem_size_0:
called_computation.6_lowered:
.L_overlay_start_0:
0x88: {  	s2 =	sld [smem:$0x3FD9]  }
0x89: {  	s3 =	sld [smem:$0x3FFE];
	_ =	sdelay $0x1  }
0x8a: {  	s1 =	srdreg.scid  }
0x8b: {  	s0 =	sand.u32 $0x1, s1  }
0x8c: {  	s14 =	sshll.u32 s0, $0xA;
	s2 =	sadd.s32 s3, s2  }
0x8d: {  	s2 =	sadd.s32 s2, s14  }
0x8e: {  	[smem:$0x3FB4] =	sst s2  }
0x8f: {  	_ = 	snop  }
0x90: {  	s2 =	sld [smem:$0x3FD0];
	_ =	sdelay $0x2  }
0x91: {  	s15 =	simm.s32 $0xE;
	s4 =	simm.s32 $0x10  }
0x92: {  	[smem:s4], [sflag:s15] =	dma.local [hbm:s2], $0x1  }
0x93: {  	_ =	swait.eq [sflag:s15], $0x1  }
0x94: {  	[sflag:s15] =	ssyncset.done $0x0  }
0x95: {  	[sflag:s15] =	ssyncadd.s32 $0xFFFFFFFF  }
0x96: {  	s16 =	sld [smem:$0x10];
	(tm) =	ssettm $0x1  }
0x97: {  	s17 =	sld [smem:$0x3FFB];
	_ =	sdelay $0x3  }
0x98: {  	_ =	strace s17  }
0x99: {  	s3 =	sld [smem:$0x3FFC];
	_ =	sdelay $0x3  }
0x9a: {  	_ =	strace s3  }
0x9b: {  	s3 =	sld [smem:$0x3FFD];
	_ =	sdelay $0x3  }
0x9c: {  	_ =	strace s3  }
0x9d: {  	_ =	strace $0x8FFFFFFF  }
0x9e: {  	s18 =	sld [smem:$0x3FDB];
	_ =	sdelay $0x1  }
0x9f: {  	s19 =	simm.s32 $_scs_section_size  }
0xa0: {  	s5 =	simm.s32 $_size__tile_overlayer_lowered;
	s6 =	simm.s32 $_tile_overlayer_lowered  }
0xa1: {  	s22 =	simm.s32 $0x1BFF;
	s21 =	sshll.u32 s6, $0x1;
	s3 =	sadd.s32 s19, s18  }
0xa2: {  	s7 =	simm.s32 $0x0;
	s20 =	sshll.u32 s5, $0x1;
	s5 =	sadd.s32 s21, s3  }
0xa3: {  	[timem:s7], [sflag:s22] =	dma.local [hbm:s5], s20  }
0xa4: {  	_ =	swait.ge [sflag:s22], s20  }
0xa5: {  	s4 =	ssub.s32 $0x0, s20;
	[sflag:s22] =	ssyncset.done $0x0  }
0xa6: {  	[sflag:s22] =	ssyncadd.s32 s4;
	_ =	sdelay $0x1  }
0xa7: {  	s23 =	simm.s32 $0x1B8B  }
0xa8: {  	_ =	swait.ge [sflag:s23], $0x1  }
0xa9: {  	[sflag:s23] =	ssyncset.done $0x0  }
0xaa: {  	s25 =	simm.s32 $0x1B8E;
	s24 =	sld [smem:$0x3FFE];
	[sflag:s23] =	ssyncadd.s32 $0xFFFFFFFF  }
0xab: {  	s26 =	simm.s32 $execute0_lowered;
	[smem:$0x3FD2] =	sst s25  }
0xac: {  	s5 =	sshll.u32 s26, $0x1;
	_ =	strace $0x80000055;
	[dreg:$0x1] =	wrdreg $0xFFFFFFFF  }
0xad: {  	s28 =	simm.s32 $_size_execute0_lowered;
	s3 =	sadd.s32 s3, s5;
	[dreg:$0x0] =	wrdreg $0x0  }
0xae: {  	s5 =	sshll.u32 s28, $0x1;
	[dreg:$0x2] =	wrdreg s3  }
0xaf: {  	[dreg:$0x3] =	wrdreg s5  }
0xb0: {  	[dreg:$0x4] =	wrdreg $0xC0  }
0xb1: {  	_ =	task [dreg:s7], $0x5FFFF  }
0xb2: {  	[dreg:$0x1] =	wrdreg $0xFFFFFFFF  }
0xb3: {  	[dreg:$0x0] =	wrdreg $0x60  }
0xb4: {  	[dreg:$0x2] =	wrdreg s24  }
0xb5: {  	[dreg:$0x3] =	wrdreg s16  }
0xb6: {  	[dreg:$0x4] =	wrdreg $0x40800  }
0xb7: {  	[dreg:$0x5] =	wrdreg $0xA  }
0xb8: {  	_ =	task.clear_ibuf [dreg:s7], $0x6FFFF;
	_ =	strace $0x90000055  }
0xb9: {  	s29 =	simm.s32 $0xA;
	_ =	strace $0x80000057  }
0xba: {  	_ =	swait.ge [sflag:s29], $0x1  }
0xbb: {  	[sflag:s29] =	ssyncadd.s32 $0xFFFFFFFF  }
0xbc: {  	_ =	strace $0x90000057  }
0xbd: {  	_ =	sfence  }
0xbe: {  	s30 =	sld [smem:$0x0];
	_ =	sdelay $0x2  }
0xbf: {  	s31 =	sshll.u32 s1, $0xD;
	s1 =	sshrl.u32 s1, $0x2  }
0xc0: {  	s3 =	sand.u32 $0x4000, s31;
	s1 =	sadd.s32 s1, s30  }
0xc1: {  	s0 =	sor.u32 s3, s0;
	s1 =	sshll.u32 s1, $0x11  }
0xc2: {  	s0 =	sor.u32 s1, s0  }
0xc3: {  	s0 =	sadd.s32 $0x8F2B, s0  }
0xc4: {  	[sflag:s0] =	ssyncadd.remote.s32 $0x1  }
0xc5: {  	_ =	sfence.sel $0xFFFF  }
0xc6: {  	[dreg:$0x0] =	wrdreg $0xFFFFFFFF;
	(pc) =	sbr.abs _section_cstart, $3  }
0xc7: {  	[dreg:$0x1] =	wrdreg $0xFFFFFFFF  }
0xc8: {  	_ =	task.clear_ibuf [dreg:s7], $0x2FFFF;
	_ =	strace $0x9FFFFFFF  }
0xc9: {  	(tm) =	ssettm $0x7FFFFFFF  }
tec
execute0_lowered:
.L_overlay_start_1:
0x0: {  	(tag) =	ssettag $0x1  }
0x1: {  	s5 =	rddreg [dreg:$0x0]  }
0x2: {  	s0 =	srdreg.scid;
	s12 =	rddreg [dreg:$0x1]  }
0x3: {  	s2 =	rddreg [dreg:$0x2];
	s4 =	sand.u32 $0x1, s0  }
0x4: {  	s0 =	stileid.u32;
	s6 =	smul.u32 $0x140000, s4  }
0x5: {  	s1 =	rddreg [dreg:$0x3];
	s3 =	simm.s32 $0x0;
	s7 =	smul.u32 $0x14000, s0  }
0x6: {  	s17 =	simm.s32 $0x0;
	[smem:$0x7FF] =	sst s3;
	s31 =	smul.u32 $0x50000, s0  }
0x7: {  	_ =	strace $0x80000056;
	s8 =	ssub.s32 $0x2, s4;
	s9 =	smul.u32 $0x14000, s4  }
0x8: {  	s13 =	smul.u32 $0x1400, s0;
	s15 =	sshll.u32 s0, $0x6;
	s10 =	sshrl.u32 s8, $0x1  }
0x9: {  	s15 =	sor.u32 $0x1C01, s15;
	s6 =	sadd.s32 s7, s6;
	s7 =	sshrl.u32 s31, $0x2  }
0xa: {  	s10 =	ssub.s32 s8, s10;
	s13 =	sadd.s32 s13, s9;
	s11 =	sadd.s32 s6, s5  }
0xb: {  	s6 =	sshrl.u32 s6, $0x3;
	s4 =	sadd.s32 s7, s2;
	s13 =	sshrl.u32 s13, $0x3  }
0xc: {  	s10 =	smax.u32 s10, $0x1;
	s14 =	sadd.s32 s6, s5;
	s5 =	sadd.s32 $0x4000, s4  }
0xd: {  	s6 =	sadd.s32 $0x8000, s4;
	s7 =	sadd.s32 $0xC000, s4;
	s8 =	sadd.s32 $0x10000, s4  }
0xe: {  	s11 =	sadd.s32 $0xB1DE00, s11;
	s12 =	sadd.s32 s13, s12;
	s13 =	simm.s32 $0x80  }
0xf: {  	v0 =	vimm.f32 $0.0e+00;
	s16 =	sshrl.u32 s4, $0x3;
	s9 =	sadd.s32 $0x5800, s14;
	s14 =	simm.s32 $0x1  }
.LBB2_1:
0x10: {  	s18 =	simm.s32 $0x0;
	s19 =	simm.s32 $0x200  }
.LBB2_2:
0x11: {  	p0 =	sne.s32 s19, $0xFE00;
	[tilespmem:s18+$0xF0] =	vst v0  }
0x12: {  	[tilespmem:s18+$0x80] =	vst v0  }
0x13: {  	[tilespmem:s18+$0x90] =	vst v0  }
.Ltmp0:
0x14: {  	[tilespmem:s18+$0xA0] =	vst v0;
	(pc) =	sbr.rel @p0 .LBB2_2-.Ltmp0, $4  }
0x15: {  	[tilespmem:s18+$0xB0] =	vst v0  }
0x16: {  	[tilespmem:s18+$0xC0] =	vst v0  }
0x17: {  	[tilespmem:s18+$0xD0] =	vst v0  }
0x18: {  	[tilespmem:s18+$0xE0] =	vst v0;
	s18 =	sshra.s32 s19, $0x2;
	s19 =	sadd.s32 $0x200, s19  }
0x19: {  	[tilespmem:s18+$0xF0] =	vst v0  }
0x1a: {  	[tilespmem:s18+$0x80] =	vst v0  }
0x1b: {  	[tilespmem:s18+$0x90] =	vst v0  }
0x1c: {  	[tilespmem:s18+$0xA0] =	vst v0  }
0x1d: {  	[tilespmem:s18+$0xB0] =	vst v0  }
0x1e: {  	[tilespmem:s18+$0xC0] =	vst v0  }
0x1f: {  	[tilespmem:s18+$0xD0] =	vst v0  }
0x20: {  	[tilespmem:s18+$0xE0] =	vst v0  }
0x21: {  	[spmem:s4] =	stream.linear.scatter [tilespmem:s13], [sflag:$0x1], $0x4000, $0x38;
	[tilespmem:$0x18080] =	vst v63  }
0x22: {  	_ =	swait.ge [sflag:s14], $0x4000  }
0x23: {  	[sflag:s14] =	ssyncset.done $0x0  }
0x24: {  	[sflag:s14] =	ssyncadd.s32 $0xFFFFC000  }
0x25: {  	[spmem:s5] =	stream.linear.scatter [tilespmem:s13], [sflag:$0x1], $0x4000, $0x38;
	[tilespmem:$0x18080] =	vst v63  }
0x26: {  	_ =	swait.ge [sflag:s14], $0x4000  }
0x27: {  	[sflag:s14] =	ssyncset.done $0x0  }
0x28: {  	[sflag:s14] =	ssyncadd.s32 $0xFFFFC000  }
0x29: {  	[spmem:s6] =	stream.linear.scatter [tilespmem:s13], [sflag:$0x1], $0x4000, $0x38;
	[tilespmem:$0x18080] =	vst v63  }
0x2a: {  	_ =	swait.ge [sflag:s14], $0x4000  }
0x2b: {  	[sflag:s14] =	ssyncset.done $0x0  }
0x2c: {  	[sflag:s14] =	ssyncadd.s32 $0xFFFFC000  }
0x2d: {  	[spmem:s7] =	stream.linear.scatter [tilespmem:s13], [sflag:$0x1], $0x4000, $0x38;
	[tilespmem:$0x18080] =	vst v63  }
0x2e: {  	_ =	swait.ge [sflag:s14], $0x4000  }
0x2f: {  	[sflag:s14] =	ssyncset.done $0x0  }
0x30: {  	[sflag:s14] =	ssyncadd.s32 $0xFFFFC000  }
0x31: {  	[spmem:s8] =	stream.linear.scatter [tilespmem:s13], [sflag:$0x1], $0x4000, $0x38;
	[tilespmem:$0x18080] =	vst v63  }
0x32: {  	_ =	swait.ge [sflag:s14], $0x4000  }
0x33: {  	[sflag:s14] =	ssyncset.done $0x0  }
0x34: {  	[sflag:s14] =	ssyncadd.s32 $0xFFFFC000  }
0x35: {  	s31 =	sadd.s32 $0x0, s12;
	[bflag:$0x0] =	sbarrier.arrive $0xFFFF  }
0x36: {  	[tilespmem:s3], [sflag:$0x1] =	stream.linear.gather [hbm4b:s31+s3], $0x80, $0x38;
	[tilespmem:$0x18080] =	vst v63  }
0x37: {  	_ =	swait.ge [sflag:s14], $0x80  }
0x38: {  	[sflag:s14] =	ssyncset.done $0x0  }
0x39: {  	[sflag:s14] =	ssyncadd.s32 $0xFFFFFF80  }
0x3a: {  	[tilespmem:s13], [sflag:$0x1] =	stream.linear.gather [hbm4b:s11+s3], $0x4000, $0x38;
	[tilespmem:$0x18080] =	vst v63  }
0x3b: {  	_ =	swait.ge [sflag:s14], $0x4000  }
0x3c: {  	[sflag:s14] =	ssyncset.done $0x0  }
0x3d: {  	[sflag:s14] =	ssyncadd.s32 $0xFFFFC000  }
0x3e: {  	[spmem:s2] =	stream.indirect.scatter.add.f32 [tilespmem:s13], [sflag:$0x1], $0x80, s3, s13, $0xb8;
	[tilespmem:$0x18080] =	vst v63  }
0x3f: {  	s19 =	simm.s32 $0x10;
	_ =	swait.ge [sflag:s14], $0x4000  }
0x40: {  	s20 =	simm.s32 $0x20;
	s18 =	sadd.s32 $0x800, s11;
	[sflag:s14] =	ssyncset.done $0x0  }
.LBB2_4:
0x41: {  	s21 =	sadd.s32 s19, s12  }
0x42: {  	[sflag:s14] =	ssyncadd.s32 $0xFFFFC000;
	s19 =	smov.u32 s20;
	s22 =	sadd.s32 $0x10, s20  }
0x43: {  	[tilespmem:s3], [sflag:$0x1] =	stream.linear.gather [hbm4b:s21+s3], $0x80, $0x38;
	[tilespmem:$0x18080] =	vst v63  }
0x44: {  	p0 =	sne.s32 s20, $0x270;
	_ =	swait.ge [sflag:s14], $0x80  }
0x45: {  	[sflag:s14] =	ssyncset.done $0x0  }
0x46: {  	[sflag:s14] =	ssyncadd.s32 $0xFFFFFF80  }
0x47: {  	[tilespmem:s13], [sflag:$0x1] =	stream.linear.gather [hbm4b:s18+s3], $0x4000, $0x38;
	[tilespmem:$0x18080] =	vst v63  }
0x48: {  	_ =	swait.ge [sflag:s14], $0x4000  }
.Ltmp1:
0x49: {  	[sflag:s14] =	ssyncset.done $0x0;
	(pc) =	sbr.rel @p0 .LBB2_4-.Ltmp1, $4  }
0x4a: {  	[sflag:s14] =	ssyncadd.s32 $0xFFFFC000  }
0x4b: {  	[spmem:s2] =	stream.indirect.scatter.add.f32 [tilespmem:s13], [sflag:$0x1], $0x80, s3, s13, $0xb8;
	[tilespmem:$0x18080] =	vst v63  }
0x4c: {  	_ =	swait.ge [sflag:s14], $0x4000  }
0x4d: {  	s20 =	smov.u32 s22;
	s18 =	sadd.s32 $0x800, s18;
	[sflag:s14] =	ssyncset.done $0x0  }
0x4e: {  	s19 =	sadd.s32 s19, s12;
	[sflag:s14] =	ssyncadd.s32 $0xFFFFC000  }
0x4f: {  	[tilespmem:s3], [sflag:$0x1] =	stream.linear.gather [hbm4b:s19+s3], $0x80, $0x38;
	[tilespmem:$0x18080] =	vst v63  }
0x50: {  	_ =	swait.ge [sflag:s14], $0x80  }
0x51: {  	[sflag:s14] =	ssyncset.done $0x0  }
0x52: {  	[sflag:s14] =	ssyncadd.s32 $0xFFFFFF80  }
0x53: {  	[tilespmem:s13], [sflag:$0x1] =	stream.linear.gather [hbm4b:s18+s3], $0x4000, $0x38;
	[tilespmem:$0x18080] =	vst v63  }
0x54: {  	_ =	swait.ge [sflag:s14], $0x4000  }
0x55: {  	[sflag:s14] =	ssyncset.done $0x0  }
0x56: {  	[sflag:s14] =	ssyncadd.s32 $0xFFFFC000  }
0x57: {  	[spmem:s2] =	stream.indirect.scatter.add.f32 [tilespmem:s13], [sflag:$0x1], $0x80, s3, s13, $0xb8;
	[tilespmem:$0x18080] =	vst v63  }
0x58: {  	_ =	swait.ge [sflag:s14], $0x4000  }
0x59: {  	s17 =	sadd.s32 $0x1, s17;
	[sflag:s14] =	ssyncset.done $0x0  }
0x5a: {  	p0 =	sne.s32 s17, s10;
	[sflag:s14] =	ssyncadd.s32 $0xFFFFC000  }
.Ltmp2:
0x5b: {  	[bflag:$0x0] =	sbarrier.arrive $0xFFFF;
	(pc) =	sbr.rel @p0 .LBB2_1-.Ltmp2, $4  }
0x5c: {  	[hbm:s9], [sflag:s15] =	dma.local [spmem:s16], $0x2800  }
0x5d: {  	_ =	swait.ge [sflag:s14], $0x2800  }
0x5e: {  	[sflag:s14] =	ssyncset.done $0x0  }
0x5f: {  	[sflag:s14] =	ssyncadd.s32 $0xFFFFD800  }
0x60: {  	_ =	sfence.sel $0x180000  }
0x61: {  	[bflag:$0x0] =	sbarrier.arrive $0xFFFF  }
0x62: {  	p0 =	sne.s32 s0, $0x0;
	_ =	strace $0x90000056  }
0x63: {  	s0 =	sadd.s32 @!p0 $0x100000, s1;
	[bflag:$0x2] =	sbarrier.arrive $0xFFFF  }
0x64: {  	[sflag:s0] =	ssyncadd.tile.s32 @!p0 $0x1;
	_ =	shalt  }
.Lfunc_end2:
_tile_overlayer_lowered:
.L_overlay_start_2:
0x65: {  	(tag) =	ssettag $0x2  }
0x66: {  	s0 =	rddreg [dreg:$0x0];
	s2 =	stileid.u32  }
0x67: {  	s1 =	rddreg [dreg:$0x1];
	p0 =	sne.s32 s2, $0x0  }
0x68: {  	s3 =	rddreg [dreg:$0x2];
	[bflag:$0x3] =	sbarrier.arrive $0xFFFF;
	s2 =	simm.s32 @!p0 $0x1C01  }
0x69: {  	[timem:s3], [sflag:s2] =	dma.local @!p0 [hbm:s0], s1  }
0x6a: {  	s0 =	simm.s32 @!p0 $0x1  }
0x6b: {  	_ =	swait.ge @!p0 [sflag:s0], s1  }
0x6c: {  	s1 =	ssub.s32 @!p0 $0x0, s1;
	[sflag:s0] =	ssyncset.done @!p0 $0x0  }
0x6d: {  	[sflag:s0] =	ssyncadd.s32 @!p0 s1  }
0x6e: {  	[bflag:$0x3] =	sbarrier.arrive $0xFFFF  }
0x6f: {  	_ =	shalt  }

</sc_bundles>
